<compile_context>
chip_gen: v7x
topology: tpu7x:2x2x1
jax: 0.10.2.dev20260603
libtpu: 0.0.44.dev20260713+nightly
codegen_flags: <defaults>
</compile_context>

<pallas_src>
import functools

import jax
import jax.numpy as jnp
from jax import lax
from jax.experimental import pallas as pl
from jax.experimental.pallas import tpu as pltpu
from jax.experimental.pallas import tpu_sc as plsc

H = 1000
W = 1000
HW = H * W


BLK = 8000
NBLK = HW // BLK

ROW_STRIDE = 1024
GRID_ROWS_PER_WORKER = 32
NWORKERS = 32
GRID_WORDS = GRID_ROWS_PER_WORKER * ROW_STRIDE

CHUNK = 32000
LAST_CHUNK = HW - 31 * CHUNK
CAP = 1536
WINDOW = 2000
NWIN_FULL = CHUNK // WINDOW
NWIN_LAST = LAST_CHUNK // WINDOW
VPW = WINDOW // 16


def _mlp_body(x_ref, idx_ref, w1_ref, b1_ref, w2_ref, b2_ref, w3_ref, b3_ref,
              w4_ref, b4_ref, o_ref, k_ref):
    x = x_ref[0]
    h = jnp.maximum(jnp.dot(w1_ref[...], x, preferred_element_type=jnp.float32)
                    + b1_ref[...][:, None], 0.0)
    h = jnp.maximum(jnp.dot(w2_ref[...], h, preferred_element_type=jnp.float32)
                    + b2_ref[...][:, None], 0.0)
    h = jnp.maximum(jnp.dot(w3_ref[...], h, preferred_element_type=jnp.float32)
                    + b3_ref[...][:, None], 0.0)
    h = jnp.dot(w4_ref[...], h, preferred_element_type=jnp.float32) \
        + b4_ref[...][:, None]
    o_ref[0] = h
    idx = idx_ref[0]
    k_ref[0] = idx[0:1, :] * ROW_STRIDE + idx[1:2, :]


def _mlp(x, t_idx, W1, b1, W2, b2, W3, b3, W4, b4):
    full = lambda s: pl.BlockSpec(s, lambda i: (0,) * len(s))
    return pl.pallas_call(
        _mlp_body,
        grid=(NBLK,),
        in_specs=[
            pl.BlockSpec((1, 7, BLK), lambda i: (i, 0, 0)),
            pl.BlockSpec((1, 2, BLK), lambda i: (i, 0, 0)),
            full((18, 7)), full((18,)),
            full((36, 18)), full((36,)),
            full((36, 36)), full((36,)),
            full((1, 36)), full((1,)),
        ],
        out_specs=[
            pl.BlockSpec((1, 1, BLK), lambda i: (i, 0, 0)),
            pl.BlockSpec((1, 1, BLK), lambda i: (i, 0, 0)),
        ],
        out_shape=[
            jax.ShapeDtypeStruct((NBLK, 1, BLK), jnp.float32),
            jax.ShapeDtypeStruct((NBLK, 1, BLK), jnp.int32),
        ],
    )(x, t_idx, W1, b1, W2, b2, W3, b3, W4, b4)




def _gather16(a, idx):
    return lax.gather(
        a, idx[:, None],
        dimension_numbers=lax.GatherDimensionNumbers(
            offset_dims=(), collapsed_slice_dims=(0,), start_index_map=(0,)),
        slice_sizes=(1,),
        mode=lax.GatherScatterMode.PROMISE_IN_BOUNDS)


def _route_body(key_hbm, val_hbm, bk_hbm, bv_hbm, cnt_hbm,
                kstage, vstage, kbuf0, kbuf1, vbuf0, vbuf1, cursor_v,
                semk0, semk1, semv0, semv1, semout):
    kbuf = (kbuf0, kbuf1)
    vbuf = (vbuf0, vbuf1)
    semk = (semk0, semk1)
    semv = (semv0, semv1)
    wid = lax.axis_index("s") * 2 + lax.axis_index("c")
    base = wid * CHUNK
    nwin = jnp.where(wid == NWORKERS - 1, NWIN_LAST, NWIN_FULL)
    lane = lax.iota(jnp.int32, 16)
    ones = jnp.ones((16,), jnp.int32)

    cursor_v[pl.ds(0, 16)] = jnp.zeros((16,), jnp.int32)
    cursor_v[pl.ds(16, 16)] = jnp.zeros((16,), jnp.int32)

    def start_win(win, b):
        off = base + win * WINDOW
        pltpu.async_copy(key_hbm.at[pl.ds(off, WINDOW)], kbuf[b], semk[b])
        pltpu.async_copy(val_hbm.at[pl.ds(off, WINDOW)], vbuf[b], semv[b])

    def wait_win(b):
        pltpu.make_async_copy(key_hbm.at[pl.ds(0, WINDOW)],
                              kbuf[b], semk[b]).wait()
        pltpu.make_async_copy(val_hbm.at[pl.ds(0, WINDOW)],
                              vbuf[b], semv[b]).wait()

    def process(b):
        kb = kbuf[b]
        vb = vbuf[b]

        def vloop(j, _):
            kk = kb[pl.ds(j * 16, 16)]
            vv = vb[pl.ds(j * 16, 16)]
            d = lax.shift_right_logical(kk, 15)
            s, perm = plsc.sort_key_val(d * 16 + lane, lane)
            d_s = lax.shift_right_logical(s, 4)
            prev = _gather16(d_s, jnp.maximum(lane - 1, 0))
            is_start = (lane == 0) | (d_s != prev)
            start_pos = plsc.cummax(jnp.where(is_start, lane, 0))
            rank = lane - start_pos
            old = plsc.load_gather(cursor_v, [d_s])
            pos = old + rank
            addr = d_s * CAP + pos
            k_s = _gather16(kk, perm)
            v_s = _gather16(vv, perm)
            plsc.store_scatter(kstage, [addr], k_s)
            plsc.store_scatter(vstage, [addr], v_s)
            plsc.addupdate_scatter(cursor_v, [d_s], ones)
            return 0
        lax.fori_loop(0, VPW, vloop, 0, unroll=4)

    start_win(0, 0)
    start_win(1, 1)

    def outer(i, _):
        for b in range(2):
            win = 2 * i + b
            wait_win(b)
            process(b)

            @pl.when(win + 2 < nwin)
            def _():
                start_win(win + 2, b)
        return 0
    lax.fori_loop(0, nwin // 2, outer, 0)

    for d in range(NWORKERS):
        dst = pl.ds((d * NWORKERS + wid.astype(jnp.int32)) * CAP, CAP)
        pltpu.async_copy(kstage.at[pl.ds(d * CAP, CAP)], bk_hbm.at[dst], semout)
        pltpu.async_copy(vstage.at[pl.ds(d * CAP, CAP)], bv_hbm.at[dst], semout)
    for d in range(NWORKERS):
        pltpu.make_async_copy(kstage.at[pl.ds(0, CAP)],
                              bk_hbm.at[pl.ds(0, CAP)], semout).wait()
        pltpu.make_async_copy(vstage.at[pl.ds(0, CAP)],
                              bv_hbm.at[pl.ds(0, CAP)], semout).wait()
    pltpu.sync_copy(cursor_v, cnt_hbm.at[wid])


def _route(key_flat, val_flat):
    mesh = plsc.VectorSubcoreMesh(core_axis_name="c", subcore_axis_name="s")
    call = pl.kernel(
        _route_body,
        out_type=[
            jax.ShapeDtypeStruct((NWORKERS * NWORKERS * CAP,), jnp.int32),
            jax.ShapeDtypeStruct((NWORKERS * NWORKERS * CAP,), jnp.float32),
            jax.ShapeDtypeStruct((NWORKERS, NWORKERS), jnp.int32),
        ],
        mesh=mesh,
        compiler_params=pltpu.CompilerParams(needs_layout_passes=False),
        scratch_types=[
            pltpu.VMEM((NWORKERS * CAP,), jnp.int32),
            pltpu.VMEM((NWORKERS * CAP,), jnp.float32),
            pltpu.VMEM((WINDOW,), jnp.int32),
            pltpu.VMEM((WINDOW,), jnp.int32),
            pltpu.VMEM((WINDOW,), jnp.float32),
            pltpu.VMEM((WINDOW,), jnp.float32),
            pltpu.VMEM((NWORKERS,), jnp.int32),
            pltpu.SemaphoreType.DMA,
            pltpu.SemaphoreType.DMA,
            pltpu.SemaphoreType.DMA,
            pltpu.SemaphoreType.DMA,
            pltpu.SemaphoreType.DMA,
        ],
    )
    return call(key_flat, val_flat)




def _sc_body(bk_hbm, bv_hbm, cnt_hbm, rowmax_hbm, colmax_hbm,
             grid_v, kbuf0, kbuf1, vbuf0, vbuf1, cnt_v, cc_v,
             rowmax_v, colmax_v,
             semk0, semk1, semv0, semv1, semc):
    kbuf = (kbuf0, kbuf1)
    vbuf = (vbuf0, vbuf1)
    semk = (semk0, semk1)
    semv = (semv0, semv1)
    wid = lax.axis_index("s") * 2 + lax.axis_index("c")
    lo = wid * GRID_WORDS
    lane = lax.iota(jnp.int32, 16)
    neg = jnp.full((16,), -9999.0, jnp.float32)

    pltpu.async_copy(cnt_hbm, cnt_v, semc)

    def init_body(i, _):
        grid_v[pl.ds(i * 16, 16)] = neg
        return 0
    lax.fori_loop(0, GRID_WORDS // 16, init_body, 0, unroll=8)

    def start_seg(w, b):
        src = pl.ds((wid * NWORKERS + w) * CAP, CAP)
        pltpu.async_copy(bk_hbm.at[src], kbuf[b], semk[b])
        pltpu.async_copy(bv_hbm.at[src], vbuf[b], semv[b])

    def wait_seg(b):
        pltpu.make_async_copy(bk_hbm.at[pl.ds(0, CAP)],
                              kbuf[b], semk[b]).wait()
        pltpu.make_async_copy(bv_hbm.at[pl.ds(0, CAP)],
                              vbuf[b], semv[b]).wait()

    pltpu.make_async_copy(cnt_hbm, cnt_v, semc).wait()
    cc_v[pl.ds(0, 16)] = plsc.load_gather(cnt_v, [lane * NWORKERS + wid])
    cc_v[pl.ds(16, 16)] = plsc.load_gather(cnt_v,
                                           [(lane + 16) * NWORKERS + wid])

    def process(w, b):
        kb = kbuf[b]
        vb = vbuf[b]
        cvec = cc_v[pl.ds(lax.shift_right_logical(w, 4) * 16, 16)]
        cnt = _gather16(cvec, jnp.full((16,), jnp.bitwise_and(w, 15),
                                       jnp.int32))

        def vloop(j, _):
            kk = kb[pl.ds(j * 16, 16)]
            vv = vb[pl.ds(j * 16, 16)]
            valid = (lane + j * 16) < cnt
            plsc.store_scatter(grid_v, [kk - lo], vv, mask=valid)
            return 0
        lax.fori_loop(0, CAP // 16, vloop, 0, unroll=8)

    start_seg(0, 0)
    start_seg(1, 1)

    def outer(i, _):
        for b in range(2):
            w = 2 * i + b
            wait_seg(b)
            process(w, b)

            @pl.when(w + 2 < NWORKERS)
            def _():
                start_seg(w + 2, b)
        return 0
    lax.fori_loop(0, NWORKERS // 2, outer, 0)

    def rowred(lr, _):
        def fold(cg, acc):
            return jnp.maximum(acc, grid_v[pl.ds(lr * ROW_STRIDE + cg * 16, 16)])
        acc = lax.fori_loop(0, ROW_STRIDE // 16, fold, neg, unroll=8)
        m = jnp.max(acc)
        plsc.store_scatter(rowmax_v, [jnp.full((16,), lr, jnp.int32)],
                           jnp.full((16,), m, jnp.float32), mask=(lane == 0))
        return 0
    lax.fori_loop(0, GRID_ROWS_PER_WORKER, rowred, 0)

    def colred(cg, _):
        def fold(rr, acc):
            return jnp.maximum(acc, grid_v[pl.ds(rr * ROW_STRIDE + cg * 16, 16)])
        acc = lax.fori_loop(0, GRID_ROWS_PER_WORKER, fold, neg, unroll=8)
        colmax_v[pl.ds(cg * 16, 16)] = acc
        return 0
    lax.fori_loop(0, ROW_STRIDE // 16, colred, 0)

    pltpu.sync_copy(rowmax_v, rowmax_hbm.at[pl.ds(wid * GRID_ROWS_PER_WORKER,
                                                  GRID_ROWS_PER_WORKER)])
    pltpu.sync_copy(colmax_v, colmax_hbm.at[wid])


def _sc_scatter_max(bk, bv, cnt):
    mesh = plsc.VectorSubcoreMesh(core_axis_name="c", subcore_axis_name="s")
    call = pl.kernel(
        _sc_body,
        out_type=[
            jax.ShapeDtypeStruct((NWORKERS * GRID_ROWS_PER_WORKER,), jnp.float32),
            jax.ShapeDtypeStruct((NWORKERS, ROW_STRIDE), jnp.float32),
        ],
        mesh=mesh,
        compiler_params=pltpu.CompilerParams(needs_layout_passes=False),
        scratch_types=[
            pltpu.VMEM((GRID_WORDS,), jnp.float32),
            pltpu.VMEM((CAP,), jnp.int32),
            pltpu.VMEM((CAP,), jnp.int32),
            pltpu.VMEM((CAP,), jnp.float32),
            pltpu.VMEM((CAP,), jnp.float32),
            pltpu.VMEM((NWORKERS * NWORKERS,), jnp.int32),
            pltpu.VMEM((NWORKERS,), jnp.int32),
            pltpu.VMEM((GRID_ROWS_PER_WORKER,), jnp.float32),
            pltpu.VMEM((ROW_STRIDE,), jnp.float32),
            pltpu.SemaphoreType.DMA,
            pltpu.SemaphoreType.DMA,
            pltpu.SemaphoreType.DMA,
            pltpu.SemaphoreType.DMA,
            pltpu.SemaphoreType.DMA,
        ],
    )
    return call(bk, bv, cnt)


def kernel(input_1, T_out, T_indices, W1, b1, W2, b2, W3, b3, W4, b4):
    x = input_1[0].reshape(7, NBLK, BLK).transpose(1, 0, 2)
    t_idx = T_indices.reshape(2, NBLK, BLK).transpose(1, 0, 2)
    v, k = _mlp(x, t_idx, W1, b1, W2, b2, W3, b3, W4, b4)
    bk, bv, cnt = _route(k.reshape(-1), v.reshape(-1))
    rowmax, colmax = _sc_scatter_max(bk, bv, cnt.reshape(-1))
    x1 = rowmax[:H]
    x2 = jnp.max(colmax, axis=0)[:W]
    return (x1, x2)

# --- scband reference (transcript-rebuilt; emitter-appended) ---
"""Pipeline reference for scband-ensemble-model-30545807409840 (READ-ONLY COPY).

The authoritative reference and input builder live on the scoring server;
editing this copy changes nothing except your own understanding.
"""

import jax, jax.numpy as jnp
import numpy as np

H, W = 1000, 1000

def setup_inputs(seed: int = 0) -> dict:
    key = jax.random.key(seed)
    ks = jax.random.split(key, 12)
    inp = {}
    inp["input_1"] = jax.random.normal(ks[0], (1, 7, H, W), dtype=jnp.float32)
    inp["T_out"] = jnp.zeros((1, H, W), dtype=jnp.float32)
    inp["T_indices"] = jax.random.randint(ks[1], (2, H, W), 0, 1000, dtype=jnp.int32)
    # fuse_2d_3d parameters: Conv2d(7,18,1) -> Conv2d(18,36,1) -> Conv2d(36,36,1) -> Conv2d(36,1,1)
    inp["W1"] = jax.random.normal(ks[2], (18, 7), dtype=jnp.float32) * 0.1
    inp["b1"] = jax.random.normal(ks[3], (18,), dtype=jnp.float32) * 0.01
    inp["W2"] = jax.random.normal(ks[4], (36, 18), dtype=jnp.float32) * 0.1
    inp["b2"] = jax.random.normal(ks[5], (36,), dtype=jnp.float32) * 0.01
    inp["W3"] = jax.random.normal(ks[6], (36, 36), dtype=jnp.float32) * 0.1
    inp["b3"] = jax.random.normal(ks[7], (36,), dtype=jnp.float32) * 0.01
    inp["W4"] = jax.random.normal(ks[8], (1, 36), dtype=jnp.float32) * 0.1
    inp["b4"] = jax.random.normal(ks[9], (1,), dtype=jnp.float32) * 0.01
    return inp

def _conv1x1(x, Wt, b):
    # x: [B, C_in, H, W], Wt: [C_out, C_in]
    return jnp.einsum('bchw,oc->bohw', x, Wt) + b[None, :, None, None]

def reference(input_1, T_out, T_indices, W1, b1, W2, b2, W3, b3, W4, b4):
    h = jax.nn.relu(_conv1x1(input_1, W1, b1))
    h = jax.nn.relu(_conv1x1(h, W2, b2))
    h = jax.nn.relu(_conv1x1(h, W3, b3))
    h = _conv1x1(h, W4, b4)  # [1, 1, H, W]
    x0 = h[0, 0]  # [H, W]
    # T_out[:, :, :] = -9999.0
    T = jnp.full(T_out.shape, -9999.0, dtype=T_out.dtype)
    # T_out[:, T_indices[0], T_indices[1]] = x[0, 0, :, :]  (scatter-overwrite)
    vals = jnp.broadcast_to(x0, (T.shape[0],) + x0.shape)
    T = T.at[:, T_indices[0], T_indices[1]].set(vals)
    # MaxPool2d([1,1000], stride=1) on [C=1, H, W] -> max over width
    x1 = jnp.max(T, axis=2).squeeze()
    # MaxPool2d([1000,1], stride=1) -> max over height
    x2 = jnp.max(T, axis=1).squeeze()
    return (x1, x2)

if __name__ == "__main__":
    import jax
    _d = setup_inputs()
    print(jax.jit(kernel)(*tuple(_d.values())))

</pallas_src>

<mosaic_0001>
#map = affine_map<(d0, d1) -> (0)>
#map1 = affine_map<(d0, d1) -> (0, 0)>
module attributes {stable_mosaic.version = 14 : i64} {
  func.func @_sc_body(%arg0: i32, %arg1: i32, %arg2: memref<1572864xi32, #tpu.memory_space<hbm>>, %arg3: memref<1572864xf32, #tpu.memory_space<hbm>>, %arg4: memref<1024xi32, #tpu.memory_space<hbm>>, %arg5: memref<1024xf32, #tpu.memory_space<hbm>>, %arg6: memref<32x1024xf32, #tpu.memory_space<hbm>>, %arg7: memref<32768xf32, #tpu.memory_space<vmem>>, %arg8: memref<1536xi32, #tpu.memory_space<vmem>>, %arg9: memref<1536xi32, #tpu.memory_space<vmem>>, %arg10: memref<1536xf32, #tpu.memory_space<vmem>>, %arg11: memref<1536xf32, #tpu.memory_space<vmem>>, %arg12: memref<1024xi32, #tpu.memory_space<vmem>>, %arg13: memref<32xi32, #tpu.memory_space<vmem>>, %arg14: memref<32xf32, #tpu.memory_space<vmem>>, %arg15: memref<1024xf32, #tpu.memory_space<vmem>>, %arg16: memref<!tpu.dma_semaphore, #tpu.memory_space<semaphore_mem>>, %arg17: memref<!tpu.dma_semaphore, #tpu.memory_space<semaphore_mem>>, %arg18: memref<!tpu.dma_semaphore, #tpu.memory_space<semaphore_mem>>, %arg19: memref<!tpu.dma_semaphore, #tpu.memory_space<semaphore_mem>>, %arg20: memref<!tpu.dma_semaphore, #tpu.memory_space<semaphore_mem>>) attributes {dimension_semantics = [#tpu.dimension_semantics<core_parallel>, #tpu.dimension_semantics<subcore_parallel>], iteration_bounds = array<i64: 2, 16>, scalar_prefetch = 0 : i64, scratch_operands = 14 : i64, tpu.core_type = #tpu.core_type<sc_vector_subcore>, window_params = [{transform_indices = #map}, {transform_indices = #map}, {transform_indices = #map}, {transform_indices = #map}, {transform_indices = #map1}]} {
    %mul3A = arith.constant 2 : i32
    %mul3A_0 = arith.muli %arg1, %mul3A : i32
    %add3A = arith.addi %mul3A_0, %arg0 : i32
    %mul3A_1 = arith.constant 32768 : i32
    %mul3A_2 = arith.muli %add3A, %mul3A_1 : i32
    %iota3A = tpu.iota {dimensions = array<i32: 0>} : vector<16xi32>
    %broadcast_in_dim3A = arith.constant -9.999000e+03 : f32
    %broadcast_in_dim3A_3 = vector.broadcast %broadcast_in_dim3A : f32 to vector<16xf32>
    tpu.enqueue_dma source(%arg4 : memref<1024xi32, #tpu.memory_space<hbm>>) target(%arg12 : memref<1024xi32, #tpu.memory_space<vmem>>) target_semaphore(%arg20 : memref<!tpu.dma_semaphore, #tpu.memory_space<semaphore_mem>>)
    %scan3A = arith.constant 0 : i32
    %scan3A_4 = arith.constant 0 : i32
    %scan3A_5 = arith.constant 2048 : i32
    %scan3A_6 = arith.addi %scan3A_4, %scan3A_5 : i32
    %scan3A_7 = arith.constant 8 : i32
    %scan3A_8 = scf.for %scan3A_69 = %scan3A_4 to %scan3A_6 step %scan3A_7 iter_args(%scan3A_70 = %scan3A) -> (i32)  : i32 {
      %mul3A_71 = arith.constant 16 : i32
      %mul3A_72 = arith.muli %scan3A_69, %mul3A_71 : i32
      %swap3A_73 = arith.index_cast %mul3A_72 : i32 to index
      %swap3A_74 = tpu.vector_load %arg7[%swap3A_73] {strides = array<i32>} : memref<32768xf32, #tpu.memory_space<vmem>>, vector<16xf32>,
      tpu.vector_store %arg7[%swap3A_73], %broadcast_in_dim3A_3 {strides = array<i32>} : memref<32768xf32, #tpu.memory_space<vmem>>, vector<16xf32>,
      %scan3A_75 = arith.constant 0 : i32
      %scan3A_76 = arith.constant 1 : i32
      %scan3A_77 = arith.addi %scan3A_69, %scan3A_76 : i32
      %mul3A_78 = arith.constant 16 : i32
      %mul3A_79 = arith.muli %scan3A_77, %mul3A_78 : i32
      %swap3A_80 = arith.index_cast %mul3A_79 : i32 to index
      %swap3A_81 = tpu.vector_load %arg7[%swap3A_80] {strides = array<i32>} : memref<32768xf32, #tpu.memory_space<vmem>>, vector<16xf32>,
      tpu.vector_store %arg7[%swap3A_80], %broadcast_in_dim3A_3 {strides = array<i32>} : memref<32768xf32, #tpu.memory_space<vmem>>, vector<16xf32>,
      %scan3A_82 = arith.constant 0 : i32
      %scan3A_83 = arith.constant 2 : i32
      %scan3A_84 = arith.addi %scan3A_69, %scan3A_83 : i32
      %mul3A_85 = arith.constant 16 : i32
      %mul3A_86 = arith.muli %scan3A_84, %mul3A_85 : i32
      %swap3A_87 = arith.index_cast %mul3A_86 : i32 to index
      %swap3A_88 = tpu.vector_load %arg7[%swap3A_87] {strides = array<i32>} : memref<32768xf32, #tpu.memory_space<vmem>>, vector<16xf32>,
      tpu.vector_store %arg7[%swap3A_87], %broadcast_in_dim3A_3 {strides = array<i32>} : memref<32768xf32, #tpu.memory_space<vmem>>, vector<16xf32>,
      %scan3A_89 = arith.constant 0 : i32
      %scan3A_90 = arith.constant 3 : i32
      %scan3A_91 = arith.addi %scan3A_69, %scan3A_90 : i32
      %mul3A_92 = arith.constant 16 : i32
      %mul3A_93 = arith.muli %scan3A_91, %mul3A_92 : i32
      %swap3A_94 = arith.index_cast %mul3A_93 : i32 to index
      %swap3A_95 = tpu.vector_load %arg7[%swap3A_94] {strides = array<i32>} : memref<32768xf32, #tpu.memory_space<vmem>>, vector<16xf32>,
      tpu.vector_store %arg7[%swap3A_94], %broadcast_in_dim3A_3 {strides = array<i32>} : memref<32768xf32, #tpu.memory_space<vmem>>, vector<16xf32>,
      %scan3A_96 = arith.constant 0 : i32
      %scan3A_97 = arith.constant 4 : i32
      %scan3A_98 = arith.addi %scan3A_69, %scan3A_97 : i32
      %mul3A_99 = arith.constant 16 : i32
      %mul3A_100 = arith.muli %scan3A_98, %mul3A_99 : i32
      %swap3A_101 = arith.index_cast %mul3A_100 : i32 to index
      %swap3A_102 = tpu.vector_load %arg7[%swap3A_101] {strides = array<i32>} : memref<32768xf32, #tpu.memory_space<vmem>>, vector<16xf32>,
      tpu.vector_store %arg7[%swap3A_101], %broadcast_in_dim3A_3 {strides = array<i32>} : memref<32768xf32, #tpu.memory_space<vmem>>, vector<16xf32>,
      %scan3A_103 = arith.constant 0 : i32
      %scan3A_104 = arith.constant 5 : i32
      %scan3A_105 = arith.addi %scan3A_69, %scan3A_104 : i32
      %mul3A_106 = arith.constant 16 : i32
      %mul3A_107 = arith.muli %scan3A_105, %mul3A_106 : i32
      %swap3A_108 = arith.index_cast %mul3A_107 : i32 to index
      %swap3A_109 = tpu.vector_load %arg7[%swap3A_108] {strides = array<i32>} : memref<32768xf32, #tpu.memory_space<vmem>>, vector<16xf32>,
      tpu.vector_store %arg7[%swap3A_108], %broadcast_in_dim3A_3 {strides = array<i32>} : memref<32768xf32, #tpu.memory_space<vmem>>, vector<16xf32>,
      %scan3A_110 = arith.constant 0 : i32
      %scan3A_111 = arith.constant 6 : i32
      %scan3A_112 = arith.addi %scan3A_69, %scan3A_111 : i32
      %mul3A_113 = arith.constant 16 : i32
      %mul3A_114 = arith.muli %scan3A_112, %mul3A_113 : i32
      %swap3A_115 = arith.index_cast %mul3A_114 : i32 to index
      %swap3A_116 = tpu.vector_load %arg7[%swap3A_115] {strides = array<i32>} : memref<32768xf32, #tpu.memory_space<vmem>>, vector<16xf32>,
      tpu.vector_store %arg7[%swap3A_115], %broadcast_in_dim3A_3 {strides = array<i32>} : memref<32768xf32, #tpu.memory_space<vmem>>, vector<16xf32>,
      %scan3A_117 = arith.constant 0 : i32
      %scan3A_118 = arith.constant 7 : i32
      %scan3A_119 = arith.addi %scan3A_69, %scan3A_118 : i32
      %mul3A_120 = arith.constant 16 : i32
      %mul3A_121 = arith.muli %scan3A_119, %mul3A_120 : i32
      %swap3A_122 = arith.index_cast %mul3A_121 : i32 to index
      %swap3A_123 = tpu.vector_load %arg7[%swap3A_122] {strides = array<i32>} : memref<32768xf32, #tpu.memory_space<vmem>>, vector<16xf32>,
      tpu.vector_store %arg7[%swap3A_122], %broadcast_in_dim3A_3 {strides = array<i32>} : memref<32768xf32, #tpu.memory_space<vmem>>, vector<16xf32>,
      %scan3A_124 = arith.constant 0 : i32
      scf.yield %scan3A_124 : i32
    }
    %scan3A_9 = arith.constant 2048 : i32
    tpu.wait_dma2 semaphore(%arg20 : memref<!tpu.dma_semaphore, #tpu.memory_space<semaphore_mem>>) src(%arg4 : memref<1024xi32, #tpu.memory_space<hbm>>) dst(%arg12 : memref<1024xi32, #tpu.memory_space<vmem>>)
    %mul3A_10 = arith.constant 32 : i32
    %mul3A_11 = vector.broadcast %mul3A_10 : i32 to vector<16xi32>
    %mul3A_12 = arith.muli %iota3A, %mul3A_11 : vector<16xi32>
    %add3A_13 = vector.broadcast %add3A : i32 to vector<16xi32>
    %add3A_14 = arith.addi %mul3A_12, %add3A_13 : vector<16xi32>
    %gather3A = tpu.vector_load_idx %arg12[%add3A_14] : memref<1024xi32, #tpu.memory_space<vmem>>[vector<16xi32>], vector<16xi32>,
    %swap3A = arith.constant 0 : index
    %swap3A_15 = tpu.vector_load %arg13[%swap3A] {strides = array<i32>} : memref<32xi32, #tpu.memory_space<vmem>>, vector<16xi32>,
    tpu.vector_store %arg13[%swap3A], %gather3A {strides = array<i32>} : memref<32xi32, #tpu.memory_space<vmem>>, vector<16xi32>,
    %add3A_16 = arith.constant 16 : i32
    %add3A_17 = vector.broadcast %add3A_16 : i32 to vector<16xi32>
    %add3A_18 = arith.addi %iota3A, %add3A_17 : vector<16xi32>
    %mul3A_19 = arith.constant 32 : i32
    %mul3A_20 = vector.broadcast %mul3A_19 : i32 to vector<16xi32>
    %mul3A_21 = arith.muli %add3A_18, %mul3A_20 : vector<16xi32>
    %add3A_22 = vector.broadcast %add3A : i32 to vector<16xi32>
    %add3A_23 = arith.addi %mul3A_21, %add3A_22 : vector<16xi32>
    %gather3A_24 = tpu.vector_load_idx %arg12[%add3A_23] : memref<1024xi32, #tpu.memory_space<vmem>>[vector<16xi32>], vector<16xi32>,
    %swap3A_25 = arith.constant 16 : index
    %swap3A_26 = tpu.vector_load %arg13[%swap3A_25] {strides = array<i32>} : memref<32xi32, #tpu.memory_space<vmem>>, vector<16xi32>,
    tpu.vector_store %arg13[%swap3A_25], %gather3A_24 {strides = array<i32>} : memref<32xi32, #tpu.memory_space<vmem>>, vector<16xi32>,
    %mul3A_27 = arith.constant 32 : i32
    %mul3A_28 = arith.muli %add3A, %mul3A_27 : i32
    %add3A_29 = arith.constant 0 : i32
    %add3A_30 = arith.addi %mul3A_28, %add3A_29 : i32
    %mul3A_31 = arith.constant 1536 : i32
    %mul3A_32 = arith.muli %add3A_30, %mul3A_31 : i32
    %dma_start3A = tpu.memref_slice %arg2[%mul3A_32] : memref<1572864xi32, #tpu.memory_space<hbm>> -> memref<1536xi32, #tpu.memory_space<hbm>>
    %dma_start3A_33 = tpu.memref_slice %arg2[%mul3A_32] : memref<1572864xi32, #tpu.memory_space<hbm>> -> memref<1536xi32, #tpu.memory_space<hbm>>
    tpu.enqueue_dma source(%dma_start3A_33 : memref<1536xi32, #tpu.memory_space<hbm>>) target(%arg8 : memref<1536xi32, #tpu.memory_space<vmem>>) target_semaphore(%arg16 : memref<!tpu.dma_semaphore, #tpu.memory_space<semaphore_mem>>)
    %dma_start3A_34 = tpu.memref_slice %arg3[%mul3A_32] : memref<1572864xf32, #tpu.memory_space<hbm>> -> memref<1536xf32, #tpu.memory_space<hbm>>
    %dma_start3A_35 = tpu.memref_slice %arg3[%mul3A_32] : memref<1572864xf32, #tpu.memory_space<hbm>> -> memref<1536xf32, #tpu.memory_space<hbm>>
    tpu.enqueue_dma source(%dma_start3A_35 : memref<1536xf32, #tpu.memory_space<hbm>>) target(%arg10 : memref<1536xf32, #tpu.memory_space<vmem>>) target_semaphore(%arg18 : memref<!tpu.dma_semaphore, #tpu.memory_space<semaphore_mem>>)
    %mul3A_36 = arith.constant 32 : i32
    %mul3A_37 = arith.muli %add3A, %mul3A_36 : i32
    %add3A_38 = arith.constant 1 : i32
    %add3A_39 = arith.addi %mul3A_37, %add3A_38 : i32
    %mul3A_40 = arith.constant 1536 : i32
    %mul3A_41 = arith.muli %add3A_39, %mul3A_40 : i32
    %dma_start3A_42 = tpu.memref_slice %arg2[%mul3A_41] : memref<1572864xi32, #tpu.memory_space<hbm>> -> memref<1536xi32, #tpu.memory_space<hbm>>
    %dma_start3A_43 = tpu.memref_slice %arg2[%mul3A_41] : memref<1572864xi32, #tpu.memory_space<hbm>> -> memref<1536xi32, #tpu.memory_space<hbm>>
    tpu.enqueue_dma source(%dma_start3A_43 : memref<1536xi32, #tpu.memory_space<hbm>>) target(%arg9 : memref<1536xi32, #tpu.memory_space<vmem>>) target_semaphore(%arg17 : memref<!tpu.dma_semaphore, #tpu.memory_space<semaphore_mem>>)
    %dma_start3A_44 = tpu.memref_slice %arg3[%mul3A_41] : memref<1572864xf32, #tpu.memory_space<hbm>> -> memref<1536xf32, #tpu.memory_space<hbm>>
    %dma_start3A_45 = tpu.memref_slice %arg3[%mul3A_41] : memref<1572864xf32, #tpu.memory_space<hbm>> -> memref<1536xf32, #tpu.memory_space<hbm>>
    tpu.enqueue_dma source(%dma_start3A_45 : memref<1536xf32, #tpu.memory_space<hbm>>) target(%arg11 : memref<1536xf32, #tpu.memory_space<vmem>>) target_semaphore(%arg19 : memref<!tpu.dma_semaphore, #tpu.memory_space<semaphore_mem>>)
    %scan3A_46 = arith.constant 0 : i32
    %scan3A_47 = arith.constant 0 : i32
    %scan3A_48 = arith.constant 16 : i32
    %scan3A_49 = arith.addi %scan3A_47, %scan3A_48 : i32
    %scan3A_50 = arith.constant 1 : i32
    %scan3A_51 = scf.for %scan3A_69 = %scan3A_47 to %scan3A_49 step %scan3A_50 iter_args(%scan3A_70 = %scan3A_46) -> (i32)  : i32 {
      %mul3A_71 = arith.constant 2 : i32
      %mul3A_72 = arith.muli %mul3A_71, %scan3A_69 : i32
      %add3A_73 = arith.constant 0 : i32
      %add3A_74 = arith.addi %mul3A_72, %add3A_73 : i32
      %dma_wait3A = arith.constant 0 : i32
      %dma_wait3A_75 = tpu.memref_slice %arg2[%dma_wait3A] : memref<1572864xi32, #tpu.memory_space<hbm>> -> memref<1536xi32, #tpu.memory_space<hbm>>
      %dma_wait3A_76 = arith.constant 0 : i32
      %dma_wait3A_77 = tpu.memref_slice %arg2[%dma_wait3A_76] : memref<1572864xi32, #tpu.memory_space<hbm>> -> memref<1536xi32, #tpu.memory_space<hbm>>
      tpu.wait_dma2 semaphore(%arg16 : memref<!tpu.dma_semaphore, #tpu.memory_space<semaphore_mem>>) src(%dma_wait3A_77 : memref<1536xi32, #tpu.memory_space<hbm>>) dst(%arg8 : memref<1536xi32, #tpu.memory_space<vmem>>)
      %dma_wait3A_78 = arith.constant 0 : i32
      %dma_wait3A_79 = tpu.memref_slice %arg3[%dma_wait3A_78] : memref<1572864xf32, #tpu.memory_space<hbm>> -> memref<1536xf32, #tpu.memory_space<hbm>>
      %dma_wait3A_80 = arith.constant 0 : i32
      %dma_wait3A_81 = tpu.memref_slice %arg3[%dma_wait3A_80] : memref<1572864xf32, #tpu.memory_space<hbm>> -> memref<1536xf32, #tpu.memory_space<hbm>>
      tpu.wait_dma2 semaphore(%arg18 : memref<!tpu.dma_semaphore, #tpu.memory_space<semaphore_mem>>) src(%dma_wait3A_81 : memref<1536xf32, #tpu.memory_space<hbm>>) dst(%arg10 : memref<1536xf32, #tpu.memory_space<vmem>>)
      %shift_right_logical3A = arith.constant 4 : i32
      %shift_right_logical3A_82 = arith.shrui %add3A_74, %shift_right_logical3A : i32
      %mul3A_83 = arith.constant 16 : i32
      %mul3A_84 = arith.muli %shift_right_logical3A_82, %mul3A_83 : i32
      %get3A = arith.index_cast %mul3A_84 : i32 to index
      %get3A_85 = tpu.vector_load %arg13[%get3A] {strides = array<i32>} : memref<32xi32, #tpu.memory_space<vmem>>, vector<16xi32>,
      %and3A = arith.constant 15 : i32
      %and3A_86 = arith.andi %add3A_74, %and3A : i32
      %broadcast_in_dim3A_87 = vector.broadcast %and3A_86 : i32 to vector<16xi32>
      %broadcast_in_dim3A_88 = vector.shape_cast %broadcast_in_dim3A_87 : vector<16xi32> to vector<16x1xi32>
      %gather3A_89 = vector.shape_cast %broadcast_in_dim3A_88 : vector<16x1xi32> to vector<16xi32>
      %gather3A_90 = tpu.dynamic_gather %get3A_85[%gather3A_89] in [0] : vector<16xi32>, vector<16xi32> -> vector<16xi32>
      %scan3A_91 = arith.constant 0 : i32
      %scan3A_92 = arith.constant 0 : i32
      %scan3A_93 = arith.constant 96 : i32
      %scan3A_94 = arith.addi %scan3A_92, %scan3A_93 : i32
      %scan3A_95 = arith.constant 8 : i32
      %scan3A_96 = scf.for %scan3A_141 = %scan3A_92 to %scan3A_94 step %scan3A_95 iter_args(%scan3A_142 = %scan3A_91) -> (i32)  : i32 {
        %mul3A_143 = arith.constant 16 : i32
        %mul3A_144 = arith.muli %scan3A_141, %mul3A_143 : i32
        %get3A_145 = arith.index_cast %mul3A_144 : i32 to index
        %get3A_146 = tpu.vector_load %arg8[%get3A_145] {strides = array<i32>} : memref<1536xi32, #tpu.memory_space<vmem>>, vector<16xi32>,
        %mul3A_147 = arith.constant 16 : i32
        %mul3A_148 = arith.muli %scan3A_141, %mul3A_147 : i32
        %get3A_149 = arith.index_cast %mul3A_148 : i32 to index
        %get3A_150 = tpu.vector_load %arg10[%get3A_149] {strides = array<i32>} : memref<1536xf32, #tpu.memory_space<vmem>>, vector<16xf32>,
        %mul3A_151 = arith.constant 16 : i32
        %mul3A_152 = arith.muli %scan3A_141, %mul3A_151 : i32
        %add3A_153 = vector.broadcast %mul3A_152 : i32 to vector<16xi32>
        %add3A_154 = arith.addi %iota3A, %add3A_153 : vector<16xi32>
        %lt3A_155 = arith.cmpi slt, %add3A_154, %gather3A_90 : vector<16xi32>
        %sub3A = vector.broadcast %mul3A_2 : i32 to vector<16xi32>
        %sub3A_156 = arith.subi %get3A_146, %sub3A : vector<16xi32>
        tpu.vector_store_idx %arg7[%sub3A_156], %get3A_150 masked %lt3A_155 : memref<32768xf32, #tpu.memory_space<vmem>>[vector<16xi32>], vector<16xf32>, vector<16xi1>
        %scan3A_157 = arith.constant 0 : i32
        %scan3A_158 = arith.constant 1 : i32
        %scan3A_159 = arith.addi %scan3A_141, %scan3A_158 : i32
        %mul3A_160 = arith.constant 16 : i32
        %mul3A_161 = arith.muli %scan3A_159, %mul3A_160 : i32
        %get3A_162 = arith.index_cast %mul3A_161 : i32 to index
        %get3A_163 = tpu.vector_load %arg8[%get3A_162] {strides = array<i32>} : memref<1536xi32, #tpu.memory_space<vmem>>, vector<16xi32>,
        %mul3A_164 = arith.constant 16 : i32
        %mul3A_165 = arith.muli %scan3A_159, %mul3A_164 : i32
        %get3A_166 = arith.index_cast %mul3A_165 : i32 to index
        %get3A_167 = tpu.vector_load %arg10[%get3A_166] {strides = array<i32>} : memref<1536xf32, #tpu.memory_space<vmem>>, vector<16xf32>,
        %mul3A_168 = arith.constant 16 : i32
        %mul3A_169 = arith.muli %scan3A_159, %mul3A_168 : i32
        %add3A_170 = vector.broadcast %mul3A_169 : i32 to vector<16xi32>
        %add3A_171 = arith.addi %iota3A, %add3A_170 : vector<16xi32>
        %lt3A_172 = arith.cmpi slt, %add3A_171, %gather3A_90 : vector<16xi32>
        %sub3A_173 = vector.broadcast %mul3A_2 : i32 to vector<16xi32>
        %sub3A_174 = arith.subi %get3A_163, %sub3A_173 : vector<16xi32>
        tpu.vector_store_idx %arg7[%sub3A_174], %get3A_167 masked %lt3A_172 : memref<32768xf32, #tpu.memory_space<vmem>>[vector<16xi32>], vector<16xf32>, vector<16xi1>
        %scan3A_175 = arith.constant 0 : i32
        %scan3A_176 = arith.constant 2 : i32
        %scan3A_177 = arith.addi %scan3A_141, %scan3A_176 : i32
        %mul3A_178 = arith.constant 16 : i32
        %mul3A_179 = arith.muli %scan3A_177, %mul3A_178 : i32
        %get3A_180 = arith.index_cast %mul3A_179 : i32 to index
        %get3A_181 = tpu.vector_load %arg8[%get3A_180] {strides = array<i32>} : memref<1536xi32, #tpu.memory_space<vmem>>, vector<16xi32>,
        %mul3A_182 = arith.constant 16 : i32
        %mul3A_183 = arith.muli %scan3A_177, %mul3A_182 : i32
        %get3A_184 = arith.index_cast %mul3A_183 : i32 to index
        %get3A_185 = tpu.vector_load %arg10[%get3A_184] {strides = array<i32>} : memref<1536xf32, #tpu.memory_space<vmem>>, vector<16xf32>,
        %mul3A_186 = arith.constant 16 : i32
        %mul3A_187 = arith.muli %scan3A_177, %mul3A_186 : i32
        %add3A_188 = vector.broadcast %mul3A_187 : i32 to vector<16xi32>
        %add3A_189 = arith.addi %iota3A, %add3A_188 : vector<16xi32>
        %lt3A_190 = arith.cmpi slt, %add3A_189, %gather3A_90 : vector<16xi32>
        %sub3A_191 = vector.broadcast %mul3A_2 : i32 to vector<16xi32>
        %sub3A_192 = arith.subi %get3A_181, %sub3A_191 : vector<16xi32>
        tpu.vector_store_idx %arg7[%sub3A_192], %get3A_185 masked %lt3A_190 : memref<32768xf32, #tpu.memory_space<vmem>>[vector<16xi32>], vector<16xf32>, vector<16xi1>
        %scan3A_193 = arith.constant 0 : i32
        %scan3A_194 = arith.constant 3 : i32
        %scan3A_195 = arith.addi %scan3A_141, %scan3A_194 : i32
        %mul3A_196 = arith.constant 16 : i32
        %mul3A_197 = arith.muli %scan3A_195, %mul3A_196 : i32
        %get3A_198 = arith.index_cast %mul3A_197 : i32 to index
        %get3A_199 = tpu.vector_load %arg8[%get3A_198] {strides = array<i32>} : memref<1536xi32, #tpu.memory_space<vmem>>, vector<16xi32>,
        %mul3A_200 = arith.constant 16 : i32
        %mul3A_201 = arith.muli %scan3A_195, %mul3A_200 : i32
        %get3A_202 = arith.index_cast %mul3A_201 : i32 to index
        %get3A_203 = tpu.vector_load %arg10[%get3A_202] {strides = array<i32>} : memref<1536xf32, #tpu.memory_space<vmem>>, vector<16xf32>,
        %mul3A_204 = arith.constant 16 : i32
        %mul3A_205 = arith.muli %scan3A_195, %mul3A_204 : i32
        %add3A_206 = vector.broadcast %mul3A_205 : i32 to vector<16xi32>
        %add3A_207 = arith.addi %iota3A, %add3A_206 : vector<16xi32>
        %lt3A_208 = arith.cmpi slt, %add3A_207, %gather3A_90 : vector<16xi32>
        %sub3A_209 = vector.broadcast %mul3A_2 : i32 to vector<16xi32>
        %sub3A_210 = arith.subi %get3A_199, %sub3A_209 : vector<16xi32>
        tpu.vector_store_idx %arg7[%sub3A_210], %get3A_203 masked %lt3A_208 : memref<32768xf32, #tpu.memory_space<vmem>>[vector<16xi32>], vector<16xf32>, vector<16xi1>
        %scan3A_211 = arith.constant 0 : i32
        %scan3A_212 = arith.constant 4 : i32
        %scan3A_213 = arith.addi %scan3A_141, %scan3A_212 : i32
        %mul3A_214 = arith.constant 16 : i32
        %mul3A_215 = arith.muli %scan3A_213, %mul3A_214 : i32
        %get3A_216 = arith.index_cast %mul3A_215 : i32 to index
        %get3A_217 = tpu.vector_load %arg8[%get3A_216] {strides = array<i32>} : memref<1536xi32, #tpu.memory_space<vmem>>, vector<16xi32>,
        %mul3A_218 = arith.constant 16 : i32
        %mul3A_219 = arith.muli %scan3A_213, %mul3A_218 : i32
        %get3A_220 = arith.index_cast %mul3A_219 : i32 to index
        %get3A_221 = tpu.vector_load %arg10[%get3A_220] {strides = array<i32>} : memref<1536xf32, #tpu.memory_space<vmem>>, vector<16xf32>,
        %mul3A_222 = arith.constant 16 : i32
        %mul3A_223 = arith.muli %scan3A_213, %mul3A_222 : i32
        %add3A_224 = vector.broadcast %mul3A_223 : i32 to vector<16xi32>
        %add3A_225 = arith.addi %iota3A, %add3A_224 : vector<16xi32>
        %lt3A_226 = arith.cmpi slt, %add3A_225, %gather3A_90 : vector<16xi32>
        %sub3A_227 = vector.broadcast %mul3A_2 : i32 to vector<16xi32>
        %sub3A_228 = arith.subi %get3A_217, %sub3A_227 : vector<16xi32>
        tpu.vector_store_idx %arg7[%sub3A_228], %get3A_221 masked %lt3A_226 : memref<32768xf32, #tpu.memory_space<vmem>>[vector<16xi32>], vector<16xf32>, vector<16xi1>
        %scan3A_229 = arith.constant 0 : i32
        %scan3A_230 = arith.constant 5 : i32
        %scan3A_231 = arith.addi %scan3A_141, %scan3A_230 : i32
        %mul3A_232 = arith.constant 16 : i32
        %mul3A_233 = arith.muli %scan3A_231, %mul3A_232 : i32
        %get3A_234 = arith.index_cast %mul3A_233 : i32 to index
        %get3A_235 = tpu.vector_load %arg8[%get3A_234] {strides = array<i32>} : memref<1536xi32, #tpu.memory_space<vmem>>, vector<16xi32>,
        %mul3A_236 = arith.constant 16 : i32
        %mul3A_237 = arith.muli %scan3A_231, %mul3A_236 : i32
        %get3A_238 = arith.index_cast %mul3A_237 : i32 to index
        %get3A_239 = tpu.vector_load %arg10[%get3A_238] {strides = array<i32>} : memref<1536xf32, #tpu.memory_space<vmem>>, vector<16xf32>,
        %mul3A_240 = arith.constant 16 : i32
        %mul3A_241 = arith.muli %scan3A_231, %mul3A_240 : i32
        %add3A_242 = vector.broadcast %mul3A_241 : i32 to vector<16xi32>
        %add3A_243 = arith.addi %iota3A, %add3A_242 : vector<16xi32>
        %lt3A_244 = arith.cmpi slt, %add3A_243, %gather3A_90 : vector<16xi32>
        %sub3A_245 = vector.broadcast %mul3A_2 : i32 to vector<16xi32>
        %sub3A_246 = arith.subi %get3A_235, %sub3A_245 : vector<16xi32>
        tpu.vector_store_idx %arg7[%sub3A_246], %get3A_239 masked %lt3A_244 : memref<32768xf32, #tpu.memory_space<vmem>>[vector<16xi32>], vector<16xf32>, vector<16xi1>
        %scan3A_247 = arith.constant 0 : i32
        %scan3A_248 = arith.constant 6 : i32
        %scan3A_249 = arith.addi %scan3A_141, %scan3A_248 : i32
        %mul3A_250 = arith.constant 16 : i32
        %mul3A_251 = arith.muli %scan3A_249, %mul3A_250 : i32
        %get3A_252 = arith.index_cast %mul3A_251 : i32 to index
        %get3A_253 = tpu.vector_load %arg8[%get3A_252] {strides = array<i32>} : memref<1536xi32, #tpu.memory_space<vmem>>, vector<16xi32>,
        %mul3A_254 = arith.constant 16 : i32
        %mul3A_255 = arith.muli %scan3A_249, %mul3A_254 : i32
        %get3A_256 = arith.index_cast %mul3A_255 : i32 to index
        %get3A_257 = tpu.vector_load %arg10[%get3A_256] {strides = array<i32>} : memref<1536xf32, #tpu.memory_space<vmem>>, vector<16xf32>,
        %mul3A_258 = arith.constant 16 : i32
        %mul3A_259 = arith.muli %scan3A_249, %mul3A_258 : i32
        %add3A_260 = vector.broadcast %mul3A_259 : i32 to vector<16xi32>
        %add3A_261 = arith.addi %iota3A, %add3A_260 : vector<16xi32>
        %lt3A_262 = arith.cmpi slt, %add3A_261, %gather3A_90 : vector<16xi32>
        %sub3A_263 = vector.broadcast %mul3A_2 : i32 to vector<16xi32>
        %sub3A_264 = arith.subi %get3A_253, %sub3A_263 : vector<16xi32>
        tpu.vector_store_idx %arg7[%sub3A_264], %get3A_257 masked %lt3A_262 : memref<32768xf32, #tpu.memory_space<vmem>>[vector<16xi32>], vector<16xf32>, vector<16xi1>
        %scan3A_265 = arith.constant 0 : i32
        %scan3A_266 = arith.constant 7 : i32
        %scan3A_267 = arith.addi %scan3A_141, %scan3A_266 : i32
        %mul3A_268 = arith.constant 16 : i32
        %mul3A_269 = arith.muli %scan3A_267, %mul3A_268 : i32
        %get3A_270 = arith.index_cast %mul3A_269 : i32 to index
        %get3A_271 = tpu.vector_load %arg8[%get3A_270] {strides = array<i32>} : memref<1536xi32, #tpu.memory_space<vmem>>, vector<16xi32>,
        %mul3A_272 = arith.constant 16 : i32
        %mul3A_273 = arith.muli %scan3A_267, %mul3A_272 : i32
        %get3A_274 = arith.index_cast %mul3A_273 : i32 to index
        %get3A_275 = tpu.vector_load %arg10[%get3A_274] {strides = array<i32>} : memref<1536xf32, #tpu.memory_space<vmem>>, vector<16xf32>,
        %mul3A_276 = arith.constant 16 : i32
        %mul3A_277 = arith.muli %scan3A_267, %mul3A_276 : i32
        %add3A_278 = vector.broadcast %mul3A_277 : i32 to vector<16xi32>
        %add3A_279 = arith.addi %iota3A, %add3A_278 : vector<16xi32>
        %lt3A_280 = arith.cmpi slt, %add3A_279, %gather3A_90 : vector<16xi32>
        %sub3A_281 = vector.broadcast %mul3A_2 : i32 to vector<16xi32>
        %sub3A_282 = arith.subi %get3A_271, %sub3A_281 : vector<16xi32>
        tpu.vector_store_idx %arg7[%sub3A_282], %get3A_275 masked %lt3A_280 : memref<32768xf32, #tpu.memory_space<vmem>>[vector<16xi32>], vector<16xf32>, vector<16xi1>
        %scan3A_283 = arith.constant 0 : i32
        scf.yield %scan3A_283 : i32
      }
      %scan3A_97 = arith.constant 96 : i32
      %add3A_98 = arith.constant 2 : i32
      %add3A_99 = arith.addi %add3A_74, %add3A_98 : i32
      %lt3A = arith.constant 32 : i32
      %lt3A_100 = arith.cmpi slt, %add3A_99, %lt3A : i32
      %convert_element_type3A = arith.extui %lt3A_100 : i1 to i32
      %cond3A = arith.constant 0 : i32
      %cond3A_101 = arith.cmpi ne, %convert_element_type3A, %cond3A : i32
      scf.if %cond3A_101 {
        %add3A_141 = arith.constant 2 : i32
        %add3A_142 = arith.addi %add3A_74, %add3A_141 : i32
        %mul3A_143 = arith.constant 32 : i32
        %mul3A_144 = arith.muli %add3A, %mul3A_143 : i32
        %add3A_145 = arith.addi %mul3A_144, %add3A_142 : i32
        %mul3A_146 = arith.constant 1536 : i32
        %mul3A_147 = arith.muli %add3A_145, %mul3A_146 : i32
        %dma_start3A_148 = tpu.memref_slice %arg2[%mul3A_147] : memref<1572864xi32, #tpu.memory_space<hbm>> -> memref<1536xi32, #tpu.memory_space<hbm>>
        %dma_start3A_149 = tpu.memref_slice %arg2[%mul3A_147] : memref<1572864xi32, #tpu.memory_space<hbm>> -> memref<1536xi32, #tpu.memory_space<hbm>>
        tpu.enqueue_dma source(%dma_start3A_149 : memref<1536xi32, #tpu.memory_space<hbm>>) target(%arg8 : memref<1536xi32, #tpu.memory_space<vmem>>) target_semaphore(%arg16 : memref<!tpu.dma_semaphore, #tpu.memory_space<semaphore_mem>>)
        %dma_start3A_150 = tpu.memref_slice %arg3[%mul3A_147] : memref<1572864xf32, #tpu.memory_space<hbm>> -> memref<1536xf32, #tpu.memory_space<hbm>>
        %dma_start3A_151 = tpu.memref_slice %arg3[%mul3A_147] : memref<1572864xf32, #tpu.memory_space<hbm>> -> memref<1536xf32, #tpu.memory_space<hbm>>
        tpu.enqueue_dma source(%dma_start3A_151 : memref<1536xf32, #tpu.memory_space<hbm>>) target(%arg10 : memref<1536xf32, #tpu.memory_space<vmem>>) target_semaphore(%arg18 : memref<!tpu.dma_semaphore, #tpu.memory_space<semaphore_mem>>)
      } else {
      }
      %mul3A_102 = arith.constant 2 : i32
      %mul3A_103 = arith.muli %mul3A_102, %scan3A_69 : i32
      %add3A_104 = arith.constant 1 : i32
      %add3A_105 = arith.addi %mul3A_103, %add3A_104 : i32
      %dma_wait3A_106 = arith.constant 0 : i32
      %dma_wait3A_107 = tpu.memref_slice %arg2[%dma_wait3A_106] : memref<1572864xi32, #tpu.memory_space<hbm>> -> memref<1536xi32, #tpu.memory_space<hbm>>
      %dma_wait3A_108 = arith.constant 0 : i32
      %dma_wait3A_109 = tpu.memref_slice %arg2[%dma_wait3A_108] : memref<1572864xi32, #tpu.memory_space<hbm>> -> memref<1536xi32, #tpu.memory_space<hbm>>
      tpu.wait_dma2 semaphore(%arg17 : memref<!tpu.dma_semaphore, #tpu.memory_space<semaphore_mem>>) src(%dma_wait3A_109 : memref<1536xi32, #tpu.memory_space<hbm>>) dst(%arg9 : memref<1536xi32, #tpu.memory_space<vmem>>)
      %dma_wait3A_110 = arith.constant 0 : i32
      %dma_wait3A_111 = tpu.memref_slice %arg3[%dma_wait3A_110] : memref<1572864xf32, #tpu.memory_space<hbm>> -> memref<1536xf32, #tpu.memory_space<hbm>>
      %dma_wait3A_112 = arith.constant 0 : i32
      %dma_wait3A_113 = tpu.memref_slice %arg3[%dma_wait3A_112] : memref<1572864xf32, #tpu.memory_space<hbm>> -> memref<1536xf32, #tpu.memory_space<hbm>>
      tpu.wait_dma2 semaphore(%arg19 : memref<!tpu.dma_semaphore, #tpu.memory_space<semaphore_mem>>) src(%dma_wait3A_113 : memref<1536xf32, #tpu.memory_space<hbm>>) dst(%arg11 : memref<1536xf32, #tpu.memory_space<vmem>>)
      %shift_right_logical3A_114 = arith.constant 4 : i32
      %shift_right_logical3A_115 = arith.shrui %add3A_105, %shift_right_logical3A_114 : i32
      %mul3A_116 = arith.constant 16 : i32
      %mul3A_117 = arith.muli %shift_right_logical3A_115, %mul3A_116 : i32
      %get3A_118 = arith.index_cast %mul3A_117 : i32 to index
      %get3A_119 = tpu.vector_load %arg13[%get3A_118] {strides = array<i32>} : memref<32xi32, #tpu.memory_space<vmem>>, vector<16xi32>,
      %and3A_120 = arith.constant 15 : i32
      %and3A_121 = arith.andi %add3A_105, %and3A_120 : i32
      %broadcast_in_dim3A_122 = vector.broadcast %and3A_121 : i32 to vector<16xi32>
      %broadcast_in_dim3A_123 = vector.shape_cast %broadcast_in_dim3A_122 : vector<16xi32> to vector<16x1xi32>
      %gather3A_124 = vector.shape_cast %broadcast_in_dim3A_123 : vector<16x1xi32> to vector<16xi32>
      %gather3A_125 = tpu.dynamic_gather %get3A_119[%gather3A_124] in [0] : vector<16xi32>, vector<16xi32> -> vector<16xi32>
      %scan3A_126 = arith.constant 0 : i32
      %scan3A_127 = arith.constant 0 : i32
      %scan3A_128 = arith.constant 96 : i32
      %scan3A_129 = arith.addi %scan3A_127, %scan3A_128 : i32
      %scan3A_130 = arith.constant 8 : i32
      %scan3A_131 = scf.for %scan3A_141 = %scan3A_127 to %scan3A_129 step %scan3A_130 iter_args(%scan3A_142 = %scan3A_126) -> (i32)  : i32 {
        %mul3A_143 = arith.constant 16 : i32
        %mul3A_144 = arith.muli %scan3A_141, %mul3A_143 : i32
        %get3A_145 = arith.index_cast %mul3A_144 : i32 to index
        %get3A_146 = tpu.vector_load %arg9[%get3A_145] {strides = array<i32>} : memref<1536xi32, #tpu.memory_space<vmem>>, vector<16xi32>,
        %mul3A_147 = arith.constant 16 : i32
        %mul3A_148 = arith.muli %scan3A_141, %mul3A_147 : i32
        %get3A_149 = arith.index_cast %mul3A_148 : i32 to index
        %get3A_150 = tpu.vector_load %arg11[%get3A_149] {strides = array<i32>} : memref<1536xf32, #tpu.memory_space<vmem>>, vector<16xf32>,
        %mul3A_151 = arith.constant 16 : i32
        %mul3A_152 = arith.muli %scan3A_141, %mul3A_151 : i32
        %add3A_153 = vector.broadcast %mul3A_152 : i32 to vector<16xi32>
        %add3A_154 = arith.addi %iota3A, %add3A_153 : vector<16xi32>
        %lt3A_155 = arith.cmpi slt, %add3A_154, %gather3A_125 : vector<16xi32>
        %sub3A = vector.broadcast %mul3A_2 : i32 to vector<16xi32>
        %sub3A_156 = arith.subi %get3A_146, %sub3A : vector<16xi32>
        tpu.vector_store_idx %arg7[%sub3A_156], %get3A_150 masked %lt3A_155 : memref<32768xf32, #tpu.memory_space<vmem>>[vector<16xi32>], vector<16xf32>, vector<16xi1>
        %scan3A_157 = arith.constant 0 : i32
        %scan3A_158 = arith.constant 1 : i32
        %scan3A_159 = arith.addi %scan3A_141, %scan3A_158 : i32
        %mul3A_160 = arith.constant 16 : i32
        %mul3A_161 = arith.muli %scan3A_159, %mul3A_160 : i32
        %get3A_162 = arith.index_cast %mul3A_161 : i32 to index
        %get3A_163 = tpu.vector_load %arg9[%get3A_162] {strides = array<i32>} : memref<1536xi32, #tpu.memory_space<vmem>>, vector<16xi32>,
        %mul3A_164 = arith.constant 16 : i32
        %mul3A_165 = arith.muli %scan3A_159, %mul3A_164 : i32
        %get3A_166 = arith.index_cast %mul3A_165 : i32 to index
        %get3A_167 = tpu.vector_load %arg11[%get3A_166] {strides = array<i32>} : memref<1536xf32, #tpu.memory_space<vmem>>, vector<16xf32>,
        %mul3A_168 = arith.constant 16 : i32
        %mul3A_169 = arith.muli %scan3A_159, %mul3A_168 : i32
        %add3A_170 = vector.broadcast %mul3A_169 : i32 to vector<16xi32>
        %add3A_171 = arith.addi %iota3A, %add3A_170 : vector<16xi32>
        %lt3A_172 = arith.cmpi slt, %add3A_171, %gather3A_125 : vector<16xi32>
        %sub3A_173 = vector.broadcast %mul3A_2 : i32 to vector<16xi32>
        %sub3A_174 = arith.subi %get3A_163, %sub3A_173 : vector<16xi32>
        tpu.vector_store_idx %arg7[%sub3A_174], %get3A_167 masked %lt3A_172 : memref<32768xf32, #tpu.memory_space<vmem>>[vector<16xi32>], vector<16xf32>, vector<16xi1>
        %scan3A_175 = arith.constant 0 : i32
        %scan3A_176 = arith.constant 2 : i32
        %scan3A_177 = arith.addi %scan3A_141, %scan3A_176 : i32
        %mul3A_178 = arith.constant 16 : i32
        %mul3A_179 = arith.muli %scan3A_177, %mul3A_178 : i32
        %get3A_180 = arith.index_cast %mul3A_179 : i32 to index
        %get3A_181 = tpu.vector_load %arg9[%get3A_180] {strides = array<i32>} : memref<1536xi32, #tpu.memory_space<vmem>>, vector<16xi32>,
        %mul3A_182 = arith.constant 16 : i32
        %mul3A_183 = arith.muli %scan3A_177, %mul3A_182 : i32
        %get3A_184 = arith.index_cast %mul3A_183 : i32 to index
        %get3A_185 = tpu.vector_load %arg11[%get3A_184] {strides = array<i32>} : memref<1536xf32, #tpu.memory_space<vmem>>, vector<16xf32>,
        %mul3A_186 = arith.constant 16 : i32
        %mul3A_187 = arith.muli %scan3A_177, %mul3A_186 : i32
        %add3A_188 = vector.broadcast %mul3A_187 : i32 to vector<16xi32>
        %add3A_189 = arith.addi %iota3A, %add3A_188 : vector<16xi32>
        %lt3A_190 = arith.cmpi slt, %add3A_189, %gather3A_125 : vector<16xi32>
        %sub3A_191 = vector.broadcast %mul3A_2 : i32 to vector<16xi32>
        %sub3A_192 = arith.subi %get3A_181, %sub3A_191 : vector<16xi32>
        tpu.vector_store_idx %arg7[%sub3A_192], %get3A_185 masked %lt3A_190 : memref<32768xf32, #tpu.memory_space<vmem>>[vector<16xi32>], vector<16xf32>, vector<16xi1>
        %scan3A_193 = arith.constant 0 : i32
        %scan3A_194 = arith.constant 3 : i32
        %scan3A_195 = arith.addi %scan3A_141, %scan3A_194 : i32
        %mul3A_196 = arith.constant 16 : i32
        %mul3A_197 = arith.muli %scan3A_195, %mul3A_196 : i32
        %get3A_198 = arith.index_cast %mul3A_197 : i32 to index
        %get3A_199 = tpu.vector_load %arg9[%get3A_198] {strides = array<i32>} : memref<1536xi32, #tpu.memory_space<vmem>>, vector<16xi32>,
        %mul3A_200 = arith.constant 16 : i32
        %mul3A_201 = arith.muli %scan3A_195, %mul3A_200 : i32
        %get3A_202 = arith.index_cast %mul3A_201 : i32 to index
        %get3A_203 = tpu.vector_load %arg11[%get3A_202] {strides = array<i32>} : memref<1536xf32, #tpu.memory_space<vmem>>, vector<16xf32>,
        %mul3A_204 = arith.constant 16 : i32
        %mul3A_205 = arith.muli %scan3A_195, %mul3A_204 : i32
        %add3A_206 = vector.broadcast %mul3A_205 : i32 to vector<16xi32>
        %add3A_207 = arith.addi %iota3A, %add3A_206 : vector<16xi32>
        %lt3A_208 = arith.cmpi slt, %add3A_207, %gather3A_125 : vector<16xi32>
        %sub3A_209 = vector.broadcast %mul3A_2 : i32 to vector<16xi32>
        %sub3A_210 = arith.subi %get3A_199, %sub3A_209 : vector<16xi32>
        tpu.vector_store_idx %arg7[%sub3A_210], %get3A_203 masked %lt3A_208 : memref<32768xf32, #tpu.memory_space<vmem>>[vector<16xi32>], vector<16xf32>, vector<16xi1>
        %scan3A_211 = arith.constant 0 : i32
        %scan3A_212 = arith.constant 4 : i32
        %scan3A_213 = arith.addi %scan3A_141, %scan3A_212 : i32
        %mul3A_214 = arith.constant 16 : i32
        %mul3A_215 = arith.muli %scan3A_213, %mul3A_214 : i32
        %get3A_216 = arith.index_cast %mul3A_215 : i32 to index
        %get3A_217 = tpu.vector_load %arg9[%get3A_216] {strides = array<i32>} : memref<1536xi32, #tpu.memory_space<vmem>>, vector<16xi32>,
        %mul3A_218 = arith.constant 16 : i32
        %mul3A_219 = arith.muli %scan3A_213, %mul3A_218 : i32
        %get3A_220 = arith.index_cast %mul3A_219 : i32 to index
        %get3A_221 = tpu.vector_load %arg11[%get3A_220] {strides = array<i32>} : memref<1536xf32, #tpu.memory_space<vmem>>, vector<16xf32>,
        %mul3A_222 = arith.constant 16 : i32
        %mul3A_223 = arith.muli %scan3A_213, %mul3A_222 : i32
        %add3A_224 = vector.broadcast %mul3A_223 : i32 to vector<16xi32>
        %add3A_225 = arith.addi %iota3A, %add3A_224 : vector<16xi32>
        %lt3A_226 = arith.cmpi slt, %add3A_225, %gather3A_125 : vector<16xi32>
        %sub3A_227 = vector.broadcast %mul3A_2 : i32 to vector<16xi32>
        %sub3A_228 = arith.subi %get3A_217, %sub3A_227 : vector<16xi32>
        tpu.vector_store_idx %arg7[%sub3A_228], %get3A_221 masked %lt3A_226 : memref<32768xf32, #tpu.memory_space<vmem>>[vector<16xi32>], vector<16xf32>, vector<16xi1>
        %scan3A_229 = arith.constant 0 : i32
        %scan3A_230 = arith.constant 5 : i32
        %scan3A_231 = arith.addi %scan3A_141, %scan3A_230 : i32
        %mul3A_232 = arith.constant 16 : i32
        %mul3A_233 = arith.muli %scan3A_231, %mul3A_232 : i32
        %get3A_234 = arith.index_cast %mul3A_233 : i32 to index
        %get3A_235 = tpu.vector_load %arg9[%get3A_234] {strides = array<i32>} : memref<1536xi32, #tpu.memory_space<vmem>>, vector<16xi32>,
        %mul3A_236 = arith.constant 16 : i32
        %mul3A_237 = arith.muli %scan3A_231, %mul3A_236 : i32
        %get3A_238 = arith.index_cast %mul3A_237 : i32 to index
        %get3A_239 = tpu.vector_load %arg11[%get3A_238] {strides = array<i32>} : memref<1536xf32, #tpu.memory_space<vmem>>, vector<16xf32>,
        %mul3A_240 = arith.constant 16 : i32
        %mul3A_241 = arith.muli %scan3A_231, %mul3A_240 : i32
        %add3A_242 = vector.broadcast %mul3A_241 : i32 to vector<16xi32>
        %add3A_243 = arith.addi %iota3A, %add3A_242 : vector<16xi32>
        %lt3A_244 = arith.cmpi slt, %add3A_243, %gather3A_125 : vector<16xi32>
        %sub3A_245 = vector.broadcast %mul3A_2 : i32 to vector<16xi32>
        %sub3A_246 = arith.subi %get3A_235, %sub3A_245 : vector<16xi32>
        tpu.vector_store_idx %arg7[%sub3A_246], %get3A_239 masked %lt3A_244 : memref<32768xf32, #tpu.memory_space<vmem>>[vector<16xi32>], vector<16xf32>, vector<16xi1>
        %scan3A_247 = arith.constant 0 : i32
        %scan3A_248 = arith.constant 6 : i32
        %scan3A_249 = arith.addi %scan3A_141, %scan3A_248 : i32
        %mul3A_250 = arith.constant 16 : i32
        %mul3A_251 = arith.muli %scan3A_249, %mul3A_250 : i32
        %get3A_252 = arith.index_cast %mul3A_251 : i32 to index
        %get3A_253 = tpu.vector_load %arg9[%get3A_252] {strides = array<i32>} : memref<1536xi32, #tpu.memory_space<vmem>>, vector<16xi32>,
        %mul3A_254 = arith.constant 16 : i32
        %mul3A_255 = arith.muli %scan3A_249, %mul3A_254 : i32
        %get3A_256 = arith.index_cast %mul3A_255 : i32 to index
        %get3A_257 = tpu.vector_load %arg11[%get3A_256] {strides = array<i32>} : memref<1536xf32, #tpu.memory_space<vmem>>, vector<16xf32>,
        %mul3A_258 = arith.constant 16 : i32
        %mul3A_259 = arith.muli %scan3A_249, %mul3A_258 : i32
        %add3A_260 = vector.broadcast %mul3A_259 : i32 to vector<16xi32>
        %add3A_261 = arith.addi %iota3A, %add3A_260 : vector<16xi32>
        %lt3A_262 = arith.cmpi slt, %add3A_261, %gather3A_125 : vector<16xi32>
        %sub3A_263 = vector.broadcast %mul3A_2 : i32 to vector<16xi32>
        %sub3A_264 = arith.subi %get3A_253, %sub3A_263 : vector<16xi32>
        tpu.vector_store_idx %arg7[%sub3A_264], %get3A_257 masked %lt3A_262 : memref<32768xf32, #tpu.memory_space<vmem>>[vector<16xi32>], vector<16xf32>, vector<16xi1>
        %scan3A_265 = arith.constant 0 : i32
        %scan3A_266 = arith.constant 7 : i32
        %scan3A_267 = arith.addi %scan3A_141, %scan3A_266 : i32
        %mul3A_268 = arith.constant 16 : i32
        %mul3A_269 = arith.muli %scan3A_267, %mul3A_268 : i32
        %get3A_270 = arith.index_cast %mul3A_269 : i32 to index
        %get3A_271 = tpu.vector_load %arg9[%get3A_270] {strides = array<i32>} : memref<1536xi32, #tpu.memory_space<vmem>>, vector<16xi32>,
        %mul3A_272 = arith.constant 16 : i32
        %mul3A_273 = arith.muli %scan3A_267, %mul3A_272 : i32
        %get3A_274 = arith.index_cast %mul3A_273 : i32 to index
        %get3A_275 = tpu.vector_load %arg11[%get3A_274] {strides = array<i32>} : memref<1536xf32, #tpu.memory_space<vmem>>, vector<16xf32>,
        %mul3A_276 = arith.constant 16 : i32
        %mul3A_277 = arith.muli %scan3A_267, %mul3A_276 : i32
        %add3A_278 = vector.broadcast %mul3A_277 : i32 to vector<16xi32>
        %add3A_279 = arith.addi %iota3A, %add3A_278 : vector<16xi32>
        %lt3A_280 = arith.cmpi slt, %add3A_279, %gather3A_125 : vector<16xi32>
        %sub3A_281 = vector.broadcast %mul3A_2 : i32 to vector<16xi32>
        %sub3A_282 = arith.subi %get3A_271, %sub3A_281 : vector<16xi32>
        tpu.vector_store_idx %arg7[%sub3A_282], %get3A_275 masked %lt3A_280 : memref<32768xf32, #tpu.memory_space<vmem>>[vector<16xi32>], vector<16xf32>, vector<16xi1>
        %scan3A_283 = arith.constant 0 : i32
        scf.yield %scan3A_283 : i32
      }
      %scan3A_132 = arith.constant 96 : i32
      %add3A_133 = arith.constant 2 : i32
      %add3A_134 = arith.addi %add3A_105, %add3A_133 : i32
      %lt3A_135 = arith.constant 32 : i32
      %lt3A_136 = arith.cmpi slt, %add3A_134, %lt3A_135 : i32
      %convert_element_type3A_137 = arith.extui %lt3A_136 : i1 to i32
      %cond3A_138 = arith.constant 0 : i32
      %cond3A_139 = arith.cmpi ne, %convert_element_type3A_137, %cond3A_138 : i32
      scf.if %cond3A_139 {
        %add3A_141 = arith.constant 2 : i32
        %add3A_142 = arith.addi %add3A_105, %add3A_141 : i32
        %mul3A_143 = arith.constant 32 : i32
        %mul3A_144 = arith.muli %add3A, %mul3A_143 : i32
        %add3A_145 = arith.addi %mul3A_144, %add3A_142 : i32
        %mul3A_146 = arith.constant 1536 : i32
        %mul3A_147 = arith.muli %add3A_145, %mul3A_146 : i32
        %dma_start3A_148 = tpu.memref_slice %arg2[%mul3A_147] : memref<1572864xi32, #tpu.memory_space<hbm>> -> memref<1536xi32, #tpu.memory_space<hbm>>
        %dma_start3A_149 = tpu.memref_slice %arg2[%mul3A_147] : memref<1572864xi32, #tpu.memory_space<hbm>> -> memref<1536xi32, #tpu.memory_space<hbm>>
        tpu.enqueue_dma source(%dma_start3A_149 : memref<1536xi32, #tpu.memory_space<hbm>>) target(%arg9 : memref<1536xi32, #tpu.memory_space<vmem>>) target_semaphore(%arg17 : memref<!tpu.dma_semaphore, #tpu.memory_space<semaphore_mem>>)
        %dma_start3A_150 = tpu.memref_slice %arg3[%mul3A_147] : memref<1572864xf32, #tpu.memory_space<hbm>> -> memref<1536xf32, #tpu.memory_space<hbm>>
        %dma_start3A_151 = tpu.memref_slice %arg3[%mul3A_147] : memref<1572864xf32, #tpu.memory_space<hbm>> -> memref<1536xf32, #tpu.memory_space<hbm>>
        tpu.enqueue_dma source(%dma_start3A_151 : memref<1536xf32, #tpu.memory_space<hbm>>) target(%arg11 : memref<1536xf32, #tpu.memory_space<vmem>>) target_semaphore(%arg19 : memref<!tpu.dma_semaphore, #tpu.memory_space<semaphore_mem>>)
      } else {
      }
      %scan3A_140 = arith.constant 0 : i32
      scf.yield %scan3A_140 : i32
    }
    %scan3A_52 = arith.constant 16 : i32
    %scan3A_53 = arith.constant 0 : i32
    %scan3A_54 = arith.constant 0 : i32
    %scan3A_55 = arith.constant 32 : i32
    %scan3A_56 = arith.addi %scan3A_54, %scan3A_55 : i32
    %scan3A_57 = arith.constant 1 : i32
    %scan3A_58 = scf.for %scan3A_69 = %scan3A_54 to %scan3A_56 step %scan3A_57 iter_args(%scan3A_70 = %scan3A_53) -> (i32)  : i32 {
      %scan3A_71 = arith.constant 0 : i32
      %scan3A_72 = arith.constant 64 : i32
      %scan3A_73 = arith.addi %scan3A_71, %scan3A_72 : i32
      %scan3A_74 = arith.constant 8 : i32
      %scan3A_75 = scf.for %scan3A_85 = %scan3A_71 to %scan3A_73 step %scan3A_74 iter_args(%scan3A_86 = %broadcast_in_dim3A_3) -> (vector<16xf32>)  : i32 {
        %mul3A_87 = arith.constant 1024 : i32
        %mul3A_88 = arith.muli %scan3A_69, %mul3A_87 : i32
        %mul3A_89 = arith.constant 16 : i32
        %mul3A_90 = arith.muli %scan3A_85, %mul3A_89 : i32
        %add3A_91 = arith.addi %mul3A_88, %mul3A_90 : i32
        %get3A = arith.index_cast %add3A_91 : i32 to index
        %get3A_92 = tpu.vector_load %arg7[%get3A] {strides = array<i32>} : memref<32768xf32, #tpu.memory_space<vmem>>, vector<16xf32>,
        %max3A = arith.maximumf %scan3A_86, %get3A_92 : vector<16xf32>
        %scan3A_93 = arith.constant 1 : i32
        %scan3A_94 = arith.addi %scan3A_85, %scan3A_93 : i32
        %mul3A_95 = arith.constant 1024 : i32
        %mul3A_96 = arith.muli %scan3A_69, %mul3A_95 : i32
        %mul3A_97 = arith.constant 16 : i32
        %mul3A_98 = arith.muli %scan3A_94, %mul3A_97 : i32
        %add3A_99 = arith.addi %mul3A_96, %mul3A_98 : i32
        %get3A_100 = arith.index_cast %add3A_99 : i32 to index
        %get3A_101 = tpu.vector_load %arg7[%get3A_100] {strides = array<i32>} : memref<32768xf32, #tpu.memory_space<vmem>>, vector<16xf32>,
        %max3A_102 = arith.maximumf %max3A, %get3A_101 : vector<16xf32>
        %scan3A_103 = arith.constant 2 : i32
        %scan3A_104 = arith.addi %scan3A_85, %scan3A_103 : i32
        %mul3A_105 = arith.constant 1024 : i32
        %mul3A_106 = arith.muli %scan3A_69, %mul3A_105 : i32
        %mul3A_107 = arith.constant 16 : i32
        %mul3A_108 = arith.muli %scan3A_104, %mul3A_107 : i32
        %add3A_109 = arith.addi %mul3A_106, %mul3A_108 : i32
        %get3A_110 = arith.index_cast %add3A_109 : i32 to index
        %get3A_111 = tpu.vector_load %arg7[%get3A_110] {strides = array<i32>} : memref<32768xf32, #tpu.memory_space<vmem>>, vector<16xf32>,
        %max3A_112 = arith.maximumf %max3A_102, %get3A_111 : vector<16xf32>
        %scan3A_113 = arith.constant 3 : i32
        %scan3A_114 = arith.addi %scan3A_85, %scan3A_113 : i32
        %mul3A_115 = arith.constant 1024 : i32
        %mul3A_116 = arith.muli %scan3A_69, %mul3A_115 : i32
        %mul3A_117 = arith.constant 16 : i32
        %mul3A_118 = arith.muli %scan3A_114, %mul3A_117 : i32
        %add3A_119 = arith.addi %mul3A_116, %mul3A_118 : i32
        %get3A_120 = arith.index_cast %add3A_119 : i32 to index
        %get3A_121 = tpu.vector_load %arg7[%get3A_120] {strides = array<i32>} : memref<32768xf32, #tpu.memory_space<vmem>>, vector<16xf32>,
        %max3A_122 = arith.maximumf %max3A_112, %get3A_121 : vector<16xf32>
        %scan3A_123 = arith.constant 4 : i32
        %scan3A_124 = arith.addi %scan3A_85, %scan3A_123 : i32
        %mul3A_125 = arith.constant 1024 : i32
        %mul3A_126 = arith.muli %scan3A_69, %mul3A_125 : i32
        %mul3A_127 = arith.constant 16 : i32
        %mul3A_128 = arith.muli %scan3A_124, %mul3A_127 : i32
        %add3A_129 = arith.addi %mul3A_126, %mul3A_128 : i32
        %get3A_130 = arith.index_cast %add3A_129 : i32 to index
        %get3A_131 = tpu.vector_load %arg7[%get3A_130] {strides = array<i32>} : memref<32768xf32, #tpu.memory_space<vmem>>, vector<16xf32>,
        %max3A_132 = arith.maximumf %max3A_122, %get3A_131 : vector<16xf32>
        %scan3A_133 = arith.constant 5 : i32
        %scan3A_134 = arith.addi %scan3A_85, %scan3A_133 : i32
        %mul3A_135 = arith.constant 1024 : i32
        %mul3A_136 = arith.muli %scan3A_69, %mul3A_135 : i32
        %mul3A_137 = arith.constant 16 : i32
        %mul3A_138 = arith.muli %scan3A_134, %mul3A_137 : i32
        %add3A_139 = arith.addi %mul3A_136, %mul3A_138 : i32
        %get3A_140 = arith.index_cast %add3A_139 : i32 to index
        %get3A_141 = tpu.vector_load %arg7[%get3A_140] {strides = array<i32>} : memref<32768xf32, #tpu.memory_space<vmem>>, vector<16xf32>,
        %max3A_142 = arith.maximumf %max3A_132, %get3A_141 : vector<16xf32>
        %scan3A_143 = arith.constant 6 : i32
        %scan3A_144 = arith.addi %scan3A_85, %scan3A_143 : i32
        %mul3A_145 = arith.constant 1024 : i32
        %mul3A_146 = arith.muli %scan3A_69, %mul3A_145 : i32
        %mul3A_147 = arith.constant 16 : i32
        %mul3A_148 = arith.muli %scan3A_144, %mul3A_147 : i32
        %add3A_149 = arith.addi %mul3A_146, %mul3A_148 : i32
        %get3A_150 = arith.index_cast %add3A_149 : i32 to index
        %get3A_151 = tpu.vector_load %arg7[%get3A_150] {strides = array<i32>} : memref<32768xf32, #tpu.memory_space<vmem>>, vector<16xf32>,
        %max3A_152 = arith.maximumf %max3A_142, %get3A_151 : vector<16xf32>
        %scan3A_153 = arith.constant 7 : i32
        %scan3A_154 = arith.addi %scan3A_85, %scan3A_153 : i32
        %mul3A_155 = arith.constant 1024 : i32
        %mul3A_156 = arith.muli %scan3A_69, %mul3A_155 : i32
        %mul3A_157 = arith.constant 16 : i32
        %mul3A_158 = arith.muli %scan3A_154, %mul3A_157 : i32
        %add3A_159 = arith.addi %mul3A_156, %mul3A_158 : i32
        %get3A_160 = arith.index_cast %add3A_159 : i32 to index
        %get3A_161 = tpu.vector_load %arg7[%get3A_160] {strides = array<i32>} : memref<32768xf32, #tpu.memory_space<vmem>>, vector<16xf32>,
        %max3A_162 = arith.maximumf %max3A_152, %get3A_161 : vector<16xf32>
        scf.yield %max3A_162 : vector<16xf32>
      }
      %scan3A_76 = arith.constant 64 : i32
      %reduce_max3A = arith.constant true
      %reduce_max3A_77 = vector.broadcast %reduce_max3A : i1 to vector<16xi1>
      %reduce_max3A_78 = tpu.scan <max>, %scan3A_75 masked %reduce_max3A_77 : vector<16xf32>, vector<16xi1> -> vector<16xf32>
      %reduce_max3A_79 = vector.extract %reduce_max3A_78[15] : f32 from vector<16xf32>
      %broadcast_in_dim3A_80 = vector.broadcast %scan3A_69 : i32 to vector<16xi32>
      %broadcast_in_dim3A_81 = vector.broadcast %reduce_max3A_79 : f32 to vector<16xf32>
      %eq3A = arith.constant 0 : i32
      %eq3A_82 = vector.broadcast %eq3A : i32 to vector<16xi32>
      %eq3A_83 = arith.cmpi eq, %iota3A, %eq3A_82 : vector<16xi32>
      tpu.vector_store_idx %arg14[%broadcast_in_dim3A_80], %broadcast_in_dim3A_81 masked %eq3A_83 : memref<32xf32, #tpu.memory_space<vmem>>[vector<16xi32>], vector<16xf32>, vector<16xi1>
      %scan3A_84 = arith.constant 0 : i32
      scf.yield %scan3A_84 : i32
    }
    %scan3A_59 = arith.constant 32 : i32
    %scan3A_60 = arith.constant 0 : i32
    %scan3A_61 = arith.constant 0 : i32
    %scan3A_62 = arith.constant 64 : i32
    %scan3A_63 = arith.addi %scan3A_61, %scan3A_62 : i32
    %scan3A_64 = arith.constant 1 : i32
    %scan3A_65 = scf.for %scan3A_69 = %scan3A_61 to %scan3A_63 step %scan3A_64 iter_args(%scan3A_70 = %scan3A_60) -> (i32)  : i32 {
      %scan3A_71 = arith.constant 0 : i32
      %scan3A_72 = arith.constant 32 : i32
      %scan3A_73 = arith.addi %scan3A_71, %scan3A_72 : i32
      %scan3A_74 = arith.constant 8 : i32
      %scan3A_75 = scf.for %scan3A_82 = %scan3A_71 to %scan3A_73 step %scan3A_74 iter_args(%scan3A_83 = %broadcast_in_dim3A_3) -> (vector<16xf32>)  : i32 {
        %mul3A_84 = arith.constant 1024 : i32
        %mul3A_85 = arith.muli %scan3A_82, %mul3A_84 : i32
        %mul3A_86 = arith.constant 16 : i32
        %mul3A_87 = arith.muli %scan3A_69, %mul3A_86 : i32
        %add3A_88 = arith.addi %mul3A_85, %mul3A_87 : i32
        %get3A = arith.index_cast %add3A_88 : i32 to index
        %get3A_89 = tpu.vector_load %arg7[%get3A] {strides = array<i32>} : memref<32768xf32, #tpu.memory_space<vmem>>, vector<16xf32>,
        %max3A = arith.maximumf %scan3A_83, %get3A_89 : vector<16xf32>
        %scan3A_90 = arith.constant 1 : i32
        %scan3A_91 = arith.addi %scan3A_82, %scan3A_90 : i32
        %mul3A_92 = arith.constant 1024 : i32
        %mul3A_93 = arith.muli %scan3A_91, %mul3A_92 : i32
        %mul3A_94 = arith.constant 16 : i32
        %mul3A_95 = arith.muli %scan3A_69, %mul3A_94 : i32
        %add3A_96 = arith.addi %mul3A_93, %mul3A_95 : i32
        %get3A_97 = arith.index_cast %add3A_96 : i32 to index
        %get3A_98 = tpu.vector_load %arg7[%get3A_97] {strides = array<i32>} : memref<32768xf32, #tpu.memory_space<vmem>>, vector<16xf32>,
        %max3A_99 = arith.maximumf %max3A, %get3A_98 : vector<16xf32>
        %scan3A_100 = arith.constant 2 : i32
        %scan3A_101 = arith.addi %scan3A_82, %scan3A_100 : i32
        %mul3A_102 = arith.constant 1024 : i32
        %mul3A_103 = arith.muli %scan3A_101, %mul3A_102 : i32
        %mul3A_104 = arith.constant 16 : i32
        %mul3A_105 = arith.muli %scan3A_69, %mul3A_104 : i32
        %add3A_106 = arith.addi %mul3A_103, %mul3A_105 : i32
        %get3A_107 = arith.index_cast %add3A_106 : i32 to index
        %get3A_108 = tpu.vector_load %arg7[%get3A_107] {strides = array<i32>} : memref<32768xf32, #tpu.memory_space<vmem>>, vector<16xf32>,
        %max3A_109 = arith.maximumf %max3A_99, %get3A_108 : vector<16xf32>
        %scan3A_110 = arith.constant 3 : i32
        %scan3A_111 = arith.addi %scan3A_82, %scan3A_110 : i32
        %mul3A_112 = arith.constant 1024 : i32
        %mul3A_113 = arith.muli %scan3A_111, %mul3A_112 : i32
        %mul3A_114 = arith.constant 16 : i32
        %mul3A_115 = arith.muli %scan3A_69, %mul3A_114 : i32
        %add3A_116 = arith.addi %mul3A_113, %mul3A_115 : i32
        %get3A_117 = arith.index_cast %add3A_116 : i32 to index
        %get3A_118 = tpu.vector_load %arg7[%get3A_117] {strides = array<i32>} : memref<32768xf32, #tpu.memory_space<vmem>>, vector<16xf32>,
        %max3A_119 = arith.maximumf %max3A_109, %get3A_118 : vector<16xf32>
        %scan3A_120 = arith.constant 4 : i32
        %scan3A_121 = arith.addi %scan3A_82, %scan3A_120 : i32
        %mul3A_122 = arith.constant 1024 : i32
        %mul3A_123 = arith.muli %scan3A_121, %mul3A_122 : i32
        %mul3A_124 = arith.constant 16 : i32
        %mul3A_125 = arith.muli %scan3A_69, %mul3A_124 : i32
        %add3A_126 = arith.addi %mul3A_123, %mul3A_125 : i32
        %get3A_127 = arith.index_cast %add3A_126 : i32 to index
        %get3A_128 = tpu.vector_load %arg7[%get3A_127] {strides = array<i32>} : memref<32768xf32, #tpu.memory_space<vmem>>, vector<16xf32>,
        %max3A_129 = arith.maximumf %max3A_119, %get3A_128 : vector<16xf32>
        %scan3A_130 = arith.constant 5 : i32
        %scan3A_131 = arith.addi %scan3A_82, %scan3A_130 : i32
        %mul3A_132 = arith.constant 1024 : i32
        %mul3A_133 = arith.muli %scan3A_131, %mul3A_132 : i32
        %mul3A_134 = arith.constant 16 : i32
        %mul3A_135 = arith.muli %scan3A_69, %mul3A_134 : i32
        %add3A_136 = arith.addi %mul3A_133, %mul3A_135 : i32
        %get3A_137 = arith.index_cast %add3A_136 : i32 to index
        %get3A_138 = tpu.vector_load %arg7[%get3A_137] {strides = array<i32>} : memref<32768xf32, #tpu.memory_space<vmem>>, vector<16xf32>,
        %max3A_139 = arith.maximumf %max3A_129, %get3A_138 : vector<16xf32>
        %scan3A_140 = arith.constant 6 : i32
        %scan3A_141 = arith.addi %scan3A_82, %scan3A_140 : i32
        %mul3A_142 = arith.constant 1024 : i32
        %mul3A_143 = arith.muli %scan3A_141, %mul3A_142 : i32
        %mul3A_144 = arith.constant 16 : i32
        %mul3A_145 = arith.muli %scan3A_69, %mul3A_144 : i32
        %add3A_146 = arith.addi %mul3A_143, %mul3A_145 : i32
        %get3A_147 = arith.index_cast %add3A_146 : i32 to index
        %get3A_148 = tpu.vector_load %arg7[%get3A_147] {strides = array<i32>} : memref<32768xf32, #tpu.memory_space<vmem>>, vector<16xf32>,
        %max3A_149 = arith.maximumf %max3A_139, %get3A_148 : vector<16xf32>
        %scan3A_150 = arith.constant 7 : i32
        %scan3A_151 = arith.addi %scan3A_82, %scan3A_150 : i32
        %mul3A_152 = arith.constant 1024 : i32
        %mul3A_153 = arith.muli %scan3A_151, %mul3A_152 : i32
        %mul3A_154 = arith.constant 16 : i32
        %mul3A_155 = arith.muli %scan3A_69, %mul3A_154 : i32
        %add3A_156 = arith.addi %mul3A_153, %mul3A_155 : i32
        %get3A_157 = arith.index_cast %add3A_156 : i32 to index
        %get3A_158 = tpu.vector_load %arg7[%get3A_157] {strides = array<i32>} : memref<32768xf32, #tpu.memory_space<vmem>>, vector<16xf32>,
        %max3A_159 = arith.maximumf %max3A_149, %get3A_158 : vector<16xf32>
        scf.yield %max3A_159 : vector<16xf32>
      }
      %scan3A_76 = arith.constant 32 : i32
      %mul3A_77 = arith.constant 16 : i32
      %mul3A_78 = arith.muli %scan3A_69, %mul3A_77 : i32
      %swap3A_79 = arith.index_cast %mul3A_78 : i32 to index
      %swap3A_80 = tpu.vector_load %arg15[%swap3A_79] {strides = array<i32>} : memref<1024xf32, #tpu.memory_space<vmem>>, vector<16xf32>,
      tpu.vector_store %arg15[%swap3A_79], %scan3A_75 {strides = array<i32>} : memref<1024xf32, #tpu.memory_space<vmem>>, vector<16xf32>,
      %scan3A_81 = arith.constant 0 : i32
      scf.yield %scan3A_81 : i32
    }
    %scan3A_66 = arith.constant 64 : i32
    %mul3A_67 = arith.constant 32 : i32
    %mul3A_68 = arith.muli %add3A, %mul3A_67 : i32
    "tpu.region"() ({
      %run_scoped3A = tpu.sem_alloc : memref<!tpu.dma_semaphore, #tpu.memory_space<semaphore_mem>>
      %dma_start3A_69 = tpu.memref_slice %arg5[%mul3A_68] : memref<1024xf32, #tpu.memory_space<hbm>> -> memref<32xf32, #tpu.memory_space<hbm>>
      %dma_start3A_70 = tpu.memref_slice %arg5[%mul3A_68] : memref<1024xf32, #tpu.memory_space<hbm>> -> memref<32xf32, #tpu.memory_space<hbm>>
      tpu.enqueue_dma source(%arg14 : memref<32xf32, #tpu.memory_space<vmem>>) target(%dma_start3A_70 : memref<32xf32, #tpu.memory_space<hbm>>) target_semaphore(%run_scoped3A : memref<!tpu.dma_semaphore, #tpu.memory_space<semaphore_mem>>)
      %dma_wait3A = tpu.memref_slice %arg5[%mul3A_68] : memref<1024xf32, #tpu.memory_space<hbm>> -> memref<32xf32, #tpu.memory_space<hbm>>
      %dma_wait3A_71 = tpu.memref_slice %arg5[%mul3A_68] : memref<1024xf32, #tpu.memory_space<hbm>> -> memref<32xf32, #tpu.memory_space<hbm>>
      tpu.wait_dma2 semaphore(%run_scoped3A : memref<!tpu.dma_semaphore, #tpu.memory_space<semaphore_mem>>) src(%arg14 : memref<32xf32, #tpu.memory_space<vmem>>) dst(%dma_wait3A_71 : memref<32xf32, #tpu.memory_space<hbm>>)
      tpu.yield
    }) : () -> ()
    "tpu.region"() ({
      %run_scoped3A = tpu.sem_alloc : memref<!tpu.dma_semaphore, #tpu.memory_space<semaphore_mem>>
      %dma_start3A_69 = arith.constant 0 : i32
      %dma_start3A_70 = tpu.memref_slice %arg6[%add3A, %dma_start3A_69] : memref<32x1024xf32, #tpu.memory_space<hbm>> -> memref<1x1024xf32, #tpu.memory_space<hbm>>
      %dma_start3A_71 = tpu.memref_squeeze %dma_start3A_70 : memref<1x1024xf32, #tpu.memory_space<hbm>> -> memref<1024xf32, #tpu.memory_space<hbm>>
      %dma_start3A_72 = arith.constant 0 : i32
      %dma_start3A_73 = tpu.memref_slice %arg6[%add3A, %dma_start3A_72] : memref<32x1024xf32, #tpu.memory_space<hbm>> -> memref<1x1024xf32, #tpu.memory_space<hbm>>
      %dma_start3A_74 = tpu.memref_squeeze %dma_start3A_73 : memref<1x1024xf32, #tpu.memory_space<hbm>> -> memref<1024xf32, #tpu.memory_space<hbm>>
      tpu.enqueue_dma source(%arg15 : memref<1024xf32, #tpu.memory_space<vmem>>) target(%dma_start3A_74 : memref<1024xf32, #tpu.memory_space<hbm>>) target_semaphore(%run_scoped3A : memref<!tpu.dma_semaphore, #tpu.memory_space<semaphore_mem>>)
      %dma_wait3A = arith.constant 0 : i32
      %dma_wait3A_75 = tpu.memref_slice %arg6[%add3A, %dma_wait3A] : memref<32x1024xf32, #tpu.memory_space<hbm>> -> memref<1x1024xf32, #tpu.memory_space<hbm>>
      %dma_wait3A_76 = tpu.memref_squeeze %dma_wait3A_75 : memref<1x1024xf32, #tpu.memory_space<hbm>> -> memref<1024xf32, #tpu.memory_space<hbm>>
      %dma_wait3A_77 = arith.constant 0 : i32
      %dma_wait3A_78 = tpu.memref_slice %arg6[%add3A, %dma_wait3A_77] : memref<32x1024xf32, #tpu.memory_space<hbm>> -> memref<1x1024xf32, #tpu.memory_space<hbm>>
      %dma_wait3A_79 = tpu.memref_squeeze %dma_wait3A_78 : memref<1x1024xf32, #tpu.memory_space<hbm>> -> memref<1024xf32, #tpu.memory_space<hbm>>
      tpu.wait_dma2 semaphore(%run_scoped3A : memref<!tpu.dma_semaphore, #tpu.memory_space<semaphore_mem>>) src(%arg15 : memref<1024xf32, #tpu.memory_space<vmem>>) dst(%dma_wait3A_79 : memref<1024xf32, #tpu.memory_space<hbm>>)
      tpu.yield
    }) : () -> ()
    return
  }
}

#map = affine_map<(d0, d1) -> (0)>
#map1 = affine_map<(d0, d1) -> (0, 0)>
module attributes {stable_mosaic.version = 14 : i64} {
  func.func @_route_body(%arg0: i32, %arg1: i32, %arg2: memref<1000000xi32, #tpu.memory_space<hbm>>, %arg3: memref<1000000xf32, #tpu.memory_space<hbm>>, %arg4: memref<1572864xi32, #tpu.memory_space<hbm>>, %arg5: memref<1572864xf32, #tpu.memory_space<hbm>>, %arg6: memref<32x32xi32, #tpu.memory_space<hbm>>, %arg7: memref<49152xi32, #tpu.memory_space<vmem>>, %arg8: memref<49152xf32, #tpu.memory_space<vmem>>, %arg9: memref<2000xi32, #tpu.memory_space<vmem>>, %arg10: memref<2000xi32, #tpu.memory_space<vmem>>, %arg11: memref<2000xf32, #tpu.memory_space<vmem>>, %arg12: memref<2000xf32, #tpu.memory_space<vmem>>, %arg13: memref<32xi32, #tpu.memory_space<vmem>>, %arg14: memref<!tpu.dma_semaphore, #tpu.memory_space<semaphore_mem>>, %arg15: memref<!tpu.dma_semaphore, #tpu.memory_space<semaphore_mem>>, %arg16: memref<!tpu.dma_semaphore, #tpu.memory_space<semaphore_mem>>, %arg17: memref<!tpu.dma_semaphore, #tpu.memory_space<semaphore_mem>>, %arg18: memref<!tpu.dma_semaphore, #tpu.memory_space<semaphore_mem>>) attributes {dimension_semantics = [#tpu.dimension_semantics<core_parallel>, #tpu.dimension_semantics<subcore_parallel>], iteration_bounds = array<i64: 2, 16>, scalar_prefetch = 0 : i64, scratch_operands = 12 : i64, tpu.core_type = #tpu.core_type<sc_vector_subcore>, window_params = [{transform_indices = #map}, {transform_indices = #map}, {transform_indices = #map}, {transform_indices = #map}, {transform_indices = #map1}]} {
    %mul3A = arith.constant 2 : i32
    %mul3A_0 = arith.muli %arg1, %mul3A : i32
    %add3A = arith.addi %mul3A_0, %arg0 : i32
    %mul3A_1 = arith.constant 32000 : i32
    %mul3A_2 = arith.muli %add3A, %mul3A_1 : i32
    %eq3A = arith.constant 31 : i32
    %eq3A_3 = arith.cmpi eq, %add3A, %eq3A : i32
    %jit3A = arith.constant 4 : i32
    %jit3A_4 = arith.constant 16 : i32
    %select_n3A = arith.select %eq3A_3, %jit3A, %jit3A_4 : i32
    %iota3A = tpu.iota {dimensions = array<i32: 0>} : vector<16xi32>
    %broadcast_in_dim3A = arith.constant 1 : i32
    %broadcast_in_dim3A_5 = vector.broadcast %broadcast_in_dim3A : i32 to vector<16xi32>
    %broadcast_in_dim3A_6 = arith.constant 0 : i32
    %broadcast_in_dim3A_7 = vector.broadcast %broadcast_in_dim3A_6 : i32 to vector<16xi32>
    %swap3A = arith.constant 0 : index
    %swap3A_8 = tpu.vector_load %arg13[%swap3A] {strides = array<i32>} : memref<32xi32, #tpu.memory_space<vmem>>, vector<16xi32>,
    tpu.vector_store %arg13[%swap3A], %broadcast_in_dim3A_7 {strides = array<i32>} : memref<32xi32, #tpu.memory_space<vmem>>, vector<16xi32>,
    %broadcast_in_dim3A_9 = arith.constant 0 : i32
    %broadcast_in_dim3A_10 = vector.broadcast %broadcast_in_dim3A_9 : i32 to vector<16xi32>
    %swap3A_11 = arith.constant 16 : index
    %swap3A_12 = tpu.vector_load %arg13[%swap3A_11] {strides = array<i32>} : memref<32xi32, #tpu.memory_space<vmem>>, vector<16xi32>,
    tpu.vector_store %arg13[%swap3A_11], %broadcast_in_dim3A_10 {strides = array<i32>} : memref<32xi32, #tpu.memory_space<vmem>>, vector<16xi32>,
    %add3A_13 = arith.constant 0 : i32
    %add3A_14 = arith.addi %mul3A_2, %add3A_13 : i32
    %dma_start3A = tpu.memref_slice %arg2[%add3A_14] : memref<1000000xi32, #tpu.memory_space<hbm>> -> memref<2000xi32, #tpu.memory_space<hbm>>
    %dma_start3A_15 = tpu.memref_slice %arg2[%add3A_14] : memref<1000000xi32, #tpu.memory_space<hbm>> -> memref<2000xi32, #tpu.memory_space<hbm>>
    tpu.enqueue_dma source(%dma_start3A_15 : memref<2000xi32, #tpu.memory_space<hbm>>) target(%arg9 : memref<2000xi32, #tpu.memory_space<vmem>>) target_semaphore(%arg14 : memref<!tpu.dma_semaphore, #tpu.memory_space<semaphore_mem>>)
    %dma_start3A_16 = tpu.memref_slice %arg3[%add3A_14] : memref<1000000xf32, #tpu.memory_space<hbm>> -> memref<2000xf32, #tpu.memory_space<hbm>>
    %dma_start3A_17 = tpu.memref_slice %arg3[%add3A_14] : memref<1000000xf32, #tpu.memory_space<hbm>> -> memref<2000xf32, #tpu.memory_space<hbm>>
    tpu.enqueue_dma source(%dma_start3A_17 : memref<2000xf32, #tpu.memory_space<hbm>>) target(%arg11 : memref<2000xf32, #tpu.memory_space<vmem>>) target_semaphore(%arg16 : memref<!tpu.dma_semaphore, #tpu.memory_space<semaphore_mem>>)
    %add3A_18 = arith.constant 2000 : i32
    %add3A_19 = arith.addi %mul3A_2, %add3A_18 : i32
    %dma_start3A_20 = tpu.memref_slice %arg2[%add3A_19] : memref<1000000xi32, #tpu.memory_space<hbm>> -> memref<2000xi32, #tpu.memory_space<hbm>>
    %dma_start3A_21 = tpu.memref_slice %arg2[%add3A_19] : memref<1000000xi32, #tpu.memory_space<hbm>> -> memref<2000xi32, #tpu.memory_space<hbm>>
    tpu.enqueue_dma source(%dma_start3A_21 : memref<2000xi32, #tpu.memory_space<hbm>>) target(%arg10 : memref<2000xi32, #tpu.memory_space<vmem>>) target_semaphore(%arg15 : memref<!tpu.dma_semaphore, #tpu.memory_space<semaphore_mem>>)
    %dma_start3A_22 = tpu.memref_slice %arg3[%add3A_19] : memref<1000000xf32, #tpu.memory_space<hbm>> -> memref<2000xf32, #tpu.memory_space<hbm>>
    %dma_start3A_23 = tpu.memref_slice %arg3[%add3A_19] : memref<1000000xf32, #tpu.memory_space<hbm>> -> memref<2000xf32, #tpu.memory_space<hbm>>
    tpu.enqueue_dma source(%dma_start3A_23 : memref<2000xf32, #tpu.memory_space<hbm>>) target(%arg12 : memref<2000xf32, #tpu.memory_space<vmem>>) target_semaphore(%arg17 : memref<!tpu.dma_semaphore, #tpu.memory_space<semaphore_mem>>)
    %jit3A_24 = arith.constant 2 : i32
    %div3A = arith.divsi %select_n3A, %jit3A_24 : i32
    %sign3A = arith.constant 0 : i32
    %sign3A_25 = arith.cmpi sgt, %select_n3A, %sign3A : i32
    %sign3A_26 = arith.extui %sign3A_25 : i1 to i32
    %sign3A_27 = arith.constant 0 : i32
    %sign3A_28 = arith.cmpi slt, %select_n3A, %sign3A_27 : i32
    %sign3A_29 = arith.extui %sign3A_28 : i1 to i32
    %sign3A_30 = arith.subi %sign3A_26, %sign3A_29 : i32
    %sign3A_31 = arith.constant 0 : i32
    %sign3A_32 = arith.cmpi sgt, %jit3A_24, %sign3A_31 : i32
    %sign3A_33 = arith.extui %sign3A_32 : i1 to i32
    %sign3A_34 = arith.constant 0 : i32
    %sign3A_35 = arith.cmpi slt, %jit3A_24, %sign3A_34 : i32
    %sign3A_36 = arith.extui %sign3A_35 : i1 to i32
    %sign3A_37 = arith.subi %sign3A_33, %sign3A_36 : i32
    %ne3A = arith.cmpi ne, %sign3A_30, %sign3A_37 : i32
    %rem3A = arith.remsi %select_n3A, %jit3A_24 : i32
    %ne3A_38 = arith.constant 0 : i32
    %ne3A_39 = arith.cmpi ne, %rem3A, %ne3A_38 : i32
    %and3A = arith.andi %ne3A, %ne3A_39 : i1
    %sub3A = arith.constant 1 : i32
    %sub3A_40 = arith.subi %div3A, %sub3A : i32
    %select_n3A_41 = arith.select %and3A, %sub3A_40, %div3A : i32
    %while3A = arith.constant 0 : i32
    %while3A_42 = arith.constant 0 : i32
    %while3A_43 = arith.subi %select_n3A_41, %while3A : i32
    %while3A_44 = arith.addi %while3A, %while3A_43 : i32
    %while3A_45 = arith.constant 1 : i32
    %while3A_46 = arith.divsi %while3A_43, %while3A_45 : i32
    %while3A_47 = arith.muli %while3A_46, %while3A_45 : i32
    %while3A_48 = arith.addi %while3A, %while3A_47 : i32
    %while3A_49 = arith.constant 1 : i32
    %while3A_50 = scf.for %while3A_1076 = %while3A to %while3A_48 step %while3A_49 iter_args(%while3A_1077 = %while3A_42) -> (i32)  : i32 {
      %mul3A_1078 = arith.constant 2 : i32
      %mul3A_1079 = arith.muli %mul3A_1078, %while3A_1076 : i32
      %add3A_1080 = arith.constant 0 : i32
      %add3A_1081 = arith.addi %mul3A_1079, %add3A_1080 : i32
      %dma_wait3A_1082 = arith.constant 0 : i32
      %dma_wait3A_1083 = tpu.memref_slice %arg2[%dma_wait3A_1082] : memref<1000000xi32, #tpu.memory_space<hbm>> -> memref<2000xi32, #tpu.memory_space<hbm>>
      %dma_wait3A_1084 = arith.constant 0 : i32
      %dma_wait3A_1085 = tpu.memref_slice %arg2[%dma_wait3A_1084] : memref<1000000xi32, #tpu.memory_space<hbm>> -> memref<2000xi32, #tpu.memory_space<hbm>>
      tpu.wait_dma2 semaphore(%arg14 : memref<!tpu.dma_semaphore, #tpu.memory_space<semaphore_mem>>) src(%dma_wait3A_1085 : memref<2000xi32, #tpu.memory_space<hbm>>) dst(%arg9 : memref<2000xi32, #tpu.memory_space<vmem>>)
      %dma_wait3A_1086 = arith.constant 0 : i32
      %dma_wait3A_1087 = tpu.memref_slice %arg3[%dma_wait3A_1086] : memref<1000000xf32, #tpu.memory_space<hbm>> -> memref<2000xf32, #tpu.memory_space<hbm>>
      %dma_wait3A_1088 = arith.constant 0 : i32
      %dma_wait3A_1089 = tpu.memref_slice %arg3[%dma_wait3A_1088] : memref<1000000xf32, #tpu.memory_space<hbm>> -> memref<2000xf32, #tpu.memory_space<hbm>>
      tpu.wait_dma2 semaphore(%arg16 : memref<!tpu.dma_semaphore, #tpu.memory_space<semaphore_mem>>) src(%dma_wait3A_1089 : memref<2000xf32, #tpu.memory_space<hbm>>) dst(%arg11 : memref<2000xf32, #tpu.memory_space<vmem>>)
      %scan3A = arith.constant 0 : i32
      %scan3A_1090 = arith.constant 0 : i32
      %scan3A_1091 = arith.constant 124 : i32
      %scan3A_1092 = arith.addi %scan3A_1090, %scan3A_1091 : i32
      %scan3A_1093 = arith.constant 4 : i32
      %scan3A_1094 = scf.for %scan3A_1250 = %scan3A_1090 to %scan3A_1092 step %scan3A_1093 iter_args(%scan3A_1251 = %scan3A) -> (i32)  : i32 {
        %mul3A_1252 = arith.constant 16 : i32
        %mul3A_1253 = arith.muli %scan3A_1250, %mul3A_1252 : i32
        %get3A_1254 = arith.index_cast %mul3A_1253 : i32 to index
        %get3A_1255 = tpu.vector_load %arg9[%get3A_1254] {strides = array<i32>} : memref<2000xi32, #tpu.memory_space<vmem>>, vector<16xi32>,
        %mul3A_1256 = arith.constant 16 : i32
        %mul3A_1257 = arith.muli %scan3A_1250, %mul3A_1256 : i32
        %get3A_1258 = arith.index_cast %mul3A_1257 : i32 to index
        %get3A_1259 = tpu.vector_load %arg11[%get3A_1258] {strides = array<i32>} : memref<2000xf32, #tpu.memory_space<vmem>>, vector<16xf32>,
        %shift_right_logical3A_1260 = arith.constant 15 : i32
        %shift_right_logical3A_1261 = vector.broadcast %shift_right_logical3A_1260 : i32 to vector<16xi32>
        %shift_right_logical3A_1262 = arith.shrui %get3A_1255, %shift_right_logical3A_1261 : vector<16xi32>
        %mul3A_1263 = arith.constant 16 : i32
        %mul3A_1264 = vector.broadcast %mul3A_1263 : i32 to vector<16xi32>
        %mul3A_1265 = arith.muli %shift_right_logical3A_1262, %mul3A_1264 : vector<16xi32>
        %add3A_1266 = arith.addi %mul3A_1265, %iota3A : vector<16xi32>
        %masked_sort3A_1267 = arith.constant dense<true> : vector<16xi1>
        %masked_sort3A_1268 = arith.constant -2147483648 : i32
        %masked_sort3A_1269 = vector.broadcast %masked_sort3A_1268 : i32 to vector<16xi32>
        %masked_sort3A_1270 = arith.xori %add3A_1266, %masked_sort3A_1269 : vector<16xi32>
        %masked_sort3A_1271, %masked_sort3A_1272, %masked_sort3A_1273 = tpu.sort %masked_sort3A_1270, %iota3A masked %masked_sort3A_1267 : (vector<16xi32>, vector<16xi32>, vector<16xi1>) -> (vector<16xi1>, vector<16xi32>, vector<16xi32>)
        %masked_sort3A_1274 = arith.xori %masked_sort3A_1272, %masked_sort3A_1269 : vector<16xi32>
        %shift_right_logical3A_1275 = arith.constant 4 : i32
        %shift_right_logical3A_1276 = vector.broadcast %shift_right_logical3A_1275 : i32 to vector<16xi32>
        %shift_right_logical3A_1277 = arith.shrui %masked_sort3A_1274, %shift_right_logical3A_1276 : vector<16xi32>
        %sub3A_1278 = arith.constant 1 : i32
        %sub3A_1279 = vector.broadcast %sub3A_1278 : i32 to vector<16xi32>
        %sub3A_1280 = arith.subi %iota3A, %sub3A_1279 : vector<16xi32>
        %max3A_1281 = arith.constant 0 : i32
        %max3A_1282 = vector.broadcast %max3A_1281 : i32 to vector<16xi32>
        %max3A_1283 = arith.maxsi %sub3A_1280, %max3A_1282 : vector<16xi32>
        %broadcast_in_dim3A_1284 = vector.shape_cast %max3A_1283 : vector<16xi32> to vector<16x1xi32>
        %gather3A_1285 = vector.shape_cast %broadcast_in_dim3A_1284 : vector<16x1xi32> to vector<16xi32>
        %gather3A_1286 = tpu.dynamic_gather %shift_right_logical3A_1277[%gather3A_1285] in [0] : vector<16xi32>, vector<16xi32> -> vector<16xi32>
        %eq3A_1287 = arith.constant 0 : i32
        %eq3A_1288 = vector.broadcast %eq3A_1287 : i32 to vector<16xi32>
        %eq3A_1289 = arith.cmpi eq, %iota3A, %eq3A_1288 : vector<16xi32>
        %ne3A_1290 = arith.cmpi ne, %shift_right_logical3A_1277, %gather3A_1286 : vector<16xi32>
        %or3A_1291 = arith.ori %eq3A_1289, %ne3A_1290 : vector<16xi1>
        %jit3A_1292 = arith.constant 0 : i32
        %broadcast_in_dim3A_1293 = vector.broadcast %jit3A_1292 : i32 to vector<16xi32>
        %select_n3A_1294 = arith.select %or3A_1291, %iota3A, %broadcast_in_dim3A_1293 : vector<16xi1>, vector<16xi32>
        %broadcast_in_dim3A_1295 = arith.constant true
        %broadcast_in_dim3A_1296 = vector.broadcast %broadcast_in_dim3A_1295 : i1 to vector<16xi1>
        %masked_cummax3A_1297 = arith.constant -2147483648 : i32
        %masked_cummax3A_1298 = vector.broadcast %masked_cummax3A_1297 : i32 to vector<16xi32>
        %masked_cummax3A_1299 = arith.xori %select_n3A_1294, %masked_cummax3A_1298 : vector<16xi32>
        %masked_cummax3A_1300 = tpu.scan <max>, %masked_cummax3A_1299 masked %broadcast_in_dim3A_1296 : vector<16xi32>, vector<16xi1> -> vector<16xi32>
        %masked_cummax3A_1301 = arith.xori %masked_cummax3A_1300, %masked_cummax3A_1298 : vector<16xi32>
        %sub3A_1302 = arith.subi %iota3A, %masked_cummax3A_1301 : vector<16xi32>
        %gather3A_1303 = tpu.vector_load_idx %arg13[%shift_right_logical3A_1277] : memref<32xi32, #tpu.memory_space<vmem>>[vector<16xi32>], vector<16xi32>,
        %add3A_1304 = arith.addi %gather3A_1303, %sub3A_1302 : vector<16xi32>
        %mul3A_1305 = arith.constant 1536 : i32
        %mul3A_1306 = vector.broadcast %mul3A_1305 : i32 to vector<16xi32>
        %mul3A_1307 = arith.muli %shift_right_logical3A_1277, %mul3A_1306 : vector<16xi32>
        %add3A_1308 = arith.addi %mul3A_1307, %add3A_1304 : vector<16xi32>
        %broadcast_in_dim3A_1309 = vector.shape_cast %masked_sort3A_1273 : vector<16xi32> to vector<16x1xi32>
        %gather3A_1310 = vector.shape_cast %broadcast_in_dim3A_1309 : vector<16x1xi32> to vector<16xi32>
        %gather3A_1311 = tpu.dynamic_gather %get3A_1255[%gather3A_1310] in [0] : vector<16xi32>, vector<16xi32> -> vector<16xi32>
        %broadcast_in_dim3A_1312 = vector.shape_cast %masked_sort3A_1273 : vector<16xi32> to vector<16x1xi32>
        %gather3A_1313 = vector.shape_cast %broadcast_in_dim3A_1312 : vector<16x1xi32> to vector<16xi32>
        %gather3A_1314 = tpu.dynamic_gather %get3A_1259[%gather3A_1313] in [0] : vector<16xf32>, vector<16xi32> -> vector<16xf32>
        tpu.vector_store_idx %arg7[%add3A_1308], %gather3A_1311 : memref<49152xi32, #tpu.memory_space<vmem>>[vector<16xi32>], vector<16xi32>,
        tpu.vector_store_idx %arg8[%add3A_1308], %gather3A_1314 : memref<49152xf32, #tpu.memory_space<vmem>>[vector<16xi32>], vector<16xf32>,
        tpu.vector_store_idx %arg13[%shift_right_logical3A_1277], %broadcast_in_dim3A_5 {add = true} : memref<32xi32, #tpu.memory_space<vmem>>[vector<16xi32>], vector<16xi32>,
        %scan3A_1315 = arith.constant 0 : i32
        %scan3A_1316 = arith.constant 1 : i32
        %scan3A_1317 = arith.addi %scan3A_1250, %scan3A_1316 : i32
        %mul3A_1318 = arith.constant 16 : i32
        %mul3A_1319 = arith.muli %scan3A_1317, %mul3A_1318 : i32
        %get3A_1320 = arith.index_cast %mul3A_1319 : i32 to index
        %get3A_1321 = tpu.vector_load %arg9[%get3A_1320] {strides = array<i32>} : memref<2000xi32, #tpu.memory_space<vmem>>, vector<16xi32>,
        %mul3A_1322 = arith.constant 16 : i32
        %mul3A_1323 = arith.muli %scan3A_1317, %mul3A_1322 : i32
        %get3A_1324 = arith.index_cast %mul3A_1323 : i32 to index
        %get3A_1325 = tpu.vector_load %arg11[%get3A_1324] {strides = array<i32>} : memref<2000xf32, #tpu.memory_space<vmem>>, vector<16xf32>,
        %shift_right_logical3A_1326 = arith.constant 15 : i32
        %shift_right_logical3A_1327 = vector.broadcast %shift_right_logical3A_1326 : i32 to vector<16xi32>
        %shift_right_logical3A_1328 = arith.shrui %get3A_1321, %shift_right_logical3A_1327 : vector<16xi32>
        %mul3A_1329 = arith.constant 16 : i32
        %mul3A_1330 = vector.broadcast %mul3A_1329 : i32 to vector<16xi32>
        %mul3A_1331 = arith.muli %shift_right_logical3A_1328, %mul3A_1330 : vector<16xi32>
        %add3A_1332 = arith.addi %mul3A_1331, %iota3A : vector<16xi32>
        %masked_sort3A_1333 = arith.constant dense<true> : vector<16xi1>
        %masked_sort3A_1334 = arith.constant -2147483648 : i32
        %masked_sort3A_1335 = vector.broadcast %masked_sort3A_1334 : i32 to vector<16xi32>
        %masked_sort3A_1336 = arith.xori %add3A_1332, %masked_sort3A_1335 : vector<16xi32>
        %masked_sort3A_1337, %masked_sort3A_1338, %masked_sort3A_1339 = tpu.sort %masked_sort3A_1336, %iota3A masked %masked_sort3A_1333 : (vector<16xi32>, vector<16xi32>, vector<16xi1>) -> (vector<16xi1>, vector<16xi32>, vector<16xi32>)
        %masked_sort3A_1340 = arith.xori %masked_sort3A_1338, %masked_sort3A_1335 : vector<16xi32>
        %shift_right_logical3A_1341 = arith.constant 4 : i32
        %shift_right_logical3A_1342 = vector.broadcast %shift_right_logical3A_1341 : i32 to vector<16xi32>
        %shift_right_logical3A_1343 = arith.shrui %masked_sort3A_1340, %shift_right_logical3A_1342 : vector<16xi32>
        %sub3A_1344 = arith.constant 1 : i32
        %sub3A_1345 = vector.broadcast %sub3A_1344 : i32 to vector<16xi32>
        %sub3A_1346 = arith.subi %iota3A, %sub3A_1345 : vector<16xi32>
        %max3A_1347 = arith.constant 0 : i32
        %max3A_1348 = vector.broadcast %max3A_1347 : i32 to vector<16xi32>
        %max3A_1349 = arith.maxsi %sub3A_1346, %max3A_1348 : vector<16xi32>
        %broadcast_in_dim3A_1350 = vector.shape_cast %max3A_1349 : vector<16xi32> to vector<16x1xi32>
        %gather3A_1351 = vector.shape_cast %broadcast_in_dim3A_1350 : vector<16x1xi32> to vector<16xi32>
        %gather3A_1352 = tpu.dynamic_gather %shift_right_logical3A_1343[%gather3A_1351] in [0] : vector<16xi32>, vector<16xi32> -> vector<16xi32>
        %eq3A_1353 = arith.constant 0 : i32
        %eq3A_1354 = vector.broadcast %eq3A_1353 : i32 to vector<16xi32>
        %eq3A_1355 = arith.cmpi eq, %iota3A, %eq3A_1354 : vector<16xi32>
        %ne3A_1356 = arith.cmpi ne, %shift_right_logical3A_1343, %gather3A_1352 : vector<16xi32>
        %or3A_1357 = arith.ori %eq3A_1355, %ne3A_1356 : vector<16xi1>
        %jit3A_1358 = arith.constant 0 : i32
        %broadcast_in_dim3A_1359 = vector.broadcast %jit3A_1358 : i32 to vector<16xi32>
        %select_n3A_1360 = arith.select %or3A_1357, %iota3A, %broadcast_in_dim3A_1359 : vector<16xi1>, vector<16xi32>
        %broadcast_in_dim3A_1361 = arith.constant true
        %broadcast_in_dim3A_1362 = vector.broadcast %broadcast_in_dim3A_1361 : i1 to vector<16xi1>
        %masked_cummax3A_1363 = arith.constant -2147483648 : i32
        %masked_cummax3A_1364 = vector.broadcast %masked_cummax3A_1363 : i32 to vector<16xi32>
        %masked_cummax3A_1365 = arith.xori %select_n3A_1360, %masked_cummax3A_1364 : vector<16xi32>
        %masked_cummax3A_1366 = tpu.scan <max>, %masked_cummax3A_1365 masked %broadcast_in_dim3A_1362 : vector<16xi32>, vector<16xi1> -> vector<16xi32>
        %masked_cummax3A_1367 = arith.xori %masked_cummax3A_1366, %masked_cummax3A_1364 : vector<16xi32>
        %sub3A_1368 = arith.subi %iota3A, %masked_cummax3A_1367 : vector<16xi32>
        %gather3A_1369 = tpu.vector_load_idx %arg13[%shift_right_logical3A_1343] : memref<32xi32, #tpu.memory_space<vmem>>[vector<16xi32>], vector<16xi32>,
        %add3A_1370 = arith.addi %gather3A_1369, %sub3A_1368 : vector<16xi32>
        %mul3A_1371 = arith.constant 1536 : i32
        %mul3A_1372 = vector.broadcast %mul3A_1371 : i32 to vector<16xi32>
        %mul3A_1373 = arith.muli %shift_right_logical3A_1343, %mul3A_1372 : vector<16xi32>
        %add3A_1374 = arith.addi %mul3A_1373, %add3A_1370 : vector<16xi32>
        %broadcast_in_dim3A_1375 = vector.shape_cast %masked_sort3A_1339 : vector<16xi32> to vector<16x1xi32>
        %gather3A_1376 = vector.shape_cast %broadcast_in_dim3A_1375 : vector<16x1xi32> to vector<16xi32>
        %gather3A_1377 = tpu.dynamic_gather %get3A_1321[%gather3A_1376] in [0] : vector<16xi32>, vector<16xi32> -> vector<16xi32>
        %broadcast_in_dim3A_1378 = vector.shape_cast %masked_sort3A_1339 : vector<16xi32> to vector<16x1xi32>
        %gather3A_1379 = vector.shape_cast %broadcast_in_dim3A_1378 : vector<16x1xi32> to vector<16xi32>
        %gather3A_1380 = tpu.dynamic_gather %get3A_1325[%gather3A_1379] in [0] : vector<16xf32>, vector<16xi32> -> vector<16xf32>
        tpu.vector_store_idx %arg7[%add3A_1374], %gather3A_1377 : memref<49152xi32, #tpu.memory_space<vmem>>[vector<16xi32>], vector<16xi32>,
        tpu.vector_store_idx %arg8[%add3A_1374], %gather3A_1380 : memref<49152xf32, #tpu.memory_space<vmem>>[vector<16xi32>], vector<16xf32>,
        tpu.vector_store_idx %arg13[%shift_right_logical3A_1343], %broadcast_in_dim3A_5 {add = true} : memref<32xi32, #tpu.memory_space<vmem>>[vector<16xi32>], vector<16xi32>,
        %scan3A_1381 = arith.constant 0 : i32
        %scan3A_1382 = arith.constant 2 : i32
        %scan3A_1383 = arith.addi %scan3A_1250, %scan3A_1382 : i32
        %mul3A_1384 = arith.constant 16 : i32
        %mul3A_1385 = arith.muli %scan3A_1383, %mul3A_1384 : i32
        %get3A_1386 = arith.index_cast %mul3A_1385 : i32 to index
        %get3A_1387 = tpu.vector_load %arg9[%get3A_1386] {strides = array<i32>} : memref<2000xi32, #tpu.memory_space<vmem>>, vector<16xi32>,
        %mul3A_1388 = arith.constant 16 : i32
        %mul3A_1389 = arith.muli %scan3A_1383, %mul3A_1388 : i32
        %get3A_1390 = arith.index_cast %mul3A_1389 : i32 to index
        %get3A_1391 = tpu.vector_load %arg11[%get3A_1390] {strides = array<i32>} : memref<2000xf32, #tpu.memory_space<vmem>>, vector<16xf32>,
        %shift_right_logical3A_1392 = arith.constant 15 : i32
        %shift_right_logical3A_1393 = vector.broadcast %shift_right_logical3A_1392 : i32 to vector<16xi32>
        %shift_right_logical3A_1394 = arith.shrui %get3A_1387, %shift_right_logical3A_1393 : vector<16xi32>
        %mul3A_1395 = arith.constant 16 : i32
        %mul3A_1396 = vector.broadcast %mul3A_1395 : i32 to vector<16xi32>
        %mul3A_1397 = arith.muli %shift_right_logical3A_1394, %mul3A_1396 : vector<16xi32>
        %add3A_1398 = arith.addi %mul3A_1397, %iota3A : vector<16xi32>
        %masked_sort3A_1399 = arith.constant dense<true> : vector<16xi1>
        %masked_sort3A_1400 = arith.constant -2147483648 : i32
        %masked_sort3A_1401 = vector.broadcast %masked_sort3A_1400 : i32 to vector<16xi32>
        %masked_sort3A_1402 = arith.xori %add3A_1398, %masked_sort3A_1401 : vector<16xi32>
        %masked_sort3A_1403, %masked_sort3A_1404, %masked_sort3A_1405 = tpu.sort %masked_sort3A_1402, %iota3A masked %masked_sort3A_1399 : (vector<16xi32>, vector<16xi32>, vector<16xi1>) -> (vector<16xi1>, vector<16xi32>, vector<16xi32>)
        %masked_sort3A_1406 = arith.xori %masked_sort3A_1404, %masked_sort3A_1401 : vector<16xi32>
        %shift_right_logical3A_1407 = arith.constant 4 : i32
        %shift_right_logical3A_1408 = vector.broadcast %shift_right_logical3A_1407 : i32 to vector<16xi32>
        %shift_right_logical3A_1409 = arith.shrui %masked_sort3A_1406, %shift_right_logical3A_1408 : vector<16xi32>
        %sub3A_1410 = arith.constant 1 : i32
        %sub3A_1411 = vector.broadcast %sub3A_1410 : i32 to vector<16xi32>
        %sub3A_1412 = arith.subi %iota3A, %sub3A_1411 : vector<16xi32>
        %max3A_1413 = arith.constant 0 : i32
        %max3A_1414 = vector.broadcast %max3A_1413 : i32 to vector<16xi32>
        %max3A_1415 = arith.maxsi %sub3A_1412, %max3A_1414 : vector<16xi32>
        %broadcast_in_dim3A_1416 = vector.shape_cast %max3A_1415 : vector<16xi32> to vector<16x1xi32>
        %gather3A_1417 = vector.shape_cast %broadcast_in_dim3A_1416 : vector<16x1xi32> to vector<16xi32>
        %gather3A_1418 = tpu.dynamic_gather %shift_right_logical3A_1409[%gather3A_1417] in [0] : vector<16xi32>, vector<16xi32> -> vector<16xi32>
        %eq3A_1419 = arith.constant 0 : i32
        %eq3A_1420 = vector.broadcast %eq3A_1419 : i32 to vector<16xi32>
        %eq3A_1421 = arith.cmpi eq, %iota3A, %eq3A_1420 : vector<16xi32>
        %ne3A_1422 = arith.cmpi ne, %shift_right_logical3A_1409, %gather3A_1418 : vector<16xi32>
        %or3A_1423 = arith.ori %eq3A_1421, %ne3A_1422 : vector<16xi1>
        %jit3A_1424 = arith.constant 0 : i32
        %broadcast_in_dim3A_1425 = vector.broadcast %jit3A_1424 : i32 to vector<16xi32>
        %select_n3A_1426 = arith.select %or3A_1423, %iota3A, %broadcast_in_dim3A_1425 : vector<16xi1>, vector<16xi32>
        %broadcast_in_dim3A_1427 = arith.constant true
        %broadcast_in_dim3A_1428 = vector.broadcast %broadcast_in_dim3A_1427 : i1 to vector<16xi1>
        %masked_cummax3A_1429 = arith.constant -2147483648 : i32
        %masked_cummax3A_1430 = vector.broadcast %masked_cummax3A_1429 : i32 to vector<16xi32>
        %masked_cummax3A_1431 = arith.xori %select_n3A_1426, %masked_cummax3A_1430 : vector<16xi32>
        %masked_cummax3A_1432 = tpu.scan <max>, %masked_cummax3A_1431 masked %broadcast_in_dim3A_1428 : vector<16xi32>, vector<16xi1> -> vector<16xi32>
        %masked_cummax3A_1433 = arith.xori %masked_cummax3A_1432, %masked_cummax3A_1430 : vector<16xi32>
        %sub3A_1434 = arith.subi %iota3A, %masked_cummax3A_1433 : vector<16xi32>
        %gather3A_1435 = tpu.vector_load_idx %arg13[%shift_right_logical3A_1409] : memref<32xi32, #tpu.memory_space<vmem>>[vector<16xi32>], vector<16xi32>,
        %add3A_1436 = arith.addi %gather3A_1435, %sub3A_1434 : vector<16xi32>
        %mul3A_1437 = arith.constant 1536 : i32
        %mul3A_1438 = vector.broadcast %mul3A_1437 : i32 to vector<16xi32>
        %mul3A_1439 = arith.muli %shift_right_logical3A_1409, %mul3A_1438 : vector<16xi32>
        %add3A_1440 = arith.addi %mul3A_1439, %add3A_1436 : vector<16xi32>
        %broadcast_in_dim3A_1441 = vector.shape_cast %masked_sort3A_1405 : vector<16xi32> to vector<16x1xi32>
        %gather3A_1442 = vector.shape_cast %broadcast_in_dim3A_1441 : vector<16x1xi32> to vector<16xi32>
        %gather3A_1443 = tpu.dynamic_gather %get3A_1387[%gather3A_1442] in [0] : vector<16xi32>, vector<16xi32> -> vector<16xi32>
        %broadcast_in_dim3A_1444 = vector.shape_cast %masked_sort3A_1405 : vector<16xi32> to vector<16x1xi32>
        %gather3A_1445 = vector.shape_cast %broadcast_in_dim3A_1444 : vector<16x1xi32> to vector<16xi32>
        %gather3A_1446 = tpu.dynamic_gather %get3A_1391[%gather3A_1445] in [0] : vector<16xf32>, vector<16xi32> -> vector<16xf32>
        tpu.vector_store_idx %arg7[%add3A_1440], %gather3A_1443 : memref<49152xi32, #tpu.memory_space<vmem>>[vector<16xi32>], vector<16xi32>,
        tpu.vector_store_idx %arg8[%add3A_1440], %gather3A_1446 : memref<49152xf32, #tpu.memory_space<vmem>>[vector<16xi32>], vector<16xf32>,
        tpu.vector_store_idx %arg13[%shift_right_logical3A_1409], %broadcast_in_dim3A_5 {add = true} : memref<32xi32, #tpu.memory_space<vmem>>[vector<16xi32>], vector<16xi32>,
        %scan3A_1447 = arith.constant 0 : i32
        %scan3A_1448 = arith.constant 3 : i32
        %scan3A_1449 = arith.addi %scan3A_1250, %scan3A_1448 : i32
        %mul3A_1450 = arith.constant 16 : i32
        %mul3A_1451 = arith.muli %scan3A_1449, %mul3A_1450 : i32
        %get3A_1452 = arith.index_cast %mul3A_1451 : i32 to index
        %get3A_1453 = tpu.vector_load %arg9[%get3A_1452] {strides = array<i32>} : memref<2000xi32, #tpu.memory_space<vmem>>, vector<16xi32>,
        %mul3A_1454 = arith.constant 16 : i32
        %mul3A_1455 = arith.muli %scan3A_1449, %mul3A_1454 : i32
        %get3A_1456 = arith.index_cast %mul3A_1455 : i32 to index
        %get3A_1457 = tpu.vector_load %arg11[%get3A_1456] {strides = array<i32>} : memref<2000xf32, #tpu.memory_space<vmem>>, vector<16xf32>,
        %shift_right_logical3A_1458 = arith.constant 15 : i32
        %shift_right_logical3A_1459 = vector.broadcast %shift_right_logical3A_1458 : i32 to vector<16xi32>
        %shift_right_logical3A_1460 = arith.shrui %get3A_1453, %shift_right_logical3A_1459 : vector<16xi32>
        %mul3A_1461 = arith.constant 16 : i32
        %mul3A_1462 = vector.broadcast %mul3A_1461 : i32 to vector<16xi32>
        %mul3A_1463 = arith.muli %shift_right_logical3A_1460, %mul3A_1462 : vector<16xi32>
        %add3A_1464 = arith.addi %mul3A_1463, %iota3A : vector<16xi32>
        %masked_sort3A_1465 = arith.constant dense<true> : vector<16xi1>
        %masked_sort3A_1466 = arith.constant -2147483648 : i32
        %masked_sort3A_1467 = vector.broadcast %masked_sort3A_1466 : i32 to vector<16xi32>
        %masked_sort3A_1468 = arith.xori %add3A_1464, %masked_sort3A_1467 : vector<16xi32>
        %masked_sort3A_1469, %masked_sort3A_1470, %masked_sort3A_1471 = tpu.sort %masked_sort3A_1468, %iota3A masked %masked_sort3A_1465 : (vector<16xi32>, vector<16xi32>, vector<16xi1>) -> (vector<16xi1>, vector<16xi32>, vector<16xi32>)
        %masked_sort3A_1472 = arith.xori %masked_sort3A_1470, %masked_sort3A_1467 : vector<16xi32>
        %shift_right_logical3A_1473 = arith.constant 4 : i32
        %shift_right_logical3A_1474 = vector.broadcast %shift_right_logical3A_1473 : i32 to vector<16xi32>
        %shift_right_logical3A_1475 = arith.shrui %masked_sort3A_1472, %shift_right_logical3A_1474 : vector<16xi32>
        %sub3A_1476 = arith.constant 1 : i32
        %sub3A_1477 = vector.broadcast %sub3A_1476 : i32 to vector<16xi32>
        %sub3A_1478 = arith.subi %iota3A, %sub3A_1477 : vector<16xi32>
        %max3A_1479 = arith.constant 0 : i32
        %max3A_1480 = vector.broadcast %max3A_1479 : i32 to vector<16xi32>
        %max3A_1481 = arith.maxsi %sub3A_1478, %max3A_1480 : vector<16xi32>
        %broadcast_in_dim3A_1482 = vector.shape_cast %max3A_1481 : vector<16xi32> to vector<16x1xi32>
        %gather3A_1483 = vector.shape_cast %broadcast_in_dim3A_1482 : vector<16x1xi32> to vector<16xi32>
        %gather3A_1484 = tpu.dynamic_gather %shift_right_logical3A_1475[%gather3A_1483] in [0] : vector<16xi32>, vector<16xi32> -> vector<16xi32>
        %eq3A_1485 = arith.constant 0 : i32
        %eq3A_1486 = vector.broadcast %eq3A_1485 : i32 to vector<16xi32>
        %eq3A_1487 = arith.cmpi eq, %iota3A, %eq3A_1486 : vector<16xi32>
        %ne3A_1488 = arith.cmpi ne, %shift_right_logical3A_1475, %gather3A_1484 : vector<16xi32>
        %or3A_1489 = arith.ori %eq3A_1487, %ne3A_1488 : vector<16xi1>
        %jit3A_1490 = arith.constant 0 : i32
        %broadcast_in_dim3A_1491 = vector.broadcast %jit3A_1490 : i32 to vector<16xi32>
        %select_n3A_1492 = arith.select %or3A_1489, %iota3A, %broadcast_in_dim3A_1491 : vector<16xi1>, vector<16xi32>
        %broadcast_in_dim3A_1493 = arith.constant true
        %broadcast_in_dim3A_1494 = vector.broadcast %broadcast_in_dim3A_1493 : i1 to vector<16xi1>
        %masked_cummax3A_1495 = arith.constant -2147483648 : i32
        %masked_cummax3A_1496 = vector.broadcast %masked_cummax3A_1495 : i32 to vector<16xi32>
        %masked_cummax3A_1497 = arith.xori %select_n3A_1492, %masked_cummax3A_1496 : vector<16xi32>
        %masked_cummax3A_1498 = tpu.scan <max>, %masked_cummax3A_1497 masked %broadcast_in_dim3A_1494 : vector<16xi32>, vector<16xi1> -> vector<16xi32>
        %masked_cummax3A_1499 = arith.xori %masked_cummax3A_1498, %masked_cummax3A_1496 : vector<16xi32>
        %sub3A_1500 = arith.subi %iota3A, %masked_cummax3A_1499 : vector<16xi32>
        %gather3A_1501 = tpu.vector_load_idx %arg13[%shift_right_logical3A_1475] : memref<32xi32, #tpu.memory_space<vmem>>[vector<16xi32>], vector<16xi32>,
        %add3A_1502 = arith.addi %gather3A_1501, %sub3A_1500 : vector<16xi32>
        %mul3A_1503 = arith.constant 1536 : i32
        %mul3A_1504 = vector.broadcast %mul3A_1503 : i32 to vector<16xi32>
        %mul3A_1505 = arith.muli %shift_right_logical3A_1475, %mul3A_1504 : vector<16xi32>
        %add3A_1506 = arith.addi %mul3A_1505, %add3A_1502 : vector<16xi32>
        %broadcast_in_dim3A_1507 = vector.shape_cast %masked_sort3A_1471 : vector<16xi32> to vector<16x1xi32>
        %gather3A_1508 = vector.shape_cast %broadcast_in_dim3A_1507 : vector<16x1xi32> to vector<16xi32>
        %gather3A_1509 = tpu.dynamic_gather %get3A_1453[%gather3A_1508] in [0] : vector<16xi32>, vector<16xi32> -> vector<16xi32>
        %broadcast_in_dim3A_1510 = vector.shape_cast %masked_sort3A_1471 : vector<16xi32> to vector<16x1xi32>
        %gather3A_1511 = vector.shape_cast %broadcast_in_dim3A_1510 : vector<16x1xi32> to vector<16xi32>
        %gather3A_1512 = tpu.dynamic_gather %get3A_1457[%gather3A_1511] in [0] : vector<16xf32>, vector<16xi32> -> vector<16xf32>
        tpu.vector_store_idx %arg7[%add3A_1506], %gather3A_1509 : memref<49152xi32, #tpu.memory_space<vmem>>[vector<16xi32>], vector<16xi32>,
        tpu.vector_store_idx %arg8[%add3A_1506], %gather3A_1512 : memref<49152xf32, #tpu.memory_space<vmem>>[vector<16xi32>], vector<16xf32>,
        tpu.vector_store_idx %arg13[%shift_right_logical3A_1475], %broadcast_in_dim3A_5 {add = true} : memref<32xi32, #tpu.memory_space<vmem>>[vector<16xi32>], vector<16xi32>,
        %scan3A_1513 = arith.constant 0 : i32
        scf.yield %scan3A_1513 : i32
      }
      %scan3A_1095 = arith.constant 124 : i32
      %scan3A_1096 = arith.addi %scan3A_1090, %scan3A_1095 : i32
      %mul3A_1097 = arith.constant 16 : i32
      %mul3A_1098 = arith.muli %scan3A_1096, %mul3A_1097 : i32
      %get3A = arith.index_cast %mul3A_1098 : i32 to index
      %get3A_1099 = tpu.vector_load %arg9[%get3A] {strides = array<i32>} : memref<2000xi32, #tpu.memory_space<vmem>>, vector<16xi32>,
      %mul3A_1100 = arith.constant 16 : i32
      %mul3A_1101 = arith.muli %scan3A_1096, %mul3A_1100 : i32
      %get3A_1102 = arith.index_cast %mul3A_1101 : i32 to index
      %get3A_1103 = tpu.vector_load %arg11[%get3A_1102] {strides = array<i32>} : memref<2000xf32, #tpu.memory_space<vmem>>, vector<16xf32>,
      %shift_right_logical3A = arith.constant 15 : i32
      %shift_right_logical3A_1104 = vector.broadcast %shift_right_logical3A : i32 to vector<16xi32>
      %shift_right_logical3A_1105 = arith.shrui %get3A_1099, %shift_right_logical3A_1104 : vector<16xi32>
      %mul3A_1106 = arith.constant 16 : i32
      %mul3A_1107 = vector.broadcast %mul3A_1106 : i32 to vector<16xi32>
      %mul3A_1108 = arith.muli %shift_right_logical3A_1105, %mul3A_1107 : vector<16xi32>
      %add3A_1109 = arith.addi %mul3A_1108, %iota3A : vector<16xi32>
      %masked_sort3A = arith.constant dense<true> : vector<16xi1>
      %masked_sort3A_1110 = arith.constant -2147483648 : i32
      %masked_sort3A_1111 = vector.broadcast %masked_sort3A_1110 : i32 to vector<16xi32>
      %masked_sort3A_1112 = arith.xori %add3A_1109, %masked_sort3A_1111 : vector<16xi32>
      %masked_sort3A_1113, %masked_sort3A_1114, %masked_sort3A_1115 = tpu.sort %masked_sort3A_1112, %iota3A masked %masked_sort3A : (vector<16xi32>, vector<16xi32>, vector<16xi1>) -> (vector<16xi1>, vector<16xi32>, vector<16xi32>)
      %masked_sort3A_1116 = arith.xori %masked_sort3A_1114, %masked_sort3A_1111 : vector<16xi32>
      %shift_right_logical3A_1117 = arith.constant 4 : i32
      %shift_right_logical3A_1118 = vector.broadcast %shift_right_logical3A_1117 : i32 to vector<16xi32>
      %shift_right_logical3A_1119 = arith.shrui %masked_sort3A_1116, %shift_right_logical3A_1118 : vector<16xi32>
      %sub3A_1120 = arith.constant 1 : i32
      %sub3A_1121 = vector.broadcast %sub3A_1120 : i32 to vector<16xi32>
      %sub3A_1122 = arith.subi %iota3A, %sub3A_1121 : vector<16xi32>
      %max3A = arith.constant 0 : i32
      %max3A_1123 = vector.broadcast %max3A : i32 to vector<16xi32>
      %max3A_1124 = arith.maxsi %sub3A_1122, %max3A_1123 : vector<16xi32>
      %broadcast_in_dim3A_1125 = vector.shape_cast %max3A_1124 : vector<16xi32> to vector<16x1xi32>
      %gather3A = vector.shape_cast %broadcast_in_dim3A_1125 : vector<16x1xi32> to vector<16xi32>
      %gather3A_1126 = tpu.dynamic_gather %shift_right_logical3A_1119[%gather3A] in [0] : vector<16xi32>, vector<16xi32> -> vector<16xi32>
      %eq3A_1127 = arith.constant 0 : i32
      %eq3A_1128 = vector.broadcast %eq3A_1127 : i32 to vector<16xi32>
      %eq3A_1129 = arith.cmpi eq, %iota3A, %eq3A_1128 : vector<16xi32>
      %ne3A_1130 = arith.cmpi ne, %shift_right_logical3A_1119, %gather3A_1126 : vector<16xi32>
      %or3A = arith.ori %eq3A_1129, %ne3A_1130 : vector<16xi1>
      %jit3A_1131 = arith.constant 0 : i32
      %broadcast_in_dim3A_1132 = vector.broadcast %jit3A_1131 : i32 to vector<16xi32>
      %select_n3A_1133 = arith.select %or3A, %iota3A, %broadcast_in_dim3A_1132 : vector<16xi1>, vector<16xi32>
      %broadcast_in_dim3A_1134 = arith.constant true
      %broadcast_in_dim3A_1135 = vector.broadcast %broadcast_in_dim3A_1134 : i1 to vector<16xi1>
      %masked_cummax3A = arith.constant -2147483648 : i32
      %masked_cummax3A_1136 = vector.broadcast %masked_cummax3A : i32 to vector<16xi32>
      %masked_cummax3A_1137 = arith.xori %select_n3A_1133, %masked_cummax3A_1136 : vector<16xi32>
      %masked_cummax3A_1138 = tpu.scan <max>, %masked_cummax3A_1137 masked %broadcast_in_dim3A_1135 : vector<16xi32>, vector<16xi1> -> vector<16xi32>
      %masked_cummax3A_1139 = arith.xori %masked_cummax3A_1138, %masked_cummax3A_1136 : vector<16xi32>
      %sub3A_1140 = arith.subi %iota3A, %masked_cummax3A_1139 : vector<16xi32>
      %gather3A_1141 = tpu.vector_load_idx %arg13[%shift_right_logical3A_1119] : memref<32xi32, #tpu.memory_space<vmem>>[vector<16xi32>], vector<16xi32>,
      %add3A_1142 = arith.addi %gather3A_1141, %sub3A_1140 : vector<16xi32>
      %mul3A_1143 = arith.constant 1536 : i32
      %mul3A_1144 = vector.broadcast %mul3A_1143 : i32 to vector<16xi32>
      %mul3A_1145 = arith.muli %shift_right_logical3A_1119, %mul3A_1144 : vector<16xi32>
      %add3A_1146 = arith.addi %mul3A_1145, %add3A_1142 : vector<16xi32>
      %broadcast_in_dim3A_1147 = vector.shape_cast %masked_sort3A_1115 : vector<16xi32> to vector<16x1xi32>
      %gather3A_1148 = vector.shape_cast %broadcast_in_dim3A_1147 : vector<16x1xi32> to vector<16xi32>
      %gather3A_1149 = tpu.dynamic_gather %get3A_1099[%gather3A_1148] in [0] : vector<16xi32>, vector<16xi32> -> vector<16xi32>
      %broadcast_in_dim3A_1150 = vector.shape_cast %masked_sort3A_1115 : vector<16xi32> to vector<16x1xi32>
      %gather3A_1151 = vector.shape_cast %broadcast_in_dim3A_1150 : vector<16x1xi32> to vector<16xi32>
      %gather3A_1152 = tpu.dynamic_gather %get3A_1103[%gather3A_1151] in [0] : vector<16xf32>, vector<16xi32> -> vector<16xf32>
      tpu.vector_store_idx %arg7[%add3A_1146], %gather3A_1149 : memref<49152xi32, #tpu.memory_space<vmem>>[vector<16xi32>], vector<16xi32>,
      tpu.vector_store_idx %arg8[%add3A_1146], %gather3A_1152 : memref<49152xf32, #tpu.memory_space<vmem>>[vector<16xi32>], vector<16xf32>,
      tpu.vector_store_idx %arg13[%shift_right_logical3A_1119], %broadcast_in_dim3A_5 {add = true} : memref<32xi32, #tpu.memory_space<vmem>>[vector<16xi32>], vector<16xi32>,
      %scan3A_1153 = arith.constant 0 : i32
      %scan3A_1154 = arith.constant 125 : i32
      %add3A_1155 = arith.constant 2 : i32
      %add3A_1156 = arith.addi %add3A_1081, %add3A_1155 : i32
      %lt3A = arith.cmpi slt, %add3A_1156, %select_n3A : i32
      %convert_element_type3A = arith.extui %lt3A : i1 to i32
      %cond3A = arith.constant 0 : i32
      %cond3A_1157 = arith.cmpi ne, %convert_element_type3A, %cond3A : i32
      scf.if %cond3A_1157 {
        %add3A_1250 = arith.constant 2 : i32
        %add3A_1251 = arith.addi %add3A_1081, %add3A_1250 : i32
        %mul3A_1252 = arith.constant 2000 : i32
        %mul3A_1253 = arith.muli %add3A_1251, %mul3A_1252 : i32
        %add3A_1254 = arith.addi %mul3A_2, %mul3A_1253 : i32
        %dma_start3A_1255 = tpu.memref_slice %arg2[%add3A_1254] : memref<1000000xi32, #tpu.memory_space<hbm>> -> memref<2000xi32, #tpu.memory_space<hbm>>
        %dma_start3A_1256 = tpu.memref_slice %arg2[%add3A_1254] : memref<1000000xi32, #tpu.memory_space<hbm>> -> memref<2000xi32, #tpu.memory_space<hbm>>
        tpu.enqueue_dma source(%dma_start3A_1256 : memref<2000xi32, #tpu.memory_space<hbm>>) target(%arg9 : memref<2000xi32, #tpu.memory_space<vmem>>) target_semaphore(%arg14 : memref<!tpu.dma_semaphore, #tpu.memory_space<semaphore_mem>>)
        %dma_start3A_1257 = tpu.memref_slice %arg3[%add3A_1254] : memref<1000000xf32, #tpu.memory_space<hbm>> -> memref<2000xf32, #tpu.memory_space<hbm>>
        %dma_start3A_1258 = tpu.memref_slice %arg3[%add3A_1254] : memref<1000000xf32, #tpu.memory_space<hbm>> -> memref<2000xf32, #tpu.memory_space<hbm>>
        tpu.enqueue_dma source(%dma_start3A_1258 : memref<2000xf32, #tpu.memory_space<hbm>>) target(%arg11 : memref<2000xf32, #tpu.memory_space<vmem>>) target_semaphore(%arg16 : memref<!tpu.dma_semaphore, #tpu.memory_space<semaphore_mem>>)
      } else {
      }
      %mul3A_1158 = arith.constant 2 : i32
      %mul3A_1159 = arith.muli %mul3A_1158, %while3A_1076 : i32
      %add3A_1160 = arith.constant 1 : i32
      %add3A_1161 = arith.addi %mul3A_1159, %add3A_1160 : i32
      %dma_wait3A_1162 = arith.constant 0 : i32
      %dma_wait3A_1163 = tpu.memref_slice %arg2[%dma_wait3A_1162] : memref<1000000xi32, #tpu.memory_space<hbm>> -> memref<2000xi32, #tpu.memory_space<hbm>>
      %dma_wait3A_1164 = arith.constant 0 : i32
      %dma_wait3A_1165 = tpu.memref_slice %arg2[%dma_wait3A_1164] : memref<1000000xi32, #tpu.memory_space<hbm>> -> memref<2000xi32, #tpu.memory_space<hbm>>
      tpu.wait_dma2 semaphore(%arg15 : memref<!tpu.dma_semaphore, #tpu.memory_space<semaphore_mem>>) src(%dma_wait3A_1165 : memref<2000xi32, #tpu.memory_space<hbm>>) dst(%arg10 : memref<2000xi32, #tpu.memory_space<vmem>>)
      %dma_wait3A_1166 = arith.constant 0 : i32
      %dma_wait3A_1167 = tpu.memref_slice %arg3[%dma_wait3A_1166] : memref<1000000xf32, #tpu.memory_space<hbm>> -> memref<2000xf32, #tpu.memory_space<hbm>>
      %dma_wait3A_1168 = arith.constant 0 : i32
      %dma_wait3A_1169 = tpu.memref_slice %arg3[%dma_wait3A_1168] : memref<1000000xf32, #tpu.memory_space<hbm>> -> memref<2000xf32, #tpu.memory_space<hbm>>
      tpu.wait_dma2 semaphore(%arg17 : memref<!tpu.dma_semaphore, #tpu.memory_space<semaphore_mem>>) src(%dma_wait3A_1169 : memref<2000xf32, #tpu.memory_space<hbm>>) dst(%arg12 : memref<2000xf32, #tpu.memory_space<vmem>>)
      %scan3A_1170 = arith.constant 0 : i32
      %scan3A_1171 = arith.constant 0 : i32
      %scan3A_1172 = arith.constant 124 : i32
      %scan3A_1173 = arith.addi %scan3A_1171, %scan3A_1172 : i32
      %scan3A_1174 = arith.constant 4 : i32
      %scan3A_1175 = scf.for %scan3A_1250 = %scan3A_1171 to %scan3A_1173 step %scan3A_1174 iter_args(%scan3A_1251 = %scan3A_1170) -> (i32)  : i32 {
        %mul3A_1252 = arith.constant 16 : i32
        %mul3A_1253 = arith.muli %scan3A_1250, %mul3A_1252 : i32
        %get3A_1254 = arith.index_cast %mul3A_1253 : i32 to index
        %get3A_1255 = tpu.vector_load %arg10[%get3A_1254] {strides = array<i32>} : memref<2000xi32, #tpu.memory_space<vmem>>, vector<16xi32>,
        %mul3A_1256 = arith.constant 16 : i32
        %mul3A_1257 = arith.muli %scan3A_1250, %mul3A_1256 : i32
        %get3A_1258 = arith.index_cast %mul3A_1257 : i32 to index
        %get3A_1259 = tpu.vector_load %arg12[%get3A_1258] {strides = array<i32>} : memref<2000xf32, #tpu.memory_space<vmem>>, vector<16xf32>,
        %shift_right_logical3A_1260 = arith.constant 15 : i32
        %shift_right_logical3A_1261 = vector.broadcast %shift_right_logical3A_1260 : i32 to vector<16xi32>
        %shift_right_logical3A_1262 = arith.shrui %get3A_1255, %shift_right_logical3A_1261 : vector<16xi32>
        %mul3A_1263 = arith.constant 16 : i32
        %mul3A_1264 = vector.broadcast %mul3A_1263 : i32 to vector<16xi32>
        %mul3A_1265 = arith.muli %shift_right_logical3A_1262, %mul3A_1264 : vector<16xi32>
        %add3A_1266 = arith.addi %mul3A_1265, %iota3A : vector<16xi32>
        %masked_sort3A_1267 = arith.constant dense<true> : vector<16xi1>
        %masked_sort3A_1268 = arith.constant -2147483648 : i32
        %masked_sort3A_1269 = vector.broadcast %masked_sort3A_1268 : i32 to vector<16xi32>
        %masked_sort3A_1270 = arith.xori %add3A_1266, %masked_sort3A_1269 : vector<16xi32>
        %masked_sort3A_1271, %masked_sort3A_1272, %masked_sort3A_1273 = tpu.sort %masked_sort3A_1270, %iota3A masked %masked_sort3A_1267 : (vector<16xi32>, vector<16xi32>, vector<16xi1>) -> (vector<16xi1>, vector<16xi32>, vector<16xi32>)
        %masked_sort3A_1274 = arith.xori %masked_sort3A_1272, %masked_sort3A_1269 : vector<16xi32>
        %shift_right_logical3A_1275 = arith.constant 4 : i32
        %shift_right_logical3A_1276 = vector.broadcast %shift_right_logical3A_1275 : i32 to vector<16xi32>
        %shift_right_logical3A_1277 = arith.shrui %masked_sort3A_1274, %shift_right_logical3A_1276 : vector<16xi32>
        %sub3A_1278 = arith.constant 1 : i32
        %sub3A_1279 = vector.broadcast %sub3A_1278 : i32 to vector<16xi32>
        %sub3A_1280 = arith.subi %iota3A, %sub3A_1279 : vector<16xi32>
        %max3A_1281 = arith.constant 0 : i32
        %max3A_1282 = vector.broadcast %max3A_1281 : i32 to vector<16xi32>
        %max3A_1283 = arith.maxsi %sub3A_1280, %max3A_1282 : vector<16xi32>
        %broadcast_in_dim3A_1284 = vector.shape_cast %max3A_1283 : vector<16xi32> to vector<16x1xi32>
        %gather3A_1285 = vector.shape_cast %broadcast_in_dim3A_1284 : vector<16x1xi32> to vector<16xi32>
        %gather3A_1286 = tpu.dynamic_gather %shift_right_logical3A_1277[%gather3A_1285] in [0] : vector<16xi32>, vector<16xi32> -> vector<16xi32>
        %eq3A_1287 = arith.constant 0 : i32
        %eq3A_1288 = vector.broadcast %eq3A_1287 : i32 to vector<16xi32>
        %eq3A_1289 = arith.cmpi eq, %iota3A, %eq3A_1288 : vector<16xi32>
        %ne3A_1290 = arith.cmpi ne, %shift_right_logical3A_1277, %gather3A_1286 : vector<16xi32>
        %or3A_1291 = arith.ori %eq3A_1289, %ne3A_1290 : vector<16xi1>
        %jit3A_1292 = arith.constant 0 : i32
        %broadcast_in_dim3A_1293 = vector.broadcast %jit3A_1292 : i32 to vector<16xi32>
        %select_n3A_1294 = arith.select %or3A_1291, %iota3A, %broadcast_in_dim3A_1293 : vector<16xi1>, vector<16xi32>
        %broadcast_in_dim3A_1295 = arith.constant true
        %broadcast_in_dim3A_1296 = vector.broadcast %broadcast_in_dim3A_1295 : i1 to vector<16xi1>
        %masked_cummax3A_1297 = arith.constant -2147483648 : i32
        %masked_cummax3A_1298 = vector.broadcast %masked_cummax3A_1297 : i32 to vector<16xi32>
        %masked_cummax3A_1299 = arith.xori %select_n3A_1294, %masked_cummax3A_1298 : vector<16xi32>
        %masked_cummax3A_1300 = tpu.scan <max>, %masked_cummax3A_1299 masked %broadcast_in_dim3A_1296 : vector<16xi32>, vector<16xi1> -> vector<16xi32>
        %masked_cummax3A_1301 = arith.xori %masked_cummax3A_1300, %masked_cummax3A_1298 : vector<16xi32>
        %sub3A_1302 = arith.subi %iota3A, %masked_cummax3A_1301 : vector<16xi32>
        %gather3A_1303 = tpu.vector_load_idx %arg13[%shift_right_logical3A_1277] : memref<32xi32, #tpu.memory_space<vmem>>[vector<16xi32>], vector<16xi32>,
        %add3A_1304 = arith.addi %gather3A_1303, %sub3A_1302 : vector<16xi32>
        %mul3A_1305 = arith.constant 1536 : i32
        %mul3A_1306 = vector.broadcast %mul3A_1305 : i32 to vector<16xi32>
        %mul3A_1307 = arith.muli %shift_right_logical3A_1277, %mul3A_1306 : vector<16xi32>
        %add3A_1308 = arith.addi %mul3A_1307, %add3A_1304 : vector<16xi32>
        %broadcast_in_dim3A_1309 = vector.shape_cast %masked_sort3A_1273 : vector<16xi32> to vector<16x1xi32>
        %gather3A_1310 = vector.shape_cast %broadcast_in_dim3A_1309 : vector<16x1xi32> to vector<16xi32>
        %gather3A_1311 = tpu.dynamic_gather %get3A_1255[%gather3A_1310] in [0] : vector<16xi32>, vector<16xi32> -> vector<16xi32>
        %broadcast_in_dim3A_1312 = vector.shape_cast %masked_sort3A_1273 : vector<16xi32> to vector<16x1xi32>
        %gather3A_1313 = vector.shape_cast %broadcast_in_dim3A_1312 : vector<16x1xi32> to vector<16xi32>
        %gather3A_1314 = tpu.dynamic_gather %get3A_1259[%gather3A_1313] in [0] : vector<16xf32>, vector<16xi32> -> vector<16xf32>
        tpu.vector_store_idx %arg7[%add3A_1308], %gather3A_1311 : memref<49152xi32, #tpu.memory_space<vmem>>[vector<16xi32>], vector<16xi32>,
        tpu.vector_store_idx %arg8[%add3A_1308], %gather3A_1314 : memref<49152xf32, #tpu.memory_space<vmem>>[vector<16xi32>], vector<16xf32>,
        tpu.vector_store_idx %arg13[%shift_right_logical3A_1277], %broadcast_in_dim3A_5 {add = true} : memref<32xi32, #tpu.memory_space<vmem>>[vector<16xi32>], vector<16xi32>,
        %scan3A_1315 = arith.constant 0 : i32
        %scan3A_1316 = arith.constant 1 : i32
        %scan3A_1317 = arith.addi %scan3A_1250, %scan3A_1316 : i32
        %mul3A_1318 = arith.constant 16 : i32
        %mul3A_1319 = arith.muli %scan3A_1317, %mul3A_1318 : i32
        %get3A_1320 = arith.index_cast %mul3A_1319 : i32 to index
        %get3A_1321 = tpu.vector_load %arg10[%get3A_1320] {strides = array<i32>} : memref<2000xi32, #tpu.memory_space<vmem>>, vector<16xi32>,
        %mul3A_1322 = arith.constant 16 : i32
        %mul3A_1323 = arith.muli %scan3A_1317, %mul3A_1322 : i32
        %get3A_1324 = arith.index_cast %mul3A_1323 : i32 to index
        %get3A_1325 = tpu.vector_load %arg12[%get3A_1324] {strides = array<i32>} : memref<2000xf32, #tpu.memory_space<vmem>>, vector<16xf32>,
        %shift_right_logical3A_1326 = arith.constant 15 : i32
        %shift_right_logical3A_1327 = vector.broadcast %shift_right_logical3A_1326 : i32 to vector<16xi32>
        %shift_right_logical3A_1328 = arith.shrui %get3A_1321, %shift_right_logical3A_1327 : vector<16xi32>
        %mul3A_1329 = arith.constant 16 : i32
        %mul3A_1330 = vector.broadcast %mul3A_1329 : i32 to vector<16xi32>
        %mul3A_1331 = arith.muli %shift_right_logical3A_1328, %mul3A_1330 : vector<16xi32>
        %add3A_1332 = arith.addi %mul3A_1331, %iota3A : vector<16xi32>
        %masked_sort3A_1333 = arith.constant dense<true> : vector<16xi1>
        %masked_sort3A_1334 = arith.constant -2147483648 : i32
        %masked_sort3A_1335 = vector.broadcast %masked_sort3A_1334 : i32 to vector<16xi32>
        %masked_sort3A_1336 = arith.xori %add3A_1332, %masked_sort3A_1335 : vector<16xi32>
        %masked_sort3A_1337, %masked_sort3A_1338, %masked_sort3A_1339 = tpu.sort %masked_sort3A_1336, %iota3A masked %masked_sort3A_1333 : (vector<16xi32>, vector<16xi32>, vector<16xi1>) -> (vector<16xi1>, vector<16xi32>, vector<16xi32>)
        %masked_sort3A_1340 = arith.xori %masked_sort3A_1338, %masked_sort3A_1335 : vector<16xi32>
        %shift_right_logical3A_1341 = arith.constant 4 : i32
        %shift_right_logical3A_1342 = vector.broadcast %shift_right_logical3A_1341 : i32 to vector<16xi32>
        %shift_right_logical3A_1343 = arith.shrui %masked_sort3A_1340, %shift_right_logical3A_1342 : vector<16xi32>
        %sub3A_1344 = arith.constant 1 : i32
        %sub3A_1345 = vector.broadcast %sub3A_1344 : i32 to vector<16xi32>
        %sub3A_1346 = arith.subi %iota3A, %sub3A_1345 : vector<16xi32>
        %max3A_1347 = arith.constant 0 : i32
        %max3A_1348 = vector.broadcast %max3A_1347 : i32 to vector<16xi32>
        %max3A_1349 = arith.maxsi %sub3A_1346, %max3A_1348 : vector<16xi32>
        %broadcast_in_dim3A_1350 = vector.shape_cast %max3A_1349 : vector<16xi32> to vector<16x1xi32>
        %gather3A_1351 = vector.shape_cast %broadcast_in_dim3A_1350 : vector<16x1xi32> to vector<16xi32>
        %gather3A_1352 = tpu.dynamic_gather %shift_right_logical3A_1343[%gather3A_1351] in [0] : vector<16xi32>, vector<16xi32> -> vector<16xi32>
        %eq3A_1353 = arith.constant 0 : i32
        %eq3A_1354 = vector.broadcast %eq3A_1353 : i32 to vector<16xi32>
        %eq3A_1355 = arith.cmpi eq, %iota3A, %eq3A_1354 : vector<16xi32>
        %ne3A_1356 = arith.cmpi ne, %shift_right_logical3A_1343, %gather3A_1352 : vector<16xi32>
        %or3A_1357 = arith.ori %eq3A_1355, %ne3A_1356 : vector<16xi1>
        %jit3A_1358 = arith.constant 0 : i32
        %broadcast_in_dim3A_1359 = vector.broadcast %jit3A_1358 : i32 to vector<16xi32>
        %select_n3A_1360 = arith.select %or3A_1357, %iota3A, %broadcast_in_dim3A_1359 : vector<16xi1>, vector<16xi32>
        %broadcast_in_dim3A_1361 = arith.constant true
        %broadcast_in_dim3A_1362 = vector.broadcast %broadcast_in_dim3A_1361 : i1 to vector<16xi1>
        %masked_cummax3A_1363 = arith.constant -2147483648 : i32
        %masked_cummax3A_1364 = vector.broadcast %masked_cummax3A_1363 : i32 to vector<16xi32>
        %masked_cummax3A_1365 = arith.xori %select_n3A_1360, %masked_cummax3A_1364 : vector<16xi32>
        %masked_cummax3A_1366 = tpu.scan <max>, %masked_cummax3A_1365 masked %broadcast_in_dim3A_1362 : vector<16xi32>, vector<16xi1> -> vector<16xi32>
        %masked_cummax3A_1367 = arith.xori %masked_cummax3A_1366, %masked_cummax3A_1364 : vector<16xi32>
        %sub3A_1368 = arith.subi %iota3A, %masked_cummax3A_1367 : vector<16xi32>
        %gather3A_1369 = tpu.vector_load_idx %arg13[%shift_right_logical3A_1343] : memref<32xi32, #tpu.memory_space<vmem>>[vector<16xi32>], vector<16xi32>,
        %add3A_1370 = arith.addi %gather3A_1369, %sub3A_1368 : vector<16xi32>
        %mul3A_1371 = arith.constant 1536 : i32
        %mul3A_1372 = vector.broadcast %mul3A_1371 : i32 to vector<16xi32>
        %mul3A_1373 = arith.muli %shift_right_logical3A_1343, %mul3A_1372 : vector<16xi32>
        %add3A_1374 = arith.addi %mul3A_1373, %add3A_1370 : vector<16xi32>
        %broadcast_in_dim3A_1375 = vector.shape_cast %masked_sort3A_1339 : vector<16xi32> to vector<16x1xi32>
        %gather3A_1376 = vector.shape_cast %broadcast_in_dim3A_1375 : vector<16x1xi32> to vector<16xi32>
        %gather3A_1377 = tpu.dynamic_gather %get3A_1321[%gather3A_1376] in [0] : vector<16xi32>, vector<16xi32> -> vector<16xi32>
        %broadcast_in_dim3A_1378 = vector.shape_cast %masked_sort3A_1339 : vector<16xi32> to vector<16x1xi32>
        %gather3A_1379 = vector.shape_cast %broadcast_in_dim3A_1378 : vector<16x1xi32> to vector<16xi32>
        %gather3A_1380 = tpu.dynamic_gather %get3A_1325[%gather3A_1379] in [0] : vector<16xf32>, vector<16xi32> -> vector<16xf32>
        tpu.vector_store_idx %arg7[%add3A_1374], %gather3A_1377 : memref<49152xi32, #tpu.memory_space<vmem>>[vector<16xi32>], vector<16xi32>,
        tpu.vector_store_idx %arg8[%add3A_1374], %gather3A_1380 : memref<49152xf32, #tpu.memory_space<vmem>>[vector<16xi32>], vector<16xf32>,
        tpu.vector_store_idx %arg13[%shift_right_logical3A_1343], %broadcast_in_dim3A_5 {add = true} : memref<32xi32, #tpu.memory_space<vmem>>[vector<16xi32>], vector<16xi32>,
        %scan3A_1381 = arith.constant 0 : i32
        %scan3A_1382 = arith.constant 2 : i32
        %scan3A_1383 = arith.addi %scan3A_1250, %scan3A_1382 : i32
        %mul3A_1384 = arith.constant 16 : i32
        %mul3A_1385 = arith.muli %scan3A_1383, %mul3A_1384 : i32
        %get3A_1386 = arith.index_cast %mul3A_1385 : i32 to index
        %get3A_1387 = tpu.vector_load %arg10[%get3A_1386] {strides = array<i32>} : memref<2000xi32, #tpu.memory_space<vmem>>, vector<16xi32>,
        %mul3A_1388 = arith.constant 16 : i32
        %mul3A_1389 = arith.muli %scan3A_1383, %mul3A_1388 : i32
        %get3A_1390 = arith.index_cast %mul3A_1389 : i32 to index
        %get3A_1391 = tpu.vector_load %arg12[%get3A_1390] {strides = array<i32>} : memref<2000xf32, #tpu.memory_space<vmem>>, vector<16xf32>,
        %shift_right_logical3A_1392 = arith.constant 15 : i32
        %shift_right_logical3A_1393 = vector.broadcast %shift_right_logical3A_1392 : i32 to vector<16xi32>
        %shift_right_logical3A_1394 = arith.shrui %get3A_1387, %shift_right_logical3A_1393 : vector<16xi32>
        %mul3A_1395 = arith.constant 16 : i32
        %mul3A_1396 = vector.broadcast %mul3A_1395 : i32 to vector<16xi32>
        %mul3A_1397 = arith.muli %shift_right_logical3A_1394, %mul3A_1396 : vector<16xi32>
        %add3A_1398 = arith.addi %mul3A_1397, %iota3A : vector<16xi32>
        %masked_sort3A_1399 = arith.constant dense<true> : vector<16xi1>
        %masked_sort3A_1400 = arith.constant -2147483648 : i32
        %masked_sort3A_1401 = vector.broadcast %masked_sort3A_1400 : i32 to vector<16xi32>
        %masked_sort3A_1402 = arith.xori %add3A_1398, %masked_sort3A_1401 : vector<16xi32>
        %masked_sort3A_1403, %masked_sort3A_1404, %masked_sort3A_1405 = tpu.sort %masked_sort3A_1402, %iota3A masked %masked_sort3A_1399 : (vector<16xi32>, vector<16xi32>, vector<16xi1>) -> (vector<16xi1>, vector<16xi32>, vector<16xi32>)
        %masked_sort3A_1406 = arith.xori %masked_sort3A_1404, %masked_sort3A_1401 : vector<16xi32>
        %shift_right_logical3A_1407 = arith.constant 4 : i32
        %shift_right_logical3A_1408 = vector.broadcast %shift_right_logical3A_1407 : i32 to vector<16xi32>
        %shift_right_logical3A_1409 = arith.shrui %masked_sort3A_1406, %shift_right_logical3A_1408 : vector<16xi32>
        %sub3A_1410 = arith.constant 1 : i32
        %sub3A_1411 = vector.broadcast %sub3A_1410 : i32 to vector<16xi32>
        %sub3A_1412 = arith.subi %iota3A, %sub3A_1411 : vector<16xi32>
        %max3A_1413 = arith.constant 0 : i32
        %max3A_1414 = vector.broadcast %max3A_1413 : i32 to vector<16xi32>
        %max3A_1415 = arith.maxsi %sub3A_1412, %max3A_1414 : vector<16xi32>
        %broadcast_in_dim3A_1416 = vector.shape_cast %max3A_1415 : vector<16xi32> to vector<16x1xi32>
        %gather3A_1417 = vector.shape_cast %broadcast_in_dim3A_1416 : vector<16x1xi32> to vector<16xi32>
        %gather3A_1418 = tpu.dynamic_gather %shift_right_logical3A_1409[%gather3A_1417] in [0] : vector<16xi32>, vector<16xi32> -> vector<16xi32>
        %eq3A_1419 = arith.constant 0 : i32
        %eq3A_1420 = vector.broadcast %eq3A_1419 : i32 to vector<16xi32>
        %eq3A_1421 = arith.cmpi eq, %iota3A, %eq3A_1420 : vector<16xi32>
        %ne3A_1422 = arith.cmpi ne, %shift_right_logical3A_1409, %gather3A_1418 : vector<16xi32>
        %or3A_1423 = arith.ori %eq3A_1421, %ne3A_1422 : vector<16xi1>
        %jit3A_1424 = arith.constant 0 : i32
        %broadcast_in_dim3A_1425 = vector.broadcast %jit3A_1424 : i32 to vector<16xi32>
        %select_n3A_1426 = arith.select %or3A_1423, %iota3A, %broadcast_in_dim3A_1425 : vector<16xi1>, vector<16xi32>
        %broadcast_in_dim3A_1427 = arith.constant true
        %broadcast_in_dim3A_1428 = vector.broadcast %broadcast_in_dim3A_1427 : i1 to vector<16xi1>
        %masked_cummax3A_1429 = arith.constant -2147483648 : i32
        %masked_cummax3A_1430 = vector.broadcast %masked_cummax3A_1429 : i32 to vector<16xi32>
        %masked_cummax3A_1431 = arith.xori %select_n3A_1426, %masked_cummax3A_1430 : vector<16xi32>
        %masked_cummax3A_1432 = tpu.scan <max>, %masked_cummax3A_1431 masked %broadcast_in_dim3A_1428 : vector<16xi32>, vector<16xi1> -> vector<16xi32>
        %masked_cummax3A_1433 = arith.xori %masked_cummax3A_1432, %masked_cummax3A_1430 : vector<16xi32>
        %sub3A_1434 = arith.subi %iota3A, %masked_cummax3A_1433 : vector<16xi32>
        %gather3A_1435 = tpu.vector_load_idx %arg13[%shift_right_logical3A_1409] : memref<32xi32, #tpu.memory_space<vmem>>[vector<16xi32>], vector<16xi32>,
        %add3A_1436 = arith.addi %gather3A_1435, %sub3A_1434 : vector<16xi32>
        %mul3A_1437 = arith.constant 1536 : i32
        %mul3A_1438 = vector.broadcast %mul3A_1437 : i32 to vector<16xi32>
        %mul3A_1439 = arith.muli %shift_right_logical3A_1409, %mul3A_1438 : vector<16xi32>
        %add3A_1440 = arith.addi %mul3A_1439, %add3A_1436 : vector<16xi32>
        %broadcast_in_dim3A_1441 = vector.shape_cast %masked_sort3A_1405 : vector<16xi32> to vector<16x1xi32>
        %gather3A_1442 = vector.shape_cast %broadcast_in_dim3A_1441 : vector<16x1xi32> to vector<16xi32>
        %gather3A_1443 = tpu.dynamic_gather %get3A_1387[%gather3A_1442] in [0] : vector<16xi32>, vector<16xi32> -> vector<16xi32>
        %broadcast_in_dim3A_1444 = vector.shape_cast %masked_sort3A_1405 : vector<16xi32> to vector<16x1xi32>
        %gather3A_1445 = vector.shape_cast %broadcast_in_dim3A_1444 : vector<16x1xi32> to vector<16xi32>
        %gather3A_1446 = tpu.dynamic_gather %get3A_1391[%gather3A_1445] in [0] : vector<16xf32>, vector<16xi32> -> vector<16xf32>
        tpu.vector_store_idx %arg7[%add3A_1440], %gather3A_1443 : memref<49152xi32, #tpu.memory_space<vmem>>[vector<16xi32>], vector<16xi32>,
        tpu.vector_store_idx %arg8[%add3A_1440], %gather3A_1446 : memref<49152xf32, #tpu.memory_space<vmem>>[vector<16xi32>], vector<16xf32>,
        tpu.vector_store_idx %arg13[%shift_right_logical3A_1409], %broadcast_in_dim3A_5 {add = true} : memref<32xi32, #tpu.memory_space<vmem>>[vector<16xi32>], vector<16xi32>,
        %scan3A_1447 = arith.constant 0 : i32
        %scan3A_1448 = arith.constant 3 : i32
        %scan3A_1449 = arith.addi %scan3A_1250, %scan3A_1448 : i32
        %mul3A_1450 = arith.constant 16 : i32
        %mul3A_1451 = arith.muli %scan3A_1449, %mul3A_1450 : i32
        %get3A_1452 = arith.index_cast %mul3A_1451 : i32 to index
        %get3A_1453 = tpu.vector_load %arg10[%get3A_1452] {strides = array<i32>} : memref<2000xi32, #tpu.memory_space<vmem>>, vector<16xi32>,
        %mul3A_1454 = arith.constant 16 : i32
        %mul3A_1455 = arith.muli %scan3A_1449, %mul3A_1454 : i32
        %get3A_1456 = arith.index_cast %mul3A_1455 : i32 to index
        %get3A_1457 = tpu.vector_load %arg12[%get3A_1456] {strides = array<i32>} : memref<2000xf32, #tpu.memory_space<vmem>>, vector<16xf32>,
        %shift_right_logical3A_1458 = arith.constant 15 : i32
        %shift_right_logical3A_1459 = vector.broadcast %shift_right_logical3A_1458 : i32 to vector<16xi32>
        %shift_right_logical3A_1460 = arith.shrui %get3A_1453, %shift_right_logical3A_1459 : vector<16xi32>
        %mul3A_1461 = arith.constant 16 : i32
        %mul3A_1462 = vector.broadcast %mul3A_1461 : i32 to vector<16xi32>
        %mul3A_1463 = arith.muli %shift_right_logical3A_1460, %mul3A_1462 : vector<16xi32>
        %add3A_1464 = arith.addi %mul3A_1463, %iota3A : vector<16xi32>
        %masked_sort3A_1465 = arith.constant dense<true> : vector<16xi1>
        %masked_sort3A_1466 = arith.constant -2147483648 : i32
        %masked_sort3A_1467 = vector.broadcast %masked_sort3A_1466 : i32 to vector<16xi32>
        %masked_sort3A_1468 = arith.xori %add3A_1464, %masked_sort3A_1467 : vector<16xi32>
        %masked_sort3A_1469, %masked_sort3A_1470, %masked_sort3A_1471 = tpu.sort %masked_sort3A_1468, %iota3A masked %masked_sort3A_1465 : (vector<16xi32>, vector<16xi32>, vector<16xi1>) -> (vector<16xi1>, vector<16xi32>, vector<16xi32>)
        %masked_sort3A_1472 = arith.xori %masked_sort3A_1470, %masked_sort3A_1467 : vector<16xi32>
        %shift_right_logical3A_1473 = arith.constant 4 : i32
        %shift_right_logical3A_1474 = vector.broadcast %shift_right_logical3A_1473 : i32 to vector<16xi32>
        %shift_right_logical3A_1475 = arith.shrui %masked_sort3A_1472, %shift_right_logical3A_1474 : vector<16xi32>
        %sub3A_1476 = arith.constant 1 : i32
        %sub3A_1477 = vector.broadcast %sub3A_1476 : i32 to vector<16xi32>
        %sub3A_1478 = arith.subi %iota3A, %sub3A_1477 : vector<16xi32>
        %max3A_1479 = arith.constant 0 : i32
        %max3A_1480 = vector.broadcast %max3A_1479 : i32 to vector<16xi32>
        %max3A_1481 = arith.maxsi %sub3A_1478, %max3A_1480 : vector<16xi32>
        %broadcast_in_dim3A_1482 = vector.shape_cast %max3A_1481 : vector<16xi32> to vector<16x1xi32>
        %gather3A_1483 = vector.shape_cast %broadcast_in_dim3A_1482 : vector<16x1xi32> to vector<16xi32>
        %gather3A_1484 = tpu.dynamic_gather %shift_right_logical3A_1475[%gather3A_1483] in [0] : vector<16xi32>, vector<16xi32> -> vector<16xi32>
        %eq3A_1485 = arith.constant 0 : i32
        %eq3A_1486 = vector.broadcast %eq3A_1485 : i32 to vector<16xi32>
        %eq3A_1487 = arith.cmpi eq, %iota3A, %eq3A_1486 : vector<16xi32>
        %ne3A_1488 = arith.cmpi ne, %shift_right_logical3A_1475, %gather3A_1484 : vector<16xi32>
        %or3A_1489 = arith.ori %eq3A_1487, %ne3A_1488 : vector<16xi1>
        %jit3A_1490 = arith.constant 0 : i32
        %broadcast_in_dim3A_1491 = vector.broadcast %jit3A_1490 : i32 to vector<16xi32>
        %select_n3A_1492 = arith.select %or3A_1489, %iota3A, %broadcast_in_dim3A_1491 : vector<16xi1>, vector<16xi32>
        %broadcast_in_dim3A_1493 = arith.constant true
        %broadcast_in_dim3A_1494 = vector.broadcast %broadcast_in_dim3A_1493 : i1 to vector<16xi1>
        %masked_cummax3A_1495 = arith.constant -2147483648 : i32
        %masked_cummax3A_1496 = vector.broadcast %masked_cummax3A_1495 : i32 to vector<16xi32>
        %masked_cummax3A_1497 = arith.xori %select_n3A_1492, %masked_cummax3A_1496 : vector<16xi32>
        %masked_cummax3A_1498 = tpu.scan <max>, %masked_cummax3A_1497 masked %broadcast_in_dim3A_1494 : vector<16xi32>, vector<16xi1> -> vector<16xi32>
        %masked_cummax3A_1499 = arith.xori %masked_cummax3A_1498, %masked_cummax3A_1496 : vector<16xi32>
        %sub3A_1500 = arith.subi %iota3A, %masked_cummax3A_1499 : vector<16xi32>
        %gather3A_1501 = tpu.vector_load_idx %arg13[%shift_right_logical3A_1475] : memref<32xi32, #tpu.memory_space<vmem>>[vector<16xi32>], vector<16xi32>,
        %add3A_1502 = arith.addi %gather3A_1501, %sub3A_1500 : vector<16xi32>
        %mul3A_1503 = arith.constant 1536 : i32
        %mul3A_1504 = vector.broadcast %mul3A_1503 : i32 to vector<16xi32>
        %mul3A_1505 = arith.muli %shift_right_logical3A_1475, %mul3A_1504 : vector<16xi32>
        %add3A_1506 = arith.addi %mul3A_1505, %add3A_1502 : vector<16xi32>
        %broadcast_in_dim3A_1507 = vector.shape_cast %masked_sort3A_1471 : vector<16xi32> to vector<16x1xi32>
        %gather3A_1508 = vector.shape_cast %broadcast_in_dim3A_1507 : vector<16x1xi32> to vector<16xi32>
        %gather3A_1509 = tpu.dynamic_gather %get3A_1453[%gather3A_1508] in [0] : vector<16xi32>, vector<16xi32> -> vector<16xi32>
        %broadcast_in_dim3A_1510 = vector.shape_cast %masked_sort3A_1471 : vector<16xi32> to vector<16x1xi32>
        %gather3A_1511 = vector.shape_cast %broadcast_in_dim3A_1510 : vector<16x1xi32> to vector<16xi32>
        %gather3A_1512 = tpu.dynamic_gather %get3A_1457[%gather3A_1511] in [0] : vector<16xf32>, vector<16xi32> -> vector<16xf32>
        tpu.vector_store_idx %arg7[%add3A_1506], %gather3A_1509 : memref<49152xi32, #tpu.memory_space<vmem>>[vector<16xi32>], vector<16xi32>,
        tpu.vector_store_idx %arg8[%add3A_1506], %gather3A_1512 : memref<49152xf32, #tpu.memory_space<vmem>>[vector<16xi32>], vector<16xf32>,
        tpu.vector_store_idx %arg13[%shift_right_logical3A_1475], %broadcast_in_dim3A_5 {add = true} : memref<32xi32, #tpu.memory_space<vmem>>[vector<16xi32>], vector<16xi32>,
        %scan3A_1513 = arith.constant 0 : i32
        scf.yield %scan3A_1513 : i32
      }
      %scan3A_1176 = arith.constant 124 : i32
      %scan3A_1177 = arith.addi %scan3A_1171, %scan3A_1176 : i32
      %mul3A_1178 = arith.constant 16 : i32
      %mul3A_1179 = arith.muli %scan3A_1177, %mul3A_1178 : i32
      %get3A_1180 = arith.index_cast %mul3A_1179 : i32 to index
      %get3A_1181 = tpu.vector_load %arg10[%get3A_1180] {strides = array<i32>} : memref<2000xi32, #tpu.memory_space<vmem>>, vector<16xi32>,
      %mul3A_1182 = arith.constant 16 : i32
      %mul3A_1183 = arith.muli %scan3A_1177, %mul3A_1182 : i32
      %get3A_1184 = arith.index_cast %mul3A_1183 : i32 to index
      %get3A_1185 = tpu.vector_load %arg12[%get3A_1184] {strides = array<i32>} : memref<2000xf32, #tpu.memory_space<vmem>>, vector<16xf32>,
      %shift_right_logical3A_1186 = arith.constant 15 : i32
      %shift_right_logical3A_1187 = vector.broadcast %shift_right_logical3A_1186 : i32 to vector<16xi32>
      %shift_right_logical3A_1188 = arith.shrui %get3A_1181, %shift_right_logical3A_1187 : vector<16xi32>
      %mul3A_1189 = arith.constant 16 : i32
      %mul3A_1190 = vector.broadcast %mul3A_1189 : i32 to vector<16xi32>
      %mul3A_1191 = arith.muli %shift_right_logical3A_1188, %mul3A_1190 : vector<16xi32>
      %add3A_1192 = arith.addi %mul3A_1191, %iota3A : vector<16xi32>
      %masked_sort3A_1193 = arith.constant dense<true> : vector<16xi1>
      %masked_sort3A_1194 = arith.constant -2147483648 : i32
      %masked_sort3A_1195 = vector.broadcast %masked_sort3A_1194 : i32 to vector<16xi32>
      %masked_sort3A_1196 = arith.xori %add3A_1192, %masked_sort3A_1195 : vector<16xi32>
      %masked_sort3A_1197, %masked_sort3A_1198, %masked_sort3A_1199 = tpu.sort %masked_sort3A_1196, %iota3A masked %masked_sort3A_1193 : (vector<16xi32>, vector<16xi32>, vector<16xi1>) -> (vector<16xi1>, vector<16xi32>, vector<16xi32>)
      %masked_sort3A_1200 = arith.xori %masked_sort3A_1198, %masked_sort3A_1195 : vector<16xi32>
      %shift_right_logical3A_1201 = arith.constant 4 : i32
      %shift_right_logical3A_1202 = vector.broadcast %shift_right_logical3A_1201 : i32 to vector<16xi32>
      %shift_right_logical3A_1203 = arith.shrui %masked_sort3A_1200, %shift_right_logical3A_1202 : vector<16xi32>
      %sub3A_1204 = arith.constant 1 : i32
      %sub3A_1205 = vector.broadcast %sub3A_1204 : i32 to vector<16xi32>
      %sub3A_1206 = arith.subi %iota3A, %sub3A_1205 : vector<16xi32>
      %max3A_1207 = arith.constant 0 : i32
      %max3A_1208 = vector.broadcast %max3A_1207 : i32 to vector<16xi32>
      %max3A_1209 = arith.maxsi %sub3A_1206, %max3A_1208 : vector<16xi32>
      %broadcast_in_dim3A_1210 = vector.shape_cast %max3A_1209 : vector<16xi32> to vector<16x1xi32>
      %gather3A_1211 = vector.shape_cast %broadcast_in_dim3A_1210 : vector<16x1xi32> to vector<16xi32>
      %gather3A_1212 = tpu.dynamic_gather %shift_right_logical3A_1203[%gather3A_1211] in [0] : vector<16xi32>, vector<16xi32> -> vector<16xi32>
      %eq3A_1213 = arith.constant 0 : i32
      %eq3A_1214 = vector.broadcast %eq3A_1213 : i32 to vector<16xi32>
      %eq3A_1215 = arith.cmpi eq, %iota3A, %eq3A_1214 : vector<16xi32>
      %ne3A_1216 = arith.cmpi ne, %shift_right_logical3A_1203, %gather3A_1212 : vector<16xi32>
      %or3A_1217 = arith.ori %eq3A_1215, %ne3A_1216 : vector<16xi1>
      %jit3A_1218 = arith.constant 0 : i32
      %broadcast_in_dim3A_1219 = vector.broadcast %jit3A_1218 : i32 to vector<16xi32>
      %select_n3A_1220 = arith.select %or3A_1217, %iota3A, %broadcast_in_dim3A_1219 : vector<16xi1>, vector<16xi32>
      %broadcast_in_dim3A_1221 = arith.constant true
      %broadcast_in_dim3A_1222 = vector.broadcast %broadcast_in_dim3A_1221 : i1 to vector<16xi1>
      %masked_cummax3A_1223 = arith.constant -2147483648 : i32
      %masked_cummax3A_1224 = vector.broadcast %masked_cummax3A_1223 : i32 to vector<16xi32>
      %masked_cummax3A_1225 = arith.xori %select_n3A_1220, %masked_cummax3A_1224 : vector<16xi32>
      %masked_cummax3A_1226 = tpu.scan <max>, %masked_cummax3A_1225 masked %broadcast_in_dim3A_1222 : vector<16xi32>, vector<16xi1> -> vector<16xi32>
      %masked_cummax3A_1227 = arith.xori %masked_cummax3A_1226, %masked_cummax3A_1224 : vector<16xi32>
      %sub3A_1228 = arith.subi %iota3A, %masked_cummax3A_1227 : vector<16xi32>
      %gather3A_1229 = tpu.vector_load_idx %arg13[%shift_right_logical3A_1203] : memref<32xi32, #tpu.memory_space<vmem>>[vector<16xi32>], vector<16xi32>,
      %add3A_1230 = arith.addi %gather3A_1229, %sub3A_1228 : vector<16xi32>
      %mul3A_1231 = arith.constant 1536 : i32
      %mul3A_1232 = vector.broadcast %mul3A_1231 : i32 to vector<16xi32>
      %mul3A_1233 = arith.muli %shift_right_logical3A_1203, %mul3A_1232 : vector<16xi32>
      %add3A_1234 = arith.addi %mul3A_1233, %add3A_1230 : vector<16xi32>
      %broadcast_in_dim3A_1235 = vector.shape_cast %masked_sort3A_1199 : vector<16xi32> to vector<16x1xi32>
      %gather3A_1236 = vector.shape_cast %broadcast_in_dim3A_1235 : vector<16x1xi32> to vector<16xi32>
      %gather3A_1237 = tpu.dynamic_gather %get3A_1181[%gather3A_1236] in [0] : vector<16xi32>, vector<16xi32> -> vector<16xi32>
      %broadcast_in_dim3A_1238 = vector.shape_cast %masked_sort3A_1199 : vector<16xi32> to vector<16x1xi32>
      %gather3A_1239 = vector.shape_cast %broadcast_in_dim3A_1238 : vector<16x1xi32> to vector<16xi32>
      %gather3A_1240 = tpu.dynamic_gather %get3A_1185[%gather3A_1239] in [0] : vector<16xf32>, vector<16xi32> -> vector<16xf32>
      tpu.vector_store_idx %arg7[%add3A_1234], %gather3A_1237 : memref<49152xi32, #tpu.memory_space<vmem>>[vector<16xi32>], vector<16xi32>,
      tpu.vector_store_idx %arg8[%add3A_1234], %gather3A_1240 : memref<49152xf32, #tpu.memory_space<vmem>>[vector<16xi32>], vector<16xf32>,
      tpu.vector_store_idx %arg13[%shift_right_logical3A_1203], %broadcast_in_dim3A_5 {add = true} : memref<32xi32, #tpu.memory_space<vmem>>[vector<16xi32>], vector<16xi32>,
      %scan3A_1241 = arith.constant 0 : i32
      %scan3A_1242 = arith.constant 125 : i32
      %add3A_1243 = arith.constant 2 : i32
      %add3A_1244 = arith.addi %add3A_1161, %add3A_1243 : i32
      %lt3A_1245 = arith.cmpi slt, %add3A_1244, %select_n3A : i32
      %convert_element_type3A_1246 = arith.extui %lt3A_1245 : i1 to i32
      %cond3A_1247 = arith.constant 0 : i32
      %cond3A_1248 = arith.cmpi ne, %convert_element_type3A_1246, %cond3A_1247 : i32
      scf.if %cond3A_1248 {
        %add3A_1250 = arith.constant 2 : i32
        %add3A_1251 = arith.addi %add3A_1161, %add3A_1250 : i32
        %mul3A_1252 = arith.constant 2000 : i32
        %mul3A_1253 = arith.muli %add3A_1251, %mul3A_1252 : i32
        %add3A_1254 = arith.addi %mul3A_2, %mul3A_1253 : i32
        %dma_start3A_1255 = tpu.memref_slice %arg2[%add3A_1254] : memref<1000000xi32, #tpu.memory_space<hbm>> -> memref<2000xi32, #tpu.memory_space<hbm>>
        %dma_start3A_1256 = tpu.memref_slice %arg2[%add3A_1254] : memref<1000000xi32, #tpu.memory_space<hbm>> -> memref<2000xi32, #tpu.memory_space<hbm>>
        tpu.enqueue_dma source(%dma_start3A_1256 : memref<2000xi32, #tpu.memory_space<hbm>>) target(%arg10 : memref<2000xi32, #tpu.memory_space<vmem>>) target_semaphore(%arg15 : memref<!tpu.dma_semaphore, #tpu.memory_space<semaphore_mem>>)
        %dma_start3A_1257 = tpu.memref_slice %arg3[%add3A_1254] : memref<1000000xf32, #tpu.memory_space<hbm>> -> memref<2000xf32, #tpu.memory_space<hbm>>
        %dma_start3A_1258 = tpu.memref_slice %arg3[%add3A_1254] : memref<1000000xf32, #tpu.memory_space<hbm>> -> memref<2000xf32, #tpu.memory_space<hbm>>
        tpu.enqueue_dma source(%dma_start3A_1258 : memref<2000xf32, #tpu.memory_space<hbm>>) target(%arg12 : memref<2000xf32, #tpu.memory_space<vmem>>) target_semaphore(%arg17 : memref<!tpu.dma_semaphore, #tpu.memory_space<semaphore_mem>>)
      } else {
      }
      %while3A_1249 = arith.constant 0 : i32
      scf.yield %while3A_1249 : i32
    }
    %while3A_51 = arith.constant 1 : i32
    %while3A_52 = scf.for %while3A_1076 = %while3A_48 to %while3A_44 step %while3A_51 iter_args(%while3A_1077 = %while3A_50) -> (i32)  : i32 {
      %mul3A_1078 = arith.constant 2 : i32
      %mul3A_1079 = arith.muli %mul3A_1078, %while3A_1076 : i32
      %add3A_1080 = arith.constant 0 : i32
      %add3A_1081 = arith.addi %mul3A_1079, %add3A_1080 : i32
      %dma_wait3A_1082 = arith.constant 0 : i32
      %dma_wait3A_1083 = tpu.memref_slice %arg2[%dma_wait3A_1082] : memref<1000000xi32, #tpu.memory_space<hbm>> -> memref<2000xi32, #tpu.memory_space<hbm>>
      %dma_wait3A_1084 = arith.constant 0 : i32
      %dma_wait3A_1085 = tpu.memref_slice %arg2[%dma_wait3A_1084] : memref<1000000xi32, #tpu.memory_space<hbm>> -> memref<2000xi32, #tpu.memory_space<hbm>>
      tpu.wait_dma2 semaphore(%arg14 : memref<!tpu.dma_semaphore, #tpu.memory_space<semaphore_mem>>) src(%dma_wait3A_1085 : memref<2000xi32, #tpu.memory_space<hbm>>) dst(%arg9 : memref<2000xi32, #tpu.memory_space<vmem>>)
      %dma_wait3A_1086 = arith.constant 0 : i32
      %dma_wait3A_1087 = tpu.memref_slice %arg3[%dma_wait3A_1086] : memref<1000000xf32, #tpu.memory_space<hbm>> -> memref<2000xf32, #tpu.memory_space<hbm>>
      %dma_wait3A_1088 = arith.constant 0 : i32
      %dma_wait3A_1089 = tpu.memref_slice %arg3[%dma_wait3A_1088] : memref<1000000xf32, #tpu.memory_space<hbm>> -> memref<2000xf32, #tpu.memory_space<hbm>>
      tpu.wait_dma2 semaphore(%arg16 : memref<!tpu.dma_semaphore, #tpu.memory_space<semaphore_mem>>) src(%dma_wait3A_1089 : memref<2000xf32, #tpu.memory_space<hbm>>) dst(%arg11 : memref<2000xf32, #tpu.memory_space<vmem>>)
      %scan3A = arith.constant 0 : i32
      %scan3A_1090 = arith.constant 0 : i32
      %scan3A_1091 = arith.constant 124 : i32
      %scan3A_1092 = arith.addi %scan3A_1090, %scan3A_1091 : i32
      %scan3A_1093 = arith.constant 4 : i32
      %scan3A_1094 = scf.for %scan3A_1250 = %scan3A_1090 to %scan3A_1092 step %scan3A_1093 iter_args(%scan3A_1251 = %scan3A) -> (i32)  : i32 {
        %mul3A_1252 = arith.constant 16 : i32
        %mul3A_1253 = arith.muli %scan3A_1250, %mul3A_1252 : i32
        %get3A_1254 = arith.index_cast %mul3A_1253 : i32 to index
        %get3A_1255 = tpu.vector_load %arg9[%get3A_1254] {strides = array<i32>} : memref<2000xi32, #tpu.memory_space<vmem>>, vector<16xi32>,
        %mul3A_1256 = arith.constant 16 : i32
        %mul3A_1257 = arith.muli %scan3A_1250, %mul3A_1256 : i32
        %get3A_1258 = arith.index_cast %mul3A_1257 : i32 to index
        %get3A_1259 = tpu.vector_load %arg11[%get3A_1258] {strides = array<i32>} : memref<2000xf32, #tpu.memory_space<vmem>>, vector<16xf32>,
        %shift_right_logical3A_1260 = arith.constant 15 : i32
        %shift_right_logical3A_1261 = vector.broadcast %shift_right_logical3A_1260 : i32 to vector<16xi32>
        %shift_right_logical3A_1262 = arith.shrui %get3A_1255, %shift_right_logical3A_1261 : vector<16xi32>
        %mul3A_1263 = arith.constant 16 : i32
        %mul3A_1264 = vector.broadcast %mul3A_1263 : i32 to vector<16xi32>
        %mul3A_1265 = arith.muli %shift_right_logical3A_1262, %mul3A_1264 : vector<16xi32>
        %add3A_1266 = arith.addi %mul3A_1265, %iota3A : vector<16xi32>
        %masked_sort3A_1267 = arith.constant dense<true> : vector<16xi1>
        %masked_sort3A_1268 = arith.constant -2147483648 : i32
        %masked_sort3A_1269 = vector.broadcast %masked_sort3A_1268 : i32 to vector<16xi32>
        %masked_sort3A_1270 = arith.xori %add3A_1266, %masked_sort3A_1269 : vector<16xi32>
        %masked_sort3A_1271, %masked_sort3A_1272, %masked_sort3A_1273 = tpu.sort %masked_sort3A_1270, %iota3A masked %masked_sort3A_1267 : (vector<16xi32>, vector<16xi32>, vector<16xi1>) -> (vector<16xi1>, vector<16xi32>, vector<16xi32>)
        %masked_sort3A_1274 = arith.xori %masked_sort3A_1272, %masked_sort3A_1269 : vector<16xi32>
        %shift_right_logical3A_1275 = arith.constant 4 : i32
        %shift_right_logical3A_1276 = vector.broadcast %shift_right_logical3A_1275 : i32 to vector<16xi32>
        %shift_right_logical3A_1277 = arith.shrui %masked_sort3A_1274, %shift_right_logical3A_1276 : vector<16xi32>
        %sub3A_1278 = arith.constant 1 : i32
        %sub3A_1279 = vector.broadcast %sub3A_1278 : i32 to vector<16xi32>
        %sub3A_1280 = arith.subi %iota3A, %sub3A_1279 : vector<16xi32>
        %max3A_1281 = arith.constant 0 : i32
        %max3A_1282 = vector.broadcast %max3A_1281 : i32 to vector<16xi32>
        %max3A_1283 = arith.maxsi %sub3A_1280, %max3A_1282 : vector<16xi32>
        %broadcast_in_dim3A_1284 = vector.shape_cast %max3A_1283 : vector<16xi32> to vector<16x1xi32>
        %gather3A_1285 = vector.shape_cast %broadcast_in_dim3A_1284 : vector<16x1xi32> to vector<16xi32>
        %gather3A_1286 = tpu.dynamic_gather %shift_right_logical3A_1277[%gather3A_1285] in [0] : vector<16xi32>, vector<16xi32> -> vector<16xi32>
        %eq3A_1287 = arith.constant 0 : i32
        %eq3A_1288 = vector.broadcast %eq3A_1287 : i32 to vector<16xi32>
        %eq3A_1289 = arith.cmpi eq, %iota3A, %eq3A_1288 : vector<16xi32>
        %ne3A_1290 = arith.cmpi ne, %shift_right_logical3A_1277, %gather3A_1286 : vector<16xi32>
        %or3A_1291 = arith.ori %eq3A_1289, %ne3A_1290 : vector<16xi1>
        %jit3A_1292 = arith.constant 0 : i32
        %broadcast_in_dim3A_1293 = vector.broadcast %jit3A_1292 : i32 to vector<16xi32>
        %select_n3A_1294 = arith.select %or3A_1291, %iota3A, %broadcast_in_dim3A_1293 : vector<16xi1>, vector<16xi32>
        %broadcast_in_dim3A_1295 = arith.constant true
        %broadcast_in_dim3A_1296 = vector.broadcast %broadcast_in_dim3A_1295 : i1 to vector<16xi1>
        %masked_cummax3A_1297 = arith.constant -2147483648 : i32
        %masked_cummax3A_1298 = vector.broadcast %masked_cummax3A_1297 : i32 to vector<16xi32>
        %masked_cummax3A_1299 = arith.xori %select_n3A_1294, %masked_cummax3A_1298 : vector<16xi32>
        %masked_cummax3A_1300 = tpu.scan <max>, %masked_cummax3A_1299 masked %broadcast_in_dim3A_1296 : vector<16xi32>, vector<16xi1> -> vector<16xi32>
        %masked_cummax3A_1301 = arith.xori %masked_cummax3A_1300, %masked_cummax3A_1298 : vector<16xi32>
        %sub3A_1302 = arith.subi %iota3A, %masked_cummax3A_1301 : vector<16xi32>
        %gather3A_1303 = tpu.vector_load_idx %arg13[%shift_right_logical3A_1277] : memref<32xi32, #tpu.memory_space<vmem>>[vector<16xi32>], vector<16xi32>,
        %add3A_1304 = arith.addi %gather3A_1303, %sub3A_1302 : vector<16xi32>
        %mul3A_1305 = arith.constant 1536 : i32
        %mul3A_1306 = vector.broadcast %mul3A_1305 : i32 to vector<16xi32>
        %mul3A_1307 = arith.muli %shift_right_logical3A_1277, %mul3A_1306 : vector<16xi32>
        %add3A_1308 = arith.addi %mul3A_1307, %add3A_1304 : vector<16xi32>
        %broadcast_in_dim3A_1309 = vector.shape_cast %masked_sort3A_1273 : vector<16xi32> to vector<16x1xi32>
        %gather3A_1310 = vector.shape_cast %broadcast_in_dim3A_1309 : vector<16x1xi32> to vector<16xi32>
        %gather3A_1311 = tpu.dynamic_gather %get3A_1255[%gather3A_1310] in [0] : vector<16xi32>, vector<16xi32> -> vector<16xi32>
        %broadcast_in_dim3A_1312 = vector.shape_cast %masked_sort3A_1273 : vector<16xi32> to vector<16x1xi32>
        %gather3A_1313 = vector.shape_cast %broadcast_in_dim3A_1312 : vector<16x1xi32> to vector<16xi32>
        %gather3A_1314 = tpu.dynamic_gather %get3A_1259[%gather3A_1313] in [0] : vector<16xf32>, vector<16xi32> -> vector<16xf32>
        tpu.vector_store_idx %arg7[%add3A_1308], %gather3A_1311 : memref<49152xi32, #tpu.memory_space<vmem>>[vector<16xi32>], vector<16xi32>,
        tpu.vector_store_idx %arg8[%add3A_1308], %gather3A_1314 : memref<49152xf32, #tpu.memory_space<vmem>>[vector<16xi32>], vector<16xf32>,
        tpu.vector_store_idx %arg13[%shift_right_logical3A_1277], %broadcast_in_dim3A_5 {add = true} : memref<32xi32, #tpu.memory_space<vmem>>[vector<16xi32>], vector<16xi32>,
        %scan3A_1315 = arith.constant 0 : i32
        %scan3A_1316 = arith.constant 1 : i32
        %scan3A_1317 = arith.addi %scan3A_1250, %scan3A_1316 : i32
        %mul3A_1318 = arith.constant 16 : i32
        %mul3A_1319 = arith.muli %scan3A_1317, %mul3A_1318 : i32
        %get3A_1320 = arith.index_cast %mul3A_1319 : i32 to index
        %get3A_1321 = tpu.vector_load %arg9[%get3A_1320] {strides = array<i32>} : memref<2000xi32, #tpu.memory_space<vmem>>, vector<16xi32>,
        %mul3A_1322 = arith.constant 16 : i32
        %mul3A_1323 = arith.muli %scan3A_1317, %mul3A_1322 : i32
        %get3A_1324 = arith.index_cast %mul3A_1323 : i32 to index
        %get3A_1325 = tpu.vector_load %arg11[%get3A_1324] {strides = array<i32>} : memref<2000xf32, #tpu.memory_space<vmem>>, vector<16xf32>,
        %shift_right_logical3A_1326 = arith.constant 15 : i32
        %shift_right_logical3A_1327 = vector.broadcast %shift_right_logical3A_1326 : i32 to vector<16xi32>
        %shift_right_logical3A_1328 = arith.shrui %get3A_1321, %shift_right_logical3A_1327 : vector<16xi32>
        %mul3A_1329 = arith.constant 16 : i32
        %mul3A_1330 = vector.broadcast %mul3A_1329 : i32 to vector<16xi32>
        %mul3A_1331 = arith.muli %shift_right_logical3A_1328, %mul3A_1330 : vector<16xi32>
        %add3A_1332 = arith.addi %mul3A_1331, %iota3A : vector<16xi32>
        %masked_sort3A_1333 = arith.constant dense<true> : vector<16xi1>
        %masked_sort3A_1334 = arith.constant -2147483648 : i32
        %masked_sort3A_1335 = vector.broadcast %masked_sort3A_1334 : i32 to vector<16xi32>
        %masked_sort3A_1336 = arith.xori %add3A_1332, %masked_sort3A_1335 : vector<16xi32>
        %masked_sort3A_1337, %masked_sort3A_1338, %masked_sort3A_1339 = tpu.sort %masked_sort3A_1336, %iota3A masked %masked_sort3A_1333 : (vector<16xi32>, vector<16xi32>, vector<16xi1>) -> (vector<16xi1>, vector<16xi32>, vector<16xi32>)
        %masked_sort3A_1340 = arith.xori %masked_sort3A_1338, %masked_sort3A_1335 : vector<16xi32>
        %shift_right_logical3A_1341 = arith.constant 4 : i32
        %shift_right_logical3A_1342 = vector.broadcast %shift_right_logical3A_1341 : i32 to vector<16xi32>
        %shift_right_logical3A_1343 = arith.shrui %masked_sort3A_1340, %shift_right_logical3A_1342 : vector<16xi32>
        %sub3A_1344 = arith.constant 1 : i32
        %sub3A_1345 = vector.broadcast %sub3A_1344 : i32 to vector<16xi32>
        %sub3A_1346 = arith.subi %iota3A, %sub3A_1345 : vector<16xi32>
        %max3A_1347 = arith.constant 0 : i32
        %max3A_1348 = vector.broadcast %max3A_1347 : i32 to vector<16xi32>
        %max3A_1349 = arith.maxsi %sub3A_1346, %max3A_1348 : vector<16xi32>
        %broadcast_in_dim3A_1350 = vector.shape_cast %max3A_1349 : vector<16xi32> to vector<16x1xi32>
        %gather3A_1351 = vector.shape_cast %broadcast_in_dim3A_1350 : vector<16x1xi32> to vector<16xi32>
        %gather3A_1352 = tpu.dynamic_gather %shift_right_logical3A_1343[%gather3A_1351] in [0] : vector<16xi32>, vector<16xi32> -> vector<16xi32>
        %eq3A_1353 = arith.constant 0 : i32
        %eq3A_1354 = vector.broadcast %eq3A_1353 : i32 to vector<16xi32>
        %eq3A_1355 = arith.cmpi eq, %iota3A, %eq3A_1354 : vector<16xi32>
        %ne3A_1356 = arith.cmpi ne, %shift_right_logical3A_1343, %gather3A_1352 : vector<16xi32>
        %or3A_1357 = arith.ori %eq3A_1355, %ne3A_1356 : vector<16xi1>
        %jit3A_1358 = arith.constant 0 : i32
        %broadcast_in_dim3A_1359 = vector.broadcast %jit3A_1358 : i32 to vector<16xi32>
        %select_n3A_1360 = arith.select %or3A_1357, %iota3A, %broadcast_in_dim3A_1359 : vector<16xi1>, vector<16xi32>
        %broadcast_in_dim3A_1361 = arith.constant true
        %broadcast_in_dim3A_1362 = vector.broadcast %broadcast_in_dim3A_1361 : i1 to vector<16xi1>
        %masked_cummax3A_1363 = arith.constant -2147483648 : i32
        %masked_cummax3A_1364 = vector.broadcast %masked_cummax3A_1363 : i32 to vector<16xi32>
        %masked_cummax3A_1365 = arith.xori %select_n3A_1360, %masked_cummax3A_1364 : vector<16xi32>
        %masked_cummax3A_1366 = tpu.scan <max>, %masked_cummax3A_1365 masked %broadcast_in_dim3A_1362 : vector<16xi32>, vector<16xi1> -> vector<16xi32>
        %masked_cummax3A_1367 = arith.xori %masked_cummax3A_1366, %masked_cummax3A_1364 : vector<16xi32>
        %sub3A_1368 = arith.subi %iota3A, %masked_cummax3A_1367 : vector<16xi32>
        %gather3A_1369 = tpu.vector_load_idx %arg13[%shift_right_logical3A_1343] : memref<32xi32, #tpu.memory_space<vmem>>[vector<16xi32>], vector<16xi32>,
        %add3A_1370 = arith.addi %gather3A_1369, %sub3A_1368 : vector<16xi32>
        %mul3A_1371 = arith.constant 1536 : i32
        %mul3A_1372 = vector.broadcast %mul3A_1371 : i32 to vector<16xi32>
        %mul3A_1373 = arith.muli %shift_right_logical3A_1343, %mul3A_1372 : vector<16xi32>
        %add3A_1374 = arith.addi %mul3A_1373, %add3A_1370 : vector<16xi32>
        %broadcast_in_dim3A_1375 = vector.shape_cast %masked_sort3A_1339 : vector<16xi32> to vector<16x1xi32>
        %gather3A_1376 = vector.shape_cast %broadcast_in_dim3A_1375 : vector<16x1xi32> to vector<16xi32>
        %gather3A_1377 = tpu.dynamic_gather %get3A_1321[%gather3A_1376] in [0] : vector<16xi32>, vector<16xi32> -> vector<16xi32>
        %broadcast_in_dim3A_1378 = vector.shape_cast %masked_sort3A_1339 : vector<16xi32> to vector<16x1xi32>
        %gather3A_1379 = vector.shape_cast %broadcast_in_dim3A_1378 : vector<16x1xi32> to vector<16xi32>
        %gather3A_1380 = tpu.dynamic_gather %get3A_1325[%gather3A_1379] in [0] : vector<16xf32>, vector<16xi32> -> vector<16xf32>
        tpu.vector_store_idx %arg7[%add3A_1374], %gather3A_1377 : memref<49152xi32, #tpu.memory_space<vmem>>[vector<16xi32>], vector<16xi32>,
        tpu.vector_store_idx %arg8[%add3A_1374], %gather3A_1380 : memref<49152xf32, #tpu.memory_space<vmem>>[vector<16xi32>], vector<16xf32>,
        tpu.vector_store_idx %arg13[%shift_right_logical3A_1343], %broadcast_in_dim3A_5 {add = true} : memref<32xi32, #tpu.memory_space<vmem>>[vector<16xi32>], vector<16xi32>,
        %scan3A_1381 = arith.constant 0 : i32
        %scan3A_1382 = arith.constant 2 : i32
        %scan3A_1383 = arith.addi %scan3A_1250, %scan3A_1382 : i32
        %mul3A_1384 = arith.constant 16 : i32
        %mul3A_1385 = arith.muli %scan3A_1383, %mul3A_1384 : i32
        %get3A_1386 = arith.index_cast %mul3A_1385 : i32 to index
        %get3A_1387 = tpu.vector_load %arg9[%get3A_1386] {strides = array<i32>} : memref<2000xi32, #tpu.memory_space<vmem>>, vector<16xi32>,
        %mul3A_1388 = arith.constant 16 : i32
        %mul3A_1389 = arith.muli %scan3A_1383, %mul3A_1388 : i32
        %get3A_1390 = arith.index_cast %mul3A_1389 : i32 to index
        %get3A_1391 = tpu.vector_load %arg11[%get3A_1390] {strides = array<i32>} : memref<2000xf32, #tpu.memory_space<vmem>>, vector<16xf32>,
        %shift_right_logical3A_1392 = arith.constant 15 : i32
        %shift_right_logical3A_1393 = vector.broadcast %shift_right_logical3A_1392 : i32 to vector<16xi32>
        %shift_right_logical3A_1394 = arith.shrui %get3A_1387, %shift_right_logical3A_1393 : vector<16xi32>
        %mul3A_1395 = arith.constant 16 : i32
        %mul3A_1396 = vector.broadcast %mul3A_1395 : i32 to vector<16xi32>
        %mul3A_1397 = arith.muli %shift_right_logical3A_1394, %mul3A_1396 : vector<16xi32>
        %add3A_1398 = arith.addi %mul3A_1397, %iota3A : vector<16xi32>
        %masked_sort3A_1399 = arith.constant dense<true> : vector<16xi1>
        %masked_sort3A_1400 = arith.constant -2147483648 : i32
        %masked_sort3A_1401 = vector.broadcast %masked_sort3A_1400 : i32 to vector<16xi32>
        %masked_sort3A_1402 = arith.xori %add3A_1398, %masked_sort3A_1401 : vector<16xi32>
        %masked_sort3A_1403, %masked_sort3A_1404, %masked_sort3A_1405 = tpu.sort %masked_sort3A_1402, %iota3A masked %masked_sort3A_1399 : (vector<16xi32>, vector<16xi32>, vector<16xi1>) -> (vector<16xi1>, vector<16xi32>, vector<16xi32>)
        %masked_sort3A_1406 = arith.xori %masked_sort3A_1404, %masked_sort3A_1401 : vector<16xi32>
        %shift_right_logical3A_1407 = arith.constant 4 : i32
        %shift_right_logical3A_1408 = vector.broadcast %shift_right_logical3A_1407 : i32 to vector<16xi32>
        %shift_right_logical3A_1409 = arith.shrui %masked_sort3A_1406, %shift_right_logical3A_1408 : vector<16xi32>
        %sub3A_1410 = arith.constant 1 : i32
        %sub3A_1411 = vector.broadcast %sub3A_1410 : i32 to vector<16xi32>
        %sub3A_1412 = arith.subi %iota3A, %sub3A_1411 : vector<16xi32>
        %max3A_1413 = arith.constant 0 : i32
        %max3A_1414 = vector.broadcast %max3A_1413 : i32 to vector<16xi32>
        %max3A_1415 = arith.maxsi %sub3A_1412, %max3A_1414 : vector<16xi32>
        %broadcast_in_dim3A_1416 = vector.shape_cast %max3A_1415 : vector<16xi32> to vector<16x1xi32>
        %gather3A_1417 = vector.shape_cast %broadcast_in_dim3A_1416 : vector<16x1xi32> to vector<16xi32>
        %gather3A_1418 = tpu.dynamic_gather %shift_right_logical3A_1409[%gather3A_1417] in [0] : vector<16xi32>, vector<16xi32> -> vector<16xi32>
        %eq3A_1419 = arith.constant 0 : i32
        %eq3A_1420 = vector.broadcast %eq3A_1419 : i32 to vector<16xi32>
        %eq3A_1421 = arith.cmpi eq, %iota3A, %eq3A_1420 : vector<16xi32>
        %ne3A_1422 = arith.cmpi ne, %shift_right_logical3A_1409, %gather3A_1418 : vector<16xi32>
        %or3A_1423 = arith.ori %eq3A_1421, %ne3A_1422 : vector<16xi1>
        %jit3A_1424 = arith.constant 0 : i32
        %broadcast_in_dim3A_1425 = vector.broadcast %jit3A_1424 : i32 to vector<16xi32>
        %select_n3A_1426 = arith.select %or3A_1423, %iota3A, %broadcast_in_dim3A_1425 : vector<16xi1>, vector<16xi32>
        %broadcast_in_dim3A_1427 = arith.constant true
        %broadcast_in_dim3A_1428 = vector.broadcast %broadcast_in_dim3A_1427 : i1 to vector<16xi1>
        %masked_cummax3A_1429 = arith.constant -2147483648 : i32
        %masked_cummax3A_1430 = vector.broadcast %masked_cummax3A_1429 : i32 to vector<16xi32>
        %masked_cummax3A_1431 = arith.xori %select_n3A_1426, %masked_cummax3A_1430 : vector<16xi32>
        %masked_cummax3A_1432 = tpu.scan <max>, %masked_cummax3A_1431 masked %broadcast_in_dim3A_1428 : vector<16xi32>, vector<16xi1> -> vector<16xi32>
        %masked_cummax3A_1433 = arith.xori %masked_cummax3A_1432, %masked_cummax3A_1430 : vector<16xi32>
        %sub3A_1434 = arith.subi %iota3A, %masked_cummax3A_1433 : vector<16xi32>
        %gather3A_1435 = tpu.vector_load_idx %arg13[%shift_right_logical3A_1409] : memref<32xi32, #tpu.memory_space<vmem>>[vector<16xi32>], vector<16xi32>,
        %add3A_1436 = arith.addi %gather3A_1435, %sub3A_1434 : vector<16xi32>
        %mul3A_1437 = arith.constant 1536 : i32
        %mul3A_1438 = vector.broadcast %mul3A_1437 : i32 to vector<16xi32>
        %mul3A_1439 = arith.muli %shift_right_logical3A_1409, %mul3A_1438 : vector<16xi32>
        %add3A_1440 = arith.addi %mul3A_1439, %add3A_1436 : vector<16xi32>
        %broadcast_in_dim3A_1441 = vector.shape_cast %masked_sort3A_1405 : vector<16xi32> to vector<16x1xi32>
        %gather3A_1442 = vector.shape_cast %broadcast_in_dim3A_1441 : vector<16x1xi32> to vector<16xi32>
        %gather3A_1443 = tpu.dynamic_gather %get3A_1387[%gather3A_1442] in [0] : vector<16xi32>, vector<16xi32> -> vector<16xi32>
        %broadcast_in_dim3A_1444 = vector.shape_cast %masked_sort3A_1405 : vector<16xi32> to vector<16x1xi32>
        %gather3A_1445 = vector.shape_cast %broadcast_in_dim3A_1444 : vector<16x1xi32> to vector<16xi32>
        %gather3A_1446 = tpu.dynamic_gather %get3A_1391[%gather3A_1445] in [0] : vector<16xf32>, vector<16xi32> -> vector<16xf32>
        tpu.vector_store_idx %arg7[%add3A_1440], %gather3A_1443 : memref<49152xi32, #tpu.memory_space<vmem>>[vector<16xi32>], vector<16xi32>,
        tpu.vector_store_idx %arg8[%add3A_1440], %gather3A_1446 : memref<49152xf32, #tpu.memory_space<vmem>>[vector<16xi32>], vector<16xf32>,
        tpu.vector_store_idx %arg13[%shift_right_logical3A_1409], %broadcast_in_dim3A_5 {add = true} : memref<32xi32, #tpu.memory_space<vmem>>[vector<16xi32>], vector<16xi32>,
        %scan3A_1447 = arith.constant 0 : i32
        %scan3A_1448 = arith.constant 3 : i32
        %scan3A_1449 = arith.addi %scan3A_1250, %scan3A_1448 : i32
        %mul3A_1450 = arith.constant 16 : i32
        %mul3A_1451 = arith.muli %scan3A_1449, %mul3A_1450 : i32
        %get3A_1452 = arith.index_cast %mul3A_1451 : i32 to index
        %get3A_1453 = tpu.vector_load %arg9[%get3A_1452] {strides = array<i32>} : memref<2000xi32, #tpu.memory_space<vmem>>, vector<16xi32>,
        %mul3A_1454 = arith.constant 16 : i32
        %mul3A_1455 = arith.muli %scan3A_1449, %mul3A_1454 : i32
        %get3A_1456 = arith.index_cast %mul3A_1455 : i32 to index
        %get3A_1457 = tpu.vector_load %arg11[%get3A_1456] {strides = array<i32>} : memref<2000xf32, #tpu.memory_space<vmem>>, vector<16xf32>,
        %shift_right_logical3A_1458 = arith.constant 15 : i32
        %shift_right_logical3A_1459 = vector.broadcast %shift_right_logical3A_1458 : i32 to vector<16xi32>
        %shift_right_logical3A_1460 = arith.shrui %get3A_1453, %shift_right_logical3A_1459 : vector<16xi32>
        %mul3A_1461 = arith.constant 16 : i32
        %mul3A_1462 = vector.broadcast %mul3A_1461 : i32 to vector<16xi32>
        %mul3A_1463 = arith.muli %shift_right_logical3A_1460, %mul3A_1462 : vector<16xi32>
        %add3A_1464 = arith.addi %mul3A_1463, %iota3A : vector<16xi32>
        %masked_sort3A_1465 = arith.constant dense<true> : vector<16xi1>
        %masked_sort3A_1466 = arith.constant -2147483648 : i32
        %masked_sort3A_1467 = vector.broadcast %masked_sort3A_1466 : i32 to vector<16xi32>
        %masked_sort3A_1468 = arith.xori %add3A_1464, %masked_sort3A_1467 : vector<16xi32>
        %masked_sort3A_1469, %masked_sort3A_1470, %masked_sort3A_1471 = tpu.sort %masked_sort3A_1468, %iota3A masked %masked_sort3A_1465 : (vector<16xi32>, vector<16xi32>, vector<16xi1>) -> (vector<16xi1>, vector<16xi32>, vector<16xi32>)
        %masked_sort3A_1472 = arith.xori %masked_sort3A_1470, %masked_sort3A_1467 : vector<16xi32>
        %shift_right_logical3A_1473 = arith.constant 4 : i32
        %shift_right_logical3A_1474 = vector.broadcast %shift_right_logical3A_1473 : i32 to vector<16xi32>
        %shift_right_logical3A_1475 = arith.shrui %masked_sort3A_1472, %shift_right_logical3A_1474 : vector<16xi32>
        %sub3A_1476 = arith.constant 1 : i32
        %sub3A_1477 = vector.broadcast %sub3A_1476 : i32 to vector<16xi32>
        %sub3A_1478 = arith.subi %iota3A, %sub3A_1477 : vector<16xi32>
        %max3A_1479 = arith.constant 0 : i32
        %max3A_1480 = vector.broadcast %max3A_1479 : i32 to vector<16xi32>
        %max3A_1481 = arith.maxsi %sub3A_1478, %max3A_1480 : vector<16xi32>
        %broadcast_in_dim3A_1482 = vector.shape_cast %max3A_1481 : vector<16xi32> to vector<16x1xi32>
        %gather3A_1483 = vector.shape_cast %broadcast_in_dim3A_1482 : vector<16x1xi32> to vector<16xi32>
        %gather3A_1484 = tpu.dynamic_gather %shift_right_logical3A_1475[%gather3A_1483] in [0] : vector<16xi32>, vector<16xi32> -> vector<16xi32>
        %eq3A_1485 = arith.constant 0 : i32
        %eq3A_1486 = vector.broadcast %eq3A_1485 : i32 to vector<16xi32>
        %eq3A_1487 = arith.cmpi eq, %iota3A, %eq3A_1486 : vector<16xi32>
        %ne3A_1488 = arith.cmpi ne, %shift_right_logical3A_1475, %gather3A_1484 : vector<16xi32>
        %or3A_1489 = arith.ori %eq3A_1487, %ne3A_1488 : vector<16xi1>
        %jit3A_1490 = arith.constant 0 : i32
        %broadcast_in_dim3A_1491 = vector.broadcast %jit3A_1490 : i32 to vector<16xi32>
        %select_n3A_1492 = arith.select %or3A_1489, %iota3A, %broadcast_in_dim3A_1491 : vector<16xi1>, vector<16xi32>
        %broadcast_in_dim3A_1493 = arith.constant true
        %broadcast_in_dim3A_1494 = vector.broadcast %broadcast_in_dim3A_1493 : i1 to vector<16xi1>
        %masked_cummax3A_1495 = arith.constant -2147483648 : i32
        %masked_cummax3A_1496 = vector.broadcast %masked_cummax3A_1495 : i32 to vector<16xi32>
        %masked_cummax3A_1497 = arith.xori %select_n3A_1492, %masked_cummax3A_1496 : vector<16xi32>
        %masked_cummax3A_1498 = tpu.scan <max>, %masked_cummax3A_1497 masked %broadcast_in_dim3A_1494 : vector<16xi32>, vector<16xi1> -> vector<16xi32>
        %masked_cummax3A_1499 = arith.xori %masked_cummax3A_1498, %masked_cummax3A_1496 : vector<16xi32>
        %sub3A_1500 = arith.subi %iota3A, %masked_cummax3A_1499 : vector<16xi32>
        %gather3A_1501 = tpu.vector_load_idx %arg13[%shift_right_logical3A_1475] : memref<32xi32, #tpu.memory_space<vmem>>[vector<16xi32>], vector<16xi32>,
        %add3A_1502 = arith.addi %gather3A_1501, %sub3A_1500 : vector<16xi32>
        %mul3A_1503 = arith.constant 1536 : i32
        %mul3A_1504 = vector.broadcast %mul3A_1503 : i32 to vector<16xi32>
        %mul3A_1505 = arith.muli %shift_right_logical3A_1475, %mul3A_1504 : vector<16xi32>
        %add3A_1506 = arith.addi %mul3A_1505, %add3A_1502 : vector<16xi32>
        %broadcast_in_dim3A_1507 = vector.shape_cast %masked_sort3A_1471 : vector<16xi32> to vector<16x1xi32>
        %gather3A_1508 = vector.shape_cast %broadcast_in_dim3A_1507 : vector<16x1xi32> to vector<16xi32>
        %gather3A_1509 = tpu.dynamic_gather %get3A_1453[%gather3A_1508] in [0] : vector<16xi32>, vector<16xi32> -> vector<16xi32>
        %broadcast_in_dim3A_1510 = vector.shape_cast %masked_sort3A_1471 : vector<16xi32> to vector<16x1xi32>
        %gather3A_1511 = vector.shape_cast %broadcast_in_dim3A_1510 : vector<16x1xi32> to vector<16xi32>
        %gather3A_1512 = tpu.dynamic_gather %get3A_1457[%gather3A_1511] in [0] : vector<16xf32>, vector<16xi32> -> vector<16xf32>
        tpu.vector_store_idx %arg7[%add3A_1506], %gather3A_1509 : memref<49152xi32, #tpu.memory_space<vmem>>[vector<16xi32>], vector<16xi32>,
        tpu.vector_store_idx %arg8[%add3A_1506], %gather3A_1512 : memref<49152xf32, #tpu.memory_space<vmem>>[vector<16xi32>], vector<16xf32>,
        tpu.vector_store_idx %arg13[%shift_right_logical3A_1475], %broadcast_in_dim3A_5 {add = true} : memref<32xi32, #tpu.memory_space<vmem>>[vector<16xi32>], vector<16xi32>,
        %scan3A_1513 = arith.constant 0 : i32
        scf.yield %scan3A_1513 : i32
      }
      %scan3A_1095 = arith.constant 124 : i32
      %scan3A_1096 = arith.addi %scan3A_1090, %scan3A_1095 : i32
      %mul3A_1097 = arith.constant 16 : i32
      %mul3A_1098 = arith.muli %scan3A_1096, %mul3A_1097 : i32
      %get3A = arith.index_cast %mul3A_1098 : i32 to index
      %get3A_1099 = tpu.vector_load %arg9[%get3A] {strides = array<i32>} : memref<2000xi32, #tpu.memory_space<vmem>>, vector<16xi32>,
      %mul3A_1100 = arith.constant 16 : i32
      %mul3A_1101 = arith.muli %scan3A_1096, %mul3A_1100 : i32
      %get3A_1102 = arith.index_cast %mul3A_1101 : i32 to index
      %get3A_1103 = tpu.vector_load %arg11[%get3A_1102] {strides = array<i32>} : memref<2000xf32, #tpu.memory_space<vmem>>, vector<16xf32>,
      %shift_right_logical3A = arith.constant 15 : i32
      %shift_right_logical3A_1104 = vector.broadcast %shift_right_logical3A : i32 to vector<16xi32>
      %shift_right_logical3A_1105 = arith.shrui %get3A_1099, %shift_right_logical3A_1104 : vector<16xi32>
      %mul3A_1106 = arith.constant 16 : i32
      %mul3A_1107 = vector.broadcast %mul3A_1106 : i32 to vector<16xi32>
      %mul3A_1108 = arith.muli %shift_right_logical3A_1105, %mul3A_1107 : vector<16xi32>
      %add3A_1109 = arith.addi %mul3A_1108, %iota3A : vector<16xi32>
      %masked_sort3A = arith.constant dense<true> : vector<16xi1>
      %masked_sort3A_1110 = arith.constant -2147483648 : i32
      %masked_sort3A_1111 = vector.broadcast %masked_sort3A_1110 : i32 to vector<16xi32>
      %masked_sort3A_1112 = arith.xori %add3A_1109, %masked_sort3A_1111 : vector<16xi32>
      %masked_sort3A_1113, %masked_sort3A_1114, %masked_sort3A_1115 = tpu.sort %masked_sort3A_1112, %iota3A masked %masked_sort3A : (vector<16xi32>, vector<16xi32>, vector<16xi1>) -> (vector<16xi1>, vector<16xi32>, vector<16xi32>)
      %masked_sort3A_1116 = arith.xori %masked_sort3A_1114, %masked_sort3A_1111 : vector<16xi32>
      %shift_right_logical3A_1117 = arith.constant 4 : i32
      %shift_right_logical3A_1118 = vector.broadcast %shift_right_logical3A_1117 : i32 to vector<16xi32>
      %shift_right_logical3A_1119 = arith.shrui %masked_sort3A_1116, %shift_right_logical3A_1118 : vector<16xi32>
      %sub3A_1120 = arith.constant 1 : i32
      %sub3A_1121 = vector.broadcast %sub3A_1120 : i32 to vector<16xi32>
      %sub3A_1122 = arith.subi %iota3A, %sub3A_1121 : vector<16xi32>
      %max3A = arith.constant 0 : i32
      %max3A_1123 = vector.broadcast %max3A : i32 to vector<16xi32>
      %max3A_1124 = arith.maxsi %sub3A_1122, %max3A_1123 : vector<16xi32>
      %broadcast_in_dim3A_1125 = vector.shape_cast %max3A_1124 : vector<16xi32> to vector<16x1xi32>
      %gather3A = vector.shape_cast %broadcast_in_dim3A_1125 : vector<16x1xi32> to vector<16xi32>
      %gather3A_1126 = tpu.dynamic_gather %shift_right_logical3A_1119[%gather3A] in [0] : vector<16xi32>, vector<16xi32> -> vector<16xi32>
      %eq3A_1127 = arith.constant 0 : i32
      %eq3A_1128 = vector.broadcast %eq3A_1127 : i32 to vector<16xi32>
      %eq3A_1129 = arith.cmpi eq, %iota3A, %eq3A_1128 : vector<16xi32>
      %ne3A_1130 = arith.cmpi ne, %shift_right_logical3A_1119, %gather3A_1126 : vector<16xi32>
      %or3A = arith.ori %eq3A_1129, %ne3A_1130 : vector<16xi1>
      %jit3A_1131 = arith.constant 0 : i32
      %broadcast_in_dim3A_1132 = vector.broadcast %jit3A_1131 : i32 to vector<16xi32>
      %select_n3A_1133 = arith.select %or3A, %iota3A, %broadcast_in_dim3A_1132 : vector<16xi1>, vector<16xi32>
      %broadcast_in_dim3A_1134 = arith.constant true
      %broadcast_in_dim3A_1135 = vector.broadcast %broadcast_in_dim3A_1134 : i1 to vector<16xi1>
      %masked_cummax3A = arith.constant -2147483648 : i32
      %masked_cummax3A_1136 = vector.broadcast %masked_cummax3A : i32 to vector<16xi32>
      %masked_cummax3A_1137 = arith.xori %select_n3A_1133, %masked_cummax3A_1136 : vector<16xi32>
      %masked_cummax3A_1138 = tpu.scan <max>, %masked_cummax3A_1137 masked %broadcast_in_dim3A_1135 : vector<16xi32>, vector<16xi1> -> vector<16xi32>
      %masked_cummax3A_1139 = arith.xori %masked_cummax3A_1138, %masked_cummax3A_1136 : vector<16xi32>
      %sub3A_1140 = arith.subi %iota3A, %masked_cummax3A_1139 : vector<16xi32>
      %gather3A_1141 = tpu.vector_load_idx %arg13[%shift_right_logical3A_1119] : memref<32xi32, #tpu.memory_space<vmem>>[vector<16xi32>], vector<16xi32>,
      %add3A_1142 = arith.addi %gather3A_1141, %sub3A_1140 : vector<16xi32>
      %mul3A_1143 = arith.constant 1536 : i32
      %mul3A_1144 = vector.broadcast %mul3A_1143 : i32 to vector<16xi32>
      %mul3A_1145 = arith.muli %shift_right_logical3A_1119, %mul3A_1144 : vector<16xi32>
      %add3A_1146 = arith.addi %mul3A_1145, %add3A_1142 : vector<16xi32>
      %broadcast_in_dim3A_1147 = vector.shape_cast %masked_sort3A_1115 : vector<16xi32> to vector<16x1xi32>
      %gather3A_1148 = vector.shape_cast %broadcast_in_dim3A_1147 : vector<16x1xi32> to vector<16xi32>
      %gather3A_1149 = tpu.dynamic_gather %get3A_1099[%gather3A_1148] in [0] : vector<16xi32>, vector<16xi32> -> vector<16xi32>
      %broadcast_in_dim3A_1150 = vector.shape_cast %masked_sort3A_1115 : vector<16xi32> to vector<16x1xi32>
      %gather3A_1151 = vector.shape_cast %broadcast_in_dim3A_1150 : vector<16x1xi32> to vector<16xi32>
      %gather3A_1152 = tpu.dynamic_gather %get3A_1103[%gather3A_1151] in [0] : vector<16xf32>, vector<16xi32> -> vector<16xf32>
      tpu.vector_store_idx %arg7[%add3A_1146], %gather3A_1149 : memref<49152xi32, #tpu.memory_space<vmem>>[vector<16xi32>], vector<16xi32>,
      tpu.vector_store_idx %arg8[%add3A_1146], %gather3A_1152 : memref<49152xf32, #tpu.memory_space<vmem>>[vector<16xi32>], vector<16xf32>,
      tpu.vector_store_idx %arg13[%shift_right_logical3A_1119], %broadcast_in_dim3A_5 {add = true} : memref<32xi32, #tpu.memory_space<vmem>>[vector<16xi32>], vector<16xi32>,
      %scan3A_1153 = arith.constant 0 : i32
      %scan3A_1154 = arith.constant 125 : i32
      %add3A_1155 = arith.constant 2 : i32
      %add3A_1156 = arith.addi %add3A_1081, %add3A_1155 : i32
      %lt3A = arith.cmpi slt, %add3A_1156, %select_n3A : i32
      %convert_element_type3A = arith.extui %lt3A : i1 to i32
      %cond3A = arith.constant 0 : i32
      %cond3A_1157 = arith.cmpi ne, %convert_element_type3A, %cond3A : i32
      scf.if %cond3A_1157 {
        %add3A_1250 = arith.constant 2 : i32
        %add3A_1251 = arith.addi %add3A_1081, %add3A_1250 : i32
        %mul3A_1252 = arith.constant 2000 : i32
        %mul3A_1253 = arith.muli %add3A_1251, %mul3A_1252 : i32
        %add3A_1254 = arith.addi %mul3A_2, %mul3A_1253 : i32
        %dma_start3A_1255 = tpu.memref_slice %arg2[%add3A_1254] : memref<1000000xi32, #tpu.memory_space<hbm>> -> memref<2000xi32, #tpu.memory_space<hbm>>
        %dma_start3A_1256 = tpu.memref_slice %arg2[%add3A_1254] : memref<1000000xi32, #tpu.memory_space<hbm>> -> memref<2000xi32, #tpu.memory_space<hbm>>
        tpu.enqueue_dma source(%dma_start3A_1256 : memref<2000xi32, #tpu.memory_space<hbm>>) target(%arg9 : memref<2000xi32, #tpu.memory_space<vmem>>) target_semaphore(%arg14 : memref<!tpu.dma_semaphore, #tpu.memory_space<semaphore_mem>>)
        %dma_start3A_1257 = tpu.memref_slice %arg3[%add3A_1254] : memref<1000000xf32, #tpu.memory_space<hbm>> -> memref<2000xf32, #tpu.memory_space<hbm>>
        %dma_start3A_1258 = tpu.memref_slice %arg3[%add3A_1254] : memref<1000000xf32, #tpu.memory_space<hbm>> -> memref<2000xf32, #tpu.memory_space<hbm>>
        tpu.enqueue_dma source(%dma_start3A_1258 : memref<2000xf32, #tpu.memory_space<hbm>>) target(%arg11 : memref<2000xf32, #tpu.memory_space<vmem>>) target_semaphore(%arg16 : memref<!tpu.dma_semaphore, #tpu.memory_space<semaphore_mem>>)
      } else {
      }
      %mul3A_1158 = arith.constant 2 : i32
      %mul3A_1159 = arith.muli %mul3A_1158, %while3A_1076 : i32
      %add3A_1160 = arith.constant 1 : i32
      %add3A_1161 = arith.addi %mul3A_1159, %add3A_1160 : i32
      %dma_wait3A_1162 = arith.constant 0 : i32
      %dma_wait3A_1163 = tpu.memref_slice %arg2[%dma_wait3A_1162] : memref<1000000xi32, #tpu.memory_space<hbm>> -> memref<2000xi32, #tpu.memory_space<hbm>>
      %dma_wait3A_1164 = arith.constant 0 : i32
      %dma_wait3A_1165 = tpu.memref_slice %arg2[%dma_wait3A_1164] : memref<1000000xi32, #tpu.memory_space<hbm>> -> memref<2000xi32, #tpu.memory_space<hbm>>
      tpu.wait_dma2 semaphore(%arg15 : memref<!tpu.dma_semaphore, #tpu.memory_space<semaphore_mem>>) src(%dma_wait3A_1165 : memref<2000xi32, #tpu.memory_space<hbm>>) dst(%arg10 : memref<2000xi32, #tpu.memory_space<vmem>>)
      %dma_wait3A_1166 = arith.constant 0 : i32
      %dma_wait3A_1167 = tpu.memref_slice %arg3[%dma_wait3A_1166] : memref<1000000xf32, #tpu.memory_space<hbm>> -> memref<2000xf32, #tpu.memory_space<hbm>>
      %dma_wait3A_1168 = arith.constant 0 : i32
      %dma_wait3A_1169 = tpu.memref_slice %arg3[%dma_wait3A_1168] : memref<1000000xf32, #tpu.memory_space<hbm>> -> memref<2000xf32, #tpu.memory_space<hbm>>
      tpu.wait_dma2 semaphore(%arg17 : memref<!tpu.dma_semaphore, #tpu.memory_space<semaphore_mem>>) src(%dma_wait3A_1169 : memref<2000xf32, #tpu.memory_space<hbm>>) dst(%arg12 : memref<2000xf32, #tpu.memory_space<vmem>>)
      %scan3A_1170 = arith.constant 0 : i32
      %scan3A_1171 = arith.constant 0 : i32
      %scan3A_1172 = arith.constant 124 : i32
      %scan3A_1173 = arith.addi %scan3A_1171, %scan3A_1172 : i32
      %scan3A_1174 = arith.constant 4 : i32
      %scan3A_1175 = scf.for %scan3A_1250 = %scan3A_1171 to %scan3A_1173 step %scan3A_1174 iter_args(%scan3A_1251 = %scan3A_1170) -> (i32)  : i32 {
        %mul3A_1252 = arith.constant 16 : i32
        %mul3A_1253 = arith.muli %scan3A_1250, %mul3A_1252 : i32
        %get3A_1254 = arith.index_cast %mul3A_1253 : i32 to index
        %get3A_1255 = tpu.vector_load %arg10[%get3A_1254] {strides = array<i32>} : memref<2000xi32, #tpu.memory_space<vmem>>, vector<16xi32>,
        %mul3A_1256 = arith.constant 16 : i32
        %mul3A_1257 = arith.muli %scan3A_1250, %mul3A_1256 : i32
        %get3A_1258 = arith.index_cast %mul3A_1257 : i32 to index
        %get3A_1259 = tpu.vector_load %arg12[%get3A_1258] {strides = array<i32>} : memref<2000xf32, #tpu.memory_space<vmem>>, vector<16xf32>,
        %shift_right_logical3A_1260 = arith.constant 15 : i32
        %shift_right_logical3A_1261 = vector.broadcast %shift_right_logical3A_1260 : i32 to vector<16xi32>
        %shift_right_logical3A_1262 = arith.shrui %get3A_1255, %shift_right_logical3A_1261 : vector<16xi32>
        %mul3A_1263 = arith.constant 16 : i32
        %mul3A_1264 = vector.broadcast %mul3A_1263 : i32 to vector<16xi32>
        %mul3A_1265 = arith.muli %shift_right_logical3A_1262, %mul3A_1264 : vector<16xi32>
        %add3A_1266 = arith.addi %mul3A_1265, %iota3A : vector<16xi32>
        %masked_sort3A_1267 = arith.constant dense<true> : vector<16xi1>
        %masked_sort3A_1268 = arith.constant -2147483648 : i32
        %masked_sort3A_1269 = vector.broadcast %masked_sort3A_1268 : i32 to vector<16xi32>
        %masked_sort3A_1270 = arith.xori %add3A_1266, %masked_sort3A_1269 : vector<16xi32>
        %masked_sort3A_1271, %masked_sort3A_1272, %masked_sort3A_1273 = tpu.sort %masked_sort3A_1270, %iota3A masked %masked_sort3A_1267 : (vector<16xi32>, vector<16xi32>, vector<16xi1>) -> (vector<16xi1>, vector<16xi32>, vector<16xi32>)
        %masked_sort3A_1274 = arith.xori %masked_sort3A_1272, %masked_sort3A_1269 : vector<16xi32>
        %shift_right_logical3A_1275 = arith.constant 4 : i32
        %shift_right_logical3A_1276 = vector.broadcast %shift_right_logical3A_1275 : i32 to vector<16xi32>
        %shift_right_logical3A_1277 = arith.shrui %masked_sort3A_1274, %shift_right_logical3A_1276 : vector<16xi32>
        %sub3A_1278 = arith.constant 1 : i32
        %sub3A_1279 = vector.broadcast %sub3A_1278 : i32 to vector<16xi32>
        %sub3A_1280 = arith.subi %iota3A, %sub3A_1279 : vector<16xi32>
        %max3A_1281 = arith.constant 0 : i32
        %max3A_1282 = vector.broadcast %max3A_1281 : i32 to vector<16xi32>
        %max3A_1283 = arith.maxsi %sub3A_1280, %max3A_1282 : vector<16xi32>
        %broadcast_in_dim3A_1284 = vector.shape_cast %max3A_1283 : vector<16xi32> to vector<16x1xi32>
        %gather3A_1285 = vector.shape_cast %broadcast_in_dim3A_1284 : vector<16x1xi32> to vector<16xi32>
        %gather3A_1286 = tpu.dynamic_gather %shift_right_logical3A_1277[%gather3A_1285] in [0] : vector<16xi32>, vector<16xi32> -> vector<16xi32>
        %eq3A_1287 = arith.constant 0 : i32
        %eq3A_1288 = vector.broadcast %eq3A_1287 : i32 to vector<16xi32>
        %eq3A_1289 = arith.cmpi eq, %iota3A, %eq3A_1288 : vector<16xi32>
        %ne3A_1290 = arith.cmpi ne, %shift_right_logical3A_1277, %gather3A_1286 : vector<16xi32>
        %or3A_1291 = arith.ori %eq3A_1289, %ne3A_1290 : vector<16xi1>
        %jit3A_1292 = arith.constant 0 : i32
        %broadcast_in_dim3A_1293 = vector.broadcast %jit3A_1292 : i32 to vector<16xi32>
        %select_n3A_1294 = arith.select %or3A_1291, %iota3A, %broadcast_in_dim3A_1293 : vector<16xi1>, vector<16xi32>
        %broadcast_in_dim3A_1295 = arith.constant true
        %broadcast_in_dim3A_1296 = vector.broadcast %broadcast_in_dim3A_1295 : i1 to vector<16xi1>
        %masked_cummax3A_1297 = arith.constant -2147483648 : i32
        %masked_cummax3A_1298 = vector.broadcast %masked_cummax3A_1297 : i32 to vector<16xi32>
        %masked_cummax3A_1299 = arith.xori %select_n3A_1294, %masked_cummax3A_1298 : vector<16xi32>
        %masked_cummax3A_1300 = tpu.scan <max>, %masked_cummax3A_1299 masked %broadcast_in_dim3A_1296 : vector<16xi32>, vector<16xi1> -> vector<16xi32>
        %masked_cummax3A_1301 = arith.xori %masked_cummax3A_1300, %masked_cummax3A_1298 : vector<16xi32>
        %sub3A_1302 = arith.subi %iota3A, %masked_cummax3A_1301 : vector<16xi32>
        %gather3A_1303 = tpu.vector_load_idx %arg13[%shift_right_logical3A_1277] : memref<32xi32, #tpu.memory_space<vmem>>[vector<16xi32>], vector<16xi32>,
        %add3A_1304 = arith.addi %gather3A_1303, %sub3A_1302 : vector<16xi32>
        %mul3A_1305 = arith.constant 1536 : i32
        %mul3A_1306 = vector.broadcast %mul3A_1305 : i32 to vector<16xi32>
        %mul3A_1307 = arith.muli %shift_right_logical3A_1277, %mul3A_1306 : vector<16xi32>
        %add3A_1308 = arith.addi %mul3A_1307, %add3A_1304 : vector<16xi32>
        %broadcast_in_dim3A_1309 = vector.shape_cast %masked_sort3A_1273 : vector<16xi32> to vector<16x1xi32>
        %gather3A_1310 = vector.shape_cast %broadcast_in_dim3A_1309 : vector<16x1xi32> to vector<16xi32>
        %gather3A_1311 = tpu.dynamic_gather %get3A_1255[%gather3A_1310] in [0] : vector<16xi32>, vector<16xi32> -> vector<16xi32>
        %broadcast_in_dim3A_1312 = vector.shape_cast %masked_sort3A_1273 : vector<16xi32> to vector<16x1xi32>
        %gather3A_1313 = vector.shape_cast %broadcast_in_dim3A_1312 : vector<16x1xi32> to vector<16xi32>
        %gather3A_1314 = tpu.dynamic_gather %get3A_1259[%gather3A_1313] in [0] : vector<16xf32>, vector<16xi32> -> vector<16xf32>
        tpu.vector_store_idx %arg7[%add3A_1308], %gather3A_1311 : memref<49152xi32, #tpu.memory_space<vmem>>[vector<16xi32>], vector<16xi32>,
        tpu.vector_store_idx %arg8[%add3A_1308], %gather3A_1314 : memref<49152xf32, #tpu.memory_space<vmem>>[vector<16xi32>], vector<16xf32>,
        tpu.vector_store_idx %arg13[%shift_right_logical3A_1277], %broadcast_in_dim3A_5 {add = true} : memref<32xi32, #tpu.memory_space<vmem>>[vector<16xi32>], vector<16xi32>,
        %scan3A_1315 = arith.constant 0 : i32
        %scan3A_1316 = arith.constant 1 : i32
        %scan3A_1317 = arith.addi %scan3A_1250, %scan3A_1316 : i32
        %mul3A_1318 = arith.constant 16 : i32
        %mul3A_1319 = arith.muli %scan3A_1317, %mul3A_1318 : i32
        %get3A_1320 = arith.index_cast %mul3A_1319 : i32 to index
        %get3A_1321 = tpu.vector_load %arg10[%get3A_1320] {strides = array<i32>} : memref<2000xi32, #tpu.memory_space<vmem>>, vector<16xi32>,
        %mul3A_1322 = arith.constant 16 : i32
        %mul3A_1323 = arith.muli %scan3A_1317, %mul3A_1322 : i32
        %get3A_1324 = arith.index_cast %mul3A_1323 : i32 to index
        %get3A_1325 = tpu.vector_load %arg12[%get3A_1324] {strides = array<i32>} : memref<2000xf32, #tpu.memory_space<vmem>>, vector<16xf32>,
        %shift_right_logical3A_1326 = arith.constant 15 : i32
        %shift_right_logical3A_1327 = vector.broadcast %shift_right_logical3A_1326 : i32 to vector<16xi32>
        %shift_right_logical3A_1328 = arith.shrui %get3A_1321, %shift_right_logical3A_1327 : vector<16xi32>
        %mul3A_1329 = arith.constant 16 : i32
        %mul3A_1330 = vector.broadcast %mul3A_1329 : i32 to vector<16xi32>
        %mul3A_1331 = arith.muli %shift_right_logical3A_1328, %mul3A_1330 : vector<16xi32>
        %add3A_1332 = arith.addi %mul3A_1331, %iota3A : vector<16xi32>
        %masked_sort3A_1333 = arith.constant dense<true> : vector<16xi1>
        %masked_sort3A_1334 = arith.constant -2147483648 : i32
        %masked_sort3A_1335 = vector.broadcast %masked_sort3A_1334 : i32 to vector<16xi32>
        %masked_sort3A_1336 = arith.xori %add3A_1332, %masked_sort3A_1335 : vector<16xi32>
        %masked_sort3A_1337, %masked_sort3A_1338, %masked_sort3A_1339 = tpu.sort %masked_sort3A_1336, %iota3A masked %masked_sort3A_1333 : (vector<16xi32>, vector<16xi32>, vector<16xi1>) -> (vector<16xi1>, vector<16xi32>, vector<16xi32>)
        %masked_sort3A_1340 = arith.xori %masked_sort3A_1338, %masked_sort3A_1335 : vector<16xi32>
        %shift_right_logical3A_1341 = arith.constant 4 : i32
        %shift_right_logical3A_1342 = vector.broadcast %shift_right_logical3A_1341 : i32 to vector<16xi32>
        %shift_right_logical3A_1343 = arith.shrui %masked_sort3A_1340, %shift_right_logical3A_1342 : vector<16xi32>
        %sub3A_1344 = arith.constant 1 : i32
        %sub3A_1345 = vector.broadcast %sub3A_1344 : i32 to vector<16xi32>
        %sub3A_1346 = arith.subi %iota3A, %sub3A_1345 : vector<16xi32>
        %max3A_1347 = arith.constant 0 : i32
        %max3A_1348 = vector.broadcast %max3A_1347 : i32 to vector<16xi32>
        %max3A_1349 = arith.maxsi %sub3A_1346, %max3A_1348 : vector<16xi32>
        %broadcast_in_dim3A_1350 = vector.shape_cast %max3A_1349 : vector<16xi32> to vector<16x1xi32>
        %gather3A_1351 = vector.shape_cast %broadcast_in_dim3A_1350 : vector<16x1xi32> to vector<16xi32>
        %gather3A_1352 = tpu.dynamic_gather %shift_right_logical3A_1343[%gather3A_1351] in [0] : vector<16xi32>, vector<16xi32> -> vector<16xi32>
        %eq3A_1353 = arith.constant 0 : i32
        %eq3A_1354 = vector.broadcast %eq3A_1353 : i32 to vector<16xi32>
        %eq3A_1355 = arith.cmpi eq, %iota3A, %eq3A_1354 : vector<16xi32>
        %ne3A_1356 = arith.cmpi ne, %shift_right_logical3A_1343, %gather3A_1352 : vector<16xi32>
        %or3A_1357 = arith.ori %eq3A_1355, %ne3A_1356 : vector<16xi1>
        %jit3A_1358 = arith.constant 0 : i32
        %broadcast_in_dim3A_1359 = vector.broadcast %jit3A_1358 : i32 to vector<16xi32>
        %select_n3A_1360 = arith.select %or3A_1357, %iota3A, %broadcast_in_dim3A_1359 : vector<16xi1>, vector<16xi32>
        %broadcast_in_dim3A_1361 = arith.constant true
        %broadcast_in_dim3A_1362 = vector.broadcast %broadcast_in_dim3A_1361 : i1 to vector<16xi1>
        %masked_cummax3A_1363 = arith.constant -2147483648 : i32
        %masked_cummax3A_1364 = vector.broadcast %masked_cummax3A_1363 : i32 to vector<16xi32>
        %masked_cummax3A_1365 = arith.xori %select_n3A_1360, %masked_cummax3A_1364 : vector<16xi32>
        %masked_cummax3A_1366 = tpu.scan <max>, %masked_cummax3A_1365 masked %broadcast_in_dim3A_1362 : vector<16xi32>, vector<16xi1> -> vector<16xi32>
        %masked_cummax3A_1367 = arith.xori %masked_cummax3A_1366, %masked_cummax3A_1364 : vector<16xi32>
        %sub3A_1368 = arith.subi %iota3A, %masked_cummax3A_1367 : vector<16xi32>
        %gather3A_1369 = tpu.vector_load_idx %arg13[%shift_right_logical3A_1343] : memref<32xi32, #tpu.memory_space<vmem>>[vector<16xi32>], vector<16xi32>,
        %add3A_1370 = arith.addi %gather3A_1369, %sub3A_1368 : vector<16xi32>
        %mul3A_1371 = arith.constant 1536 : i32
        %mul3A_1372 = vector.broadcast %mul3A_1371 : i32 to vector<16xi32>
        %mul3A_1373 = arith.muli %shift_right_logical3A_1343, %mul3A_1372 : vector<16xi32>
        %add3A_1374 = arith.addi %mul3A_1373, %add3A_1370 : vector<16xi32>
        %broadcast_in_dim3A_1375 = vector.shape_cast %masked_sort3A_1339 : vector<16xi32> to vector<16x1xi32>
        %gather3A_1376 = vector.shape_cast %broadcast_in_dim3A_1375 : vector<16x1xi32> to vector<16xi32>
        %gather3A_1377 = tpu.dynamic_gather %get3A_1321[%gather3A_1376] in [0] : vector<16xi32>, vector<16xi32> -> vector<16xi32>
        %broadcast_in_dim3A_1378 = vector.shape_cast %masked_sort3A_1339 : vector<16xi32> to vector<16x1xi32>
        %gather3A_1379 = vector.shape_cast %broadcast_in_dim3A_1378 : vector<16x1xi32> to vector<16xi32>
        %gather3A_1380 = tpu.dynamic_gather %get3A_1325[%gather3A_1379] in [0] : vector<16xf32>, vector<16xi32> -> vector<16xf32>
        tpu.vector_store_idx %arg7[%add3A_1374], %gather3A_1377 : memref<49152xi32, #tpu.memory_space<vmem>>[vector<16xi32>], vector<16xi32>,
        tpu.vector_store_idx %arg8[%add3A_1374], %gather3A_1380 : memref<49152xf32, #tpu.memory_space<vmem>>[vector<16xi32>], vector<16xf32>,
        tpu.vector_store_idx %arg13[%shift_right_logical3A_1343], %broadcast_in_dim3A_5 {add = true} : memref<32xi32, #tpu.memory_space<vmem>>[vector<16xi32>], vector<16xi32>,
        %scan3A_1381 = arith.constant 0 : i32
        %scan3A_1382 = arith.constant 2 : i32
        %scan3A_1383 = arith.addi %scan3A_1250, %scan3A_1382 : i32
        %mul3A_1384 = arith.constant 16 : i32
        %mul3A_1385 = arith.muli %scan3A_1383, %mul3A_1384 : i32
        %get3A_1386 = arith.index_cast %mul3A_1385 : i32 to index
        %get3A_1387 = tpu.vector_load %arg10[%get3A_1386] {strides = array<i32>} : memref<2000xi32, #tpu.memory_space<vmem>>, vector<16xi32>,
        %mul3A_1388 = arith.constant 16 : i32
        %mul3A_1389 = arith.muli %scan3A_1383, %mul3A_1388 : i32
        %get3A_1390 = arith.index_cast %mul3A_1389 : i32 to index
        %get3A_1391 = tpu.vector_load %arg12[%get3A_1390] {strides = array<i32>} : memref<2000xf32, #tpu.memory_space<vmem>>, vector<16xf32>,
        %shift_right_logical3A_1392 = arith.constant 15 : i32
        %shift_right_logical3A_1393 = vector.broadcast %shift_right_logical3A_1392 : i32 to vector<16xi32>
        %shift_right_logical3A_1394 = arith.shrui %get3A_1387, %shift_right_logical3A_1393 : vector<16xi32>
        %mul3A_1395 = arith.constant 16 : i32
        %mul3A_1396 = vector.broadcast %mul3A_1395 : i32 to vector<16xi32>
        %mul3A_1397 = arith.muli %shift_right_logical3A_1394, %mul3A_1396 : vector<16xi32>
        %add3A_1398 = arith.addi %mul3A_1397, %iota3A : vector<16xi32>
        %masked_sort3A_1399 = arith.constant dense<true> : vector<16xi1>
        %masked_sort3A_1400 = arith.constant -2147483648 : i32
        %masked_sort3A_1401 = vector.broadcast %masked_sort3A_1400 : i32 to vector<16xi32>
        %masked_sort3A_1402 = arith.xori %add3A_1398, %masked_sort3A_1401 : vector<16xi32>
        %masked_sort3A_1403, %masked_sort3A_1404, %masked_sort3A_1405 = tpu.sort %masked_sort3A_1402, %iota3A masked %masked_sort3A_1399 : (vector<16xi32>, vector<16xi32>, vector<16xi1>) -> (vector<16xi1>, vector<16xi32>, vector<16xi32>)
        %masked_sort3A_1406 = arith.xori %masked_sort3A_1404, %masked_sort3A_1401 : vector<16xi32>
        %shift_right_logical3A_1407 = arith.constant 4 : i32
        %shift_right_logical3A_1408 = vector.broadcast %shift_right_logical3A_1407 : i32 to vector<16xi32>
        %shift_right_logical3A_1409 = arith.shrui %masked_sort3A_1406, %shift_right_logical3A_1408 : vector<16xi32>
        %sub3A_1410 = arith.constant 1 : i32
        %sub3A_1411 = vector.broadcast %sub3A_1410 : i32 to vector<16xi32>
        %sub3A_1412 = arith.subi %iota3A, %sub3A_1411 : vector<16xi32>
        %max3A_1413 = arith.constant 0 : i32
        %max3A_1414 = vector.broadcast %max3A_1413 : i32 to vector<16xi32>
        %max3A_1415 = arith.maxsi %sub3A_1412, %max3A_1414 : vector<16xi32>
        %broadcast_in_dim3A_1416 = vector.shape_cast %max3A_1415 : vector<16xi32> to vector<16x1xi32>
        %gather3A_1417 = vector.shape_cast %broadcast_in_dim3A_1416 : vector<16x1xi32> to vector<16xi32>
        %gather3A_1418 = tpu.dynamic_gather %shift_right_logical3A_1409[%gather3A_1417] in [0] : vector<16xi32>, vector<16xi32> -> vector<16xi32>
        %eq3A_1419 = arith.constant 0 : i32
        %eq3A_1420 = vector.broadcast %eq3A_1419 : i32 to vector<16xi32>
        %eq3A_1421 = arith.cmpi eq, %iota3A, %eq3A_1420 : vector<16xi32>
        %ne3A_1422 = arith.cmpi ne, %shift_right_logical3A_1409, %gather3A_1418 : vector<16xi32>
        %or3A_1423 = arith.ori %eq3A_1421, %ne3A_1422 : vector<16xi1>
        %jit3A_1424 = arith.constant 0 : i32
        %broadcast_in_dim3A_1425 = vector.broadcast %jit3A_1424 : i32 to vector<16xi32>
        %select_n3A_1426 = arith.select %or3A_1423, %iota3A, %broadcast_in_dim3A_1425 : vector<16xi1>, vector<16xi32>
        %broadcast_in_dim3A_1427 = arith.constant true
        %broadcast_in_dim3A_1428 = vector.broadcast %broadcast_in_dim3A_1427 : i1 to vector<16xi1>
        %masked_cummax3A_1429 = arith.constant -2147483648 : i32
        %masked_cummax3A_1430 = vector.broadcast %masked_cummax3A_1429 : i32 to vector<16xi32>
        %masked_cummax3A_1431 = arith.xori %select_n3A_1426, %masked_cummax3A_1430 : vector<16xi32>
        %masked_cummax3A_1432 = tpu.scan <max>, %masked_cummax3A_1431 masked %broadcast_in_dim3A_1428 : vector<16xi32>, vector<16xi1> -> vector<16xi32>
        %masked_cummax3A_1433 = arith.xori %masked_cummax3A_1432, %masked_cummax3A_1430 : vector<16xi32>
        %sub3A_1434 = arith.subi %iota3A, %masked_cummax3A_1433 : vector<16xi32>
        %gather3A_1435 = tpu.vector_load_idx %arg13[%shift_right_logical3A_1409] : memref<32xi32, #tpu.memory_space<vmem>>[vector<16xi32>], vector<16xi32>,
        %add3A_1436 = arith.addi %gather3A_1435, %sub3A_1434 : vector<16xi32>
        %mul3A_1437 = arith.constant 1536 : i32
        %mul3A_1438 = vector.broadcast %mul3A_1437 : i32 to vector<16xi32>
        %mul3A_1439 = arith.muli %shift_right_logical3A_1409, %mul3A_1438 : vector<16xi32>
        %add3A_1440 = arith.addi %mul3A_1439, %add3A_1436 : vector<16xi32>
        %broadcast_in_dim3A_1441 = vector.shape_cast %masked_sort3A_1405 : vector<16xi32> to vector<16x1xi32>
        %gather3A_1442 = vector.shape_cast %broadcast_in_dim3A_1441 : vector<16x1xi32> to vector<16xi32>
        %gather3A_1443 = tpu.dynamic_gather %get3A_1387[%gather3A_1442] in [0] : vector<16xi32>, vector<16xi32> -> vector<16xi32>
        %broadcast_in_dim3A_1444 = vector.shape_cast %masked_sort3A_1405 : vector<16xi32> to vector<16x1xi32>
        %gather3A_1445 = vector.shape_cast %broadcast_in_dim3A_1444 : vector<16x1xi32> to vector<16xi32>
        %gather3A_1446 = tpu.dynamic_gather %get3A_1391[%gather3A_1445] in [0] : vector<16xf32>, vector<16xi32> -> vector<16xf32>
        tpu.vector_store_idx %arg7[%add3A_1440], %gather3A_1443 : memref<49152xi32, #tpu.memory_space<vmem>>[vector<16xi32>], vector<16xi32>,
        tpu.vector_store_idx %arg8[%add3A_1440], %gather3A_1446 : memref<49152xf32, #tpu.memory_space<vmem>>[vector<16xi32>], vector<16xf32>,
        tpu.vector_store_idx %arg13[%shift_right_logical3A_1409], %broadcast_in_dim3A_5 {add = true} : memref<32xi32, #tpu.memory_space<vmem>>[vector<16xi32>], vector<16xi32>,
        %scan3A_1447 = arith.constant 0 : i32
        %scan3A_1448 = arith.constant 3 : i32
        %scan3A_1449 = arith.addi %scan3A_1250, %scan3A_1448 : i32
        %mul3A_1450 = arith.constant 16 : i32
        %mul3A_1451 = arith.muli %scan3A_1449, %mul3A_1450 : i32
        %get3A_1452 = arith.index_cast %mul3A_1451 : i32 to index
        %get3A_1453 = tpu.vector_load %arg10[%get3A_1452] {strides = array<i32>} : memref<2000xi32, #tpu.memory_space<vmem>>, vector<16xi32>,
        %mul3A_1454 = arith.constant 16 : i32
        %mul3A_1455 = arith.muli %scan3A_1449, %mul3A_1454 : i32
        %get3A_1456 = arith.index_cast %mul3A_1455 : i32 to index
        %get3A_1457 = tpu.vector_load %arg12[%get3A_1456] {strides = array<i32>} : memref<2000xf32, #tpu.memory_space<vmem>>, vector<16xf32>,
        %shift_right_logical3A_1458 = arith.constant 15 : i32
        %shift_right_logical3A_1459 = vector.broadcast %shift_right_logical3A_1458 : i32 to vector<16xi32>
        %shift_right_logical3A_1460 = arith.shrui %get3A_1453, %shift_right_logical3A_1459 : vector<16xi32>
        %mul3A_1461 = arith.constant 16 : i32
        %mul3A_1462 = vector.broadcast %mul3A_1461 : i32 to vector<16xi32>
        %mul3A_1463 = arith.muli %shift_right_logical3A_1460, %mul3A_1462 : vector<16xi32>
        %add3A_1464 = arith.addi %mul3A_1463, %iota3A : vector<16xi32>
        %masked_sort3A_1465 = arith.constant dense<true> : vector<16xi1>
        %masked_sort3A_1466 = arith.constant -2147483648 : i32
        %masked_sort3A_1467 = vector.broadcast %masked_sort3A_1466 : i32 to vector<16xi32>
        %masked_sort3A_1468 = arith.xori %add3A_1464, %masked_sort3A_1467 : vector<16xi32>
        %masked_sort3A_1469, %masked_sort3A_1470, %masked_sort3A_1471 = tpu.sort %masked_sort3A_1468, %iota3A masked %masked_sort3A_1465 : (vector<16xi32>, vector<16xi32>, vector<16xi1>) -> (vector<16xi1>, vector<16xi32>, vector<16xi32>)
        %masked_sort3A_1472 = arith.xori %masked_sort3A_1470, %masked_sort3A_1467 : vector<16xi32>
        %shift_right_logical3A_1473 = arith.constant 4 : i32
        %shift_right_logical3A_1474 = vector.broadcast %shift_right_logical3A_1473 : i32 to vector<16xi32>
        %shift_right_logical3A_1475 = arith.shrui %masked_sort3A_1472, %shift_right_logical3A_1474 : vector<16xi32>
        %sub3A_1476 = arith.constant 1 : i32
        %sub3A_1477 = vector.broadcast %sub3A_1476 : i32 to vector<16xi32>
        %sub3A_1478 = arith.subi %iota3A, %sub3A_1477 : vector<16xi32>
        %max3A_1479 = arith.constant 0 : i32
        %max3A_1480 = vector.broadcast %max3A_1479 : i32 to vector<16xi32>
        %max3A_1481 = arith.maxsi %sub3A_1478, %max3A_1480 : vector<16xi32>
        %broadcast_in_dim3A_1482 = vector.shape_cast %max3A_1481 : vector<16xi32> to vector<16x1xi32>
        %gather3A_1483 = vector.shape_cast %broadcast_in_dim3A_1482 : vector<16x1xi32> to vector<16xi32>
        %gather3A_1484 = tpu.dynamic_gather %shift_right_logical3A_1475[%gather3A_1483] in [0] : vector<16xi32>, vector<16xi32> -> vector<16xi32>
        %eq3A_1485 = arith.constant 0 : i32
        %eq3A_1486 = vector.broadcast %eq3A_1485 : i32 to vector<16xi32>
        %eq3A_1487 = arith.cmpi eq, %iota3A, %eq3A_1486 : vector<16xi32>
        %ne3A_1488 = arith.cmpi ne, %shift_right_logical3A_1475, %gather3A_1484 : vector<16xi32>
        %or3A_1489 = arith.ori %eq3A_1487, %ne3A_1488 : vector<16xi1>
        %jit3A_1490 = arith.constant 0 : i32
        %broadcast_in_dim3A_1491 = vector.broadcast %jit3A_1490 : i32 to vector<16xi32>
        %select_n3A_1492 = arith.select %or3A_1489, %iota3A, %broadcast_in_dim3A_1491 : vector<16xi1>, vector<16xi32>
        %broadcast_in_dim3A_1493 = arith.constant true
        %broadcast_in_dim3A_1494 = vector.broadcast %broadcast_in_dim3A_1493 : i1 to vector<16xi1>
        %masked_cummax3A_1495 = arith.constant -2147483648 : i32
        %masked_cummax3A_1496 = vector.broadcast %masked_cummax3A_1495 : i32 to vector<16xi32>
        %masked_cummax3A_1497 = arith.xori %select_n3A_1492, %masked_cummax3A_1496 : vector<16xi32>
        %masked_cummax3A_1498 = tpu.scan <max>, %masked_cummax3A_1497 masked %broadcast_in_dim3A_1494 : vector<16xi32>, vector<16xi1> -> vector<16xi32>
        %masked_cummax3A_1499 = arith.xori %masked_cummax3A_1498, %masked_cummax3A_1496 : vector<16xi32>
        %sub3A_1500 = arith.subi %iota3A, %masked_cummax3A_1499 : vector<16xi32>
        %gather3A_1501 = tpu.vector_load_idx %arg13[%shift_right_logical3A_1475] : memref<32xi32, #tpu.memory_space<vmem>>[vector<16xi32>], vector<16xi32>,
        %add3A_1502 = arith.addi %gather3A_1501, %sub3A_1500 : vector<16xi32>
        %mul3A_1503 = arith.constant 1536 : i32
        %mul3A_1504 = vector.broadcast %mul3A_1503 : i32 to vector<16xi32>
        %mul3A_1505 = arith.muli %shift_right_logical3A_1475, %mul3A_1504 : vector<16xi32>
        %add3A_1506 = arith.addi %mul3A_1505, %add3A_1502 : vector<16xi32>
        %broadcast_in_dim3A_1507 = vector.shape_cast %masked_sort3A_1471 : vector<16xi32> to vector<16x1xi32>
        %gather3A_1508 = vector.shape_cast %broadcast_in_dim3A_1507 : vector<16x1xi32> to vector<16xi32>
        %gather3A_1509 = tpu.dynamic_gather %get3A_1453[%gather3A_1508] in [0] : vector<16xi32>, vector<16xi32> -> vector<16xi32>
        %broadcast_in_dim3A_1510 = vector.shape_cast %masked_sort3A_1471 : vector<16xi32> to vector<16x1xi32>
        %gather3A_1511 = vector.shape_cast %broadcast_in_dim3A_1510 : vector<16x1xi32> to vector<16xi32>
        %gather3A_1512 = tpu.dynamic_gather %get3A_1457[%gather3A_1511] in [0] : vector<16xf32>, vector<16xi32> -> vector<16xf32>
        tpu.vector_store_idx %arg7[%add3A_1506], %gather3A_1509 : memref<49152xi32, #tpu.memory_space<vmem>>[vector<16xi32>], vector<16xi32>,
        tpu.vector_store_idx %arg8[%add3A_1506], %gather3A_1512 : memref<49152xf32, #tpu.memory_space<vmem>>[vector<16xi32>], vector<16xf32>,
        tpu.vector_store_idx %arg13[%shift_right_logical3A_1475], %broadcast_in_dim3A_5 {add = true} : memref<32xi32, #tpu.memory_space<vmem>>[vector<16xi32>], vector<16xi32>,
        %scan3A_1513 = arith.constant 0 : i32
        scf.yield %scan3A_1513 : i32
      }
      %scan3A_1176 = arith.constant 124 : i32
      %scan3A_1177 = arith.addi %scan3A_1171, %scan3A_1176 : i32
      %mul3A_1178 = arith.constant 16 : i32
      %mul3A_1179 = arith.muli %scan3A_1177, %mul3A_1178 : i32
      %get3A_1180 = arith.index_cast %mul3A_1179 : i32 to index
      %get3A_1181 = tpu.vector_load %arg10[%get3A_1180] {strides = array<i32>} : memref<2000xi32, #tpu.memory_space<vmem>>, vector<16xi32>,
      %mul3A_1182 = arith.constant 16 : i32
      %mul3A_1183 = arith.muli %scan3A_1177, %mul3A_1182 : i32
      %get3A_1184 = arith.index_cast %mul3A_1183 : i32 to index
      %get3A_1185 = tpu.vector_load %arg12[%get3A_1184] {strides = array<i32>} : memref<2000xf32, #tpu.memory_space<vmem>>, vector<16xf32>,
      %shift_right_logical3A_1186 = arith.constant 15 : i32
      %shift_right_logical3A_1187 = vector.broadcast %shift_right_logical3A_1186 : i32 to vector<16xi32>
      %shift_right_logical3A_1188 = arith.shrui %get3A_1181, %shift_right_logical3A_1187 : vector<16xi32>
      %mul3A_1189 = arith.constant 16 : i32
      %mul3A_1190 = vector.broadcast %mul3A_1189 : i32 to vector<16xi32>
      %mul3A_1191 = arith.muli %shift_right_logical3A_1188, %mul3A_1190 : vector<16xi32>
      %add3A_1192 = arith.addi %mul3A_1191, %iota3A : vector<16xi32>
      %masked_sort3A_1193 = arith.constant dense<true> : vector<16xi1>
      %masked_sort3A_1194 = arith.constant -2147483648 : i32
      %masked_sort3A_1195 = vector.broadcast %masked_sort3A_1194 : i32 to vector<16xi32>
      %masked_sort3A_1196 = arith.xori %add3A_1192, %masked_sort3A_1195 : vector<16xi32>
      %masked_sort3A_1197, %masked_sort3A_1198, %masked_sort3A_1199 = tpu.sort %masked_sort3A_1196, %iota3A masked %masked_sort3A_1193 : (vector<16xi32>, vector<16xi32>, vector<16xi1>) -> (vector<16xi1>, vector<16xi32>, vector<16xi32>)
      %masked_sort3A_1200 = arith.xori %masked_sort3A_1198, %masked_sort3A_1195 : vector<16xi32>
      %shift_right_logical3A_1201 = arith.constant 4 : i32
      %shift_right_logical3A_1202 = vector.broadcast %shift_right_logical3A_1201 : i32 to vector<16xi32>
      %shift_right_logical3A_1203 = arith.shrui %masked_sort3A_1200, %shift_right_logical3A_1202 : vector<16xi32>
      %sub3A_1204 = arith.constant 1 : i32
      %sub3A_1205 = vector.broadcast %sub3A_1204 : i32 to vector<16xi32>
      %sub3A_1206 = arith.subi %iota3A, %sub3A_1205 : vector<16xi32>
      %max3A_1207 = arith.constant 0 : i32
      %max3A_1208 = vector.broadcast %max3A_1207 : i32 to vector<16xi32>
      %max3A_1209 = arith.maxsi %sub3A_1206, %max3A_1208 : vector<16xi32>
      %broadcast_in_dim3A_1210 = vector.shape_cast %max3A_1209 : vector<16xi32> to vector<16x1xi32>
      %gather3A_1211 = vector.shape_cast %broadcast_in_dim3A_1210 : vector<16x1xi32> to vector<16xi32>
      %gather3A_1212 = tpu.dynamic_gather %shift_right_logical3A_1203[%gather3A_1211] in [0] : vector<16xi32>, vector<16xi32> -> vector<16xi32>
      %eq3A_1213 = arith.constant 0 : i32
      %eq3A_1214 = vector.broadcast %eq3A_1213 : i32 to vector<16xi32>
      %eq3A_1215 = arith.cmpi eq, %iota3A, %eq3A_1214 : vector<16xi32>
      %ne3A_1216 = arith.cmpi ne, %shift_right_logical3A_1203, %gather3A_1212 : vector<16xi32>
      %or3A_1217 = arith.ori %eq3A_1215, %ne3A_1216 : vector<16xi1>
      %jit3A_1218 = arith.constant 0 : i32
      %broadcast_in_dim3A_1219 = vector.broadcast %jit3A_1218 : i32 to vector<16xi32>
      %select_n3A_1220 = arith.select %or3A_1217, %iota3A, %broadcast_in_dim3A_1219 : vector<16xi1>, vector<16xi32>
      %broadcast_in_dim3A_1221 = arith.constant true
      %broadcast_in_dim3A_1222 = vector.broadcast %broadcast_in_dim3A_1221 : i1 to vector<16xi1>
      %masked_cummax3A_1223 = arith.constant -2147483648 : i32
      %masked_cummax3A_1224 = vector.broadcast %masked_cummax3A_1223 : i32 to vector<16xi32>
      %masked_cummax3A_1225 = arith.xori %select_n3A_1220, %masked_cummax3A_1224 : vector<16xi32>
      %masked_cummax3A_1226 = tpu.scan <max>, %masked_cummax3A_1225 masked %broadcast_in_dim3A_1222 : vector<16xi32>, vector<16xi1> -> vector<16xi32>
      %masked_cummax3A_1227 = arith.xori %masked_cummax3A_1226, %masked_cummax3A_1224 : vector<16xi32>
      %sub3A_1228 = arith.subi %iota3A, %masked_cummax3A_1227 : vector<16xi32>
      %gather3A_1229 = tpu.vector_load_idx %arg13[%shift_right_logical3A_1203] : memref<32xi32, #tpu.memory_space<vmem>>[vector<16xi32>], vector<16xi32>,
      %add3A_1230 = arith.addi %gather3A_1229, %sub3A_1228 : vector<16xi32>
      %mul3A_1231 = arith.constant 1536 : i32
      %mul3A_1232 = vector.broadcast %mul3A_1231 : i32 to vector<16xi32>
      %mul3A_1233 = arith.muli %shift_right_logical3A_1203, %mul3A_1232 : vector<16xi32>
      %add3A_1234 = arith.addi %mul3A_1233, %add3A_1230 : vector<16xi32>
      %broadcast_in_dim3A_1235 = vector.shape_cast %masked_sort3A_1199 : vector<16xi32> to vector<16x1xi32>
      %gather3A_1236 = vector.shape_cast %broadcast_in_dim3A_1235 : vector<16x1xi32> to vector<16xi32>
      %gather3A_1237 = tpu.dynamic_gather %get3A_1181[%gather3A_1236] in [0] : vector<16xi32>, vector<16xi32> -> vector<16xi32>
      %broadcast_in_dim3A_1238 = vector.shape_cast %masked_sort3A_1199 : vector<16xi32> to vector<16x1xi32>
      %gather3A_1239 = vector.shape_cast %broadcast_in_dim3A_1238 : vector<16x1xi32> to vector<16xi32>
      %gather3A_1240 = tpu.dynamic_gather %get3A_1185[%gather3A_1239] in [0] : vector<16xf32>, vector<16xi32> -> vector<16xf32>
      tpu.vector_store_idx %arg7[%add3A_1234], %gather3A_1237 : memref<49152xi32, #tpu.memory_space<vmem>>[vector<16xi32>], vector<16xi32>,
      tpu.vector_store_idx %arg8[%add3A_1234], %gather3A_1240 : memref<49152xf32, #tpu.memory_space<vmem>>[vector<16xi32>], vector<16xf32>,
      tpu.vector_store_idx %arg13[%shift_right_logical3A_1203], %broadcast_in_dim3A_5 {add = true} : memref<32xi32, #tpu.memory_space<vmem>>[vector<16xi32>], vector<16xi32>,
      %scan3A_1241 = arith.constant 0 : i32
      %scan3A_1242 = arith.constant 125 : i32
      %add3A_1243 = arith.constant 2 : i32
      %add3A_1244 = arith.addi %add3A_1161, %add3A_1243 : i32
      %lt3A_1245 = arith.cmpi slt, %add3A_1244, %select_n3A : i32
      %convert_element_type3A_1246 = arith.extui %lt3A_1245 : i1 to i32
      %cond3A_1247 = arith.constant 0 : i32
      %cond3A_1248 = arith.cmpi ne, %convert_element_type3A_1246, %cond3A_1247 : i32
      scf.if %cond3A_1248 {
        %add3A_1250 = arith.constant 2 : i32
        %add3A_1251 = arith.addi %add3A_1161, %add3A_1250 : i32
        %mul3A_1252 = arith.constant 2000 : i32
        %mul3A_1253 = arith.muli %add3A_1251, %mul3A_1252 : i32
        %add3A_1254 = arith.addi %mul3A_2, %mul3A_1253 : i32
        %dma_start3A_1255 = tpu.memref_slice %arg2[%add3A_1254] : memref<1000000xi32, #tpu.memory_space<hbm>> -> memref<2000xi32, #tpu.memory_space<hbm>>
        %dma_start3A_1256 = tpu.memref_slice %arg2[%add3A_1254] : memref<1000000xi32, #tpu.memory_space<hbm>> -> memref<2000xi32, #tpu.memory_space<hbm>>
        tpu.enqueue_dma source(%dma_start3A_1256 : memref<2000xi32, #tpu.memory_space<hbm>>) target(%arg10 : memref<2000xi32, #tpu.memory_space<vmem>>) target_semaphore(%arg15 : memref<!tpu.dma_semaphore, #tpu.memory_space<semaphore_mem>>)
        %dma_start3A_1257 = tpu.memref_slice %arg3[%add3A_1254] : memref<1000000xf32, #tpu.memory_space<hbm>> -> memref<2000xf32, #tpu.memory_space<hbm>>
        %dma_start3A_1258 = tpu.memref_slice %arg3[%add3A_1254] : memref<1000000xf32, #tpu.memory_space<hbm>> -> memref<2000xf32, #tpu.memory_space<hbm>>
        tpu.enqueue_dma source(%dma_start3A_1258 : memref<2000xf32, #tpu.memory_space<hbm>>) target(%arg12 : memref<2000xf32, #tpu.memory_space<vmem>>) target_semaphore(%arg17 : memref<!tpu.dma_semaphore, #tpu.memory_space<semaphore_mem>>)
      } else {
      }
      %while3A_1249 = arith.constant 0 : i32
      scf.yield %while3A_1249 : i32
    }
    %add3A_53 = arith.constant 0 : i32
    %add3A_54 = arith.addi %add3A_53, %add3A : i32
    %mul3A_55 = arith.constant 1536 : i32
    %mul3A_56 = arith.muli %add3A_54, %mul3A_55 : i32
    %dma_start3A_57 = arith.constant 0 : i32
    %dma_start3A_58 = tpu.memref_slice %arg7[%dma_start3A_57] : memref<49152xi32, #tpu.memory_space<vmem>> -> memref<1536xi32, #tpu.memory_space<vmem>>
    %dma_start3A_59 = tpu.memref_slice %arg4[%mul3A_56] : memref<1572864xi32, #tpu.memory_space<hbm>> -> memref<1536xi32, #tpu.memory_space<hbm>>
    %dma_start3A_60 = tpu.memref_slice %arg4[%mul3A_56] : memref<1572864xi32, #tpu.memory_space<hbm>> -> memref<1536xi32, #tpu.memory_space<hbm>>
    %dma_start3A_61 = arith.constant 0 : i32
    %dma_start3A_62 = tpu.memref_slice %arg7[%dma_start3A_61] : memref<49152xi32, #tpu.memory_space<vmem>> -> memref<1536xi32, #tpu.memory_space<vmem>>
    tpu.enqueue_dma source(%dma_start3A_62 : memref<1536xi32, #tpu.memory_space<vmem>>) target(%dma_start3A_60 : memref<1536xi32, #tpu.memory_space<hbm>>) target_semaphore(%arg18 : memref<!tpu.dma_semaphore, #tpu.memory_space<semaphore_mem>>)
    %dma_start3A_63 = arith.constant 0 : i32
    %dma_start3A_64 = tpu.memref_slice %arg8[%dma_start3A_63] : memref<49152xf32, #tpu.memory_space<vmem>> -> memref<1536xf32, #tpu.memory_space<vmem>>
    %dma_start3A_65 = tpu.memref_slice %arg5[%mul3A_56] : memref<1572864xf32, #tpu.memory_space<hbm>> -> memref<1536xf32, #tpu.memory_space<hbm>>
    %dma_start3A_66 = tpu.memref_slice %arg5[%mul3A_56] : memref<1572864xf32, #tpu.memory_space<hbm>> -> memref<1536xf32, #tpu.memory_space<hbm>>
    %dma_start3A_67 = arith.constant 0 : i32
    %dma_start3A_68 = tpu.memref_slice %arg8[%dma_start3A_67] : memref<49152xf32, #tpu.memory_space<vmem>> -> memref<1536xf32, #tpu.memory_space<vmem>>
    tpu.enqueue_dma source(%dma_start3A_68 : memref<1536xf32, #tpu.memory_space<vmem>>) target(%dma_start3A_66 : memref<1536xf32, #tpu.memory_space<hbm>>) target_semaphore(%arg18 : memref<!tpu.dma_semaphore, #tpu.memory_space<semaphore_mem>>)
    %add3A_69 = arith.constant 32 : i32
    %add3A_70 = arith.addi %add3A_69, %add3A : i32
    %mul3A_71 = arith.constant 1536 : i32
    %mul3A_72 = arith.muli %add3A_70, %mul3A_71 : i32
    %dma_start3A_73 = arith.constant 1536 : i32
    %dma_start3A_74 = tpu.memref_slice %arg7[%dma_start3A_73] : memref<49152xi32, #tpu.memory_space<vmem>> -> memref<1536xi32, #tpu.memory_space<vmem>>
    %dma_start3A_75 = tpu.memref_slice %arg4[%mul3A_72] : memref<1572864xi32, #tpu.memory_space<hbm>> -> memref<1536xi32, #tpu.memory_space<hbm>>
    %dma_start3A_76 = tpu.memref_slice %arg4[%mul3A_72] : memref<1572864xi32, #tpu.memory_space<hbm>> -> memref<1536xi32, #tpu.memory_space<hbm>>
    %dma_start3A_77 = arith.constant 1536 : i32
    %dma_start3A_78 = tpu.memref_slice %arg7[%dma_start3A_77] : memref<49152xi32, #tpu.memory_space<vmem>> -> memref<1536xi32, #tpu.memory_space<vmem>>
    tpu.enqueue_dma source(%dma_start3A_78 : memref<1536xi32, #tpu.memory_space<vmem>>) target(%dma_start3A_76 : memref<1536xi32, #tpu.memory_space<hbm>>) target_semaphore(%arg18 : memref<!tpu.dma_semaphore, #tpu.memory_space<semaphore_mem>>)
    %dma_start3A_79 = arith.constant 1536 : i32
    %dma_start3A_80 = tpu.memref_slice %arg8[%dma_start3A_79] : memref<49152xf32, #tpu.memory_space<vmem>> -> memref<1536xf32, #tpu.memory_space<vmem>>
    %dma_start3A_81 = tpu.memref_slice %arg5[%mul3A_72] : memref<1572864xf32, #tpu.memory_space<hbm>> -> memref<1536xf32, #tpu.memory_space<hbm>>
    %dma_start3A_82 = tpu.memref_slice %arg5[%mul3A_72] : memref<1572864xf32, #tpu.memory_space<hbm>> -> memref<1536xf32, #tpu.memory_space<hbm>>
    %dma_start3A_83 = arith.constant 1536 : i32
    %dma_start3A_84 = tpu.memref_slice %arg8[%dma_start3A_83] : memref<49152xf32, #tpu.memory_space<vmem>> -> memref<1536xf32, #tpu.memory_space<vmem>>
    tpu.enqueue_dma source(%dma_start3A_84 : memref<1536xf32, #tpu.memory_space<vmem>>) target(%dma_start3A_82 : memref<1536xf32, #tpu.memory_space<hbm>>) target_semaphore(%arg18 : memref<!tpu.dma_semaphore, #tpu.memory_space<semaphore_mem>>)
    %add3A_85 = arith.constant 64 : i32
    %add3A_86 = arith.addi %add3A_85, %add3A : i32
    %mul3A_87 = arith.constant 1536 : i32
    %mul3A_88 = arith.muli %add3A_86, %mul3A_87 : i32
    %dma_start3A_89 = arith.constant 3072 : i32
    %dma_start3A_90 = tpu.memref_slice %arg7[%dma_start3A_89] : memref<49152xi32, #tpu.memory_space<vmem>> -> memref<1536xi32, #tpu.memory_space<vmem>>
    %dma_start3A_91 = tpu.memref_slice %arg4[%mul3A_88] : memref<1572864xi32, #tpu.memory_space<hbm>> -> memref<1536xi32, #tpu.memory_space<hbm>>
    %dma_start3A_92 = tpu.memref_slice %arg4[%mul3A_88] : memref<1572864xi32, #tpu.memory_space<hbm>> -> memref<1536xi32, #tpu.memory_space<hbm>>
    %dma_start3A_93 = arith.constant 3072 : i32
    %dma_start3A_94 = tpu.memref_slice %arg7[%dma_start3A_93] : memref<49152xi32, #tpu.memory_space<vmem>> -> memref<1536xi32, #tpu.memory_space<vmem>>
    tpu.enqueue_dma source(%dma_start3A_94 : memref<1536xi32, #tpu.memory_space<vmem>>) target(%dma_start3A_92 : memref<1536xi32, #tpu.memory_space<hbm>>) target_semaphore(%arg18 : memref<!tpu.dma_semaphore, #tpu.memory_space<semaphore_mem>>)
    %dma_start3A_95 = arith.constant 3072 : i32
    %dma_start3A_96 = tpu.memref_slice %arg8[%dma_start3A_95] : memref<49152xf32, #tpu.memory_space<vmem>> -> memref<1536xf32, #tpu.memory_space<vmem>>
    %dma_start3A_97 = tpu.memref_slice %arg5[%mul3A_88] : memref<1572864xf32, #tpu.memory_space<hbm>> -> memref<1536xf32, #tpu.memory_space<hbm>>
    %dma_start3A_98 = tpu.memref_slice %arg5[%mul3A_88] : memref<1572864xf32, #tpu.memory_space<hbm>> -> memref<1536xf32, #tpu.memory_space<hbm>>
    %dma_start3A_99 = arith.constant 3072 : i32
    %dma_start3A_100 = tpu.memref_slice %arg8[%dma_start3A_99] : memref<49152xf32, #tpu.memory_space<vmem>> -> memref<1536xf32, #tpu.memory_space<vmem>>
    tpu.enqueue_dma source(%dma_start3A_100 : memref<1536xf32, #tpu.memory_space<vmem>>) target(%dma_start3A_98 : memref<1536xf32, #tpu.memory_space<hbm>>) target_semaphore(%arg18 : memref<!tpu.dma_semaphore, #tpu.memory_space<semaphore_mem>>)
    %add3A_101 = arith.constant 96 : i32
    %add3A_102 = arith.addi %add3A_101, %add3A : i32
    %mul3A_103 = arith.constant 1536 : i32
    %mul3A_104 = arith.muli %add3A_102, %mul3A_103 : i32
    %dma_start3A_105 = arith.constant 4608 : i32
    %dma_start3A_106 = tpu.memref_slice %arg7[%dma_start3A_105] : memref<49152xi32, #tpu.memory_space<vmem>> -> memref<1536xi32, #tpu.memory_space<vmem>>
    %dma_start3A_107 = tpu.memref_slice %arg4[%mul3A_104] : memref<1572864xi32, #tpu.memory_space<hbm>> -> memref<1536xi32, #tpu.memory_space<hbm>>
    %dma_start3A_108 = tpu.memref_slice %arg4[%mul3A_104] : memref<1572864xi32, #tpu.memory_space<hbm>> -> memref<1536xi32, #tpu.memory_space<hbm>>
    %dma_start3A_109 = arith.constant 4608 : i32
    %dma_start3A_110 = tpu.memref_slice %arg7[%dma_start3A_109] : memref<49152xi32, #tpu.memory_space<vmem>> -> memref<1536xi32, #tpu.memory_space<vmem>>
    tpu.enqueue_dma source(%dma_start3A_110 : memref<1536xi32, #tpu.memory_space<vmem>>) target(%dma_start3A_108 : memref<1536xi32, #tpu.memory_space<hbm>>) target_semaphore(%arg18 : memref<!tpu.dma_semaphore, #tpu.memory_space<semaphore_mem>>)
    %dma_start3A_111 = arith.constant 4608 : i32
    %dma_start3A_112 = tpu.memref_slice %arg8[%dma_start3A_111] : memref<49152xf32, #tpu.memory_space<vmem>> -> memref<1536xf32, #tpu.memory_space<vmem>>
    %dma_start3A_113 = tpu.memref_slice %arg5[%mul3A_104] : memref<1572864xf32, #tpu.memory_space<hbm>> -> memref<1536xf32, #tpu.memory_space<hbm>>
    %dma_start3A_114 = tpu.memref_slice %arg5[%mul3A_104] : memref<1572864xf32, #tpu.memory_space<hbm>> -> memref<1536xf32, #tpu.memory_space<hbm>>
    %dma_start3A_115 = arith.constant 4608 : i32
    %dma_start3A_116 = tpu.memref_slice %arg8[%dma_start3A_115] : memref<49152xf32, #tpu.memory_space<vmem>> -> memref<1536xf32, #tpu.memory_space<vmem>>
    tpu.enqueue_dma source(%dma_start3A_116 : memref<1536xf32, #tpu.memory_space<vmem>>) target(%dma_start3A_114 : memref<1536xf32, #tpu.memory_space<hbm>>) target_semaphore(%arg18 : memref<!tpu.dma_semaphore, #tpu.memory_space<semaphore_mem>>)
    %add3A_117 = arith.constant 128 : i32
    %add3A_118 = arith.addi %add3A_117, %add3A : i32
    %mul3A_119 = arith.constant 1536 : i32
    %mul3A_120 = arith.muli %add3A_118, %mul3A_119 : i32
    %dma_start3A_121 = arith.constant 6144 : i32
    %dma_start3A_122 = tpu.memref_slice %arg7[%dma_start3A_121] : memref<49152xi32, #tpu.memory_space<vmem>> -> memref<1536xi32, #tpu.memory_space<vmem>>
    %dma_start3A_123 = tpu.memref_slice %arg4[%mul3A_120] : memref<1572864xi32, #tpu.memory_space<hbm>> -> memref<1536xi32, #tpu.memory_space<hbm>>
    %dma_start3A_124 = tpu.memref_slice %arg4[%mul3A_120] : memref<1572864xi32, #tpu.memory_space<hbm>> -> memref<1536xi32, #tpu.memory_space<hbm>>
    %dma_start3A_125 = arith.constant 6144 : i32
    %dma_start3A_126 = tpu.memref_slice %arg7[%dma_start3A_125] : memref<49152xi32, #tpu.memory_space<vmem>> -> memref<1536xi32, #tpu.memory_space<vmem>>
    tpu.enqueue_dma source(%dma_start3A_126 : memref<1536xi32, #tpu.memory_space<vmem>>) target(%dma_start3A_124 : memref<1536xi32, #tpu.memory_space<hbm>>) target_semaphore(%arg18 : memref<!tpu.dma_semaphore, #tpu.memory_space<semaphore_mem>>)
    %dma_start3A_127 = arith.constant 6144 : i32
    %dma_start3A_128 = tpu.memref_slice %arg8[%dma_start3A_127] : memref<49152xf32, #tpu.memory_space<vmem>> -> memref<1536xf32, #tpu.memory_space<vmem>>
    %dma_start3A_129 = tpu.memref_slice %arg5[%mul3A_120] : memref<1572864xf32, #tpu.memory_space<hbm>> -> memref<1536xf32, #tpu.memory_space<hbm>>
    %dma_start3A_130 = tpu.memref_slice %arg5[%mul3A_120] : memref<1572864xf32, #tpu.memory_space<hbm>> -> memref<1536xf32, #tpu.memory_space<hbm>>
    %dma_start3A_131 = arith.constant 6144 : i32
    %dma_start3A_132 = tpu.memref_slice %arg8[%dma_start3A_131] : memref<49152xf32, #tpu.memory_space<vmem>> -> memref<1536xf32, #tpu.memory_space<vmem>>
    tpu.enqueue_dma source(%dma_start3A_132 : memref<1536xf32, #tpu.memory_space<vmem>>) target(%dma_start3A_130 : memref<1536xf32, #tpu.memory_space<hbm>>) target_semaphore(%arg18 : memref<!tpu.dma_semaphore, #tpu.memory_space<semaphore_mem>>)
    %add3A_133 = arith.constant 160 : i32
    %add3A_134 = arith.addi %add3A_133, %add3A : i32
    %mul3A_135 = arith.constant 1536 : i32
    %mul3A_136 = arith.muli %add3A_134, %mul3A_135 : i32
    %dma_start3A_137 = arith.constant 7680 : i32
    %dma_start3A_138 = tpu.memref_slice %arg7[%dma_start3A_137] : memref<49152xi32, #tpu.memory_space<vmem>> -> memref<1536xi32, #tpu.memory_space<vmem>>
    %dma_start3A_139 = tpu.memref_slice %arg4[%mul3A_136] : memref<1572864xi32, #tpu.memory_space<hbm>> -> memref<1536xi32, #tpu.memory_space<hbm>>
    %dma_start3A_140 = tpu.memref_slice %arg4[%mul3A_136] : memref<1572864xi32, #tpu.memory_space<hbm>> -> memref<1536xi32, #tpu.memory_space<hbm>>
    %dma_start3A_141 = arith.constant 7680 : i32
    %dma_start3A_142 = tpu.memref_slice %arg7[%dma_start3A_141] : memref<49152xi32, #tpu.memory_space<vmem>> -> memref<1536xi32, #tpu.memory_space<vmem>>
    tpu.enqueue_dma source(%dma_start3A_142 : memref<1536xi32, #tpu.memory_space<vmem>>) target(%dma_start3A_140 : memref<1536xi32, #tpu.memory_space<hbm>>) target_semaphore(%arg18 : memref<!tpu.dma_semaphore, #tpu.memory_space<semaphore_mem>>)
    %dma_start3A_143 = arith.constant 7680 : i32
    %dma_start3A_144 = tpu.memref_slice %arg8[%dma_start3A_143] : memref<49152xf32, #tpu.memory_space<vmem>> -> memref<1536xf32, #tpu.memory_space<vmem>>
    %dma_start3A_145 = tpu.memref_slice %arg5[%mul3A_136] : memref<1572864xf32, #tpu.memory_space<hbm>> -> memref<1536xf32, #tpu.memory_space<hbm>>
    %dma_start3A_146 = tpu.memref_slice %arg5[%mul3A_136] : memref<1572864xf32, #tpu.memory_space<hbm>> -> memref<1536xf32, #tpu.memory_space<hbm>>
    %dma_start3A_147 = arith.constant 7680 : i32
    %dma_start3A_148 = tpu.memref_slice %arg8[%dma_start3A_147] : memref<49152xf32, #tpu.memory_space<vmem>> -> memref<1536xf32, #tpu.memory_space<vmem>>
    tpu.enqueue_dma source(%dma_start3A_148 : memref<1536xf32, #tpu.memory_space<vmem>>) target(%dma_start3A_146 : memref<1536xf32, #tpu.memory_space<hbm>>) target_semaphore(%arg18 : memref<!tpu.dma_semaphore, #tpu.memory_space<semaphore_mem>>)
    %add3A_149 = arith.constant 192 : i32
    %add3A_150 = arith.addi %add3A_149, %add3A : i32
    %mul3A_151 = arith.constant 1536 : i32
    %mul3A_152 = arith.muli %add3A_150, %mul3A_151 : i32
    %dma_start3A_153 = arith.constant 9216 : i32
    %dma_start3A_154 = tpu.memref_slice %arg7[%dma_start3A_153] : memref<49152xi32, #tpu.memory_space<vmem>> -> memref<1536xi32, #tpu.memory_space<vmem>>
    %dma_start3A_155 = tpu.memref_slice %arg4[%mul3A_152] : memref<1572864xi32, #tpu.memory_space<hbm>> -> memref<1536xi32, #tpu.memory_space<hbm>>
    %dma_start3A_156 = tpu.memref_slice %arg4[%mul3A_152] : memref<1572864xi32, #tpu.memory_space<hbm>> -> memref<1536xi32, #tpu.memory_space<hbm>>
    %dma_start3A_157 = arith.constant 9216 : i32
    %dma_start3A_158 = tpu.memref_slice %arg7[%dma_start3A_157] : memref<49152xi32, #tpu.memory_space<vmem>> -> memref<1536xi32, #tpu.memory_space<vmem>>
    tpu.enqueue_dma source(%dma_start3A_158 : memref<1536xi32, #tpu.memory_space<vmem>>) target(%dma_start3A_156 : memref<1536xi32, #tpu.memory_space<hbm>>) target_semaphore(%arg18 : memref<!tpu.dma_semaphore, #tpu.memory_space<semaphore_mem>>)
    %dma_start3A_159 = arith.constant 9216 : i32
    %dma_start3A_160 = tpu.memref_slice %arg8[%dma_start3A_159] : memref<49152xf32, #tpu.memory_space<vmem>> -> memref<1536xf32, #tpu.memory_space<vmem>>
    %dma_start3A_161 = tpu.memref_slice %arg5[%mul3A_152] : memref<1572864xf32, #tpu.memory_space<hbm>> -> memref<1536xf32, #tpu.memory_space<hbm>>
    %dma_start3A_162 = tpu.memref_slice %arg5[%mul3A_152] : memref<1572864xf32, #tpu.memory_space<hbm>> -> memref<1536xf32, #tpu.memory_space<hbm>>
    %dma_start3A_163 = arith.constant 9216 : i32
    %dma_start3A_164 = tpu.memref_slice %arg8[%dma_start3A_163] : memref<49152xf32, #tpu.memory_space<vmem>> -> memref<1536xf32, #tpu.memory_space<vmem>>
    tpu.enqueue_dma source(%dma_start3A_164 : memref<1536xf32, #tpu.memory_space<vmem>>) target(%dma_start3A_162 : memref<1536xf32, #tpu.memory_space<hbm>>) target_semaphore(%arg18 : memref<!tpu.dma_semaphore, #tpu.memory_space<semaphore_mem>>)
    %add3A_165 = arith.constant 224 : i32
    %add3A_166 = arith.addi %add3A_165, %add3A : i32
    %mul3A_167 = arith.constant 1536 : i32
    %mul3A_168 = arith.muli %add3A_166, %mul3A_167 : i32
    %dma_start3A_169 = arith.constant 10752 : i32
    %dma_start3A_170 = tpu.memref_slice %arg7[%dma_start3A_169] : memref<49152xi32, #tpu.memory_space<vmem>> -> memref<1536xi32, #tpu.memory_space<vmem>>
    %dma_start3A_171 = tpu.memref_slice %arg4[%mul3A_168] : memref<1572864xi32, #tpu.memory_space<hbm>> -> memref<1536xi32, #tpu.memory_space<hbm>>
    %dma_start3A_172 = tpu.memref_slice %arg4[%mul3A_168] : memref<1572864xi32, #tpu.memory_space<hbm>> -> memref<1536xi32, #tpu.memory_space<hbm>>
    %dma_start3A_173 = arith.constant 10752 : i32
    %dma_start3A_174 = tpu.memref_slice %arg7[%dma_start3A_173] : memref<49152xi32, #tpu.memory_space<vmem>> -> memref<1536xi32, #tpu.memory_space<vmem>>
    tpu.enqueue_dma source(%dma_start3A_174 : memref<1536xi32, #tpu.memory_space<vmem>>) target(%dma_start3A_172 : memref<1536xi32, #tpu.memory_space<hbm>>) target_semaphore(%arg18 : memref<!tpu.dma_semaphore, #tpu.memory_space<semaphore_mem>>)
    %dma_start3A_175 = arith.constant 10752 : i32
    %dma_start3A_176 = tpu.memref_slice %arg8[%dma_start3A_175] : memref<49152xf32, #tpu.memory_space<vmem>> -> memref<1536xf32, #tpu.memory_space<vmem>>
    %dma_start3A_177 = tpu.memref_slice %arg5[%mul3A_168] : memref<1572864xf32, #tpu.memory_space<hbm>> -> memref<1536xf32, #tpu.memory_space<hbm>>
    %dma_start3A_178 = tpu.memref_slice %arg5[%mul3A_168] : memref<1572864xf32, #tpu.memory_space<hbm>> -> memref<1536xf32, #tpu.memory_space<hbm>>
    %dma_start3A_179 = arith.constant 10752 : i32
    %dma_start3A_180 = tpu.memref_slice %arg8[%dma_start3A_179] : memref<49152xf32, #tpu.memory_space<vmem>> -> memref<1536xf32, #tpu.memory_space<vmem>>
    tpu.enqueue_dma source(%dma_start3A_180 : memref<1536xf32, #tpu.memory_space<vmem>>) target(%dma_start3A_178 : memref<1536xf32, #tpu.memory_space<hbm>>) target_semaphore(%arg18 : memref<!tpu.dma_semaphore, #tpu.memory_space<semaphore_mem>>)
    %add3A_181 = arith.constant 256 : i32
    %add3A_182 = arith.addi %add3A_181, %add3A : i32
    %mul3A_183 = arith.constant 1536 : i32
    %mul3A_184 = arith.muli %add3A_182, %mul3A_183 : i32
    %dma_start3A_185 = arith.constant 12288 : i32
    %dma_start3A_186 = tpu.memref_slice %arg7[%dma_start3A_185] : memref<49152xi32, #tpu.memory_space<vmem>> -> memref<1536xi32, #tpu.memory_space<vmem>>
    %dma_start3A_187 = tpu.memref_slice %arg4[%mul3A_184] : memref<1572864xi32, #tpu.memory_space<hbm>> -> memref<1536xi32, #tpu.memory_space<hbm>>
    %dma_start3A_188 = tpu.memref_slice %arg4[%mul3A_184] : memref<1572864xi32, #tpu.memory_space<hbm>> -> memref<1536xi32, #tpu.memory_space<hbm>>
    %dma_start3A_189 = arith.constant 12288 : i32
    %dma_start3A_190 = tpu.memref_slice %arg7[%dma_start3A_189] : memref<49152xi32, #tpu.memory_space<vmem>> -> memref<1536xi32, #tpu.memory_space<vmem>>
    tpu.enqueue_dma source(%dma_start3A_190 : memref<1536xi32, #tpu.memory_space<vmem>>) target(%dma_start3A_188 : memref<1536xi32, #tpu.memory_space<hbm>>) target_semaphore(%arg18 : memref<!tpu.dma_semaphore, #tpu.memory_space<semaphore_mem>>)
    %dma_start3A_191 = arith.constant 12288 : i32
    %dma_start3A_192 = tpu.memref_slice %arg8[%dma_start3A_191] : memref<49152xf32, #tpu.memory_space<vmem>> -> memref<1536xf32, #tpu.memory_space<vmem>>
    %dma_start3A_193 = tpu.memref_slice %arg5[%mul3A_184] : memref<1572864xf32, #tpu.memory_space<hbm>> -> memref<1536xf32, #tpu.memory_space<hbm>>
    %dma_start3A_194 = tpu.memref_slice %arg5[%mul3A_184] : memref<1572864xf32, #tpu.memory_space<hbm>> -> memref<1536xf32, #tpu.memory_space<hbm>>
    %dma_start3A_195 = arith.constant 12288 : i32
    %dma_start3A_196 = tpu.memref_slice %arg8[%dma_start3A_195] : memref<49152xf32, #tpu.memory_space<vmem>> -> memref<1536xf32, #tpu.memory_space<vmem>>
    tpu.enqueue_dma source(%dma_start3A_196 : memref<1536xf32, #tpu.memory_space<vmem>>) target(%dma_start3A_194 : memref<1536xf32, #tpu.memory_space<hbm>>) target_semaphore(%arg18 : memref<!tpu.dma_semaphore, #tpu.memory_space<semaphore_mem>>)
    %add3A_197 = arith.constant 288 : i32
    %add3A_198 = arith.addi %add3A_197, %add3A : i32
    %mul3A_199 = arith.constant 1536 : i32
    %mul3A_200 = arith.muli %add3A_198, %mul3A_199 : i32
    %dma_start3A_201 = arith.constant 13824 : i32
    %dma_start3A_202 = tpu.memref_slice %arg7[%dma_start3A_201] : memref<49152xi32, #tpu.memory_space<vmem>> -> memref<1536xi32, #tpu.memory_space<vmem>>
    %dma_start3A_203 = tpu.memref_slice %arg4[%mul3A_200] : memref<1572864xi32, #tpu.memory_space<hbm>> -> memref<1536xi32, #tpu.memory_space<hbm>>
    %dma_start3A_204 = tpu.memref_slice %arg4[%mul3A_200] : memref<1572864xi32, #tpu.memory_space<hbm>> -> memref<1536xi32, #tpu.memory_space<hbm>>
    %dma_start3A_205 = arith.constant 13824 : i32
    %dma_start3A_206 = tpu.memref_slice %arg7[%dma_start3A_205] : memref<49152xi32, #tpu.memory_space<vmem>> -> memref<1536xi32, #tpu.memory_space<vmem>>
    tpu.enqueue_dma source(%dma_start3A_206 : memref<1536xi32, #tpu.memory_space<vmem>>) target(%dma_start3A_204 : memref<1536xi32, #tpu.memory_space<hbm>>) target_semaphore(%arg18 : memref<!tpu.dma_semaphore, #tpu.memory_space<semaphore_mem>>)
    %dma_start3A_207 = arith.constant 13824 : i32
    %dma_start3A_208 = tpu.memref_slice %arg8[%dma_start3A_207] : memref<49152xf32, #tpu.memory_space<vmem>> -> memref<1536xf32, #tpu.memory_space<vmem>>
    %dma_start3A_209 = tpu.memref_slice %arg5[%mul3A_200] : memref<1572864xf32, #tpu.memory_space<hbm>> -> memref<1536xf32, #tpu.memory_space<hbm>>
    %dma_start3A_210 = tpu.memref_slice %arg5[%mul3A_200] : memref<1572864xf32, #tpu.memory_space<hbm>> -> memref<1536xf32, #tpu.memory_space<hbm>>
    %dma_start3A_211 = arith.constant 13824 : i32
    %dma_start3A_212 = tpu.memref_slice %arg8[%dma_start3A_211] : memref<49152xf32, #tpu.memory_space<vmem>> -> memref<1536xf32, #tpu.memory_space<vmem>>
    tpu.enqueue_dma source(%dma_start3A_212 : memref<1536xf32, #tpu.memory_space<vmem>>) target(%dma_start3A_210 : memref<1536xf32, #tpu.memory_space<hbm>>) target_semaphore(%arg18 : memref<!tpu.dma_semaphore, #tpu.memory_space<semaphore_mem>>)
    %add3A_213 = arith.constant 320 : i32
    %add3A_214 = arith.addi %add3A_213, %add3A : i32
    %mul3A_215 = arith.constant 1536 : i32
    %mul3A_216 = arith.muli %add3A_214, %mul3A_215 : i32
    %dma_start3A_217 = arith.constant 15360 : i32
    %dma_start3A_218 = tpu.memref_slice %arg7[%dma_start3A_217] : memref<49152xi32, #tpu.memory_space<vmem>> -> memref<1536xi32, #tpu.memory_space<vmem>>
    %dma_start3A_219 = tpu.memref_slice %arg4[%mul3A_216] : memref<1572864xi32, #tpu.memory_space<hbm>> -> memref<1536xi32, #tpu.memory_space<hbm>>
    %dma_start3A_220 = tpu.memref_slice %arg4[%mul3A_216] : memref<1572864xi32, #tpu.memory_space<hbm>> -> memref<1536xi32, #tpu.memory_space<hbm>>
    %dma_start3A_221 = arith.constant 15360 : i32
    %dma_start3A_222 = tpu.memref_slice %arg7[%dma_start3A_221] : memref<49152xi32, #tpu.memory_space<vmem>> -> memref<1536xi32, #tpu.memory_space<vmem>>
    tpu.enqueue_dma source(%dma_start3A_222 : memref<1536xi32, #tpu.memory_space<vmem>>) target(%dma_start3A_220 : memref<1536xi32, #tpu.memory_space<hbm>>) target_semaphore(%arg18 : memref<!tpu.dma_semaphore, #tpu.memory_space<semaphore_mem>>)
    %dma_start3A_223 = arith.constant 15360 : i32
    %dma_start3A_224 = tpu.memref_slice %arg8[%dma_start3A_223] : memref<49152xf32, #tpu.memory_space<vmem>> -> memref<1536xf32, #tpu.memory_space<vmem>>
    %dma_start3A_225 = tpu.memref_slice %arg5[%mul3A_216] : memref<1572864xf32, #tpu.memory_space<hbm>> -> memref<1536xf32, #tpu.memory_space<hbm>>
    %dma_start3A_226 = tpu.memref_slice %arg5[%mul3A_216] : memref<1572864xf32, #tpu.memory_space<hbm>> -> memref<1536xf32, #tpu.memory_space<hbm>>
    %dma_start3A_227 = arith.constant 15360 : i32
    %dma_start3A_228 = tpu.memref_slice %arg8[%dma_start3A_227] : memref<49152xf32, #tpu.memory_space<vmem>> -> memref<1536xf32, #tpu.memory_space<vmem>>
    tpu.enqueue_dma source(%dma_start3A_228 : memref<1536xf32, #tpu.memory_space<vmem>>) target(%dma_start3A_226 : memref<1536xf32, #tpu.memory_space<hbm>>) target_semaphore(%arg18 : memref<!tpu.dma_semaphore, #tpu.memory_space<semaphore_mem>>)
    %add3A_229 = arith.constant 352 : i32
    %add3A_230 = arith.addi %add3A_229, %add3A : i32
    %mul3A_231 = arith.constant 1536 : i32
    %mul3A_232 = arith.muli %add3A_230, %mul3A_231 : i32
    %dma_start3A_233 = arith.constant 16896 : i32
    %dma_start3A_234 = tpu.memref_slice %arg7[%dma_start3A_233] : memref<49152xi32, #tpu.memory_space<vmem>> -> memref<1536xi32, #tpu.memory_space<vmem>>
    %dma_start3A_235 = tpu.memref_slice %arg4[%mul3A_232] : memref<1572864xi32, #tpu.memory_space<hbm>> -> memref<1536xi32, #tpu.memory_space<hbm>>
    %dma_start3A_236 = tpu.memref_slice %arg4[%mul3A_232] : memref<1572864xi32, #tpu.memory_space<hbm>> -> memref<1536xi32, #tpu.memory_space<hbm>>
    %dma_start3A_237 = arith.constant 16896 : i32
    %dma_start3A_238 = tpu.memref_slice %arg7[%dma_start3A_237] : memref<49152xi32, #tpu.memory_space<vmem>> -> memref<1536xi32, #tpu.memory_space<vmem>>
    tpu.enqueue_dma source(%dma_start3A_238 : memref<1536xi32, #tpu.memory_space<vmem>>) target(%dma_start3A_236 : memref<1536xi32, #tpu.memory_space<hbm>>) target_semaphore(%arg18 : memref<!tpu.dma_semaphore, #tpu.memory_space<semaphore_mem>>)
    %dma_start3A_239 = arith.constant 16896 : i32
    %dma_start3A_240 = tpu.memref_slice %arg8[%dma_start3A_239] : memref<49152xf32, #tpu.memory_space<vmem>> -> memref<1536xf32, #tpu.memory_space<vmem>>
    %dma_start3A_241 = tpu.memref_slice %arg5[%mul3A_232] : memref<1572864xf32, #tpu.memory_space<hbm>> -> memref<1536xf32, #tpu.memory_space<hbm>>
    %dma_start3A_242 = tpu.memref_slice %arg5[%mul3A_232] : memref<1572864xf32, #tpu.memory_space<hbm>> -> memref<1536xf32, #tpu.memory_space<hbm>>
    %dma_start3A_243 = arith.constant 16896 : i32
    %dma_start3A_244 = tpu.memref_slice %arg8[%dma_start3A_243] : memref<49152xf32, #tpu.memory_space<vmem>> -> memref<1536xf32, #tpu.memory_space<vmem>>
    tpu.enqueue_dma source(%dma_start3A_244 : memref<1536xf32, #tpu.memory_space<vmem>>) target(%dma_start3A_242 : memref<1536xf32, #tpu.memory_space<hbm>>) target_semaphore(%arg18 : memref<!tpu.dma_semaphore, #tpu.memory_space<semaphore_mem>>)
    %add3A_245 = arith.constant 384 : i32
    %add3A_246 = arith.addi %add3A_245, %add3A : i32
    %mul3A_247 = arith.constant 1536 : i32
    %mul3A_248 = arith.muli %add3A_246, %mul3A_247 : i32
    %dma_start3A_249 = arith.constant 18432 : i32
    %dma_start3A_250 = tpu.memref_slice %arg7[%dma_start3A_249] : memref<49152xi32, #tpu.memory_space<vmem>> -> memref<1536xi32, #tpu.memory_space<vmem>>
    %dma_start3A_251 = tpu.memref_slice %arg4[%mul3A_248] : memref<1572864xi32, #tpu.memory_space<hbm>> -> memref<1536xi32, #tpu.memory_space<hbm>>
    %dma_start3A_252 = tpu.memref_slice %arg4[%mul3A_248] : memref<1572864xi32, #tpu.memory_space<hbm>> -> memref<1536xi32, #tpu.memory_space<hbm>>
    %dma_start3A_253 = arith.constant 18432 : i32
    %dma_start3A_254 = tpu.memref_slice %arg7[%dma_start3A_253] : memref<49152xi32, #tpu.memory_space<vmem>> -> memref<1536xi32, #tpu.memory_space<vmem>>
    tpu.enqueue_dma source(%dma_start3A_254 : memref<1536xi32, #tpu.memory_space<vmem>>) target(%dma_start3A_252 : memref<1536xi32, #tpu.memory_space<hbm>>) target_semaphore(%arg18 : memref<!tpu.dma_semaphore, #tpu.memory_space<semaphore_mem>>)
    %dma_start3A_255 = arith.constant 18432 : i32
    %dma_start3A_256 = tpu.memref_slice %arg8[%dma_start3A_255] : memref<49152xf32, #tpu.memory_space<vmem>> -> memref<1536xf32, #tpu.memory_space<vmem>>
    %dma_start3A_257 = tpu.memref_slice %arg5[%mul3A_248] : memref<1572864xf32, #tpu.memory_space<hbm>> -> memref<1536xf32, #tpu.memory_space<hbm>>
    %dma_start3A_258 = tpu.memref_slice %arg5[%mul3A_248] : memref<1572864xf32, #tpu.memory_space<hbm>> -> memref<1536xf32, #tpu.memory_space<hbm>>
    %dma_start3A_259 = arith.constant 18432 : i32
    %dma_start3A_260 = tpu.memref_slice %arg8[%dma_start3A_259] : memref<49152xf32, #tpu.memory_space<vmem>> -> memref<1536xf32, #tpu.memory_space<vmem>>
    tpu.enqueue_dma source(%dma_start3A_260 : memref<1536xf32, #tpu.memory_space<vmem>>) target(%dma_start3A_258 : memref<1536xf32, #tpu.memory_space<hbm>>) target_semaphore(%arg18 : memref<!tpu.dma_semaphore, #tpu.memory_space<semaphore_mem>>)
    %add3A_261 = arith.constant 416 : i32
    %add3A_262 = arith.addi %add3A_261, %add3A : i32
    %mul3A_263 = arith.constant 1536 : i32
    %mul3A_264 = arith.muli %add3A_262, %mul3A_263 : i32
    %dma_start3A_265 = arith.constant 19968 : i32
    %dma_start3A_266 = tpu.memref_slice %arg7[%dma_start3A_265] : memref<49152xi32, #tpu.memory_space<vmem>> -> memref<1536xi32, #tpu.memory_space<vmem>>
    %dma_start3A_267 = tpu.memref_slice %arg4[%mul3A_264] : memref<1572864xi32, #tpu.memory_space<hbm>> -> memref<1536xi32, #tpu.memory_space<hbm>>
    %dma_start3A_268 = tpu.memref_slice %arg4[%mul3A_264] : memref<1572864xi32, #tpu.memory_space<hbm>> -> memref<1536xi32, #tpu.memory_space<hbm>>
    %dma_start3A_269 = arith.constant 19968 : i32
    %dma_start3A_270 = tpu.memref_slice %arg7[%dma_start3A_269] : memref<49152xi32, #tpu.memory_space<vmem>> -> memref<1536xi32, #tpu.memory_space<vmem>>
    tpu.enqueue_dma source(%dma_start3A_270 : memref<1536xi32, #tpu.memory_space<vmem>>) target(%dma_start3A_268 : memref<1536xi32, #tpu.memory_space<hbm>>) target_semaphore(%arg18 : memref<!tpu.dma_semaphore, #tpu.memory_space<semaphore_mem>>)
    %dma_start3A_271 = arith.constant 19968 : i32
    %dma_start3A_272 = tpu.memref_slice %arg8[%dma_start3A_271] : memref<49152xf32, #tpu.memory_space<vmem>> -> memref<1536xf32, #tpu.memory_space<vmem>>
    %dma_start3A_273 = tpu.memref_slice %arg5[%mul3A_264] : memref<1572864xf32, #tpu.memory_space<hbm>> -> memref<1536xf32, #tpu.memory_space<hbm>>
    %dma_start3A_274 = tpu.memref_slice %arg5[%mul3A_264] : memref<1572864xf32, #tpu.memory_space<hbm>> -> memref<1536xf32, #tpu.memory_space<hbm>>
    %dma_start3A_275 = arith.constant 19968 : i32
    %dma_start3A_276 = tpu.memref_slice %arg8[%dma_start3A_275] : memref<49152xf32, #tpu.memory_space<vmem>> -> memref<1536xf32, #tpu.memory_space<vmem>>
    tpu.enqueue_dma source(%dma_start3A_276 : memref<1536xf32, #tpu.memory_space<vmem>>) target(%dma_start3A_274 : memref<1536xf32, #tpu.memory_space<hbm>>) target_semaphore(%arg18 : memref<!tpu.dma_semaphore, #tpu.memory_space<semaphore_mem>>)
    %add3A_277 = arith.constant 448 : i32
    %add3A_278 = arith.addi %add3A_277, %add3A : i32
    %mul3A_279 = arith.constant 1536 : i32
    %mul3A_280 = arith.muli %add3A_278, %mul3A_279 : i32
    %dma_start3A_281 = arith.constant 21504 : i32
    %dma_start3A_282 = tpu.memref_slice %arg7[%dma_start3A_281] : memref<49152xi32, #tpu.memory_space<vmem>> -> memref<1536xi32, #tpu.memory_space<vmem>>
    %dma_start3A_283 = tpu.memref_slice %arg4[%mul3A_280] : memref<1572864xi32, #tpu.memory_space<hbm>> -> memref<1536xi32, #tpu.memory_space<hbm>>
    %dma_start3A_284 = tpu.memref_slice %arg4[%mul3A_280] : memref<1572864xi32, #tpu.memory_space<hbm>> -> memref<1536xi32, #tpu.memory_space<hbm>>
    %dma_start3A_285 = arith.constant 21504 : i32
    %dma_start3A_286 = tpu.memref_slice %arg7[%dma_start3A_285] : memref<49152xi32, #tpu.memory_space<vmem>> -> memref<1536xi32, #tpu.memory_space<vmem>>
    tpu.enqueue_dma source(%dma_start3A_286 : memref<1536xi32, #tpu.memory_space<vmem>>) target(%dma_start3A_284 : memref<1536xi32, #tpu.memory_space<hbm>>) target_semaphore(%arg18 : memref<!tpu.dma_semaphore, #tpu.memory_space<semaphore_mem>>)
    %dma_start3A_287 = arith.constant 21504 : i32
    %dma_start3A_288 = tpu.memref_slice %arg8[%dma_start3A_287] : memref<49152xf32, #tpu.memory_space<vmem>> -> memref<1536xf32, #tpu.memory_space<vmem>>
    %dma_start3A_289 = tpu.memref_slice %arg5[%mul3A_280] : memref<1572864xf32, #tpu.memory_space<hbm>> -> memref<1536xf32, #tpu.memory_space<hbm>>
    %dma_start3A_290 = tpu.memref_slice %arg5[%mul3A_280] : memref<1572864xf32, #tpu.memory_space<hbm>> -> memref<1536xf32, #tpu.memory_space<hbm>>
    %dma_start3A_291 = arith.constant 21504 : i32
    %dma_start3A_292 = tpu.memref_slice %arg8[%dma_start3A_291] : memref<49152xf32, #tpu.memory_space<vmem>> -> memref<1536xf32, #tpu.memory_space<vmem>>
    tpu.enqueue_dma source(%dma_start3A_292 : memref<1536xf32, #tpu.memory_space<vmem>>) target(%dma_start3A_290 : memref<1536xf32, #tpu.memory_space<hbm>>) target_semaphore(%arg18 : memref<!tpu.dma_semaphore, #tpu.memory_space<semaphore_mem>>)
    %add3A_293 = arith.constant 480 : i32
    %add3A_294 = arith.addi %add3A_293, %add3A : i32
    %mul3A_295 = arith.constant 1536 : i32
    %mul3A_296 = arith.muli %add3A_294, %mul3A_295 : i32
    %dma_start3A_297 = arith.constant 23040 : i32
    %dma_start3A_298 = tpu.memref_slice %arg7[%dma_start3A_297] : memref<49152xi32, #tpu.memory_space<vmem>> -> memref<1536xi32, #tpu.memory_space<vmem>>
    %dma_start3A_299 = tpu.memref_slice %arg4[%mul3A_296] : memref<1572864xi32, #tpu.memory_space<hbm>> -> memref<1536xi32, #tpu.memory_space<hbm>>
    %dma_start3A_300 = tpu.memref_slice %arg4[%mul3A_296] : memref<1572864xi32, #tpu.memory_space<hbm>> -> memref<1536xi32, #tpu.memory_space<hbm>>
    %dma_start3A_301 = arith.constant 23040 : i32
    %dma_start3A_302 = tpu.memref_slice %arg7[%dma_start3A_301] : memref<49152xi32, #tpu.memory_space<vmem>> -> memref<1536xi32, #tpu.memory_space<vmem>>
    tpu.enqueue_dma source(%dma_start3A_302 : memref<1536xi32, #tpu.memory_space<vmem>>) target(%dma_start3A_300 : memref<1536xi32, #tpu.memory_space<hbm>>) target_semaphore(%arg18 : memref<!tpu.dma_semaphore, #tpu.memory_space<semaphore_mem>>)
    %dma_start3A_303 = arith.constant 23040 : i32
    %dma_start3A_304 = tpu.memref_slice %arg8[%dma_start3A_303] : memref<49152xf32, #tpu.memory_space<vmem>> -> memref<1536xf32, #tpu.memory_space<vmem>>
    %dma_start3A_305 = tpu.memref_slice %arg5[%mul3A_296] : memref<1572864xf32, #tpu.memory_space<hbm>> -> memref<1536xf32, #tpu.memory_space<hbm>>
    %dma_start3A_306 = tpu.memref_slice %arg5[%mul3A_296] : memref<1572864xf32, #tpu.memory_space<hbm>> -> memref<1536xf32, #tpu.memory_space<hbm>>
    %dma_start3A_307 = arith.constant 23040 : i32
    %dma_start3A_308 = tpu.memref_slice %arg8[%dma_start3A_307] : memref<49152xf32, #tpu.memory_space<vmem>> -> memref<1536xf32, #tpu.memory_space<vmem>>
    tpu.enqueue_dma source(%dma_start3A_308 : memref<1536xf32, #tpu.memory_space<vmem>>) target(%dma_start3A_306 : memref<1536xf32, #tpu.memory_space<hbm>>) target_semaphore(%arg18 : memref<!tpu.dma_semaphore, #tpu.memory_space<semaphore_mem>>)
    %add3A_309 = arith.constant 512 : i32
    %add3A_310 = arith.addi %add3A_309, %add3A : i32
    %mul3A_311 = arith.constant 1536 : i32
    %mul3A_312 = arith.muli %add3A_310, %mul3A_311 : i32
    %dma_start3A_313 = arith.constant 24576 : i32
    %dma_start3A_314 = tpu.memref_slice %arg7[%dma_start3A_313] : memref<49152xi32, #tpu.memory_space<vmem>> -> memref<1536xi32, #tpu.memory_space<vmem>>
    %dma_start3A_315 = tpu.memref_slice %arg4[%mul3A_312] : memref<1572864xi32, #tpu.memory_space<hbm>> -> memref<1536xi32, #tpu.memory_space<hbm>>
    %dma_start3A_316 = tpu.memref_slice %arg4[%mul3A_312] : memref<1572864xi32, #tpu.memory_space<hbm>> -> memref<1536xi32, #tpu.memory_space<hbm>>
    %dma_start3A_317 = arith.constant 24576 : i32
    %dma_start3A_318 = tpu.memref_slice %arg7[%dma_start3A_317] : memref<49152xi32, #tpu.memory_space<vmem>> -> memref<1536xi32, #tpu.memory_space<vmem>>
    tpu.enqueue_dma source(%dma_start3A_318 : memref<1536xi32, #tpu.memory_space<vmem>>) target(%dma_start3A_316 : memref<1536xi32, #tpu.memory_space<hbm>>) target_semaphore(%arg18 : memref<!tpu.dma_semaphore, #tpu.memory_space<semaphore_mem>>)
    %dma_start3A_319 = arith.constant 24576 : i32
    %dma_start3A_320 = tpu.memref_slice %arg8[%dma_start3A_319] : memref<49152xf32, #tpu.memory_space<vmem>> -> memref<1536xf32, #tpu.memory_space<vmem>>
    %dma_start3A_321 = tpu.memref_slice %arg5[%mul3A_312] : memref<1572864xf32, #tpu.memory_space<hbm>> -> memref<1536xf32, #tpu.memory_space<hbm>>
    %dma_start3A_322 = tpu.memref_slice %arg5[%mul3A_312] : memref<1572864xf32, #tpu.memory_space<hbm>> -> memref<1536xf32, #tpu.memory_space<hbm>>
    %dma_start3A_323 = arith.constant 24576 : i32
    %dma_start3A_324 = tpu.memref_slice %arg8[%dma_start3A_323] : memref<49152xf32, #tpu.memory_space<vmem>> -> memref<1536xf32, #tpu.memory_space<vmem>>
    tpu.enqueue_dma source(%dma_start3A_324 : memref<1536xf32, #tpu.memory_space<vmem>>) target(%dma_start3A_322 : memref<1536xf32, #tpu.memory_space<hbm>>) target_semaphore(%arg18 : memref<!tpu.dma_semaphore, #tpu.memory_space<semaphore_mem>>)
    %add3A_325 = arith.constant 544 : i32
    %add3A_326 = arith.addi %add3A_325, %add3A : i32
    %mul3A_327 = arith.constant 1536 : i32
    %mul3A_328 = arith.muli %add3A_326, %mul3A_327 : i32
    %dma_start3A_329 = arith.constant 26112 : i32
    %dma_start3A_330 = tpu.memref_slice %arg7[%dma_start3A_329] : memref<49152xi32, #tpu.memory_space<vmem>> -> memref<1536xi32, #tpu.memory_space<vmem>>
    %dma_start3A_331 = tpu.memref_slice %arg4[%mul3A_328] : memref<1572864xi32, #tpu.memory_space<hbm>> -> memref<1536xi32, #tpu.memory_space<hbm>>
    %dma_start3A_332 = tpu.memref_slice %arg4[%mul3A_328] : memref<1572864xi32, #tpu.memory_space<hbm>> -> memref<1536xi32, #tpu.memory_space<hbm>>
    %dma_start3A_333 = arith.constant 26112 : i32
    %dma_start3A_334 = tpu.memref_slice %arg7[%dma_start3A_333] : memref<49152xi32, #tpu.memory_space<vmem>> -> memref<1536xi32, #tpu.memory_space<vmem>>
    tpu.enqueue_dma source(%dma_start3A_334 : memref<1536xi32, #tpu.memory_space<vmem>>) target(%dma_start3A_332 : memref<1536xi32, #tpu.memory_space<hbm>>) target_semaphore(%arg18 : memref<!tpu.dma_semaphore, #tpu.memory_space<semaphore_mem>>)
    %dma_start3A_335 = arith.constant 26112 : i32
    %dma_start3A_336 = tpu.memref_slice %arg8[%dma_start3A_335] : memref<49152xf32, #tpu.memory_space<vmem>> -> memref<1536xf32, #tpu.memory_space<vmem>>
    %dma_start3A_337 = tpu.memref_slice %arg5[%mul3A_328] : memref<1572864xf32, #tpu.memory_space<hbm>> -> memref<1536xf32, #tpu.memory_space<hbm>>
    %dma_start3A_338 = tpu.memref_slice %arg5[%mul3A_328] : memref<1572864xf32, #tpu.memory_space<hbm>> -> memref<1536xf32, #tpu.memory_space<hbm>>
    %dma_start3A_339 = arith.constant 26112 : i32
    %dma_start3A_340 = tpu.memref_slice %arg8[%dma_start3A_339] : memref<49152xf32, #tpu.memory_space<vmem>> -> memref<1536xf32, #tpu.memory_space<vmem>>
    tpu.enqueue_dma source(%dma_start3A_340 : memref<1536xf32, #tpu.memory_space<vmem>>) target(%dma_start3A_338 : memref<1536xf32, #tpu.memory_space<hbm>>) target_semaphore(%arg18 : memref<!tpu.dma_semaphore, #tpu.memory_space<semaphore_mem>>)
    %add3A_341 = arith.constant 576 : i32
    %add3A_342 = arith.addi %add3A_341, %add3A : i32
    %mul3A_343 = arith.constant 1536 : i32
    %mul3A_344 = arith.muli %add3A_342, %mul3A_343 : i32
    %dma_start3A_345 = arith.constant 27648 : i32
    %dma_start3A_346 = tpu.memref_slice %arg7[%dma_start3A_345] : memref<49152xi32, #tpu.memory_space<vmem>> -> memref<1536xi32, #tpu.memory_space<vmem>>
    %dma_start3A_347 = tpu.memref_slice %arg4[%mul3A_344] : memref<1572864xi32, #tpu.memory_space<hbm>> -> memref<1536xi32, #tpu.memory_space<hbm>>
    %dma_start3A_348 = tpu.memref_slice %arg4[%mul3A_344] : memref<1572864xi32, #tpu.memory_space<hbm>> -> memref<1536xi32, #tpu.memory_space<hbm>>
    %dma_start3A_349 = arith.constant 27648 : i32
    %dma_start3A_350 = tpu.memref_slice %arg7[%dma_start3A_349] : memref<49152xi32, #tpu.memory_space<vmem>> -> memref<1536xi32, #tpu.memory_space<vmem>>
    tpu.enqueue_dma source(%dma_start3A_350 : memref<1536xi32, #tpu.memory_space<vmem>>) target(%dma_start3A_348 : memref<1536xi32, #tpu.memory_space<hbm>>) target_semaphore(%arg18 : memref<!tpu.dma_semaphore, #tpu.memory_space<semaphore_mem>>)
    %dma_start3A_351 = arith.constant 27648 : i32
    %dma_start3A_352 = tpu.memref_slice %arg8[%dma_start3A_351] : memref<49152xf32, #tpu.memory_space<vmem>> -> memref<1536xf32, #tpu.memory_space<vmem>>
    %dma_start3A_353 = tpu.memref_slice %arg5[%mul3A_344] : memref<1572864xf32, #tpu.memory_space<hbm>> -> memref<1536xf32, #tpu.memory_space<hbm>>
    %dma_start3A_354 = tpu.memref_slice %arg5[%mul3A_344] : memref<1572864xf32, #tpu.memory_space<hbm>> -> memref<1536xf32, #tpu.memory_space<hbm>>
    %dma_start3A_355 = arith.constant 27648 : i32
    %dma_start3A_356 = tpu.memref_slice %arg8[%dma_start3A_355] : memref<49152xf32, #tpu.memory_space<vmem>> -> memref<1536xf32, #tpu.memory_space<vmem>>
    tpu.enqueue_dma source(%dma_start3A_356 : memref<1536xf32, #tpu.memory_space<vmem>>) target(%dma_start3A_354 : memref<1536xf32, #tpu.memory_space<hbm>>) target_semaphore(%arg18 : memref<!tpu.dma_semaphore, #tpu.memory_space<semaphore_mem>>)
    %add3A_357 = arith.constant 608 : i32
    %add3A_358 = arith.addi %add3A_357, %add3A : i32
    %mul3A_359 = arith.constant 1536 : i32
    %mul3A_360 = arith.muli %add3A_358, %mul3A_359 : i32
    %dma_start3A_361 = arith.constant 29184 : i32
    %dma_start3A_362 = tpu.memref_slice %arg7[%dma_start3A_361] : memref<49152xi32, #tpu.memory_space<vmem>> -> memref<1536xi32, #tpu.memory_space<vmem>>
    %dma_start3A_363 = tpu.memref_slice %arg4[%mul3A_360] : memref<1572864xi32, #tpu.memory_space<hbm>> -> memref<1536xi32, #tpu.memory_space<hbm>>
    %dma_start3A_364 = tpu.memref_slice %arg4[%mul3A_360] : memref<1572864xi32, #tpu.memory_space<hbm>> -> memref<1536xi32, #tpu.memory_space<hbm>>
    %dma_start3A_365 = arith.constant 29184 : i32
    %dma_start3A_366 = tpu.memref_slice %arg7[%dma_start3A_365] : memref<49152xi32, #tpu.memory_space<vmem>> -> memref<1536xi32, #tpu.memory_space<vmem>>
    tpu.enqueue_dma source(%dma_start3A_366 : memref<1536xi32, #tpu.memory_space<vmem>>) target(%dma_start3A_364 : memref<1536xi32, #tpu.memory_space<hbm>>) target_semaphore(%arg18 : memref<!tpu.dma_semaphore, #tpu.memory_space<semaphore_mem>>)
    %dma_start3A_367 = arith.constant 29184 : i32
    %dma_start3A_368 = tpu.memref_slice %arg8[%dma_start3A_367] : memref<49152xf32, #tpu.memory_space<vmem>> -> memref<1536xf32, #tpu.memory_space<vmem>>
    %dma_start3A_369 = tpu.memref_slice %arg5[%mul3A_360] : memref<1572864xf32, #tpu.memory_space<hbm>> -> memref<1536xf32, #tpu.memory_space<hbm>>
    %dma_start3A_370 = tpu.memref_slice %arg5[%mul3A_360] : memref<1572864xf32, #tpu.memory_space<hbm>> -> memref<1536xf32, #tpu.memory_space<hbm>>
    %dma_start3A_371 = arith.constant 29184 : i32
    %dma_start3A_372 = tpu.memref_slice %arg8[%dma_start3A_371] : memref<49152xf32, #tpu.memory_space<vmem>> -> memref<1536xf32, #tpu.memory_space<vmem>>
    tpu.enqueue_dma source(%dma_start3A_372 : memref<1536xf32, #tpu.memory_space<vmem>>) target(%dma_start3A_370 : memref<1536xf32, #tpu.memory_space<hbm>>) target_semaphore(%arg18 : memref<!tpu.dma_semaphore, #tpu.memory_space<semaphore_mem>>)
    %add3A_373 = arith.constant 640 : i32
    %add3A_374 = arith.addi %add3A_373, %add3A : i32
    %mul3A_375 = arith.constant 1536 : i32
    %mul3A_376 = arith.muli %add3A_374, %mul3A_375 : i32
    %dma_start3A_377 = arith.constant 30720 : i32
    %dma_start3A_378 = tpu.memref_slice %arg7[%dma_start3A_377] : memref<49152xi32, #tpu.memory_space<vmem>> -> memref<1536xi32, #tpu.memory_space<vmem>>
    %dma_start3A_379 = tpu.memref_slice %arg4[%mul3A_376] : memref<1572864xi32, #tpu.memory_space<hbm>> -> memref<1536xi32, #tpu.memory_space<hbm>>
    %dma_start3A_380 = tpu.memref_slice %arg4[%mul3A_376] : memref<1572864xi32, #tpu.memory_space<hbm>> -> memref<1536xi32, #tpu.memory_space<hbm>>
    %dma_start3A_381 = arith.constant 30720 : i32
    %dma_start3A_382 = tpu.memref_slice %arg7[%dma_start3A_381] : memref<49152xi32, #tpu.memory_space<vmem>> -> memref<1536xi32, #tpu.memory_space<vmem>>
    tpu.enqueue_dma source(%dma_start3A_382 : memref<1536xi32, #tpu.memory_space<vmem>>) target(%dma_start3A_380 : memref<1536xi32, #tpu.memory_space<hbm>>) target_semaphore(%arg18 : memref<!tpu.dma_semaphore, #tpu.memory_space<semaphore_mem>>)
    %dma_start3A_383 = arith.constant 30720 : i32
    %dma_start3A_384 = tpu.memref_slice %arg8[%dma_start3A_383] : memref<49152xf32, #tpu.memory_space<vmem>> -> memref<1536xf32, #tpu.memory_space<vmem>>
    %dma_start3A_385 = tpu.memref_slice %arg5[%mul3A_376] : memref<1572864xf32, #tpu.memory_space<hbm>> -> memref<1536xf32, #tpu.memory_space<hbm>>
    %dma_start3A_386 = tpu.memref_slice %arg5[%mul3A_376] : memref<1572864xf32, #tpu.memory_space<hbm>> -> memref<1536xf32, #tpu.memory_space<hbm>>
    %dma_start3A_387 = arith.constant 30720 : i32
    %dma_start3A_388 = tpu.memref_slice %arg8[%dma_start3A_387] : memref<49152xf32, #tpu.memory_space<vmem>> -> memref<1536xf32, #tpu.memory_space<vmem>>
    tpu.enqueue_dma source(%dma_start3A_388 : memref<1536xf32, #tpu.memory_space<vmem>>) target(%dma_start3A_386 : memref<1536xf32, #tpu.memory_space<hbm>>) target_semaphore(%arg18 : memref<!tpu.dma_semaphore, #tpu.memory_space<semaphore_mem>>)
    %add3A_389 = arith.constant 672 : i32
    %add3A_390 = arith.addi %add3A_389, %add3A : i32
    %mul3A_391 = arith.constant 1536 : i32
    %mul3A_392 = arith.muli %add3A_390, %mul3A_391 : i32
    %dma_start3A_393 = arith.constant 32256 : i32
    %dma_start3A_394 = tpu.memref_slice %arg7[%dma_start3A_393] : memref<49152xi32, #tpu.memory_space<vmem>> -> memref<1536xi32, #tpu.memory_space<vmem>>
    %dma_start3A_395 = tpu.memref_slice %arg4[%mul3A_392] : memref<1572864xi32, #tpu.memory_space<hbm>> -> memref<1536xi32, #tpu.memory_space<hbm>>
    %dma_start3A_396 = tpu.memref_slice %arg4[%mul3A_392] : memref<1572864xi32, #tpu.memory_space<hbm>> -> memref<1536xi32, #tpu.memory_space<hbm>>
    %dma_start3A_397 = arith.constant 32256 : i32
    %dma_start3A_398 = tpu.memref_slice %arg7[%dma_start3A_397] : memref<49152xi32, #tpu.memory_space<vmem>> -> memref<1536xi32, #tpu.memory_space<vmem>>
    tpu.enqueue_dma source(%dma_start3A_398 : memref<1536xi32, #tpu.memory_space<vmem>>) target(%dma_start3A_396 : memref<1536xi32, #tpu.memory_space<hbm>>) target_semaphore(%arg18 : memref<!tpu.dma_semaphore, #tpu.memory_space<semaphore_mem>>)
    %dma_start3A_399 = arith.constant 32256 : i32
    %dma_start3A_400 = tpu.memref_slice %arg8[%dma_start3A_399] : memref<49152xf32, #tpu.memory_space<vmem>> -> memref<1536xf32, #tpu.memory_space<vmem>>
    %dma_start3A_401 = tpu.memref_slice %arg5[%mul3A_392] : memref<1572864xf32, #tpu.memory_space<hbm>> -> memref<1536xf32, #tpu.memory_space<hbm>>
    %dma_start3A_402 = tpu.memref_slice %arg5[%mul3A_392] : memref<1572864xf32, #tpu.memory_space<hbm>> -> memref<1536xf32, #tpu.memory_space<hbm>>
    %dma_start3A_403 = arith.constant 32256 : i32
    %dma_start3A_404 = tpu.memref_slice %arg8[%dma_start3A_403] : memref<49152xf32, #tpu.memory_space<vmem>> -> memref<1536xf32, #tpu.memory_space<vmem>>
    tpu.enqueue_dma source(%dma_start3A_404 : memref<1536xf32, #tpu.memory_space<vmem>>) target(%dma_start3A_402 : memref<1536xf32, #tpu.memory_space<hbm>>) target_semaphore(%arg18 : memref<!tpu.dma_semaphore, #tpu.memory_space<semaphore_mem>>)
    %add3A_405 = arith.constant 704 : i32
    %add3A_406 = arith.addi %add3A_405, %add3A : i32
    %mul3A_407 = arith.constant 1536 : i32
    %mul3A_408 = arith.muli %add3A_406, %mul3A_407 : i32
    %dma_start3A_409 = arith.constant 33792 : i32
    %dma_start3A_410 = tpu.memref_slice %arg7[%dma_start3A_409] : memref<49152xi32, #tpu.memory_space<vmem>> -> memref<1536xi32, #tpu.memory_space<vmem>>
    %dma_start3A_411 = tpu.memref_slice %arg4[%mul3A_408] : memref<1572864xi32, #tpu.memory_space<hbm>> -> memref<1536xi32, #tpu.memory_space<hbm>>
    %dma_start3A_412 = tpu.memref_slice %arg4[%mul3A_408] : memref<1572864xi32, #tpu.memory_space<hbm>> -> memref<1536xi32, #tpu.memory_space<hbm>>
    %dma_start3A_413 = arith.constant 33792 : i32
    %dma_start3A_414 = tpu.memref_slice %arg7[%dma_start3A_413] : memref<49152xi32, #tpu.memory_space<vmem>> -> memref<1536xi32, #tpu.memory_space<vmem>>
    tpu.enqueue_dma source(%dma_start3A_414 : memref<1536xi32, #tpu.memory_space<vmem>>) target(%dma_start3A_412 : memref<1536xi32, #tpu.memory_space<hbm>>) target_semaphore(%arg18 : memref<!tpu.dma_semaphore, #tpu.memory_space<semaphore_mem>>)
    %dma_start3A_415 = arith.constant 33792 : i32
    %dma_start3A_416 = tpu.memref_slice %arg8[%dma_start3A_415] : memref<49152xf32, #tpu.memory_space<vmem>> -> memref<1536xf32, #tpu.memory_space<vmem>>
    %dma_start3A_417 = tpu.memref_slice %arg5[%mul3A_408] : memref<1572864xf32, #tpu.memory_space<hbm>> -> memref<1536xf32, #tpu.memory_space<hbm>>
    %dma_start3A_418 = tpu.memref_slice %arg5[%mul3A_408] : memref<1572864xf32, #tpu.memory_space<hbm>> -> memref<1536xf32, #tpu.memory_space<hbm>>
    %dma_start3A_419 = arith.constant 33792 : i32
    %dma_start3A_420 = tpu.memref_slice %arg8[%dma_start3A_419] : memref<49152xf32, #tpu.memory_space<vmem>> -> memref<1536xf32, #tpu.memory_space<vmem>>
    tpu.enqueue_dma source(%dma_start3A_420 : memref<1536xf32, #tpu.memory_space<vmem>>) target(%dma_start3A_418 : memref<1536xf32, #tpu.memory_space<hbm>>) target_semaphore(%arg18 : memref<!tpu.dma_semaphore, #tpu.memory_space<semaphore_mem>>)
    %add3A_421 = arith.constant 736 : i32
    %add3A_422 = arith.addi %add3A_421, %add3A : i32
    %mul3A_423 = arith.constant 1536 : i32
    %mul3A_424 = arith.muli %add3A_422, %mul3A_423 : i32
    %dma_start3A_425 = arith.constant 35328 : i32
    %dma_start3A_426 = tpu.memref_slice %arg7[%dma_start3A_425] : memref<49152xi32, #tpu.memory_space<vmem>> -> memref<1536xi32, #tpu.memory_space<vmem>>
    %dma_start3A_427 = tpu.memref_slice %arg4[%mul3A_424] : memref<1572864xi32, #tpu.memory_space<hbm>> -> memref<1536xi32, #tpu.memory_space<hbm>>
    %dma_start3A_428 = tpu.memref_slice %arg4[%mul3A_424] : memref<1572864xi32, #tpu.memory_space<hbm>> -> memref<1536xi32, #tpu.memory_space<hbm>>
    %dma_start3A_429 = arith.constant 35328 : i32
    %dma_start3A_430 = tpu.memref_slice %arg7[%dma_start3A_429] : memref<49152xi32, #tpu.memory_space<vmem>> -> memref<1536xi32, #tpu.memory_space<vmem>>
    tpu.enqueue_dma source(%dma_start3A_430 : memref<1536xi32, #tpu.memory_space<vmem>>) target(%dma_start3A_428 : memref<1536xi32, #tpu.memory_space<hbm>>) target_semaphore(%arg18 : memref<!tpu.dma_semaphore, #tpu.memory_space<semaphore_mem>>)
    %dma_start3A_431 = arith.constant 35328 : i32
    %dma_start3A_432 = tpu.memref_slice %arg8[%dma_start3A_431] : memref<49152xf32, #tpu.memory_space<vmem>> -> memref<1536xf32, #tpu.memory_space<vmem>>
    %dma_start3A_433 = tpu.memref_slice %arg5[%mul3A_424] : memref<1572864xf32, #tpu.memory_space<hbm>> -> memref<1536xf32, #tpu.memory_space<hbm>>
    %dma_start3A_434 = tpu.memref_slice %arg5[%mul3A_424] : memref<1572864xf32, #tpu.memory_space<hbm>> -> memref<1536xf32, #tpu.memory_space<hbm>>
    %dma_start3A_435 = arith.constant 35328 : i32
    %dma_start3A_436 = tpu.memref_slice %arg8[%dma_start3A_435] : memref<49152xf32, #tpu.memory_space<vmem>> -> memref<1536xf32, #tpu.memory_space<vmem>>
    tpu.enqueue_dma source(%dma_start3A_436 : memref<1536xf32, #tpu.memory_space<vmem>>) target(%dma_start3A_434 : memref<1536xf32, #tpu.memory_space<hbm>>) target_semaphore(%arg18 : memref<!tpu.dma_semaphore, #tpu.memory_space<semaphore_mem>>)
    %add3A_437 = arith.constant 768 : i32
    %add3A_438 = arith.addi %add3A_437, %add3A : i32
    %mul3A_439 = arith.constant 1536 : i32
    %mul3A_440 = arith.muli %add3A_438, %mul3A_439 : i32
    %dma_start3A_441 = arith.constant 36864 : i32
    %dma_start3A_442 = tpu.memref_slice %arg7[%dma_start3A_441] : memref<49152xi32, #tpu.memory_space<vmem>> -> memref<1536xi32, #tpu.memory_space<vmem>>
    %dma_start3A_443 = tpu.memref_slice %arg4[%mul3A_440] : memref<1572864xi32, #tpu.memory_space<hbm>> -> memref<1536xi32, #tpu.memory_space<hbm>>
    %dma_start3A_444 = tpu.memref_slice %arg4[%mul3A_440] : memref<1572864xi32, #tpu.memory_space<hbm>> -> memref<1536xi32, #tpu.memory_space<hbm>>
    %dma_start3A_445 = arith.constant 36864 : i32
    %dma_start3A_446 = tpu.memref_slice %arg7[%dma_start3A_445] : memref<49152xi32, #tpu.memory_space<vmem>> -> memref<1536xi32, #tpu.memory_space<vmem>>
    tpu.enqueue_dma source(%dma_start3A_446 : memref<1536xi32, #tpu.memory_space<vmem>>) target(%dma_start3A_444 : memref<1536xi32, #tpu.memory_space<hbm>>) target_semaphore(%arg18 : memref<!tpu.dma_semaphore, #tpu.memory_space<semaphore_mem>>)
    %dma_start3A_447 = arith.constant 36864 : i32
    %dma_start3A_448 = tpu.memref_slice %arg8[%dma_start3A_447] : memref<49152xf32, #tpu.memory_space<vmem>> -> memref<1536xf32, #tpu.memory_space<vmem>>
    %dma_start3A_449 = tpu.memref_slice %arg5[%mul3A_440] : memref<1572864xf32, #tpu.memory_space<hbm>> -> memref<1536xf32, #tpu.memory_space<hbm>>
    %dma_start3A_450 = tpu.memref_slice %arg5[%mul3A_440] : memref<1572864xf32, #tpu.memory_space<hbm>> -> memref<1536xf32, #tpu.memory_space<hbm>>
    %dma_start3A_451 = arith.constant 36864 : i32
    %dma_start3A_452 = tpu.memref_slice %arg8[%dma_start3A_451] : memref<49152xf32, #tpu.memory_space<vmem>> -> memref<1536xf32, #tpu.memory_space<vmem>>
    tpu.enqueue_dma source(%dma_start3A_452 : memref<1536xf32, #tpu.memory_space<vmem>>) target(%dma_start3A_450 : memref<1536xf32, #tpu.memory_space<hbm>>) target_semaphore(%arg18 : memref<!tpu.dma_semaphore, #tpu.memory_space<semaphore_mem>>)
    %add3A_453 = arith.constant 800 : i32
    %add3A_454 = arith.addi %add3A_453, %add3A : i32
    %mul3A_455 = arith.constant 1536 : i32
    %mul3A_456 = arith.muli %add3A_454, %mul3A_455 : i32
    %dma_start3A_457 = arith.constant 38400 : i32
    %dma_start3A_458 = tpu.memref_slice %arg7[%dma_start3A_457] : memref<49152xi32, #tpu.memory_space<vmem>> -> memref<1536xi32, #tpu.memory_space<vmem>>
    %dma_start3A_459 = tpu.memref_slice %arg4[%mul3A_456] : memref<1572864xi32, #tpu.memory_space<hbm>> -> memref<1536xi32, #tpu.memory_space<hbm>>
    %dma_start3A_460 = tpu.memref_slice %arg4[%mul3A_456] : memref<1572864xi32, #tpu.memory_space<hbm>> -> memref<1536xi32, #tpu.memory_space<hbm>>
    %dma_start3A_461 = arith.constant 38400 : i32
    %dma_start3A_462 = tpu.memref_slice %arg7[%dma_start3A_461] : memref<49152xi32, #tpu.memory_space<vmem>> -> memref<1536xi32, #tpu.memory_space<vmem>>
    tpu.enqueue_dma source(%dma_start3A_462 : memref<1536xi32, #tpu.memory_space<vmem>>) target(%dma_start3A_460 : memref<1536xi32, #tpu.memory_space<hbm>>) target_semaphore(%arg18 : memref<!tpu.dma_semaphore, #tpu.memory_space<semaphore_mem>>)
    %dma_start3A_463 = arith.constant 38400 : i32
    %dma_start3A_464 = tpu.memref_slice %arg8[%dma_start3A_463] : memref<49152xf32, #tpu.memory_space<vmem>> -> memref<1536xf32, #tpu.memory_space<vmem>>
    %dma_start3A_465 = tpu.memref_slice %arg5[%mul3A_456] : memref<1572864xf32, #tpu.memory_space<hbm>> -> memref<1536xf32, #tpu.memory_space<hbm>>
    %dma_start3A_466 = tpu.memref_slice %arg5[%mul3A_456] : memref<1572864xf32, #tpu.memory_space<hbm>> -> memref<1536xf32, #tpu.memory_space<hbm>>
    %dma_start3A_467 = arith.constant 38400 : i32
    %dma_start3A_468 = tpu.memref_slice %arg8[%dma_start3A_467] : memref<49152xf32, #tpu.memory_space<vmem>> -> memref<1536xf32, #tpu.memory_space<vmem>>
    tpu.enqueue_dma source(%dma_start3A_468 : memref<1536xf32, #tpu.memory_space<vmem>>) target(%dma_start3A_466 : memref<1536xf32, #tpu.memory_space<hbm>>) target_semaphore(%arg18 : memref<!tpu.dma_semaphore, #tpu.memory_space<semaphore_mem>>)
    %add3A_469 = arith.constant 832 : i32
    %add3A_470 = arith.addi %add3A_469, %add3A : i32
    %mul3A_471 = arith.constant 1536 : i32
    %mul3A_472 = arith.muli %add3A_470, %mul3A_471 : i32
    %dma_start3A_473 = arith.constant 39936 : i32
    %dma_start3A_474 = tpu.memref_slice %arg7[%dma_start3A_473] : memref<49152xi32, #tpu.memory_space<vmem>> -> memref<1536xi32, #tpu.memory_space<vmem>>
    %dma_start3A_475 = tpu.memref_slice %arg4[%mul3A_472] : memref<1572864xi32, #tpu.memory_space<hbm>> -> memref<1536xi32, #tpu.memory_space<hbm>>
    %dma_start3A_476 = tpu.memref_slice %arg4[%mul3A_472] : memref<1572864xi32, #tpu.memory_space<hbm>> -> memref<1536xi32, #tpu.memory_space<hbm>>
    %dma_start3A_477 = arith.constant 39936 : i32
    %dma_start3A_478 = tpu.memref_slice %arg7[%dma_start3A_477] : memref<49152xi32, #tpu.memory_space<vmem>> -> memref<1536xi32, #tpu.memory_space<vmem>>
    tpu.enqueue_dma source(%dma_start3A_478 : memref<1536xi32, #tpu.memory_space<vmem>>) target(%dma_start3A_476 : memref<1536xi32, #tpu.memory_space<hbm>>) target_semaphore(%arg18 : memref<!tpu.dma_semaphore, #tpu.memory_space<semaphore_mem>>)
    %dma_start3A_479 = arith.constant 39936 : i32
    %dma_start3A_480 = tpu.memref_slice %arg8[%dma_start3A_479] : memref<49152xf32, #tpu.memory_space<vmem>> -> memref<1536xf32, #tpu.memory_space<vmem>>
    %dma_start3A_481 = tpu.memref_slice %arg5[%mul3A_472] : memref<1572864xf32, #tpu.memory_space<hbm>> -> memref<1536xf32, #tpu.memory_space<hbm>>
    %dma_start3A_482 = tpu.memref_slice %arg5[%mul3A_472] : memref<1572864xf32, #tpu.memory_space<hbm>> -> memref<1536xf32, #tpu.memory_space<hbm>>
    %dma_start3A_483 = arith.constant 39936 : i32
    %dma_start3A_484 = tpu.memref_slice %arg8[%dma_start3A_483] : memref<49152xf32, #tpu.memory_space<vmem>> -> memref<1536xf32, #tpu.memory_space<vmem>>
    tpu.enqueue_dma source(%dma_start3A_484 : memref<1536xf32, #tpu.memory_space<vmem>>) target(%dma_start3A_482 : memref<1536xf32, #tpu.memory_space<hbm>>) target_semaphore(%arg18 : memref<!tpu.dma_semaphore, #tpu.memory_space<semaphore_mem>>)
    %add3A_485 = arith.constant 864 : i32
    %add3A_486 = arith.addi %add3A_485, %add3A : i32
    %mul3A_487 = arith.constant 1536 : i32
    %mul3A_488 = arith.muli %add3A_486, %mul3A_487 : i32
    %dma_start3A_489 = arith.constant 41472 : i32
    %dma_start3A_490 = tpu.memref_slice %arg7[%dma_start3A_489] : memref<49152xi32, #tpu.memory_space<vmem>> -> memref<1536xi32, #tpu.memory_space<vmem>>
    %dma_start3A_491 = tpu.memref_slice %arg4[%mul3A_488] : memref<1572864xi32, #tpu.memory_space<hbm>> -> memref<1536xi32, #tpu.memory_space<hbm>>
    %dma_start3A_492 = tpu.memref_slice %arg4[%mul3A_488] : memref<1572864xi32, #tpu.memory_space<hbm>> -> memref<1536xi32, #tpu.memory_space<hbm>>
    %dma_start3A_493 = arith.constant 41472 : i32
    %dma_start3A_494 = tpu.memref_slice %arg7[%dma_start3A_493] : memref<49152xi32, #tpu.memory_space<vmem>> -> memref<1536xi32, #tpu.memory_space<vmem>>
    tpu.enqueue_dma source(%dma_start3A_494 : memref<1536xi32, #tpu.memory_space<vmem>>) target(%dma_start3A_492 : memref<1536xi32, #tpu.memory_space<hbm>>) target_semaphore(%arg18 : memref<!tpu.dma_semaphore, #tpu.memory_space<semaphore_mem>>)
    %dma_start3A_495 = arith.constant 41472 : i32
    %dma_start3A_496 = tpu.memref_slice %arg8[%dma_start3A_495] : memref<49152xf32, #tpu.memory_space<vmem>> -> memref<1536xf32, #tpu.memory_space<vmem>>
    %dma_start3A_497 = tpu.memref_slice %arg5[%mul3A_488] : memref<1572864xf32, #tpu.memory_space<hbm>> -> memref<1536xf32, #tpu.memory_space<hbm>>
    %dma_start3A_498 = tpu.memref_slice %arg5[%mul3A_488] : memref<1572864xf32, #tpu.memory_space<hbm>> -> memref<1536xf32, #tpu.memory_space<hbm>>
    %dma_start3A_499 = arith.constant 41472 : i32
    %dma_start3A_500 = tpu.memref_slice %arg8[%dma_start3A_499] : memref<49152xf32, #tpu.memory_space<vmem>> -> memref<1536xf32, #tpu.memory_space<vmem>>
    tpu.enqueue_dma source(%dma_start3A_500 : memref<1536xf32, #tpu.memory_space<vmem>>) target(%dma_start3A_498 : memref<1536xf32, #tpu.memory_space<hbm>>) target_semaphore(%arg18 : memref<!tpu.dma_semaphore, #tpu.memory_space<semaphore_mem>>)
    %add3A_501 = arith.constant 896 : i32
    %add3A_502 = arith.addi %add3A_501, %add3A : i32
    %mul3A_503 = arith.constant 1536 : i32
    %mul3A_504 = arith.muli %add3A_502, %mul3A_503 : i32
    %dma_start3A_505 = arith.constant 43008 : i32
    %dma_start3A_506 = tpu.memref_slice %arg7[%dma_start3A_505] : memref<49152xi32, #tpu.memory_space<vmem>> -> memref<1536xi32, #tpu.memory_space<vmem>>
    %dma_start3A_507 = tpu.memref_slice %arg4[%mul3A_504] : memref<1572864xi32, #tpu.memory_space<hbm>> -> memref<1536xi32, #tpu.memory_space<hbm>>
    %dma_start3A_508 = tpu.memref_slice %arg4[%mul3A_504] : memref<1572864xi32, #tpu.memory_space<hbm>> -> memref<1536xi32, #tpu.memory_space<hbm>>
    %dma_start3A_509 = arith.constant 43008 : i32
    %dma_start3A_510 = tpu.memref_slice %arg7[%dma_start3A_509] : memref<49152xi32, #tpu.memory_space<vmem>> -> memref<1536xi32, #tpu.memory_space<vmem>>
    tpu.enqueue_dma source(%dma_start3A_510 : memref<1536xi32, #tpu.memory_space<vmem>>) target(%dma_start3A_508 : memref<1536xi32, #tpu.memory_space<hbm>>) target_semaphore(%arg18 : memref<!tpu.dma_semaphore, #tpu.memory_space<semaphore_mem>>)
    %dma_start3A_511 = arith.constant 43008 : i32
    %dma_start3A_512 = tpu.memref_slice %arg8[%dma_start3A_511] : memref<49152xf32, #tpu.memory_space<vmem>> -> memref<1536xf32, #tpu.memory_space<vmem>>
    %dma_start3A_513 = tpu.memref_slice %arg5[%mul3A_504] : memref<1572864xf32, #tpu.memory_space<hbm>> -> memref<1536xf32, #tpu.memory_space<hbm>>
    %dma_start3A_514 = tpu.memref_slice %arg5[%mul3A_504] : memref<1572864xf32, #tpu.memory_space<hbm>> -> memref<1536xf32, #tpu.memory_space<hbm>>
    %dma_start3A_515 = arith.constant 43008 : i32
    %dma_start3A_516 = tpu.memref_slice %arg8[%dma_start3A_515] : memref<49152xf32, #tpu.memory_space<vmem>> -> memref<1536xf32, #tpu.memory_space<vmem>>
    tpu.enqueue_dma source(%dma_start3A_516 : memref<1536xf32, #tpu.memory_space<vmem>>) target(%dma_start3A_514 : memref<1536xf32, #tpu.memory_space<hbm>>) target_semaphore(%arg18 : memref<!tpu.dma_semaphore, #tpu.memory_space<semaphore_mem>>)
    %add3A_517 = arith.constant 928 : i32
    %add3A_518 = arith.addi %add3A_517, %add3A : i32
    %mul3A_519 = arith.constant 1536 : i32
    %mul3A_520 = arith.muli %add3A_518, %mul3A_519 : i32
    %dma_start3A_521 = arith.constant 44544 : i32
    %dma_start3A_522 = tpu.memref_slice %arg7[%dma_start3A_521] : memref<49152xi32, #tpu.memory_space<vmem>> -> memref<1536xi32, #tpu.memory_space<vmem>>
    %dma_start3A_523 = tpu.memref_slice %arg4[%mul3A_520] : memref<1572864xi32, #tpu.memory_space<hbm>> -> memref<1536xi32, #tpu.memory_space<hbm>>
    %dma_start3A_524 = tpu.memref_slice %arg4[%mul3A_520] : memref<1572864xi32, #tpu.memory_space<hbm>> -> memref<1536xi32, #tpu.memory_space<hbm>>
    %dma_start3A_525 = arith.constant 44544 : i32
    %dma_start3A_526 = tpu.memref_slice %arg7[%dma_start3A_525] : memref<49152xi32, #tpu.memory_space<vmem>> -> memref<1536xi32, #tpu.memory_space<vmem>>
    tpu.enqueue_dma source(%dma_start3A_526 : memref<1536xi32, #tpu.memory_space<vmem>>) target(%dma_start3A_524 : memref<1536xi32, #tpu.memory_space<hbm>>) target_semaphore(%arg18 : memref<!tpu.dma_semaphore, #tpu.memory_space<semaphore_mem>>)
    %dma_start3A_527 = arith.constant 44544 : i32
    %dma_start3A_528 = tpu.memref_slice %arg8[%dma_start3A_527] : memref<49152xf32, #tpu.memory_space<vmem>> -> memref<1536xf32, #tpu.memory_space<vmem>>
    %dma_start3A_529 = tpu.memref_slice %arg5[%mul3A_520] : memref<1572864xf32, #tpu.memory_space<hbm>> -> memref<1536xf32, #tpu.memory_space<hbm>>
    %dma_start3A_530 = tpu.memref_slice %arg5[%mul3A_520] : memref<1572864xf32, #tpu.memory_space<hbm>> -> memref<1536xf32, #tpu.memory_space<hbm>>
    %dma_start3A_531 = arith.constant 44544 : i32
    %dma_start3A_532 = tpu.memref_slice %arg8[%dma_start3A_531] : memref<49152xf32, #tpu.memory_space<vmem>> -> memref<1536xf32, #tpu.memory_space<vmem>>
    tpu.enqueue_dma source(%dma_start3A_532 : memref<1536xf32, #tpu.memory_space<vmem>>) target(%dma_start3A_530 : memref<1536xf32, #tpu.memory_space<hbm>>) target_semaphore(%arg18 : memref<!tpu.dma_semaphore, #tpu.memory_space<semaphore_mem>>)
    %add3A_533 = arith.constant 960 : i32
    %add3A_534 = arith.addi %add3A_533, %add3A : i32
    %mul3A_535 = arith.constant 1536 : i32
    %mul3A_536 = arith.muli %add3A_534, %mul3A_535 : i32
    %dma_start3A_537 = arith.constant 46080 : i32
    %dma_start3A_538 = tpu.memref_slice %arg7[%dma_start3A_537] : memref<49152xi32, #tpu.memory_space<vmem>> -> memref<1536xi32, #tpu.memory_space<vmem>>
    %dma_start3A_539 = tpu.memref_slice %arg4[%mul3A_536] : memref<1572864xi32, #tpu.memory_space<hbm>> -> memref<1536xi32, #tpu.memory_space<hbm>>
    %dma_start3A_540 = tpu.memref_slice %arg4[%mul3A_536] : memref<1572864xi32, #tpu.memory_space<hbm>> -> memref<1536xi32, #tpu.memory_space<hbm>>
    %dma_start3A_541 = arith.constant 46080 : i32
    %dma_start3A_542 = tpu.memref_slice %arg7[%dma_start3A_541] : memref<49152xi32, #tpu.memory_space<vmem>> -> memref<1536xi32, #tpu.memory_space<vmem>>
    tpu.enqueue_dma source(%dma_start3A_542 : memref<1536xi32, #tpu.memory_space<vmem>>) target(%dma_start3A_540 : memref<1536xi32, #tpu.memory_space<hbm>>) target_semaphore(%arg18 : memref<!tpu.dma_semaphore, #tpu.memory_space<semaphore_mem>>)
    %dma_start3A_543 = arith.constant 46080 : i32
    %dma_start3A_544 = tpu.memref_slice %arg8[%dma_start3A_543] : memref<49152xf32, #tpu.memory_space<vmem>> -> memref<1536xf32, #tpu.memory_space<vmem>>
    %dma_start3A_545 = tpu.memref_slice %arg5[%mul3A_536] : memref<1572864xf32, #tpu.memory_space<hbm>> -> memref<1536xf32, #tpu.memory_space<hbm>>
    %dma_start3A_546 = tpu.memref_slice %arg5[%mul3A_536] : memref<1572864xf32, #tpu.memory_space<hbm>> -> memref<1536xf32, #tpu.memory_space<hbm>>
    %dma_start3A_547 = arith.constant 46080 : i32
    %dma_start3A_548 = tpu.memref_slice %arg8[%dma_start3A_547] : memref<49152xf32, #tpu.memory_space<vmem>> -> memref<1536xf32, #tpu.memory_space<vmem>>
    tpu.enqueue_dma source(%dma_start3A_548 : memref<1536xf32, #tpu.memory_space<vmem>>) target(%dma_start3A_546 : memref<1536xf32, #tpu.memory_space<hbm>>) target_semaphore(%arg18 : memref<!tpu.dma_semaphore, #tpu.memory_space<semaphore_mem>>)
    %add3A_549 = arith.constant 992 : i32
    %add3A_550 = arith.addi %add3A_549, %add3A : i32
    %mul3A_551 = arith.constant 1536 : i32
    %mul3A_552 = arith.muli %add3A_550, %mul3A_551 : i32
    %dma_start3A_553 = arith.constant 47616 : i32
    %dma_start3A_554 = tpu.memref_slice %arg7[%dma_start3A_553] : memref<49152xi32, #tpu.memory_space<vmem>> -> memref<1536xi32, #tpu.memory_space<vmem>>
    %dma_start3A_555 = tpu.memref_slice %arg4[%mul3A_552] : memref<1572864xi32, #tpu.memory_space<hbm>> -> memref<1536xi32, #tpu.memory_space<hbm>>
    %dma_start3A_556 = tpu.memref_slice %arg4[%mul3A_552] : memref<1572864xi32, #tpu.memory_space<hbm>> -> memref<1536xi32, #tpu.memory_space<hbm>>
    %dma_start3A_557 = arith.constant 47616 : i32
    %dma_start3A_558 = tpu.memref_slice %arg7[%dma_start3A_557] : memref<49152xi32, #tpu.memory_space<vmem>> -> memref<1536xi32, #tpu.memory_space<vmem>>
    tpu.enqueue_dma source(%dma_start3A_558 : memref<1536xi32, #tpu.memory_space<vmem>>) target(%dma_start3A_556 : memref<1536xi32, #tpu.memory_space<hbm>>) target_semaphore(%arg18 : memref<!tpu.dma_semaphore, #tpu.memory_space<semaphore_mem>>)
    %dma_start3A_559 = arith.constant 47616 : i32
    %dma_start3A_560 = tpu.memref_slice %arg8[%dma_start3A_559] : memref<49152xf32, #tpu.memory_space<vmem>> -> memref<1536xf32, #tpu.memory_space<vmem>>
    %dma_start3A_561 = tpu.memref_slice %arg5[%mul3A_552] : memref<1572864xf32, #tpu.memory_space<hbm>> -> memref<1536xf32, #tpu.memory_space<hbm>>
    %dma_start3A_562 = tpu.memref_slice %arg5[%mul3A_552] : memref<1572864xf32, #tpu.memory_space<hbm>> -> memref<1536xf32, #tpu.memory_space<hbm>>
    %dma_start3A_563 = arith.constant 47616 : i32
    %dma_start3A_564 = tpu.memref_slice %arg8[%dma_start3A_563] : memref<49152xf32, #tpu.memory_space<vmem>> -> memref<1536xf32, #tpu.memory_space<vmem>>
    tpu.enqueue_dma source(%dma_start3A_564 : memref<1536xf32, #tpu.memory_space<vmem>>) target(%dma_start3A_562 : memref<1536xf32, #tpu.memory_space<hbm>>) target_semaphore(%arg18 : memref<!tpu.dma_semaphore, #tpu.memory_space<semaphore_mem>>)
    %dma_wait3A = arith.constant 0 : i32
    %dma_wait3A_565 = tpu.memref_slice %arg7[%dma_wait3A] : memref<49152xi32, #tpu.memory_space<vmem>> -> memref<1536xi32, #tpu.memory_space<vmem>>
    %dma_wait3A_566 = arith.constant 0 : i32
    %dma_wait3A_567 = tpu.memref_slice %arg4[%dma_wait3A_566] : memref<1572864xi32, #tpu.memory_space<hbm>> -> memref<1536xi32, #tpu.memory_space<hbm>>
    %dma_wait3A_568 = arith.constant 0 : i32
    %dma_wait3A_569 = tpu.memref_slice %arg4[%dma_wait3A_568] : memref<1572864xi32, #tpu.memory_space<hbm>> -> memref<1536xi32, #tpu.memory_space<hbm>>
    %dma_wait3A_570 = arith.constant 0 : i32
    %dma_wait3A_571 = tpu.memref_slice %arg7[%dma_wait3A_570] : memref<49152xi32, #tpu.memory_space<vmem>> -> memref<1536xi32, #tpu.memory_space<vmem>>
    tpu.wait_dma2 semaphore(%arg18 : memref<!tpu.dma_semaphore, #tpu.memory_space<semaphore_mem>>) src(%dma_wait3A_571 : memref<1536xi32, #tpu.memory_space<vmem>>) dst(%dma_wait3A_569 : memref<1536xi32, #tpu.memory_space<hbm>>)
    %dma_wait3A_572 = arith.constant 0 : i32
    %dma_wait3A_573 = tpu.memref_slice %arg8[%dma_wait3A_572] : memref<49152xf32, #tpu.memory_space<vmem>> -> memref<1536xf32, #tpu.memory_space<vmem>>
    %dma_wait3A_574 = arith.constant 0 : i32
    %dma_wait3A_575 = tpu.memref_slice %arg5[%dma_wait3A_574] : memref<1572864xf32, #tpu.memory_space<hbm>> -> memref<1536xf32, #tpu.memory_space<hbm>>
    %dma_wait3A_576 = arith.constant 0 : i32
    %dma_wait3A_577 = tpu.memref_slice %arg5[%dma_wait3A_576] : memref<1572864xf32, #tpu.memory_space<hbm>> -> memref<1536xf32, #tpu.memory_space<hbm>>
    %dma_wait3A_578 = arith.constant 0 : i32
    %dma_wait3A_579 = tpu.memref_slice %arg8[%dma_wait3A_578] : memref<49152xf32, #tpu.memory_space<vmem>> -> memref<1536xf32, #tpu.memory_space<vmem>>
    tpu.wait_dma2 semaphore(%arg18 : memref<!tpu.dma_semaphore, #tpu.memory_space<semaphore_mem>>) src(%dma_wait3A_579 : memref<1536xf32, #tpu.memory_space<vmem>>) dst(%dma_wait3A_577 : memref<1536xf32, #tpu.memory_space<hbm>>)
    %dma_wait3A_580 = arith.constant 0 : i32
    %dma_wait3A_581 = tpu.memref_slice %arg7[%dma_wait3A_580] : memref<49152xi32, #tpu.memory_space<vmem>> -> memref<1536xi32, #tpu.memory_space<vmem>>
    %dma_wait3A_582 = arith.constant 0 : i32
    %dma_wait3A_583 = tpu.memref_slice %arg4[%dma_wait3A_582] : memref<1572864xi32, #tpu.memory_space<hbm>> -> memref<1536xi32, #tpu.memory_space<hbm>>
    %dma_wait3A_584 = arith.constant 0 : i32
    %dma_wait3A_585 = tpu.memref_slice %arg4[%dma_wait3A_584] : memref<1572864xi32, #tpu.memory_space<hbm>> -> memref<1536xi32, #tpu.memory_space<hbm>>
    %dma_wait3A_586 = arith.constant 0 : i32
    %dma_wait3A_587 = tpu.memref_slice %arg7[%dma_wait3A_586] : memref<49152xi32, #tpu.memory_space<vmem>> -> memref<1536xi32, #tpu.memory_space<vmem>>
    tpu.wait_dma2 semaphore(%arg18 : memref<!tpu.dma_semaphore, #tpu.memory_space<semaphore_mem>>) src(%dma_wait3A_587 : memref<1536xi32, #tpu.memory_space<vmem>>) dst(%dma_wait3A_585 : memref<1536xi32, #tpu.memory_space<hbm>>)
    %dma_wait3A_588 = arith.constant 0 : i32
    %dma_wait3A_589 = tpu.memref_slice %arg8[%dma_wait3A_588] : memref<49152xf32, #tpu.memory_space<vmem>> -> memref<1536xf32, #tpu.memory_space<vmem>>
    %dma_wait3A_590 = arith.constant 0 : i32
    %dma_wait3A_591 = tpu.memref_slice %arg5[%dma_wait3A_590] : memref<1572864xf32, #tpu.memory_space<hbm>> -> memref<1536xf32, #tpu.memory_space<hbm>>
    %dma_wait3A_592 = arith.constant 0 : i32
    %dma_wait3A_593 = tpu.memref_slice %arg5[%dma_wait3A_592] : memref<1572864xf32, #tpu.memory_space<hbm>> -> memref<1536xf32, #tpu.memory_space<hbm>>
    %dma_wait3A_594 = arith.constant 0 : i32
    %dma_wait3A_595 = tpu.memref_slice %arg8[%dma_wait3A_594] : memref<49152xf32, #tpu.memory_space<vmem>> -> memref<1536xf32, #tpu.memory_space<vmem>>
    tpu.wait_dma2 semaphore(%arg18 : memref<!tpu.dma_semaphore, #tpu.memory_space<semaphore_mem>>) src(%dma_wait3A_595 : memref<1536xf32, #tpu.memory_space<vmem>>) dst(%dma_wait3A_593 : memref<1536xf32, #tpu.memory_space<hbm>>)
    %dma_wait3A_596 = arith.constant 0 : i32
    %dma_wait3A_597 = tpu.memref_slice %arg7[%dma_wait3A_596] : memref<49152xi32, #tpu.memory_space<vmem>> -> memref<1536xi32, #tpu.memory_space<vmem>>
    %dma_wait3A_598 = arith.constant 0 : i32
    %dma_wait3A_599 = tpu.memref_slice %arg4[%dma_wait3A_598] : memref<1572864xi32, #tpu.memory_space<hbm>> -> memref<1536xi32, #tpu.memory_space<hbm>>
    %dma_wait3A_600 = arith.constant 0 : i32
    %dma_wait3A_601 = tpu.memref_slice %arg4[%dma_wait3A_600] : memref<1572864xi32, #tpu.memory_space<hbm>> -> memref<1536xi32, #tpu.memory_space<hbm>>
    %dma_wait3A_602 = arith.constant 0 : i32
    %dma_wait3A_603 = tpu.memref_slice %arg7[%dma_wait3A_602] : memref<49152xi32, #tpu.memory_space<vmem>> -> memref<1536xi32, #tpu.memory_space<vmem>>
    tpu.wait_dma2 semaphore(%arg18 : memref<!tpu.dma_semaphore, #tpu.memory_space<semaphore_mem>>) src(%dma_wait3A_603 : memref<1536xi32, #tpu.memory_space<vmem>>) dst(%dma_wait3A_601 : memref<1536xi32, #tpu.memory_space<hbm>>)
    %dma_wait3A_604 = arith.constant 0 : i32
    %dma_wait3A_605 = tpu.memref_slice %arg8[%dma_wait3A_604] : memref<49152xf32, #tpu.memory_space<vmem>> -> memref<1536xf32, #tpu.memory_space<vmem>>
    %dma_wait3A_606 = arith.constant 0 : i32
    %dma_wait3A_607 = tpu.memref_slice %arg5[%dma_wait3A_606] : memref<1572864xf32, #tpu.memory_space<hbm>> -> memref<1536xf32, #tpu.memory_space<hbm>>
    %dma_wait3A_608 = arith.constant 0 : i32
    %dma_wait3A_609 = tpu.memref_slice %arg5[%dma_wait3A_608] : memref<1572864xf32, #tpu.memory_space<hbm>> -> memref<1536xf32, #tpu.memory_space<hbm>>
    %dma_wait3A_610 = arith.constant 0 : i32
    %dma_wait3A_611 = tpu.memref_slice %arg8[%dma_wait3A_610] : memref<49152xf32, #tpu.memory_space<vmem>> -> memref<1536xf32, #tpu.memory_space<vmem>>
    tpu.wait_dma2 semaphore(%arg18 : memref<!tpu.dma_semaphore, #tpu.memory_space<semaphore_mem>>) src(%dma_wait3A_611 : memref<1536xf32, #tpu.memory_space<vmem>>) dst(%dma_wait3A_609 : memref<1536xf32, #tpu.memory_space<hbm>>)
    %dma_wait3A_612 = arith.constant 0 : i32
    %dma_wait3A_613 = tpu.memref_slice %arg7[%dma_wait3A_612] : memref<49152xi32, #tpu.memory_space<vmem>> -> memref<1536xi32, #tpu.memory_space<vmem>>
    %dma_wait3A_614 = arith.constant 0 : i32
    %dma_wait3A_615 = tpu.memref_slice %arg4[%dma_wait3A_614] : memref<1572864xi32, #tpu.memory_space<hbm>> -> memref<1536xi32, #tpu.memory_space<hbm>>
    %dma_wait3A_616 = arith.constant 0 : i32
    %dma_wait3A_617 = tpu.memref_slice %arg4[%dma_wait3A_616] : memref<1572864xi32, #tpu.memory_space<hbm>> -> memref<1536xi32, #tpu.memory_space<hbm>>
    %dma_wait3A_618 = arith.constant 0 : i32
    %dma_wait3A_619 = tpu.memref_slice %arg7[%dma_wait3A_618] : memref<49152xi32, #tpu.memory_space<vmem>> -> memref<1536xi32, #tpu.memory_space<vmem>>
    tpu.wait_dma2 semaphore(%arg18 : memref<!tpu.dma_semaphore, #tpu.memory_space<semaphore_mem>>) src(%dma_wait3A_619 : memref<1536xi32, #tpu.memory_space<vmem>>) dst(%dma_wait3A_617 : memref<1536xi32, #tpu.memory_space<hbm>>)
    %dma_wait3A_620 = arith.constant 0 : i32
    %dma_wait3A_621 = tpu.memref_slice %arg8[%dma_wait3A_620] : memref<49152xf32, #tpu.memory_space<vmem>> -> memref<1536xf32, #tpu.memory_space<vmem>>
    %dma_wait3A_622 = arith.constant 0 : i32
    %dma_wait3A_623 = tpu.memref_slice %arg5[%dma_wait3A_622] : memref<1572864xf32, #tpu.memory_space<hbm>> -> memref<1536xf32, #tpu.memory_space<hbm>>
    %dma_wait3A_624 = arith.constant 0 : i32
    %dma_wait3A_625 = tpu.memref_slice %arg5[%dma_wait3A_624] : memref<1572864xf32, #tpu.memory_space<hbm>> -> memref<1536xf32, #tpu.memory_space<hbm>>
    %dma_wait3A_626 = arith.constant 0 : i32
    %dma_wait3A_627 = tpu.memref_slice %arg8[%dma_wait3A_626] : memref<49152xf32, #tpu.memory_space<vmem>> -> memref<1536xf32, #tpu.memory_space<vmem>>
    tpu.wait_dma2 semaphore(%arg18 : memref<!tpu.dma_semaphore, #tpu.memory_space<semaphore_mem>>) src(%dma_wait3A_627 : memref<1536xf32, #tpu.memory_space<vmem>>) dst(%dma_wait3A_625 : memref<1536xf32, #tpu.memory_space<hbm>>)
    %dma_wait3A_628 = arith.constant 0 : i32
    %dma_wait3A_629 = tpu.memref_slice %arg7[%dma_wait3A_628] : memref<49152xi32, #tpu.memory_space<vmem>> -> memref<1536xi32, #tpu.memory_space<vmem>>
    %dma_wait3A_630 = arith.constant 0 : i32
    %dma_wait3A_631 = tpu.memref_slice %arg4[%dma_wait3A_630] : memref<1572864xi32, #tpu.memory_space<hbm>> -> memref<1536xi32, #tpu.memory_space<hbm>>
    %dma_wait3A_632 = arith.constant 0 : i32
    %dma_wait3A_633 = tpu.memref_slice %arg4[%dma_wait3A_632] : memref<1572864xi32, #tpu.memory_space<hbm>> -> memref<1536xi32, #tpu.memory_space<hbm>>
    %dma_wait3A_634 = arith.constant 0 : i32
    %dma_wait3A_635 = tpu.memref_slice %arg7[%dma_wait3A_634] : memref<49152xi32, #tpu.memory_space<vmem>> -> memref<1536xi32, #tpu.memory_space<vmem>>
    tpu.wait_dma2 semaphore(%arg18 : memref<!tpu.dma_semaphore, #tpu.memory_space<semaphore_mem>>) src(%dma_wait3A_635 : memref<1536xi32, #tpu.memory_space<vmem>>) dst(%dma_wait3A_633 : memref<1536xi32, #tpu.memory_space<hbm>>)
    %dma_wait3A_636 = arith.constant 0 : i32
    %dma_wait3A_637 = tpu.memref_slice %arg8[%dma_wait3A_636] : memref<49152xf32, #tpu.memory_space<vmem>> -> memref<1536xf32, #tpu.memory_space<vmem>>
    %dma_wait3A_638 = arith.constant 0 : i32
    %dma_wait3A_639 = tpu.memref_slice %arg5[%dma_wait3A_638] : memref<1572864xf32, #tpu.memory_space<hbm>> -> memref<1536xf32, #tpu.memory_space<hbm>>
    %dma_wait3A_640 = arith.constant 0 : i32
    %dma_wait3A_641 = tpu.memref_slice %arg5[%dma_wait3A_640] : memref<1572864xf32, #tpu.memory_space<hbm>> -> memref<1536xf32, #tpu.memory_space<hbm>>
    %dma_wait3A_642 = arith.constant 0 : i32
    %dma_wait3A_643 = tpu.memref_slice %arg8[%dma_wait3A_642] : memref<49152xf32, #tpu.memory_space<vmem>> -> memref<1536xf32, #tpu.memory_space<vmem>>
    tpu.wait_dma2 semaphore(%arg18 : memref<!tpu.dma_semaphore, #tpu.memory_space<semaphore_mem>>) src(%dma_wait3A_643 : memref<1536xf32, #tpu.memory_space<vmem>>) dst(%dma_wait3A_641 : memref<1536xf32, #tpu.memory_space<hbm>>)
    %dma_wait3A_644 = arith.constant 0 : i32
    %dma_wait3A_645 = tpu.memref_slice %arg7[%dma_wait3A_644] : memref<49152xi32, #tpu.memory_space<vmem>> -> memref<1536xi32, #tpu.memory_space<vmem>>
    %dma_wait3A_646 = arith.constant 0 : i32
    %dma_wait3A_647 = tpu.memref_slice %arg4[%dma_wait3A_646] : memref<1572864xi32, #tpu.memory_space<hbm>> -> memref<1536xi32, #tpu.memory_space<hbm>>
    %dma_wait3A_648 = arith.constant 0 : i32
    %dma_wait3A_649 = tpu.memref_slice %arg4[%dma_wait3A_648] : memref<1572864xi32, #tpu.memory_space<hbm>> -> memref<1536xi32, #tpu.memory_space<hbm>>
    %dma_wait3A_650 = arith.constant 0 : i32
    %dma_wait3A_651 = tpu.memref_slice %arg7[%dma_wait3A_650] : memref<49152xi32, #tpu.memory_space<vmem>> -> memref<1536xi32, #tpu.memory_space<vmem>>
    tpu.wait_dma2 semaphore(%arg18 : memref<!tpu.dma_semaphore, #tpu.memory_space<semaphore_mem>>) src(%dma_wait3A_651 : memref<1536xi32, #tpu.memory_space<vmem>>) dst(%dma_wait3A_649 : memref<1536xi32, #tpu.memory_space<hbm>>)
    %dma_wait3A_652 = arith.constant 0 : i32
    %dma_wait3A_653 = tpu.memref_slice %arg8[%dma_wait3A_652] : memref<49152xf32, #tpu.memory_space<vmem>> -> memref<1536xf32, #tpu.memory_space<vmem>>
    %dma_wait3A_654 = arith.constant 0 : i32
    %dma_wait3A_655 = tpu.memref_slice %arg5[%dma_wait3A_654] : memref<1572864xf32, #tpu.memory_space<hbm>> -> memref<1536xf32, #tpu.memory_space<hbm>>
    %dma_wait3A_656 = arith.constant 0 : i32
    %dma_wait3A_657 = tpu.memref_slice %arg5[%dma_wait3A_656] : memref<1572864xf32, #tpu.memory_space<hbm>> -> memref<1536xf32, #tpu.memory_space<hbm>>
    %dma_wait3A_658 = arith.constant 0 : i32
    %dma_wait3A_659 = tpu.memref_slice %arg8[%dma_wait3A_658] : memref<49152xf32, #tpu.memory_space<vmem>> -> memref<1536xf32, #tpu.memory_space<vmem>>
    tpu.wait_dma2 semaphore(%arg18 : memref<!tpu.dma_semaphore, #tpu.memory_space<semaphore_mem>>) src(%dma_wait3A_659 : memref<1536xf32, #tpu.memory_space<vmem>>) dst(%dma_wait3A_657 : memref<1536xf32, #tpu.memory_space<hbm>>)
    %dma_wait3A_660 = arith.constant 0 : i32
    %dma_wait3A_661 = tpu.memref_slice %arg7[%dma_wait3A_660] : memref<49152xi32, #tpu.memory_space<vmem>> -> memref<1536xi32, #tpu.memory_space<vmem>>
    %dma_wait3A_662 = arith.constant 0 : i32
    %dma_wait3A_663 = tpu.memref_slice %arg4[%dma_wait3A_662] : memref<1572864xi32, #tpu.memory_space<hbm>> -> memref<1536xi32, #tpu.memory_space<hbm>>
    %dma_wait3A_664 = arith.constant 0 : i32
    %dma_wait3A_665 = tpu.memref_slice %arg4[%dma_wait3A_664] : memref<1572864xi32, #tpu.memory_space<hbm>> -> memref<1536xi32, #tpu.memory_space<hbm>>
    %dma_wait3A_666 = arith.constant 0 : i32
    %dma_wait3A_667 = tpu.memref_slice %arg7[%dma_wait3A_666] : memref<49152xi32, #tpu.memory_space<vmem>> -> memref<1536xi32, #tpu.memory_space<vmem>>
    tpu.wait_dma2 semaphore(%arg18 : memref<!tpu.dma_semaphore, #tpu.memory_space<semaphore_mem>>) src(%dma_wait3A_667 : memref<1536xi32, #tpu.memory_space<vmem>>) dst(%dma_wait3A_665 : memref<1536xi32, #tpu.memory_space<hbm>>)
    %dma_wait3A_668 = arith.constant 0 : i32
    %dma_wait3A_669 = tpu.memref_slice %arg8[%dma_wait3A_668] : memref<49152xf32, #tpu.memory_space<vmem>> -> memref<1536xf32, #tpu.memory_space<vmem>>
    %dma_wait3A_670 = arith.constant 0 : i32
    %dma_wait3A_671 = tpu.memref_slice %arg5[%dma_wait3A_670] : memref<1572864xf32, #tpu.memory_space<hbm>> -> memref<1536xf32, #tpu.memory_space<hbm>>
    %dma_wait3A_672 = arith.constant 0 : i32
    %dma_wait3A_673 = tpu.memref_slice %arg5[%dma_wait3A_672] : memref<1572864xf32, #tpu.memory_space<hbm>> -> memref<1536xf32, #tpu.memory_space<hbm>>
    %dma_wait3A_674 = arith.constant 0 : i32
    %dma_wait3A_675 = tpu.memref_slice %arg8[%dma_wait3A_674] : memref<49152xf32, #tpu.memory_space<vmem>> -> memref<1536xf32, #tpu.memory_space<vmem>>
    tpu.wait_dma2 semaphore(%arg18 : memref<!tpu.dma_semaphore, #tpu.memory_space<semaphore_mem>>) src(%dma_wait3A_675 : memref<1536xf32, #tpu.memory_space<vmem>>) dst(%dma_wait3A_673 : memref<1536xf32, #tpu.memory_space<hbm>>)
    %dma_wait3A_676 = arith.constant 0 : i32
    %dma_wait3A_677 = tpu.memref_slice %arg7[%dma_wait3A_676] : memref<49152xi32, #tpu.memory_space<vmem>> -> memref<1536xi32, #tpu.memory_space<vmem>>
    %dma_wait3A_678 = arith.constant 0 : i32
    %dma_wait3A_679 = tpu.memref_slice %arg4[%dma_wait3A_678] : memref<1572864xi32, #tpu.memory_space<hbm>> -> memref<1536xi32, #tpu.memory_space<hbm>>
    %dma_wait3A_680 = arith.constant 0 : i32
    %dma_wait3A_681 = tpu.memref_slice %arg4[%dma_wait3A_680] : memref<1572864xi32, #tpu.memory_space<hbm>> -> memref<1536xi32, #tpu.memory_space<hbm>>
    %dma_wait3A_682 = arith.constant 0 : i32
    %dma_wait3A_683 = tpu.memref_slice %arg7[%dma_wait3A_682] : memref<49152xi32, #tpu.memory_space<vmem>> -> memref<1536xi32, #tpu.memory_space<vmem>>
    tpu.wait_dma2 semaphore(%arg18 : memref<!tpu.dma_semaphore, #tpu.memory_space<semaphore_mem>>) src(%dma_wait3A_683 : memref<1536xi32, #tpu.memory_space<vmem>>) dst(%dma_wait3A_681 : memref<1536xi32, #tpu.memory_space<hbm>>)
    %dma_wait3A_684 = arith.constant 0 : i32
    %dma_wait3A_685 = tpu.memref_slice %arg8[%dma_wait3A_684] : memref<49152xf32, #tpu.memory_space<vmem>> -> memref<1536xf32, #tpu.memory_space<vmem>>
    %dma_wait3A_686 = arith.constant 0 : i32
    %dma_wait3A_687 = tpu.memref_slice %arg5[%dma_wait3A_686] : memref<1572864xf32, #tpu.memory_space<hbm>> -> memref<1536xf32, #tpu.memory_space<hbm>>
    %dma_wait3A_688 = arith.constant 0 : i32
    %dma_wait3A_689 = tpu.memref_slice %arg5[%dma_wait3A_688] : memref<1572864xf32, #tpu.memory_space<hbm>> -> memref<1536xf32, #tpu.memory_space<hbm>>
    %dma_wait3A_690 = arith.constant 0 : i32
    %dma_wait3A_691 = tpu.memref_slice %arg8[%dma_wait3A_690] : memref<49152xf32, #tpu.memory_space<vmem>> -> memref<1536xf32, #tpu.memory_space<vmem>>
    tpu.wait_dma2 semaphore(%arg18 : memref<!tpu.dma_semaphore, #tpu.memory_space<semaphore_mem>>) src(%dma_wait3A_691 : memref<1536xf32, #tpu.memory_space<vmem>>) dst(%dma_wait3A_689 : memref<1536xf32, #tpu.memory_space<hbm>>)
    %dma_wait3A_692 = arith.constant 0 : i32
    %dma_wait3A_693 = tpu.memref_slice %arg7[%dma_wait3A_692] : memref<49152xi32, #tpu.memory_space<vmem>> -> memref<1536xi32, #tpu.memory_space<vmem>>
    %dma_wait3A_694 = arith.constant 0 : i32
    %dma_wait3A_695 = tpu.memref_slice %arg4[%dma_wait3A_694] : memref<1572864xi32, #tpu.memory_space<hbm>> -> memref<1536xi32, #tpu.memory_space<hbm>>
    %dma_wait3A_696 = arith.constant 0 : i32
    %dma_wait3A_697 = tpu.memref_slice %arg4[%dma_wait3A_696] : memref<1572864xi32, #tpu.memory_space<hbm>> -> memref<1536xi32, #tpu.memory_space<hbm>>
    %dma_wait3A_698 = arith.constant 0 : i32
    %dma_wait3A_699 = tpu.memref_slice %arg7[%dma_wait3A_698] : memref<49152xi32, #tpu.memory_space<vmem>> -> memref<1536xi32, #tpu.memory_space<vmem>>
    tpu.wait_dma2 semaphore(%arg18 : memref<!tpu.dma_semaphore, #tpu.memory_space<semaphore_mem>>) src(%dma_wait3A_699 : memref<1536xi32, #tpu.memory_space<vmem>>) dst(%dma_wait3A_697 : memref<1536xi32, #tpu.memory_space<hbm>>)
    %dma_wait3A_700 = arith.constant 0 : i32
    %dma_wait3A_701 = tpu.memref_slice %arg8[%dma_wait3A_700] : memref<49152xf32, #tpu.memory_space<vmem>> -> memref<1536xf32, #tpu.memory_space<vmem>>
    %dma_wait3A_702 = arith.constant 0 : i32
    %dma_wait3A_703 = tpu.memref_slice %arg5[%dma_wait3A_702] : memref<1572864xf32, #tpu.memory_space<hbm>> -> memref<1536xf32, #tpu.memory_space<hbm>>
    %dma_wait3A_704 = arith.constant 0 : i32
    %dma_wait3A_705 = tpu.memref_slice %arg5[%dma_wait3A_704] : memref<1572864xf32, #tpu.memory_space<hbm>> -> memref<1536xf32, #tpu.memory_space<hbm>>
    %dma_wait3A_706 = arith.constant 0 : i32
    %dma_wait3A_707 = tpu.memref_slice %arg8[%dma_wait3A_706] : memref<49152xf32, #tpu.memory_space<vmem>> -> memref<1536xf32, #tpu.memory_space<vmem>>
    tpu.wait_dma2 semaphore(%arg18 : memref<!tpu.dma_semaphore, #tpu.memory_space<semaphore_mem>>) src(%dma_wait3A_707 : memref<1536xf32, #tpu.memory_space<vmem>>) dst(%dma_wait3A_705 : memref<1536xf32, #tpu.memory_space<hbm>>)
    %dma_wait3A_708 = arith.constant 0 : i32
    %dma_wait3A_709 = tpu.memref_slice %arg7[%dma_wait3A_708] : memref<49152xi32, #tpu.memory_space<vmem>> -> memref<1536xi32, #tpu.memory_space<vmem>>
    %dma_wait3A_710 = arith.constant 0 : i32
    %dma_wait3A_711 = tpu.memref_slice %arg4[%dma_wait3A_710] : memref<1572864xi32, #tpu.memory_space<hbm>> -> memref<1536xi32, #tpu.memory_space<hbm>>
    %dma_wait3A_712 = arith.constant 0 : i32
    %dma_wait3A_713 = tpu.memref_slice %arg4[%dma_wait3A_712] : memref<1572864xi32, #tpu.memory_space<hbm>> -> memref<1536xi32, #tpu.memory_space<hbm>>
    %dma_wait3A_714 = arith.constant 0 : i32
    %dma_wait3A_715 = tpu.memref_slice %arg7[%dma_wait3A_714] : memref<49152xi32, #tpu.memory_space<vmem>> -> memref<1536xi32, #tpu.memory_space<vmem>>
    tpu.wait_dma2 semaphore(%arg18 : memref<!tpu.dma_semaphore, #tpu.memory_space<semaphore_mem>>) src(%dma_wait3A_715 : memref<1536xi32, #tpu.memory_space<vmem>>) dst(%dma_wait3A_713 : memref<1536xi32, #tpu.memory_space<hbm>>)
    %dma_wait3A_716 = arith.constant 0 : i32
    %dma_wait3A_717 = tpu.memref_slice %arg8[%dma_wait3A_716] : memref<49152xf32, #tpu.memory_space<vmem>> -> memref<1536xf32, #tpu.memory_space<vmem>>
    %dma_wait3A_718 = arith.constant 0 : i32
    %dma_wait3A_719 = tpu.memref_slice %arg5[%dma_wait3A_718] : memref<1572864xf32, #tpu.memory_space<hbm>> -> memref<1536xf32, #tpu.memory_space<hbm>>
    %dma_wait3A_720 = arith.constant 0 : i32
    %dma_wait3A_721 = tpu.memref_slice %arg5[%dma_wait3A_720] : memref<1572864xf32, #tpu.memory_space<hbm>> -> memref<1536xf32, #tpu.memory_space<hbm>>
    %dma_wait3A_722 = arith.constant 0 : i32
    %dma_wait3A_723 = tpu.memref_slice %arg8[%dma_wait3A_722] : memref<49152xf32, #tpu.memory_space<vmem>> -> memref<1536xf32, #tpu.memory_space<vmem>>
    tpu.wait_dma2 semaphore(%arg18 : memref<!tpu.dma_semaphore, #tpu.memory_space<semaphore_mem>>) src(%dma_wait3A_723 : memref<1536xf32, #tpu.memory_space<vmem>>) dst(%dma_wait3A_721 : memref<1536xf32, #tpu.memory_space<hbm>>)
    %dma_wait3A_724 = arith.constant 0 : i32
    %dma_wait3A_725 = tpu.memref_slice %arg7[%dma_wait3A_724] : memref<49152xi32, #tpu.memory_space<vmem>> -> memref<1536xi32, #tpu.memory_space<vmem>>
    %dma_wait3A_726 = arith.constant 0 : i32
    %dma_wait3A_727 = tpu.memref_slice %arg4[%dma_wait3A_726] : memref<1572864xi32, #tpu.memory_space<hbm>> -> memref<1536xi32, #tpu.memory_space<hbm>>
    %dma_wait3A_728 = arith.constant 0 : i32
    %dma_wait3A_729 = tpu.memref_slice %arg4[%dma_wait3A_728] : memref<1572864xi32, #tpu.memory_space<hbm>> -> memref<1536xi32, #tpu.memory_space<hbm>>
    %dma_wait3A_730 = arith.constant 0 : i32
    %dma_wait3A_731 = tpu.memref_slice %arg7[%dma_wait3A_730] : memref<49152xi32, #tpu.memory_space<vmem>> -> memref<1536xi32, #tpu.memory_space<vmem>>
    tpu.wait_dma2 semaphore(%arg18 : memref<!tpu.dma_semaphore, #tpu.memory_space<semaphore_mem>>) src(%dma_wait3A_731 : memref<1536xi32, #tpu.memory_space<vmem>>) dst(%dma_wait3A_729 : memref<1536xi32, #tpu.memory_space<hbm>>)
    %dma_wait3A_732 = arith.constant 0 : i32
    %dma_wait3A_733 = tpu.memref_slice %arg8[%dma_wait3A_732] : memref<49152xf32, #tpu.memory_space<vmem>> -> memref<1536xf32, #tpu.memory_space<vmem>>
    %dma_wait3A_734 = arith.constant 0 : i32
    %dma_wait3A_735 = tpu.memref_slice %arg5[%dma_wait3A_734] : memref<1572864xf32, #tpu.memory_space<hbm>> -> memref<1536xf32, #tpu.memory_space<hbm>>
    %dma_wait3A_736 = arith.constant 0 : i32
    %dma_wait3A_737 = tpu.memref_slice %arg5[%dma_wait3A_736] : memref<1572864xf32, #tpu.memory_space<hbm>> -> memref<1536xf32, #tpu.memory_space<hbm>>
    %dma_wait3A_738 = arith.constant 0 : i32
    %dma_wait3A_739 = tpu.memref_slice %arg8[%dma_wait3A_738] : memref<49152xf32, #tpu.memory_space<vmem>> -> memref<1536xf32, #tpu.memory_space<vmem>>
    tpu.wait_dma2 semaphore(%arg18 : memref<!tpu.dma_semaphore, #tpu.memory_space<semaphore_mem>>) src(%dma_wait3A_739 : memref<1536xf32, #tpu.memory_space<vmem>>) dst(%dma_wait3A_737 : memref<1536xf32, #tpu.memory_space<hbm>>)
    %dma_wait3A_740 = arith.constant 0 : i32
    %dma_wait3A_741 = tpu.memref_slice %arg7[%dma_wait3A_740] : memref<49152xi32, #tpu.memory_space<vmem>> -> memref<1536xi32, #tpu.memory_space<vmem>>
    %dma_wait3A_742 = arith.constant 0 : i32
    %dma_wait3A_743 = tpu.memref_slice %arg4[%dma_wait3A_742] : memref<1572864xi32, #tpu.memory_space<hbm>> -> memref<1536xi32, #tpu.memory_space<hbm>>
    %dma_wait3A_744 = arith.constant 0 : i32
    %dma_wait3A_745 = tpu.memref_slice %arg4[%dma_wait3A_744] : memref<1572864xi32, #tpu.memory_space<hbm>> -> memref<1536xi32, #tpu.memory_space<hbm>>
    %dma_wait3A_746 = arith.constant 0 : i32
    %dma_wait3A_747 = tpu.memref_slice %arg7[%dma_wait3A_746] : memref<49152xi32, #tpu.memory_space<vmem>> -> memref<1536xi32, #tpu.memory_space<vmem>>
    tpu.wait_dma2 semaphore(%arg18 : memref<!tpu.dma_semaphore, #tpu.memory_space<semaphore_mem>>) src(%dma_wait3A_747 : memref<1536xi32, #tpu.memory_space<vmem>>) dst(%dma_wait3A_745 : memref<1536xi32, #tpu.memory_space<hbm>>)
    %dma_wait3A_748 = arith.constant 0 : i32
    %dma_wait3A_749 = tpu.memref_slice %arg8[%dma_wait3A_748] : memref<49152xf32, #tpu.memory_space<vmem>> -> memref<1536xf32, #tpu.memory_space<vmem>>
    %dma_wait3A_750 = arith.constant 0 : i32
    %dma_wait3A_751 = tpu.memref_slice %arg5[%dma_wait3A_750] : memref<1572864xf32, #tpu.memory_space<hbm>> -> memref<1536xf32, #tpu.memory_space<hbm>>
    %dma_wait3A_752 = arith.constant 0 : i32
    %dma_wait3A_753 = tpu.memref_slice %arg5[%dma_wait3A_752] : memref<1572864xf32, #tpu.memory_space<hbm>> -> memref<1536xf32, #tpu.memory_space<hbm>>
    %dma_wait3A_754 = arith.constant 0 : i32
    %dma_wait3A_755 = tpu.memref_slice %arg8[%dma_wait3A_754] : memref<49152xf32, #tpu.memory_space<vmem>> -> memref<1536xf32, #tpu.memory_space<vmem>>
    tpu.wait_dma2 semaphore(%arg18 : memref<!tpu.dma_semaphore, #tpu.memory_space<semaphore_mem>>) src(%dma_wait3A_755 : memref<1536xf32, #tpu.memory_space<vmem>>) dst(%dma_wait3A_753 : memref<1536xf32, #tpu.memory_space<hbm>>)
    %dma_wait3A_756 = arith.constant 0 : i32
    %dma_wait3A_757 = tpu.memref_slice %arg7[%dma_wait3A_756] : memref<49152xi32, #tpu.memory_space<vmem>> -> memref<1536xi32, #tpu.memory_space<vmem>>
    %dma_wait3A_758 = arith.constant 0 : i32
    %dma_wait3A_759 = tpu.memref_slice %arg4[%dma_wait3A_758] : memref<1572864xi32, #tpu.memory_space<hbm>> -> memref<1536xi32, #tpu.memory_space<hbm>>
    %dma_wait3A_760 = arith.constant 0 : i32
    %dma_wait3A_761 = tpu.memref_slice %arg4[%dma_wait3A_760] : memref<1572864xi32, #tpu.memory_space<hbm>> -> memref<1536xi32, #tpu.memory_space<hbm>>
    %dma_wait3A_762 = arith.constant 0 : i32
    %dma_wait3A_763 = tpu.memref_slice %arg7[%dma_wait3A_762] : memref<49152xi32, #tpu.memory_space<vmem>> -> memref<1536xi32, #tpu.memory_space<vmem>>
    tpu.wait_dma2 semaphore(%arg18 : memref<!tpu.dma_semaphore, #tpu.memory_space<semaphore_mem>>) src(%dma_wait3A_763 : memref<1536xi32, #tpu.memory_space<vmem>>) dst(%dma_wait3A_761 : memref<1536xi32, #tpu.memory_space<hbm>>)
    %dma_wait3A_764 = arith.constant 0 : i32
    %dma_wait3A_765 = tpu.memref_slice %arg8[%dma_wait3A_764] : memref<49152xf32, #tpu.memory_space<vmem>> -> memref<1536xf32, #tpu.memory_space<vmem>>
    %dma_wait3A_766 = arith.constant 0 : i32
    %dma_wait3A_767 = tpu.memref_slice %arg5[%dma_wait3A_766] : memref<1572864xf32, #tpu.memory_space<hbm>> -> memref<1536xf32, #tpu.memory_space<hbm>>
    %dma_wait3A_768 = arith.constant 0 : i32
    %dma_wait3A_769 = tpu.memref_slice %arg5[%dma_wait3A_768] : memref<1572864xf32, #tpu.memory_space<hbm>> -> memref<1536xf32, #tpu.memory_space<hbm>>
    %dma_wait3A_770 = arith.constant 0 : i32
    %dma_wait3A_771 = tpu.memref_slice %arg8[%dma_wait3A_770] : memref<49152xf32, #tpu.memory_space<vmem>> -> memref<1536xf32, #tpu.memory_space<vmem>>
    tpu.wait_dma2 semaphore(%arg18 : memref<!tpu.dma_semaphore, #tpu.memory_space<semaphore_mem>>) src(%dma_wait3A_771 : memref<1536xf32, #tpu.memory_space<vmem>>) dst(%dma_wait3A_769 : memref<1536xf32, #tpu.memory_space<hbm>>)
    %dma_wait3A_772 = arith.constant 0 : i32
    %dma_wait3A_773 = tpu.memref_slice %arg7[%dma_wait3A_772] : memref<49152xi32, #tpu.memory_space<vmem>> -> memref<1536xi32, #tpu.memory_space<vmem>>
    %dma_wait3A_774 = arith.constant 0 : i32
    %dma_wait3A_775 = tpu.memref_slice %arg4[%dma_wait3A_774] : memref<1572864xi32, #tpu.memory_space<hbm>> -> memref<1536xi32, #tpu.memory_space<hbm>>
    %dma_wait3A_776 = arith.constant 0 : i32
    %dma_wait3A_777 = tpu.memref_slice %arg4[%dma_wait3A_776] : memref<1572864xi32, #tpu.memory_space<hbm>> -> memref<1536xi32, #tpu.memory_space<hbm>>
    %dma_wait3A_778 = arith.constant 0 : i32
    %dma_wait3A_779 = tpu.memref_slice %arg7[%dma_wait3A_778] : memref<49152xi32, #tpu.memory_space<vmem>> -> memref<1536xi32, #tpu.memory_space<vmem>>
    tpu.wait_dma2 semaphore(%arg18 : memref<!tpu.dma_semaphore, #tpu.memory_space<semaphore_mem>>) src(%dma_wait3A_779 : memref<1536xi32, #tpu.memory_space<vmem>>) dst(%dma_wait3A_777 : memref<1536xi32, #tpu.memory_space<hbm>>)
    %dma_wait3A_780 = arith.constant 0 : i32
    %dma_wait3A_781 = tpu.memref_slice %arg8[%dma_wait3A_780] : memref<49152xf32, #tpu.memory_space<vmem>> -> memref<1536xf32, #tpu.memory_space<vmem>>
    %dma_wait3A_782 = arith.constant 0 : i32
    %dma_wait3A_783 = tpu.memref_slice %arg5[%dma_wait3A_782] : memref<1572864xf32, #tpu.memory_space<hbm>> -> memref<1536xf32, #tpu.memory_space<hbm>>
    %dma_wait3A_784 = arith.constant 0 : i32
    %dma_wait3A_785 = tpu.memref_slice %arg5[%dma_wait3A_784] : memref<1572864xf32, #tpu.memory_space<hbm>> -> memref<1536xf32, #tpu.memory_space<hbm>>
    %dma_wait3A_786 = arith.constant 0 : i32
    %dma_wait3A_787 = tpu.memref_slice %arg8[%dma_wait3A_786] : memref<49152xf32, #tpu.memory_space<vmem>> -> memref<1536xf32, #tpu.memory_space<vmem>>
    tpu.wait_dma2 semaphore(%arg18 : memref<!tpu.dma_semaphore, #tpu.memory_space<semaphore_mem>>) src(%dma_wait3A_787 : memref<1536xf32, #tpu.memory_space<vmem>>) dst(%dma_wait3A_785 : memref<1536xf32, #tpu.memory_space<hbm>>)
    %dma_wait3A_788 = arith.constant 0 : i32
    %dma_wait3A_789 = tpu.memref_slice %arg7[%dma_wait3A_788] : memref<49152xi32, #tpu.memory_space<vmem>> -> memref<1536xi32, #tpu.memory_space<vmem>>
    %dma_wait3A_790 = arith.constant 0 : i32
    %dma_wait3A_791 = tpu.memref_slice %arg4[%dma_wait3A_790] : memref<1572864xi32, #tpu.memory_space<hbm>> -> memref<1536xi32, #tpu.memory_space<hbm>>
    %dma_wait3A_792 = arith.constant 0 : i32
    %dma_wait3A_793 = tpu.memref_slice %arg4[%dma_wait3A_792] : memref<1572864xi32, #tpu.memory_space<hbm>> -> memref<1536xi32, #tpu.memory_space<hbm>>
    %dma_wait3A_794 = arith.constant 0 : i32
    %dma_wait3A_795 = tpu.memref_slice %arg7[%dma_wait3A_794] : memref<49152xi32, #tpu.memory_space<vmem>> -> memref<1536xi32, #tpu.memory_space<vmem>>
    tpu.wait_dma2 semaphore(%arg18 : memref<!tpu.dma_semaphore, #tpu.memory_space<semaphore_mem>>) src(%dma_wait3A_795 : memref<1536xi32, #tpu.memory_space<vmem>>) dst(%dma_wait3A_793 : memref<1536xi32, #tpu.memory_space<hbm>>)
    %dma_wait3A_796 = arith.constant 0 : i32
    %dma_wait3A_797 = tpu.memref_slice %arg8[%dma_wait3A_796] : memref<49152xf32, #tpu.memory_space<vmem>> -> memref<1536xf32, #tpu.memory_space<vmem>>
    %dma_wait3A_798 = arith.constant 0 : i32
    %dma_wait3A_799 = tpu.memref_slice %arg5[%dma_wait3A_798] : memref<1572864xf32, #tpu.memory_space<hbm>> -> memref<1536xf32, #tpu.memory_space<hbm>>
    %dma_wait3A_800 = arith.constant 0 : i32
    %dma_wait3A_801 = tpu.memref_slice %arg5[%dma_wait3A_800] : memref<1572864xf32, #tpu.memory_space<hbm>> -> memref<1536xf32, #tpu.memory_space<hbm>>
    %dma_wait3A_802 = arith.constant 0 : i32
    %dma_wait3A_803 = tpu.memref_slice %arg8[%dma_wait3A_802] : memref<49152xf32, #tpu.memory_space<vmem>> -> memref<1536xf32, #tpu.memory_space<vmem>>
    tpu.wait_dma2 semaphore(%arg18 : memref<!tpu.dma_semaphore, #tpu.memory_space<semaphore_mem>>) src(%dma_wait3A_803 : memref<1536xf32, #tpu.memory_space<vmem>>) dst(%dma_wait3A_801 : memref<1536xf32, #tpu.memory_space<hbm>>)
    %dma_wait3A_804 = arith.constant 0 : i32
    %dma_wait3A_805 = tpu.memref_slice %arg7[%dma_wait3A_804] : memref<49152xi32, #tpu.memory_space<vmem>> -> memref<1536xi32, #tpu.memory_space<vmem>>
    %dma_wait3A_806 = arith.constant 0 : i32
    %dma_wait3A_807 = tpu.memref_slice %arg4[%dma_wait3A_806] : memref<1572864xi32, #tpu.memory_space<hbm>> -> memref<1536xi32, #tpu.memory_space<hbm>>
    %dma_wait3A_808 = arith.constant 0 : i32
    %dma_wait3A_809 = tpu.memref_slice %arg4[%dma_wait3A_808] : memref<1572864xi32, #tpu.memory_space<hbm>> -> memref<1536xi32, #tpu.memory_space<hbm>>
    %dma_wait3A_810 = arith.constant 0 : i32
    %dma_wait3A_811 = tpu.memref_slice %arg7[%dma_wait3A_810] : memref<49152xi32, #tpu.memory_space<vmem>> -> memref<1536xi32, #tpu.memory_space<vmem>>
    tpu.wait_dma2 semaphore(%arg18 : memref<!tpu.dma_semaphore, #tpu.memory_space<semaphore_mem>>) src(%dma_wait3A_811 : memref<1536xi32, #tpu.memory_space<vmem>>) dst(%dma_wait3A_809 : memref<1536xi32, #tpu.memory_space<hbm>>)
    %dma_wait3A_812 = arith.constant 0 : i32
    %dma_wait3A_813 = tpu.memref_slice %arg8[%dma_wait3A_812] : memref<49152xf32, #tpu.memory_space<vmem>> -> memref<1536xf32, #tpu.memory_space<vmem>>
    %dma_wait3A_814 = arith.constant 0 : i32
    %dma_wait3A_815 = tpu.memref_slice %arg5[%dma_wait3A_814] : memref<1572864xf32, #tpu.memory_space<hbm>> -> memref<1536xf32, #tpu.memory_space<hbm>>
    %dma_wait3A_816 = arith.constant 0 : i32
    %dma_wait3A_817 = tpu.memref_slice %arg5[%dma_wait3A_816] : memref<1572864xf32, #tpu.memory_space<hbm>> -> memref<1536xf32, #tpu.memory_space<hbm>>
    %dma_wait3A_818 = arith.constant 0 : i32
    %dma_wait3A_819 = tpu.memref_slice %arg8[%dma_wait3A_818] : memref<49152xf32, #tpu.memory_space<vmem>> -> memref<1536xf32, #tpu.memory_space<vmem>>
    tpu.wait_dma2 semaphore(%arg18 : memref<!tpu.dma_semaphore, #tpu.memory_space<semaphore_mem>>) src(%dma_wait3A_819 : memref<1536xf32, #tpu.memory_space<vmem>>) dst(%dma_wait3A_817 : memref<1536xf32, #tpu.memory_space<hbm>>)
    %dma_wait3A_820 = arith.constant 0 : i32
    %dma_wait3A_821 = tpu.memref_slice %arg7[%dma_wait3A_820] : memref<49152xi32, #tpu.memory_space<vmem>> -> memref<1536xi32, #tpu.memory_space<vmem>>
    %dma_wait3A_822 = arith.constant 0 : i32
    %dma_wait3A_823 = tpu.memref_slice %arg4[%dma_wait3A_822] : memref<1572864xi32, #tpu.memory_space<hbm>> -> memref<1536xi32, #tpu.memory_space<hbm>>
    %dma_wait3A_824 = arith.constant 0 : i32
    %dma_wait3A_825 = tpu.memref_slice %arg4[%dma_wait3A_824] : memref<1572864xi32, #tpu.memory_space<hbm>> -> memref<1536xi32, #tpu.memory_space<hbm>>
    %dma_wait3A_826 = arith.constant 0 : i32
    %dma_wait3A_827 = tpu.memref_slice %arg7[%dma_wait3A_826] : memref<49152xi32, #tpu.memory_space<vmem>> -> memref<1536xi32, #tpu.memory_space<vmem>>
    tpu.wait_dma2 semaphore(%arg18 : memref<!tpu.dma_semaphore, #tpu.memory_space<semaphore_mem>>) src(%dma_wait3A_827 : memref<1536xi32, #tpu.memory_space<vmem>>) dst(%dma_wait3A_825 : memref<1536xi32, #tpu.memory_space<hbm>>)
    %dma_wait3A_828 = arith.constant 0 : i32
    %dma_wait3A_829 = tpu.memref_slice %arg8[%dma_wait3A_828] : memref<49152xf32, #tpu.memory_space<vmem>> -> memref<1536xf32, #tpu.memory_space<vmem>>
    %dma_wait3A_830 = arith.constant 0 : i32
    %dma_wait3A_831 = tpu.memref_slice %arg5[%dma_wait3A_830] : memref<1572864xf32, #tpu.memory_space<hbm>> -> memref<1536xf32, #tpu.memory_space<hbm>>
    %dma_wait3A_832 = arith.constant 0 : i32
    %dma_wait3A_833 = tpu.memref_slice %arg5[%dma_wait3A_832] : memref<1572864xf32, #tpu.memory_space<hbm>> -> memref<1536xf32, #tpu.memory_space<hbm>>
    %dma_wait3A_834 = arith.constant 0 : i32
    %dma_wait3A_835 = tpu.memref_slice %arg8[%dma_wait3A_834] : memref<49152xf32, #tpu.memory_space<vmem>> -> memref<1536xf32, #tpu.memory_space<vmem>>
    tpu.wait_dma2 semaphore(%arg18 : memref<!tpu.dma_semaphore, #tpu.memory_space<semaphore_mem>>) src(%dma_wait3A_835 : memref<1536xf32, #tpu.memory_space<vmem>>) dst(%dma_wait3A_833 : memref<1536xf32, #tpu.memory_space<hbm>>)
    %dma_wait3A_836 = arith.constant 0 : i32
    %dma_wait3A_837 = tpu.memref_slice %arg7[%dma_wait3A_836] : memref<49152xi32, #tpu.memory_space<vmem>> -> memref<1536xi32, #tpu.memory_space<vmem>>
    %dma_wait3A_838 = arith.constant 0 : i32
    %dma_wait3A_839 = tpu.memref_slice %arg4[%dma_wait3A_838] : memref<1572864xi32, #tpu.memory_space<hbm>> -> memref<1536xi32, #tpu.memory_space<hbm>>
    %dma_wait3A_840 = arith.constant 0 : i32
    %dma_wait3A_841 = tpu.memref_slice %arg4[%dma_wait3A_840] : memref<1572864xi32, #tpu.memory_space<hbm>> -> memref<1536xi32, #tpu.memory_space<hbm>>
    %dma_wait3A_842 = arith.constant 0 : i32
    %dma_wait3A_843 = tpu.memref_slice %arg7[%dma_wait3A_842] : memref<49152xi32, #tpu.memory_space<vmem>> -> memref<1536xi32, #tpu.memory_space<vmem>>
    tpu.wait_dma2 semaphore(%arg18 : memref<!tpu.dma_semaphore, #tpu.memory_space<semaphore_mem>>) src(%dma_wait3A_843 : memref<1536xi32, #tpu.memory_space<vmem>>) dst(%dma_wait3A_841 : memref<1536xi32, #tpu.memory_space<hbm>>)
    %dma_wait3A_844 = arith.constant 0 : i32
    %dma_wait3A_845 = tpu.memref_slice %arg8[%dma_wait3A_844] : memref<49152xf32, #tpu.memory_space<vmem>> -> memref<1536xf32, #tpu.memory_space<vmem>>
    %dma_wait3A_846 = arith.constant 0 : i32
    %dma_wait3A_847 = tpu.memref_slice %arg5[%dma_wait3A_846] : memref<1572864xf32, #tpu.memory_space<hbm>> -> memref<1536xf32, #tpu.memory_space<hbm>>
    %dma_wait3A_848 = arith.constant 0 : i32
    %dma_wait3A_849 = tpu.memref_slice %arg5[%dma_wait3A_848] : memref<1572864xf32, #tpu.memory_space<hbm>> -> memref<1536xf32, #tpu.memory_space<hbm>>
    %dma_wait3A_850 = arith.constant 0 : i32
    %dma_wait3A_851 = tpu.memref_slice %arg8[%dma_wait3A_850] : memref<49152xf32, #tpu.memory_space<vmem>> -> memref<1536xf32, #tpu.memory_space<vmem>>
    tpu.wait_dma2 semaphore(%arg18 : memref<!tpu.dma_semaphore, #tpu.memory_space<semaphore_mem>>) src(%dma_wait3A_851 : memref<1536xf32, #tpu.memory_space<vmem>>) dst(%dma_wait3A_849 : memref<1536xf32, #tpu.memory_space<hbm>>)
    %dma_wait3A_852 = arith.constant 0 : i32
    %dma_wait3A_853 = tpu.memref_slice %arg7[%dma_wait3A_852] : memref<49152xi32, #tpu.memory_space<vmem>> -> memref<1536xi32, #tpu.memory_space<vmem>>
    %dma_wait3A_854 = arith.constant 0 : i32
    %dma_wait3A_855 = tpu.memref_slice %arg4[%dma_wait3A_854] : memref<1572864xi32, #tpu.memory_space<hbm>> -> memref<1536xi32, #tpu.memory_space<hbm>>
    %dma_wait3A_856 = arith.constant 0 : i32
    %dma_wait3A_857 = tpu.memref_slice %arg4[%dma_wait3A_856] : memref<1572864xi32, #tpu.memory_space<hbm>> -> memref<1536xi32, #tpu.memory_space<hbm>>
    %dma_wait3A_858 = arith.constant 0 : i32
    %dma_wait3A_859 = tpu.memref_slice %arg7[%dma_wait3A_858] : memref<49152xi32, #tpu.memory_space<vmem>> -> memref<1536xi32, #tpu.memory_space<vmem>>
    tpu.wait_dma2 semaphore(%arg18 : memref<!tpu.dma_semaphore, #tpu.memory_space<semaphore_mem>>) src(%dma_wait3A_859 : memref<1536xi32, #tpu.memory_space<vmem>>) dst(%dma_wait3A_857 : memref<1536xi32, #tpu.memory_space<hbm>>)
    %dma_wait3A_860 = arith.constant 0 : i32
    %dma_wait3A_861 = tpu.memref_slice %arg8[%dma_wait3A_860] : memref<49152xf32, #tpu.memory_space<vmem>> -> memref<1536xf32, #tpu.memory_space<vmem>>
    %dma_wait3A_862 = arith.constant 0 : i32
    %dma_wait3A_863 = tpu.memref_slice %arg5[%dma_wait3A_862] : memref<1572864xf32, #tpu.memory_space<hbm>> -> memref<1536xf32, #tpu.memory_space<hbm>>
    %dma_wait3A_864 = arith.constant 0 : i32
    %dma_wait3A_865 = tpu.memref_slice %arg5[%dma_wait3A_864] : memref<1572864xf32, #tpu.memory_space<hbm>> -> memref<1536xf32, #tpu.memory_space<hbm>>
    %dma_wait3A_866 = arith.constant 0 : i32
    %dma_wait3A_867 = tpu.memref_slice %arg8[%dma_wait3A_866] : memref<49152xf32, #tpu.memory_space<vmem>> -> memref<1536xf32, #tpu.memory_space<vmem>>
    tpu.wait_dma2 semaphore(%arg18 : memref<!tpu.dma_semaphore, #tpu.memory_space<semaphore_mem>>) src(%dma_wait3A_867 : memref<1536xf32, #tpu.memory_space<vmem>>) dst(%dma_wait3A_865 : memref<1536xf32, #tpu.memory_space<hbm>>)
    %dma_wait3A_868 = arith.constant 0 : i32
    %dma_wait3A_869 = tpu.memref_slice %arg7[%dma_wait3A_868] : memref<49152xi32, #tpu.memory_space<vmem>> -> memref<1536xi32, #tpu.memory_space<vmem>>
    %dma_wait3A_870 = arith.constant 0 : i32
    %dma_wait3A_871 = tpu.memref_slice %arg4[%dma_wait3A_870] : memref<1572864xi32, #tpu.memory_space<hbm>> -> memref<1536xi32, #tpu.memory_space<hbm>>
    %dma_wait3A_872 = arith.constant 0 : i32
    %dma_wait3A_873 = tpu.memref_slice %arg4[%dma_wait3A_872] : memref<1572864xi32, #tpu.memory_space<hbm>> -> memref<1536xi32, #tpu.memory_space<hbm>>
    %dma_wait3A_874 = arith.constant 0 : i32
    %dma_wait3A_875 = tpu.memref_slice %arg7[%dma_wait3A_874] : memref<49152xi32, #tpu.memory_space<vmem>> -> memref<1536xi32, #tpu.memory_space<vmem>>
    tpu.wait_dma2 semaphore(%arg18 : memref<!tpu.dma_semaphore, #tpu.memory_space<semaphore_mem>>) src(%dma_wait3A_875 : memref<1536xi32, #tpu.memory_space<vmem>>) dst(%dma_wait3A_873 : memref<1536xi32, #tpu.memory_space<hbm>>)
    %dma_wait3A_876 = arith.constant 0 : i32
    %dma_wait3A_877 = tpu.memref_slice %arg8[%dma_wait3A_876] : memref<49152xf32, #tpu.memory_space<vmem>> -> memref<1536xf32, #tpu.memory_space<vmem>>
    %dma_wait3A_878 = arith.constant 0 : i32
    %dma_wait3A_879 = tpu.memref_slice %arg5[%dma_wait3A_878] : memref<1572864xf32, #tpu.memory_space<hbm>> -> memref<1536xf32, #tpu.memory_space<hbm>>
    %dma_wait3A_880 = arith.constant 0 : i32
    %dma_wait3A_881 = tpu.memref_slice %arg5[%dma_wait3A_880] : memref<1572864xf32, #tpu.memory_space<hbm>> -> memref<1536xf32, #tpu.memory_space<hbm>>
    %dma_wait3A_882 = arith.constant 0 : i32
    %dma_wait3A_883 = tpu.memref_slice %arg8[%dma_wait3A_882] : memref<49152xf32, #tpu.memory_space<vmem>> -> memref<1536xf32, #tpu.memory_space<vmem>>
    tpu.wait_dma2 semaphore(%arg18 : memref<!tpu.dma_semaphore, #tpu.memory_space<semaphore_mem>>) src(%dma_wait3A_883 : memref<1536xf32, #tpu.memory_space<vmem>>) dst(%dma_wait3A_881 : memref<1536xf32, #tpu.memory_space<hbm>>)
    %dma_wait3A_884 = arith.constant 0 : i32
    %dma_wait3A_885 = tpu.memref_slice %arg7[%dma_wait3A_884] : memref<49152xi32, #tpu.memory_space<vmem>> -> memref<1536xi32, #tpu.memory_space<vmem>>
    %dma_wait3A_886 = arith.constant 0 : i32
    %dma_wait3A_887 = tpu.memref_slice %arg4[%dma_wait3A_886] : memref<1572864xi32, #tpu.memory_space<hbm>> -> memref<1536xi32, #tpu.memory_space<hbm>>
    %dma_wait3A_888 = arith.constant 0 : i32
    %dma_wait3A_889 = tpu.memref_slice %arg4[%dma_wait3A_888] : memref<1572864xi32, #tpu.memory_space<hbm>> -> memref<1536xi32, #tpu.memory_space<hbm>>
    %dma_wait3A_890 = arith.constant 0 : i32
    %dma_wait3A_891 = tpu.memref_slice %arg7[%dma_wait3A_890] : memref<49152xi32, #tpu.memory_space<vmem>> -> memref<1536xi32, #tpu.memory_space<vmem>>
    tpu.wait_dma2 semaphore(%arg18 : memref<!tpu.dma_semaphore, #tpu.memory_space<semaphore_mem>>) src(%dma_wait3A_891 : memref<1536xi32, #tpu.memory_space<vmem>>) dst(%dma_wait3A_889 : memref<1536xi32, #tpu.memory_space<hbm>>)
    %dma_wait3A_892 = arith.constant 0 : i32
    %dma_wait3A_893 = tpu.memref_slice %arg8[%dma_wait3A_892] : memref<49152xf32, #tpu.memory_space<vmem>> -> memref<1536xf32, #tpu.memory_space<vmem>>
    %dma_wait3A_894 = arith.constant 0 : i32
    %dma_wait3A_895 = tpu.memref_slice %arg5[%dma_wait3A_894] : memref<1572864xf32, #tpu.memory_space<hbm>> -> memref<1536xf32, #tpu.memory_space<hbm>>
    %dma_wait3A_896 = arith.constant 0 : i32
    %dma_wait3A_897 = tpu.memref_slice %arg5[%dma_wait3A_896] : memref<1572864xf32, #tpu.memory_space<hbm>> -> memref<1536xf32, #tpu.memory_space<hbm>>
    %dma_wait3A_898 = arith.constant 0 : i32
    %dma_wait3A_899 = tpu.memref_slice %arg8[%dma_wait3A_898] : memref<49152xf32, #tpu.memory_space<vmem>> -> memref<1536xf32, #tpu.memory_space<vmem>>
    tpu.wait_dma2 semaphore(%arg18 : memref<!tpu.dma_semaphore, #tpu.memory_space<semaphore_mem>>) src(%dma_wait3A_899 : memref<1536xf32, #tpu.memory_space<vmem>>) dst(%dma_wait3A_897 : memref<1536xf32, #tpu.memory_space<hbm>>)
    %dma_wait3A_900 = arith.constant 0 : i32
    %dma_wait3A_901 = tpu.memref_slice %arg7[%dma_wait3A_900] : memref<49152xi32, #tpu.memory_space<vmem>> -> memref<1536xi32, #tpu.memory_space<vmem>>
    %dma_wait3A_902 = arith.constant 0 : i32
    %dma_wait3A_903 = tpu.memref_slice %arg4[%dma_wait3A_902] : memref<1572864xi32, #tpu.memory_space<hbm>> -> memref<1536xi32, #tpu.memory_space<hbm>>
    %dma_wait3A_904 = arith.constant 0 : i32
    %dma_wait3A_905 = tpu.memref_slice %arg4[%dma_wait3A_904] : memref<1572864xi32, #tpu.memory_space<hbm>> -> memref<1536xi32, #tpu.memory_space<hbm>>
    %dma_wait3A_906 = arith.constant 0 : i32
    %dma_wait3A_907 = tpu.memref_slice %arg7[%dma_wait3A_906] : memref<49152xi32, #tpu.memory_space<vmem>> -> memref<1536xi32, #tpu.memory_space<vmem>>
    tpu.wait_dma2 semaphore(%arg18 : memref<!tpu.dma_semaphore, #tpu.memory_space<semaphore_mem>>) src(%dma_wait3A_907 : memref<1536xi32, #tpu.memory_space<vmem>>) dst(%dma_wait3A_905 : memref<1536xi32, #tpu.memory_space<hbm>>)
    %dma_wait3A_908 = arith.constant 0 : i32
    %dma_wait3A_909 = tpu.memref_slice %arg8[%dma_wait3A_908] : memref<49152xf32, #tpu.memory_space<vmem>> -> memref<1536xf32, #tpu.memory_space<vmem>>
    %dma_wait3A_910 = arith.constant 0 : i32
    %dma_wait3A_911 = tpu.memref_slice %arg5[%dma_wait3A_910] : memref<1572864xf32, #tpu.memory_space<hbm>> -> memref<1536xf32, #tpu.memory_space<hbm>>
    %dma_wait3A_912 = arith.constant 0 : i32
    %dma_wait3A_913 = tpu.memref_slice %arg5[%dma_wait3A_912] : memref<1572864xf32, #tpu.memory_space<hbm>> -> memref<1536xf32, #tpu.memory_space<hbm>>
    %dma_wait3A_914 = arith.constant 0 : i32
    %dma_wait3A_915 = tpu.memref_slice %arg8[%dma_wait3A_914] : memref<49152xf32, #tpu.memory_space<vmem>> -> memref<1536xf32, #tpu.memory_space<vmem>>
    tpu.wait_dma2 semaphore(%arg18 : memref<!tpu.dma_semaphore, #tpu.memory_space<semaphore_mem>>) src(%dma_wait3A_915 : memref<1536xf32, #tpu.memory_space<vmem>>) dst(%dma_wait3A_913 : memref<1536xf32, #tpu.memory_space<hbm>>)
    %dma_wait3A_916 = arith.constant 0 : i32
    %dma_wait3A_917 = tpu.memref_slice %arg7[%dma_wait3A_916] : memref<49152xi32, #tpu.memory_space<vmem>> -> memref<1536xi32, #tpu.memory_space<vmem>>
    %dma_wait3A_918 = arith.constant 0 : i32
    %dma_wait3A_919 = tpu.memref_slice %arg4[%dma_wait3A_918] : memref<1572864xi32, #tpu.memory_space<hbm>> -> memref<1536xi32, #tpu.memory_space<hbm>>
    %dma_wait3A_920 = arith.constant 0 : i32
    %dma_wait3A_921 = tpu.memref_slice %arg4[%dma_wait3A_920] : memref<1572864xi32, #tpu.memory_space<hbm>> -> memref<1536xi32, #tpu.memory_space<hbm>>
    %dma_wait3A_922 = arith.constant 0 : i32
    %dma_wait3A_923 = tpu.memref_slice %arg7[%dma_wait3A_922] : memref<49152xi32, #tpu.memory_space<vmem>> -> memref<1536xi32, #tpu.memory_space<vmem>>
    tpu.wait_dma2 semaphore(%arg18 : memref<!tpu.dma_semaphore, #tpu.memory_space<semaphore_mem>>) src(%dma_wait3A_923 : memref<1536xi32, #tpu.memory_space<vmem>>) dst(%dma_wait3A_921 : memref<1536xi32, #tpu.memory_space<hbm>>)
    %dma_wait3A_924 = arith.constant 0 : i32
    %dma_wait3A_925 = tpu.memref_slice %arg8[%dma_wait3A_924] : memref<49152xf32, #tpu.memory_space<vmem>> -> memref<1536xf32, #tpu.memory_space<vmem>>
    %dma_wait3A_926 = arith.constant 0 : i32
    %dma_wait3A_927 = tpu.memref_slice %arg5[%dma_wait3A_926] : memref<1572864xf32, #tpu.memory_space<hbm>> -> memref<1536xf32, #tpu.memory_space<hbm>>
    %dma_wait3A_928 = arith.constant 0 : i32
    %dma_wait3A_929 = tpu.memref_slice %arg5[%dma_wait3A_928] : memref<1572864xf32, #tpu.memory_space<hbm>> -> memref<1536xf32, #tpu.memory_space<hbm>>
    %dma_wait3A_930 = arith.constant 0 : i32
    %dma_wait3A_931 = tpu.memref_slice %arg8[%dma_wait3A_930] : memref<49152xf32, #tpu.memory_space<vmem>> -> memref<1536xf32, #tpu.memory_space<vmem>>
    tpu.wait_dma2 semaphore(%arg18 : memref<!tpu.dma_semaphore, #tpu.memory_space<semaphore_mem>>) src(%dma_wait3A_931 : memref<1536xf32, #tpu.memory_space<vmem>>) dst(%dma_wait3A_929 : memref<1536xf32, #tpu.memory_space<hbm>>)
    %dma_wait3A_932 = arith.constant 0 : i32
    %dma_wait3A_933 = tpu.memref_slice %arg7[%dma_wait3A_932] : memref<49152xi32, #tpu.memory_space<vmem>> -> memref<1536xi32, #tpu.memory_space<vmem>>
    %dma_wait3A_934 = arith.constant 0 : i32
    %dma_wait3A_935 = tpu.memref_slice %arg4[%dma_wait3A_934] : memref<1572864xi32, #tpu.memory_space<hbm>> -> memref<1536xi32, #tpu.memory_space<hbm>>
    %dma_wait3A_936 = arith.constant 0 : i32
    %dma_wait3A_937 = tpu.memref_slice %arg4[%dma_wait3A_936] : memref<1572864xi32, #tpu.memory_space<hbm>> -> memref<1536xi32, #tpu.memory_space<hbm>>
    %dma_wait3A_938 = arith.constant 0 : i32
    %dma_wait3A_939 = tpu.memref_slice %arg7[%dma_wait3A_938] : memref<49152xi32, #tpu.memory_space<vmem>> -> memref<1536xi32, #tpu.memory_space<vmem>>
    tpu.wait_dma2 semaphore(%arg18 : memref<!tpu.dma_semaphore, #tpu.memory_space<semaphore_mem>>) src(%dma_wait3A_939 : memref<1536xi32, #tpu.memory_space<vmem>>) dst(%dma_wait3A_937 : memref<1536xi32, #tpu.memory_space<hbm>>)
    %dma_wait3A_940 = arith.constant 0 : i32
    %dma_wait3A_941 = tpu.memref_slice %arg8[%dma_wait3A_940] : memref<49152xf32, #tpu.memory_space<vmem>> -> memref<1536xf32, #tpu.memory_space<vmem>>
    %dma_wait3A_942 = arith.constant 0 : i32
    %dma_wait3A_943 = tpu.memref_slice %arg5[%dma_wait3A_942] : memref<1572864xf32, #tpu.memory_space<hbm>> -> memref<1536xf32, #tpu.memory_space<hbm>>
    %dma_wait3A_944 = arith.constant 0 : i32
    %dma_wait3A_945 = tpu.memref_slice %arg5[%dma_wait3A_944] : memref<1572864xf32, #tpu.memory_space<hbm>> -> memref<1536xf32, #tpu.memory_space<hbm>>
    %dma_wait3A_946 = arith.constant 0 : i32
    %dma_wait3A_947 = tpu.memref_slice %arg8[%dma_wait3A_946] : memref<49152xf32, #tpu.memory_space<vmem>> -> memref<1536xf32, #tpu.memory_space<vmem>>
    tpu.wait_dma2 semaphore(%arg18 : memref<!tpu.dma_semaphore, #tpu.memory_space<semaphore_mem>>) src(%dma_wait3A_947 : memref<1536xf32, #tpu.memory_space<vmem>>) dst(%dma_wait3A_945 : memref<1536xf32, #tpu.memory_space<hbm>>)
    %dma_wait3A_948 = arith.constant 0 : i32
    %dma_wait3A_949 = tpu.memref_slice %arg7[%dma_wait3A_948] : memref<49152xi32, #tpu.memory_space<vmem>> -> memref<1536xi32, #tpu.memory_space<vmem>>
    %dma_wait3A_950 = arith.constant 0 : i32
    %dma_wait3A_951 = tpu.memref_slice %arg4[%dma_wait3A_950] : memref<1572864xi32, #tpu.memory_space<hbm>> -> memref<1536xi32, #tpu.memory_space<hbm>>
    %dma_wait3A_952 = arith.constant 0 : i32
    %dma_wait3A_953 = tpu.memref_slice %arg4[%dma_wait3A_952] : memref<1572864xi32, #tpu.memory_space<hbm>> -> memref<1536xi32, #tpu.memory_space<hbm>>
    %dma_wait3A_954 = arith.constant 0 : i32
    %dma_wait3A_955 = tpu.memref_slice %arg7[%dma_wait3A_954] : memref<49152xi32, #tpu.memory_space<vmem>> -> memref<1536xi32, #tpu.memory_space<vmem>>
    tpu.wait_dma2 semaphore(%arg18 : memref<!tpu.dma_semaphore, #tpu.memory_space<semaphore_mem>>) src(%dma_wait3A_955 : memref<1536xi32, #tpu.memory_space<vmem>>) dst(%dma_wait3A_953 : memref<1536xi32, #tpu.memory_space<hbm>>)
    %dma_wait3A_956 = arith.constant 0 : i32
    %dma_wait3A_957 = tpu.memref_slice %arg8[%dma_wait3A_956] : memref<49152xf32, #tpu.memory_space<vmem>> -> memref<1536xf32, #tpu.memory_space<vmem>>
    %dma_wait3A_958 = arith.constant 0 : i32
    %dma_wait3A_959 = tpu.memref_slice %arg5[%dma_wait3A_958] : memref<1572864xf32, #tpu.memory_space<hbm>> -> memref<1536xf32, #tpu.memory_space<hbm>>
    %dma_wait3A_960 = arith.constant 0 : i32
    %dma_wait3A_961 = tpu.memref_slice %arg5[%dma_wait3A_960] : memref<1572864xf32, #tpu.memory_space<hbm>> -> memref<1536xf32, #tpu.memory_space<hbm>>
    %dma_wait3A_962 = arith.constant 0 : i32
    %dma_wait3A_963 = tpu.memref_slice %arg8[%dma_wait3A_962] : memref<49152xf32, #tpu.memory_space<vmem>> -> memref<1536xf32, #tpu.memory_space<vmem>>
    tpu.wait_dma2 semaphore(%arg18 : memref<!tpu.dma_semaphore, #tpu.memory_space<semaphore_mem>>) src(%dma_wait3A_963 : memref<1536xf32, #tpu.memory_space<vmem>>) dst(%dma_wait3A_961 : memref<1536xf32, #tpu.memory_space<hbm>>)
    %dma_wait3A_964 = arith.constant 0 : i32
    %dma_wait3A_965 = tpu.memref_slice %arg7[%dma_wait3A_964] : memref<49152xi32, #tpu.memory_space<vmem>> -> memref<1536xi32, #tpu.memory_space<vmem>>
    %dma_wait3A_966 = arith.constant 0 : i32
    %dma_wait3A_967 = tpu.memref_slice %arg4[%dma_wait3A_966] : memref<1572864xi32, #tpu.memory_space<hbm>> -> memref<1536xi32, #tpu.memory_space<hbm>>
    %dma_wait3A_968 = arith.constant 0 : i32
    %dma_wait3A_969 = tpu.memref_slice %arg4[%dma_wait3A_968] : memref<1572864xi32, #tpu.memory_space<hbm>> -> memref<1536xi32, #tpu.memory_space<hbm>>
    %dma_wait3A_970 = arith.constant 0 : i32
    %dma_wait3A_971 = tpu.memref_slice %arg7[%dma_wait3A_970] : memref<49152xi32, #tpu.memory_space<vmem>> -> memref<1536xi32, #tpu.memory_space<vmem>>
    tpu.wait_dma2 semaphore(%arg18 : memref<!tpu.dma_semaphore, #tpu.memory_space<semaphore_mem>>) src(%dma_wait3A_971 : memref<1536xi32, #tpu.memory_space<vmem>>) dst(%dma_wait3A_969 : memref<1536xi32, #tpu.memory_space<hbm>>)
    %dma_wait3A_972 = arith.constant 0 : i32
    %dma_wait3A_973 = tpu.memref_slice %arg8[%dma_wait3A_972] : memref<49152xf32, #tpu.memory_space<vmem>> -> memref<1536xf32, #tpu.memory_space<vmem>>
    %dma_wait3A_974 = arith.constant 0 : i32
    %dma_wait3A_975 = tpu.memref_slice %arg5[%dma_wait3A_974] : memref<1572864xf32, #tpu.memory_space<hbm>> -> memref<1536xf32, #tpu.memory_space<hbm>>
    %dma_wait3A_976 = arith.constant 0 : i32
    %dma_wait3A_977 = tpu.memref_slice %arg5[%dma_wait3A_976] : memref<1572864xf32, #tpu.memory_space<hbm>> -> memref<1536xf32, #tpu.memory_space<hbm>>
    %dma_wait3A_978 = arith.constant 0 : i32
    %dma_wait3A_979 = tpu.memref_slice %arg8[%dma_wait3A_978] : memref<49152xf32, #tpu.memory_space<vmem>> -> memref<1536xf32, #tpu.memory_space<vmem>>
    tpu.wait_dma2 semaphore(%arg18 : memref<!tpu.dma_semaphore, #tpu.memory_space<semaphore_mem>>) src(%dma_wait3A_979 : memref<1536xf32, #tpu.memory_space<vmem>>) dst(%dma_wait3A_977 : memref<1536xf32, #tpu.memory_space<hbm>>)
    %dma_wait3A_980 = arith.constant 0 : i32
    %dma_wait3A_981 = tpu.memref_slice %arg7[%dma_wait3A_980] : memref<49152xi32, #tpu.memory_space<vmem>> -> memref<1536xi32, #tpu.memory_space<vmem>>
    %dma_wait3A_982 = arith.constant 0 : i32
    %dma_wait3A_983 = tpu.memref_slice %arg4[%dma_wait3A_982] : memref<1572864xi32, #tpu.memory_space<hbm>> -> memref<1536xi32, #tpu.memory_space<hbm>>
    %dma_wait3A_984 = arith.constant 0 : i32
    %dma_wait3A_985 = tpu.memref_slice %arg4[%dma_wait3A_984] : memref<1572864xi32, #tpu.memory_space<hbm>> -> memref<1536xi32, #tpu.memory_space<hbm>>
    %dma_wait3A_986 = arith.constant 0 : i32
    %dma_wait3A_987 = tpu.memref_slice %arg7[%dma_wait3A_986] : memref<49152xi32, #tpu.memory_space<vmem>> -> memref<1536xi32, #tpu.memory_space<vmem>>
    tpu.wait_dma2 semaphore(%arg18 : memref<!tpu.dma_semaphore, #tpu.memory_space<semaphore_mem>>) src(%dma_wait3A_987 : memref<1536xi32, #tpu.memory_space<vmem>>) dst(%dma_wait3A_985 : memref<1536xi32, #tpu.memory_space<hbm>>)
    %dma_wait3A_988 = arith.constant 0 : i32
    %dma_wait3A_989 = tpu.memref_slice %arg8[%dma_wait3A_988] : memref<49152xf32, #tpu.memory_space<vmem>> -> memref<1536xf32, #tpu.memory_space<vmem>>
    %dma_wait3A_990 = arith.constant 0 : i32
    %dma_wait3A_991 = tpu.memref_slice %arg5[%dma_wait3A_990] : memref<1572864xf32, #tpu.memory_space<hbm>> -> memref<1536xf32, #tpu.memory_space<hbm>>
    %dma_wait3A_992 = arith.constant 0 : i32
    %dma_wait3A_993 = tpu.memref_slice %arg5[%dma_wait3A_992] : memref<1572864xf32, #tpu.memory_space<hbm>> -> memref<1536xf32, #tpu.memory_space<hbm>>
    %dma_wait3A_994 = arith.constant 0 : i32
    %dma_wait3A_995 = tpu.memref_slice %arg8[%dma_wait3A_994] : memref<49152xf32, #tpu.memory_space<vmem>> -> memref<1536xf32, #tpu.memory_space<vmem>>
    tpu.wait_dma2 semaphore(%arg18 : memref<!tpu.dma_semaphore, #tpu.memory_space<semaphore_mem>>) src(%dma_wait3A_995 : memref<1536xf32, #tpu.memory_space<vmem>>) dst(%dma_wait3A_993 : memref<1536xf32, #tpu.memory_space<hbm>>)
    %dma_wait3A_996 = arith.constant 0 : i32
    %dma_wait3A_997 = tpu.memref_slice %arg7[%dma_wait3A_996] : memref<49152xi32, #tpu.memory_space<vmem>> -> memref<1536xi32, #tpu.memory_space<vmem>>
    %dma_wait3A_998 = arith.constant 0 : i32
    %dma_wait3A_999 = tpu.memref_slice %arg4[%dma_wait3A_998] : memref<1572864xi32, #tpu.memory_space<hbm>> -> memref<1536xi32, #tpu.memory_space<hbm>>
    %dma_wait3A_1000 = arith.constant 0 : i32
    %dma_wait3A_1001 = tpu.memref_slice %arg4[%dma_wait3A_1000] : memref<1572864xi32, #tpu.memory_space<hbm>> -> memref<1536xi32, #tpu.memory_space<hbm>>
    %dma_wait3A_1002 = arith.constant 0 : i32
    %dma_wait3A_1003 = tpu.memref_slice %arg7[%dma_wait3A_1002] : memref<49152xi32, #tpu.memory_space<vmem>> -> memref<1536xi32, #tpu.memory_space<vmem>>
    tpu.wait_dma2 semaphore(%arg18 : memref<!tpu.dma_semaphore, #tpu.memory_space<semaphore_mem>>) src(%dma_wait3A_1003 : memref<1536xi32, #tpu.memory_space<vmem>>) dst(%dma_wait3A_1001 : memref<1536xi32, #tpu.memory_space<hbm>>)
    %dma_wait3A_1004 = arith.constant 0 : i32
    %dma_wait3A_1005 = tpu.memref_slice %arg8[%dma_wait3A_1004] : memref<49152xf32, #tpu.memory_space<vmem>> -> memref<1536xf32, #tpu.memory_space<vmem>>
    %dma_wait3A_1006 = arith.constant 0 : i32
    %dma_wait3A_1007 = tpu.memref_slice %arg5[%dma_wait3A_1006] : memref<1572864xf32, #tpu.memory_space<hbm>> -> memref<1536xf32, #tpu.memory_space<hbm>>
    %dma_wait3A_1008 = arith.constant 0 : i32
    %dma_wait3A_1009 = tpu.memref_slice %arg5[%dma_wait3A_1008] : memref<1572864xf32, #tpu.memory_space<hbm>> -> memref<1536xf32, #tpu.memory_space<hbm>>
    %dma_wait3A_1010 = arith.constant 0 : i32
    %dma_wait3A_1011 = tpu.memref_slice %arg8[%dma_wait3A_1010] : memref<49152xf32, #tpu.memory_space<vmem>> -> memref<1536xf32, #tpu.memory_space<vmem>>
    tpu.wait_dma2 semaphore(%arg18 : memref<!tpu.dma_semaphore, #tpu.memory_space<semaphore_mem>>) src(%dma_wait3A_1011 : memref<1536xf32, #tpu.memory_space<vmem>>) dst(%dma_wait3A_1009 : memref<1536xf32, #tpu.memory_space<hbm>>)
    %dma_wait3A_1012 = arith.constant 0 : i32
    %dma_wait3A_1013 = tpu.memref_slice %arg7[%dma_wait3A_1012] : memref<49152xi32, #tpu.memory_space<vmem>> -> memref<1536xi32, #tpu.memory_space<vmem>>
    %dma_wait3A_1014 = arith.constant 0 : i32
    %dma_wait3A_1015 = tpu.memref_slice %arg4[%dma_wait3A_1014] : memref<1572864xi32, #tpu.memory_space<hbm>> -> memref<1536xi32, #tpu.memory_space<hbm>>
    %dma_wait3A_1016 = arith.constant 0 : i32
    %dma_wait3A_1017 = tpu.memref_slice %arg4[%dma_wait3A_1016] : memref<1572864xi32, #tpu.memory_space<hbm>> -> memref<1536xi32, #tpu.memory_space<hbm>>
    %dma_wait3A_1018 = arith.constant 0 : i32
    %dma_wait3A_1019 = tpu.memref_slice %arg7[%dma_wait3A_1018] : memref<49152xi32, #tpu.memory_space<vmem>> -> memref<1536xi32, #tpu.memory_space<vmem>>
    tpu.wait_dma2 semaphore(%arg18 : memref<!tpu.dma_semaphore, #tpu.memory_space<semaphore_mem>>) src(%dma_wait3A_1019 : memref<1536xi32, #tpu.memory_space<vmem>>) dst(%dma_wait3A_1017 : memref<1536xi32, #tpu.memory_space<hbm>>)
    %dma_wait3A_1020 = arith.constant 0 : i32
    %dma_wait3A_1021 = tpu.memref_slice %arg8[%dma_wait3A_1020] : memref<49152xf32, #tpu.memory_space<vmem>> -> memref<1536xf32, #tpu.memory_space<vmem>>
    %dma_wait3A_1022 = arith.constant 0 : i32
    %dma_wait3A_1023 = tpu.memref_slice %arg5[%dma_wait3A_1022] : memref<1572864xf32, #tpu.memory_space<hbm>> -> memref<1536xf32, #tpu.memory_space<hbm>>
    %dma_wait3A_1024 = arith.constant 0 : i32
    %dma_wait3A_1025 = tpu.memref_slice %arg5[%dma_wait3A_1024] : memref<1572864xf32, #tpu.memory_space<hbm>> -> memref<1536xf32, #tpu.memory_space<hbm>>
    %dma_wait3A_1026 = arith.constant 0 : i32
    %dma_wait3A_1027 = tpu.memref_slice %arg8[%dma_wait3A_1026] : memref<49152xf32, #tpu.memory_space<vmem>> -> memref<1536xf32, #tpu.memory_space<vmem>>
    tpu.wait_dma2 semaphore(%arg18 : memref<!tpu.dma_semaphore, #tpu.memory_space<semaphore_mem>>) src(%dma_wait3A_1027 : memref<1536xf32, #tpu.memory_space<vmem>>) dst(%dma_wait3A_1025 : memref<1536xf32, #tpu.memory_space<hbm>>)
    %dma_wait3A_1028 = arith.constant 0 : i32
    %dma_wait3A_1029 = tpu.memref_slice %arg7[%dma_wait3A_1028] : memref<49152xi32, #tpu.memory_space<vmem>> -> memref<1536xi32, #tpu.memory_space<vmem>>
    %dma_wait3A_1030 = arith.constant 0 : i32
    %dma_wait3A_1031 = tpu.memref_slice %arg4[%dma_wait3A_1030] : memref<1572864xi32, #tpu.memory_space<hbm>> -> memref<1536xi32, #tpu.memory_space<hbm>>
    %dma_wait3A_1032 = arith.constant 0 : i32
    %dma_wait3A_1033 = tpu.memref_slice %arg4[%dma_wait3A_1032] : memref<1572864xi32, #tpu.memory_space<hbm>> -> memref<1536xi32, #tpu.memory_space<hbm>>
    %dma_wait3A_1034 = arith.constant 0 : i32
    %dma_wait3A_1035 = tpu.memref_slice %arg7[%dma_wait3A_1034] : memref<49152xi32, #tpu.memory_space<vmem>> -> memref<1536xi32, #tpu.memory_space<vmem>>
    tpu.wait_dma2 semaphore(%arg18 : memref<!tpu.dma_semaphore, #tpu.memory_space<semaphore_mem>>) src(%dma_wait3A_1035 : memref<1536xi32, #tpu.memory_space<vmem>>) dst(%dma_wait3A_1033 : memref<1536xi32, #tpu.memory_space<hbm>>)
    %dma_wait3A_1036 = arith.constant 0 : i32
    %dma_wait3A_1037 = tpu.memref_slice %arg8[%dma_wait3A_1036] : memref<49152xf32, #tpu.memory_space<vmem>> -> memref<1536xf32, #tpu.memory_space<vmem>>
    %dma_wait3A_1038 = arith.constant 0 : i32
    %dma_wait3A_1039 = tpu.memref_slice %arg5[%dma_wait3A_1038] : memref<1572864xf32, #tpu.memory_space<hbm>> -> memref<1536xf32, #tpu.memory_space<hbm>>
    %dma_wait3A_1040 = arith.constant 0 : i32
    %dma_wait3A_1041 = tpu.memref_slice %arg5[%dma_wait3A_1040] : memref<1572864xf32, #tpu.memory_space<hbm>> -> memref<1536xf32, #tpu.memory_space<hbm>>
    %dma_wait3A_1042 = arith.constant 0 : i32
    %dma_wait3A_1043 = tpu.memref_slice %arg8[%dma_wait3A_1042] : memref<49152xf32, #tpu.memory_space<vmem>> -> memref<1536xf32, #tpu.memory_space<vmem>>
    tpu.wait_dma2 semaphore(%arg18 : memref<!tpu.dma_semaphore, #tpu.memory_space<semaphore_mem>>) src(%dma_wait3A_1043 : memref<1536xf32, #tpu.memory_space<vmem>>) dst(%dma_wait3A_1041 : memref<1536xf32, #tpu.memory_space<hbm>>)
    %dma_wait3A_1044 = arith.constant 0 : i32
    %dma_wait3A_1045 = tpu.memref_slice %arg7[%dma_wait3A_1044] : memref<49152xi32, #tpu.memory_space<vmem>> -> memref<1536xi32, #tpu.memory_space<vmem>>
    %dma_wait3A_1046 = arith.constant 0 : i32
    %dma_wait3A_1047 = tpu.memref_slice %arg4[%dma_wait3A_1046] : memref<1572864xi32, #tpu.memory_space<hbm>> -> memref<1536xi32, #tpu.memory_space<hbm>>
    %dma_wait3A_1048 = arith.constant 0 : i32
    %dma_wait3A_1049 = tpu.memref_slice %arg4[%dma_wait3A_1048] : memref<1572864xi32, #tpu.memory_space<hbm>> -> memref<1536xi32, #tpu.memory_space<hbm>>
    %dma_wait3A_1050 = arith.constant 0 : i32
    %dma_wait3A_1051 = tpu.memref_slice %arg7[%dma_wait3A_1050] : memref<49152xi32, #tpu.memory_space<vmem>> -> memref<1536xi32, #tpu.memory_space<vmem>>
    tpu.wait_dma2 semaphore(%arg18 : memref<!tpu.dma_semaphore, #tpu.memory_space<semaphore_mem>>) src(%dma_wait3A_1051 : memref<1536xi32, #tpu.memory_space<vmem>>) dst(%dma_wait3A_1049 : memref<1536xi32, #tpu.memory_space<hbm>>)
    %dma_wait3A_1052 = arith.constant 0 : i32
    %dma_wait3A_1053 = tpu.memref_slice %arg8[%dma_wait3A_1052] : memref<49152xf32, #tpu.memory_space<vmem>> -> memref<1536xf32, #tpu.memory_space<vmem>>
    %dma_wait3A_1054 = arith.constant 0 : i32
    %dma_wait3A_1055 = tpu.memref_slice %arg5[%dma_wait3A_1054] : memref<1572864xf32, #tpu.memory_space<hbm>> -> memref<1536xf32, #tpu.memory_space<hbm>>
    %dma_wait3A_1056 = arith.constant 0 : i32
    %dma_wait3A_1057 = tpu.memref_slice %arg5[%dma_wait3A_1056] : memref<1572864xf32, #tpu.memory_space<hbm>> -> memref<1536xf32, #tpu.memory_space<hbm>>
    %dma_wait3A_1058 = arith.constant 0 : i32
    %dma_wait3A_1059 = tpu.memref_slice %arg8[%dma_wait3A_1058] : memref<49152xf32, #tpu.memory_space<vmem>> -> memref<1536xf32, #tpu.memory_space<vmem>>
    tpu.wait_dma2 semaphore(%arg18 : memref<!tpu.dma_semaphore, #tpu.memory_space<semaphore_mem>>) src(%dma_wait3A_1059 : memref<1536xf32, #tpu.memory_space<vmem>>) dst(%dma_wait3A_1057 : memref<1536xf32, #tpu.memory_space<hbm>>)
    %dma_wait3A_1060 = arith.constant 0 : i32
    %dma_wait3A_1061 = tpu.memref_slice %arg7[%dma_wait3A_1060] : memref<49152xi32, #tpu.memory_space<vmem>> -> memref<1536xi32, #tpu.memory_space<vmem>>
    %dma_wait3A_1062 = arith.constant 0 : i32
    %dma_wait3A_1063 = tpu.memref_slice %arg4[%dma_wait3A_1062] : memref<1572864xi32, #tpu.memory_space<hbm>> -> memref<1536xi32, #tpu.memory_space<hbm>>
    %dma_wait3A_1064 = arith.constant 0 : i32
    %dma_wait3A_1065 = tpu.memref_slice %arg4[%dma_wait3A_1064] : memref<1572864xi32, #tpu.memory_space<hbm>> -> memref<1536xi32, #tpu.memory_space<hbm>>
    %dma_wait3A_1066 = arith.constant 0 : i32
    %dma_wait3A_1067 = tpu.memref_slice %arg7[%dma_wait3A_1066] : memref<49152xi32, #tpu.memory_space<vmem>> -> memref<1536xi32, #tpu.memory_space<vmem>>
    tpu.wait_dma2 semaphore(%arg18 : memref<!tpu.dma_semaphore, #tpu.memory_space<semaphore_mem>>) src(%dma_wait3A_1067 : memref<1536xi32, #tpu.memory_space<vmem>>) dst(%dma_wait3A_1065 : memref<1536xi32, #tpu.memory_space<hbm>>)
    %dma_wait3A_1068 = arith.constant 0 : i32
    %dma_wait3A_1069 = tpu.memref_slice %arg8[%dma_wait3A_1068] : memref<49152xf32, #tpu.memory_space<vmem>> -> memref<1536xf32, #tpu.memory_space<vmem>>
    %dma_wait3A_1070 = arith.constant 0 : i32
    %dma_wait3A_1071 = tpu.memref_slice %arg5[%dma_wait3A_1070] : memref<1572864xf32, #tpu.memory_space<hbm>> -> memref<1536xf32, #tpu.memory_space<hbm>>
    %dma_wait3A_1072 = arith.constant 0 : i32
    %dma_wait3A_1073 = tpu.memref_slice %arg5[%dma_wait3A_1072] : memref<1572864xf32, #tpu.memory_space<hbm>> -> memref<1536xf32, #tpu.memory_space<hbm>>
    %dma_wait3A_1074 = arith.constant 0 : i32
    %dma_wait3A_1075 = tpu.memref_slice %arg8[%dma_wait3A_1074] : memref<49152xf32, #tpu.memory_space<vmem>> -> memref<1536xf32, #tpu.memory_space<vmem>>
    tpu.wait_dma2 semaphore(%arg18 : memref<!tpu.dma_semaphore, #tpu.memory_space<semaphore_mem>>) src(%dma_wait3A_1075 : memref<1536xf32, #tpu.memory_space<vmem>>) dst(%dma_wait3A_1073 : memref<1536xf32, #tpu.memory_space<hbm>>)
    "tpu.region"() ({
      %run_scoped3A = tpu.sem_alloc : memref<!tpu.dma_semaphore, #tpu.memory_space<semaphore_mem>>
      %dma_start3A_1076 = arith.constant 0 : i32
      %dma_start3A_1077 = tpu.memref_slice %arg6[%add3A, %dma_start3A_1076] : memref<32x32xi32, #tpu.memory_space<hbm>> -> memref<1x32xi32, #tpu.memory_space<hbm>>
      %dma_start3A_1078 = tpu.memref_squeeze %dma_start3A_1077 : memref<1x32xi32, #tpu.memory_space<hbm>> -> memref<32xi32, #tpu.memory_space<hbm>>
      %dma_start3A_1079 = arith.constant 0 : i32
      %dma_start3A_1080 = tpu.memref_slice %arg6[%add3A, %dma_start3A_1079] : memref<32x32xi32, #tpu.memory_space<hbm>> -> memref<1x32xi32, #tpu.memory_space<hbm>>
      %dma_start3A_1081 = tpu.memref_squeeze %dma_start3A_1080 : memref<1x32xi32, #tpu.memory_space<hbm>> -> memref<32xi32, #tpu.memory_space<hbm>>
      tpu.enqueue_dma source(%arg13 : memref<32xi32, #tpu.memory_space<vmem>>) target(%dma_start3A_1081 : memref<32xi32, #tpu.memory_space<hbm>>) target_semaphore(%run_scoped3A : memref<!tpu.dma_semaphore, #tpu.memory_space<semaphore_mem>>)
      %dma_wait3A_1082 = arith.constant 0 : i32
      %dma_wait3A_1083 = tpu.memref_slice %arg6[%add3A, %dma_wait3A_1082] : memref<32x32xi32, #tpu.memory_space<hbm>> -> memref<1x32xi32, #tpu.memory_space<hbm>>
      %dma_wait3A_1084 = tpu.memref_squeeze %dma_wait3A_1083 : memref<1x32xi32, #tpu.memory_space<hbm>> -> memref<32xi32, #tpu.memory_space<hbm>>
      %dma_wait3A_1085 = arith.constant 0 : i32
      %dma_wait3A_1086 = tpu.memref_slice %arg6[%add3A, %dma_wait3A_1085] : memref<32x32xi32, #tpu.memory_space<hbm>> -> memref<1x32xi32, #tpu.memory_space<hbm>>
      %dma_wait3A_1087 = tpu.memref_squeeze %dma_wait3A_1086 : memref<1x32xi32, #tpu.memory_space<hbm>> -> memref<32xi32, #tpu.memory_space<hbm>>
      tpu.wait_dma2 semaphore(%run_scoped3A : memref<!tpu.dma_semaphore, #tpu.memory_space<semaphore_mem>>) src(%arg13 : memref<32xi32, #tpu.memory_space<vmem>>) dst(%dma_wait3A_1087 : memref<32xi32, #tpu.memory_space<hbm>>)
      tpu.yield
    }) : () -> ()
    return
  }
}

module attributes {stable_mosaic.version = 14 : i64} {
  func.func @_mlp_body(%arg0: i32, %arg1: memref<1x7x8000xf32, #tpu.memory_space<vmem>>, %arg2: memref<1x2x8000xi32, #tpu.memory_space<vmem>>, %arg3: memref<18x7xf32, #tpu.memory_space<vmem>>, %arg4: memref<18xf32, #tpu.memory_space<vmem>>, %arg5: memref<36x18xf32, #tpu.memory_space<vmem>>, %arg6: memref<36xf32, #tpu.memory_space<vmem>>, %arg7: memref<36x36xf32, #tpu.memory_space<vmem>>, %arg8: memref<36xf32, #tpu.memory_space<vmem>>, %arg9: memref<1x36xf32, #tpu.memory_space<vmem>>, %arg10: memref<1xf32, #tpu.memory_space<vmem>>, %arg11: memref<1x1x8000xf32, #tpu.memory_space<vmem>>, %arg12: memref<1x1x8000xi32, #tpu.memory_space<vmem>>) attributes {dimension_semantics = [#tpu.dimension_semantics<arbitrary>], iteration_bounds = array<i64: 125>, scalar_prefetch = 0 : i64, scratch_operands = 0 : i64, tpu.core_type = #tpu.core_type<tc>, window_params = [{transform_indices = @transform_0, window_bounds = array<i64: 1, 7, 8000>}, {transform_indices = @transform_1, window_bounds = array<i64: 1, 2, 8000>}, {pipeline_mode = #tpu.pipeline_mode<synchronous>, transform_indices = @transform_2, window_bounds = array<i64: 18, 7>}, {pipeline_mode = #tpu.pipeline_mode<synchronous>, transform_indices = @transform_3, window_bounds = array<i64: 18>}, {pipeline_mode = #tpu.pipeline_mode<synchronous>, transform_indices = @transform_4, window_bounds = array<i64: 36, 18>}, {pipeline_mode = #tpu.pipeline_mode<synchronous>, transform_indices = @transform_5, window_bounds = array<i64: 36>}, {pipeline_mode = #tpu.pipeline_mode<synchronous>, transform_indices = @transform_6, window_bounds = array<i64: 36, 36>}, {pipeline_mode = #tpu.pipeline_mode<synchronous>, transform_indices = @transform_7, window_bounds = array<i64: 36>}, {pipeline_mode = #tpu.pipeline_mode<synchronous>, transform_indices = @transform_8, window_bounds = array<i64: 1, 36>}, {pipeline_mode = #tpu.pipeline_mode<synchronous>, transform_indices = @transform_9, window_bounds = array<i64: 1>}, {transform_indices = @transform_10, window_bounds = array<i64: 1, 1, 8000>}, {transform_indices = @transform_11, window_bounds = array<i64: 1, 1, 8000>}]} {
    %get3A = arith.constant 0 : index
    %get3A_0 = arith.constant 0 : index
    %get3A_1 = arith.constant 0 : index
    %get3A_2 = vector.load %arg1[%get3A, %get3A_0, %get3A_1] : memref<1x7x8000xf32, #tpu.memory_space<vmem>>, vector<1x7x8000xf32>
    %get3A_3 = vector.shape_cast %get3A_2 : vector<1x7x8000xf32> to vector<7x8000xf32>
    %get3A_4 = arith.constant 0 : index
    %get3A_5 = arith.constant 0 : index
    %get3A_6 = vector.load %arg3[%get3A_4, %get3A_5] : memref<18x7xf32, #tpu.memory_space<vmem>>, vector<18x7xf32>
    %dot_general3A = arith.constant dense<0.000000e+00> : vector<18x8000xf32>
    %dot_general3A_7 = tpu.matmul %get3A_6, %get3A_3, %dot_general3A {dimension_numbers = #tpu.dot_dimension_numbers<[1], [0], [0], [1], [0, 0, 1, 1], [], []>, transpose_lhs_hint = false} : vector<18x7xf32>, vector<7x8000xf32>, vector<18x8000xf32> -> vector<18x8000xf32>
    %get3A_8 = arith.constant 0 : index
    %get3A_9 = vector.load %arg4[%get3A_8] : memref<18xf32, #tpu.memory_space<vmem>>, vector<18xf32>
    %broadcast_in_dim3A = vector.shape_cast %get3A_9 : vector<18xf32> to vector<18x1xf32>
    %add3A = vector.broadcast %broadcast_in_dim3A : vector<18x1xf32> to vector<18x8000xf32>
    %add3A_10 = arith.addf %dot_general3A_7, %add3A : vector<18x8000xf32>
    %max3A = arith.constant 0.000000e+00 : f32
    %max3A_11 = vector.broadcast %max3A : f32 to vector<18x8000xf32>
    %max3A_12 = arith.maximumf %add3A_10, %max3A_11 : vector<18x8000xf32>
    %get3A_13 = arith.constant 0 : index
    %get3A_14 = arith.constant 0 : index
    %get3A_15 = vector.load %arg5[%get3A_13, %get3A_14] : memref<36x18xf32, #tpu.memory_space<vmem>>, vector<36x18xf32>
    %dot_general3A_16 = arith.constant dense<0.000000e+00> : vector<36x8000xf32>
    %dot_general3A_17 = tpu.matmul %get3A_15, %max3A_12, %dot_general3A_16 {dimension_numbers = #tpu.dot_dimension_numbers<[1], [0], [0], [1], [0, 0, 1, 1], [], []>, transpose_lhs_hint = false} : vector<36x18xf32>, vector<18x8000xf32>, vector<36x8000xf32> -> vector<36x8000xf32>
    %get3A_18 = arith.constant 0 : index
    %get3A_19 = vector.load %arg6[%get3A_18] : memref<36xf32, #tpu.memory_space<vmem>>, vector<36xf32>
    %broadcast_in_dim3A_20 = vector.shape_cast %get3A_19 : vector<36xf32> to vector<36x1xf32>
    %add3A_21 = vector.broadcast %broadcast_in_dim3A_20 : vector<36x1xf32> to vector<36x8000xf32>
    %add3A_22 = arith.addf %dot_general3A_17, %add3A_21 : vector<36x8000xf32>
    %max3A_23 = arith.constant 0.000000e+00 : f32
    %max3A_24 = vector.broadcast %max3A_23 : f32 to vector<36x8000xf32>
    %max3A_25 = arith.maximumf %add3A_22, %max3A_24 : vector<36x8000xf32>
    %get3A_26 = arith.constant 0 : index
    %get3A_27 = arith.constant 0 : index
    %get3A_28 = vector.load %arg7[%get3A_26, %get3A_27] : memref<36x36xf32, #tpu.memory_space<vmem>>, vector<36x36xf32>
    %dot_general3A_29 = arith.constant dense<0.000000e+00> : vector<36x8000xf32>
    %dot_general3A_30 = tpu.matmul %get3A_28, %max3A_25, %dot_general3A_29 {dimension_numbers = #tpu.dot_dimension_numbers<[1], [0], [0], [1], [0, 0, 1, 1], [], []>, transpose_lhs_hint = false} : vector<36x36xf32>, vector<36x8000xf32>, vector<36x8000xf32> -> vector<36x8000xf32>
    %get3A_31 = arith.constant 0 : index
    %get3A_32 = vector.load %arg8[%get3A_31] : memref<36xf32, #tpu.memory_space<vmem>>, vector<36xf32>
    %broadcast_in_dim3A_33 = vector.shape_cast %get3A_32 : vector<36xf32> to vector<36x1xf32>
    %add3A_34 = vector.broadcast %broadcast_in_dim3A_33 : vector<36x1xf32> to vector<36x8000xf32>
    %add3A_35 = arith.addf %dot_general3A_30, %add3A_34 : vector<36x8000xf32>
    %max3A_36 = arith.constant 0.000000e+00 : f32
    %max3A_37 = vector.broadcast %max3A_36 : f32 to vector<36x8000xf32>
    %max3A_38 = arith.maximumf %add3A_35, %max3A_37 : vector<36x8000xf32>
    %get3A_39 = arith.constant 0 : index
    %get3A_40 = arith.constant 0 : index
    %get3A_41 = vector.load %arg9[%get3A_39, %get3A_40] : memref<1x36xf32, #tpu.memory_space<vmem>>, vector<1x36xf32>
    %dot_general3A_42 = arith.constant dense<0.000000e+00> : vector<1x8000xf32>
    %dot_general3A_43 = tpu.matmul %get3A_41, %max3A_38, %dot_general3A_42 {dimension_numbers = #tpu.dot_dimension_numbers<[1], [0], [0], [1], [0, 0, 1, 1], [], []>, transpose_lhs_hint = false} : vector<1x36xf32>, vector<36x8000xf32>, vector<1x8000xf32> -> vector<1x8000xf32>
    %get3A_44 = arith.constant 0 : index
    %get3A_45 = vector.load %arg10[%get3A_44] : memref<1xf32, #tpu.memory_space<vmem>>, vector<1xf32>
    %broadcast_in_dim3A_46 = vector.shape_cast %get3A_45 : vector<1xf32> to vector<1x1xf32>
    %add3A_47 = vector.broadcast %broadcast_in_dim3A_46 : vector<1x1xf32> to vector<1x8000xf32>
    %add3A_48 = arith.addf %dot_general3A_43, %add3A_47 : vector<1x8000xf32>
    %swap3A = arith.constant 0 : index
    %swap3A_49 = arith.constant 0 : index
    %swap3A_50 = arith.constant 0 : index
    %swap3A_51 = vector.load %arg11[%swap3A, %swap3A_49, %swap3A_50] : memref<1x1x8000xf32, #tpu.memory_space<vmem>>, vector<1x1x8000xf32>
    %swap3A_52 = vector.shape_cast %swap3A_51 : vector<1x1x8000xf32> to vector<1x8000xf32>
    %swap3A_53 = vector.shape_cast %add3A_48 : vector<1x8000xf32> to vector<1x1x8000xf32>
    tpu.vector_store %arg11[%swap3A, %swap3A_49, %swap3A_50], %swap3A_53 {strides = array<i32>} : memref<1x1x8000xf32, #tpu.memory_space<vmem>>, vector<1x1x8000xf32>,
    %get3A_54 = arith.constant 0 : index
    %get3A_55 = arith.constant 0 : index
    %get3A_56 = arith.constant 0 : index
    %get3A_57 = vector.load %arg2[%get3A_54, %get3A_55, %get3A_56] : memref<1x2x8000xi32, #tpu.memory_space<vmem>>, vector<1x2x8000xi32>
    %get3A_58 = vector.shape_cast %get3A_57 : vector<1x2x8000xi32> to vector<2x8000xi32>
    %slice3A = vector.extract_strided_slice %get3A_58 {offsets = [0, 0], sizes = [1, 8000], strides = [1, 1]} : vector<2x8000xi32> to vector<1x8000xi32>
    %mul3A = arith.constant 1024 : i32
    %mul3A_59 = vector.broadcast %mul3A : i32 to vector<1x8000xi32>
    %mul3A_60 = arith.muli %slice3A, %mul3A_59 : vector<1x8000xi32>
    %slice3A_61 = vector.extract_strided_slice %get3A_58 {offsets = [1, 0], sizes = [1, 8000], strides = [1, 1]} : vector<2x8000xi32> to vector<1x8000xi32>
    %add3A_62 = arith.addi %mul3A_60, %slice3A_61 : vector<1x8000xi32>
    %swap3A_63 = arith.constant 0 : index
    %swap3A_64 = arith.constant 0 : index
    %swap3A_65 = arith.constant 0 : index
    %swap3A_66 = vector.load %arg12[%swap3A_63, %swap3A_64, %swap3A_65] : memref<1x1x8000xi32, #tpu.memory_space<vmem>>, vector<1x1x8000xi32>
    %swap3A_67 = vector.shape_cast %swap3A_66 : vector<1x1x8000xi32> to vector<1x8000xi32>
    %swap3A_68 = vector.shape_cast %add3A_62 : vector<1x8000xi32> to vector<1x1x8000xi32>
    tpu.vector_store %arg12[%swap3A_63, %swap3A_64, %swap3A_65], %swap3A_68 {strides = array<i32>} : memref<1x1x8000xi32, #tpu.memory_space<vmem>>, vector<1x1x8000xi32>,
    return
  }
  func.func @transform_0(%arg0: i32) -> (i32, i32, i32) {
    %c0_i32 = arith.constant 0 : i32
    %c0_i32_0 = arith.constant 0 : i32
    %c0_i32_1 = arith.constant 0 : i32
    return %arg0, %c0_i32, %c0_i32_0 : i32, i32, i32
  }
  func.func @transform_1(%arg0: i32) -> (i32, i32, i32) {
    %c0_i32 = arith.constant 0 : i32
    %c0_i32_0 = arith.constant 0 : i32
    %c0_i32_1 = arith.constant 0 : i32
    return %arg0, %c0_i32, %c0_i32_0 : i32, i32, i32
  }
  func.func @transform_2(%arg0: i32) -> (i32, i32) {
    %c0_i32 = arith.constant 0 : i32
    %c0_i32_0 = arith.constant 0 : i32
    %c0_i32_1 = arith.constant 0 : i32
    return %c0_i32, %c0_i32_0 : i32, i32
  }
  func.func @transform_3(%arg0: i32) -> i32 {
    %c0_i32 = arith.constant 0 : i32
    %c0_i32_0 = arith.constant 0 : i32
    return %c0_i32 : i32
  }
  func.func @transform_4(%arg0: i32) -> (i32, i32) {
    %c0_i32 = arith.constant 0 : i32
    %c0_i32_0 = arith.constant 0 : i32
    %c0_i32_1 = arith.constant 0 : i32
    return %c0_i32, %c0_i32_0 : i32, i32
  }
  func.func @transform_5(%arg0: i32) -> i32 {
    %c0_i32 = arith.constant 0 : i32
    %c0_i32_0 = arith.constant 0 : i32
    return %c0_i32 : i32
  }
  func.func @transform_6(%arg0: i32) -> (i32, i32) {
    %c0_i32 = arith.constant 0 : i32
    %c0_i32_0 = arith.constant 0 : i32
    %c0_i32_1 = arith.constant 0 : i32
    return %c0_i32, %c0_i32_0 : i32, i32
  }
  func.func @transform_7(%arg0: i32) -> i32 {
    %c0_i32 = arith.constant 0 : i32
    %c0_i32_0 = arith.constant 0 : i32
    return %c0_i32 : i32
  }
  func.func @transform_8(%arg0: i32) -> (i32, i32) {
    %c0_i32 = arith.constant 0 : i32
    %c0_i32_0 = arith.constant 0 : i32
    %c0_i32_1 = arith.constant 0 : i32
    return %c0_i32, %c0_i32_0 : i32, i32
  }
  func.func @transform_9(%arg0: i32) -> i32 {
    %c0_i32 = arith.constant 0 : i32
    %c0_i32_0 = arith.constant 0 : i32
    return %c0_i32 : i32
  }
  func.func @transform_10(%arg0: i32) -> (i32, i32, i32) {
    %c0_i32 = arith.constant 0 : i32
    %c0_i32_0 = arith.constant 0 : i32
    %c0_i32_1 = arith.constant 0 : i32
    return %arg0, %c0_i32, %c0_i32_0 : i32, i32, i32
  }
  func.func @transform_11(%arg0: i32) -> (i32, i32, i32) {
    %c0_i32 = arith.constant 0 : i32
    %c0_i32_0 = arith.constant 0 : i32
    %c0_i32_1 = arith.constant 0 : i32
    return %arg0, %c0_i32, %c0_i32_0 : i32, i32, i32
  }
}

</mosaic_0001>

<sc_bundles>
// kernel: kernel.5.cloned.1.call-start
scs
__scs_entry_jumppad:
0x0: {  	(pc) =	sbr.rel $0x88, $3  }
0x1: {  	(tag) =	ssettag $0x0;
	lr =	simm.s32 $0x1  }
0x2: {  	[smem:$0x3F97] =	sst lr;
	_ =	strace $0xD0000000  }
0x3: {  	_ = 	snop  }
0x4: {  	_ = 	snop  }
0x5: {  	_ = 	snop  }
0x6: {  	_ = 	snop  }
0x7: {  	_ = 	snop  }
__scs_overlays_trampoline_lowered:
0x8: {  	[smem:$0x3FA6] =	sst s0  }
0x9: {  	[smem:$0x3FA7] =	sst s1  }
0xa: {  	[smem:$0x3FA8] =	sst s2  }
0xb: {  	[smem:$0x3FA9] =	sst s3  }
0xc: {  	[smem:$0x3FAA] =	sst s4  }
0xd: {  	[smem:$0x3FAB] =	sst s5  }
0xe: {  	[smem:$0x3FAC] =	sst s6  }
0xf: {  	[smem:$0x3FAD] =	sst s7  }
0x10: {  	[smem:$0x3FAE] =	sst s8  }
0x11: {  	[smem:$0x3FAF] =	sst s9;
	s0 =	simm.s32 @!p0 $0x0  }
0x12: {  	s1 =	sld [smem:$0x3F95];
	s0 =	simm.s32 @p0 $0x1  }
0x13: {  	[smem:$0x3FB0] =	sst s0;
	s0 =	simm.s32 @!p1 $0x0  }
0x14: {  	s2 =	sld [smem:$0x3F94];
	s0 =	simm.s32 @p1 $0x1  }
0x15: {  	[smem:$0x3FB1] =	sst s0;
	s0 =	simm.s32 @!p2 $0x0  }
0x16: {  	s3 =	sld [smem:$0x3FDB];
	s0 =	simm.s32 @p2 $0x1  }
0x17: {  	s4 =	simm.s32 $0x1BF5;
	[smem:$0x3FB3] =	sst s0  }
0x18: {  	s0 =	sld [smem:$0x3F96];
	_ =	swait.ge [sflag:s4], $0x0  }
0x19: {  	s7 =	sld [smem:$0x3F97]  }
0x1a: {  	s8 =	sadd.s32 $0xFFFFE003, lr  }
0x1b: {  	s9 =	sadd.s32 $0xFFFFFEF7, lr;
	s5 =	simm.s32 $0xFFFFFFFF;
	p2 =	slt.u32 s8, $0xFFFFF086  }
0x1c: {  	p1 =	slt.u32 s9, $0xF7A;
	s5 =	simm.s32 @!p2 $0x0  }
0x1d: {  	s5 =	simm.s32 @p1 $0x1;
	p0 =	seq.s32 s7, s2  }
0x1e: {  	s7 =	smul.u32 @!p0 $0xF7A, s2;
	p2 =	seq.s32 @!p0 s5, $0x0  }
0x1f: {  	s9 =	smul.u32 $0xF7A, s1;
	s8 =	simm.s32 @!p0 $0x1BF5;
	p2 =	por !p2, p0  }
0x20: {  	[sflag:s8] =	ssyncset.s32 @!p0 $0xFFFFF086;
	s6 =	sadd.s32 @!p0 s3, s7;
	s7 =	simm.s32 @!p0 $0x108  }
0x21: {  	s3 =	sadd.s32 s3, s9;
	s6 =	sadd.s32 @!p0 $0x88, s6;
	s7 =	simm.s32 @p2 $0x1082  }
0x22: {  	[simem:s7], [sflag:s8] =	dma.local @!p0 [hbm:s6], $0xF7A  }
0x23: {  	s9 =	sor.u32 $0xD0000000, s2;
	s6 =	simm.s32 $0x108;
	_ =	swait.ge @!p0 [sflag:s8], $0x0  }
0x24: {  	s3 =	sadd.s32 $0x88, s3;
	s6 =	simm.s32 @!p1 $0x1082;
	[sflag:s4] =	ssyncset.s32 $0xFFFFF086  }
0x25: {  	[simem:s6], [sflag:s4] =	dma.local [hbm:s3], $0xF7A  }
0x26: {  	[smem:$0x3F97] =	sst s1;
	(tag) =	ssettag s2;
	_ =	strace s9  }
0x27: {  	s1 =	sld [smem:$0x3FA7]  }
0x28: {  	s2 =	sld [smem:$0x3FA8]  }
0x29: {  	s4 =	sld [smem:$0x3FAA]  }
0x2a: {  	p0 =	seq.s32 s5, $0x0;
	s5 =	sld [smem:$0x3FAB]  }
0x2b: {  	s6 =	sld [smem:$0x3FAC]  }
0x2c: {  	s7 =	sld [smem:$0x3FAD]  }
0x2d: {  	s3 =	simm.s32 $0x108;
	s8 =	sld [smem:$0x3FAE]  }
0x2e: {  	s3 =	simm.s32 @!p0 $0x1082;
	s9 =	sld [smem:$0x3FAF]  }
0x2f: {  	lr =	sadd.s32 s0, s3;
	s0 =	sld [smem:$0x3FA6]  }
0x30: {  	s3 =	sld [smem:$0x3FA9]  }
0x31: {  	[smem:$0x3FB2] =	sst s10  }
0x32: {  	s10 =	sld [smem:$0x3FB0];
	_ =	sdelay $0x3  }
0x33: {  	p0 =	seq.s32 s10, $0x1;
	s10 =	sld [smem:$0x3FB2];
	_ =	sdelay $0x3  }
0x34: {  	[smem:$0x3FB2] =	sst s10  }
0x35: {  	s10 =	sld [smem:$0x3FB1];
	_ =	sdelay $0x3  }
0x36: {  	p1 =	seq.s32 s10, $0x1;
	s10 =	sld [smem:$0x3FB2];
	_ =	sdelay $0x3  }
0x37: {  	[smem:$0x3FB2] =	sst s10  }
0x38: {  	s10 =	sld [smem:$0x3FB3]  }
0x39: {  	_ = 	snop;
	(pc) =	sbr.ind lr, $3  }
0x3a: {  	_ = 	snop  }
0x3b: {  	_ = 	snop  }
0x3c: {  	p2 =	seq.s32 s10, $0x1;
	s10 =	sld [smem:$0x3FB2]  }
0x3d: {  	_ =	shalt  }
0x3e: {  	_ =	shalt  }
0x3f: {  	_ =	shalt  }
0x40: {  	_ =	shalt  }
0x41: {  	_ =	shalt  }
0x42: {  	_ =	shalt  }
0x43: {  	_ =	shalt  }
0x44: {  	_ =	shalt  }
0x45: {  	_ =	shalt  }
0x46: {  	_ =	shalt  }
0x47: {  	_ =	shalt  }
0x48: {  	_ =	shalt  }
0x49: {  	_ =	shalt  }
0x4a: {  	_ =	shalt  }
0x4b: {  	_ =	shalt  }
0x4c: {  	_ =	shalt  }
0x4d: {  	_ =	shalt  }
0x4e: {  	_ =	shalt  }
0x4f: {  	_ =	shalt  }
0x50: {  	_ =	shalt  }
0x51: {  	_ =	shalt  }
0x52: {  	_ =	shalt  }
0x53: {  	_ =	shalt  }
0x54: {  	_ =	shalt  }
0x55: {  	_ =	shalt  }
0x56: {  	_ =	shalt  }
0x57: {  	_ =	shalt  }
0x58: {  	_ =	shalt  }
0x59: {  	_ =	shalt  }
0x5a: {  	_ =	shalt  }
0x5b: {  	_ =	shalt  }
0x5c: {  	_ =	shalt  }
0x5d: {  	_ =	shalt  }
0x5e: {  	_ =	shalt  }
0x5f: {  	_ =	shalt  }
0x60: {  	_ =	shalt  }
0x61: {  	_ =	shalt  }
0x62: {  	_ =	shalt  }
0x63: {  	_ =	shalt  }
0x64: {  	_ =	shalt  }
0x65: {  	_ =	shalt  }
0x66: {  	_ =	shalt  }
0x67: {  	_ =	shalt  }
0x68: {  	_ =	shalt  }
0x69: {  	_ =	shalt  }
0x6a: {  	_ =	shalt  }
0x6b: {  	_ =	shalt  }
0x6c: {  	_ =	shalt  }
0x6d: {  	_ =	shalt  }
0x6e: {  	_ =	shalt  }
0x6f: {  	_ =	shalt  }
0x70: {  	_ =	shalt  }
0x71: {  	_ =	shalt  }
0x72: {  	_ =	shalt  }
0x73: {  	_ =	shalt  }
0x74: {  	_ =	shalt  }
0x75: {  	_ =	shalt  }
0x76: {  	_ =	shalt  }
0x77: {  	_ =	shalt  }
0x78: {  	_ =	shalt  }
0x79: {  	_ =	shalt  }
0x7a: {  	_ =	shalt  }
0x7b: {  	_ =	shalt  }
0x7c: {  	_ =	shalt  }
0x7d: {  	_ =	shalt  }
0x7e: {  	_ =	shalt  }
0x7f: {  	_ =	shalt  }
0x80: {  	_ =	shalt  }
0x81: {  	_ =	shalt  }
0x82: {  	_ =	shalt  }
0x83: {  	_ =	shalt  }
0x84: {  	_ =	shalt  }
0x85: {  	_ =	shalt  }
0x86: {  	_ =	shalt  }
0x87: {  	_ =	shalt  }
.Lfunc_end0:
.L_simem_size_0:
called_computation_lowered:
.L_overlay_start_0:
0x88: {  	s2 =	sld [smem:$0x3FD9]  }
0x89: {  	s3 =	sld [smem:$0x3FFE];
	_ =	sdelay $0x1  }
0x8a: {  	s1 =	srdreg.scid  }
0x8b: {  	s0 =	sand.u32 $0x1, s1  }
0x8c: {  	s16 =	sshll.u32 s0, $0xA;
	s2 =	sadd.s32 s3, s2  }
0x8d: {  	s2 =	sadd.s32 s2, s16  }
0x8e: {  	[smem:$0x3FBE] =	sst s2  }
0x8f: {  	_ = 	snop  }
0x90: {  	(tm) =	ssettm $0x1  }
0x91: {  	s17 =	sld [smem:$0x3FFB];
	_ =	sdelay $0x3  }
0x92: {  	_ =	strace s17  }
0x93: {  	s2 =	sld [smem:$0x3FFC];
	_ =	sdelay $0x3  }
0x94: {  	_ =	strace s2  }
0x95: {  	s2 =	sld [smem:$0x3FFD];
	_ =	sdelay $0x3  }
0x96: {  	_ =	strace s2  }
0x97: {  	_ =	strace $0x8FFFFFFF  }
0x98: {  	s18 =	sld [smem:$0x3FDB];
	_ =	sdelay $0x1  }
0x99: {  	s19 =	simm.s32 $_scs_section_size  }
0x9a: {  	s4 =	simm.s32 $_size__tile_overlayer_lowered;
	s5 =	simm.s32 $_tile_overlayer_lowered  }
0x9b: {  	s22 =	simm.s32 $0x1BFF;
	s21 =	sshll.u32 s5, $0x1;
	s2 =	sadd.s32 s19, s18  }
0x9c: {  	s6 =	simm.s32 $0x0;
	s20 =	sshll.u32 s4, $0x1;
	s4 =	sadd.s32 s21, s2  }
0x9d: {  	[timem:s6], [sflag:s22] =	dma.local [hbm:s4], s20  }
0x9e: {  	_ =	swait.ge [sflag:s22], s20  }
0x9f: {  	s3 =	ssub.s32 $0x0, s20;
	[sflag:s22] =	ssyncset.done $0x0  }
0xa0: {  	[sflag:s22] =	ssyncadd.s32 s3;
	_ =	sdelay $0x1  }
0xa1: {  	s23 =	simm.s32 $0x1B8B  }
0xa2: {  	_ =	swait.ge [sflag:s23], $0x1  }
0xa3: {  	[sflag:s23] =	ssyncset.done $0x0  }
0xa4: {  	s25 =	simm.s32 $0x1B8E;
	s24 =	sld [smem:$0x3FFE];
	[sflag:s23] =	ssyncadd.s32 $0xFFFFFFFF  }
0xa5: {  	s26 =	simm.s32 $execute0_lowered;
	[smem:$0x3FD2] =	sst s25  }
0xa6: {  	s4 =	sshll.u32 s26, $0x1;
	_ =	strace $0x80000046;
	[dreg:$0x1] =	wrdreg $0xFFFFFFFF  }
0xa7: {  	s28 =	simm.s32 $_size_execute0_lowered;
	s2 =	sadd.s32 s2, s4;
	[dreg:$0x0] =	wrdreg $0x0  }
0xa8: {  	s4 =	sshll.u32 s28, $0x1;
	[dreg:$0x2] =	wrdreg s2  }
0xa9: {  	[dreg:$0x3] =	wrdreg s4  }
0xaa: {  	[dreg:$0x4] =	wrdreg $0xC0  }
0xab: {  	_ =	task [dreg:s6], $0x5FFFF  }
0xac: {  	[dreg:$0x1] =	wrdreg $0xFFFFFFFF  }
0xad: {  	[dreg:$0x0] =	wrdreg $0x60  }
0xae: {  	[dreg:$0x2] =	wrdreg s24  }
0xaf: {  	[dreg:$0x3] =	wrdreg $0x9  }
0xb0: {  	_ =	task.clear_ibuf [dreg:s6], $0x4FFFF;
	_ =	strace $0x90000046  }
0xb1: {  	s29 =	simm.s32 $0x9;
	_ =	strace $0x80000048  }
0xb2: {  	_ =	swait.ge [sflag:s29], $0x1  }
0xb3: {  	[sflag:s29] =	ssyncadd.s32 $0xFFFFFFFF  }
0xb4: {  	_ =	strace $0x90000048  }
0xb5: {  	_ =	sfence  }
0xb6: {  	s30 =	sld [smem:$0x0];
	_ =	sdelay $0x2  }
0xb7: {  	s31 =	sshll.u32 s1, $0xD;
	s1 =	sshrl.u32 s1, $0x2  }
0xb8: {  	s3 =	sand.u32 $0x4000, s31;
	s1 =	sadd.s32 s1, s30  }
0xb9: {  	s0 =	sor.u32 s3, s0;
	s1 =	sshll.u32 s1, $0x11  }
0xba: {  	s0 =	sor.u32 s1, s0  }
0xbb: {  	s0 =	sadd.s32 $0x8F2B, s0  }
0xbc: {  	[sflag:s0] =	ssyncadd.remote.s32 $0x1  }
0xbd: {  	_ =	sfence.sel $0xFFFF  }
0xbe: {  	[dreg:$0x0] =	wrdreg $0xFFFFFFFF;
	(pc) =	sbr.abs _section_cstart, $3  }
0xbf: {  	[dreg:$0x1] =	wrdreg $0xFFFFFFFF  }
0xc0: {  	_ =	task.clear_ibuf [dreg:s6], $0x2FFFF;
	_ =	strace $0x9FFFFFFF  }
0xc1: {  	(tm) =	ssettm $0x7FFFFFFF  }
tec
execute0_lowered:
.L_overlay_start_1:
0x0: {  	(tag) =	ssettag $0x1  }
0x1: {  	s0 =	srdreg.scid;
	s1 =	stileid.u32  }
0x2: {  	s0 =	sand.u32 $0x1, s0;
	s1 =	sshll.u32 s1, $0x1  }
0x3: {  	s4 =	sor.u32 s0, s1  }
0x4: {  	s2 =	smul.u32 $0x600, s4  }
0x5: {  	s6 =	rddreg [dreg:$0x0];
	s7 =	smul.u32 $0xC0, s4  }
0x6: {  	s3 =	sadd.s32 $0x6E600, s6;
	s1 =	sadd.s32 $0x3E600, s6  }
0x7: {  	s5 =	ssub.s32 $0x2, s0;
	s0 =	sshrl.u32 s2, $0x3;
	s10 =	sadd.s32 s1, s7  }
0x8: {  	s12 =	sadd.s32 s3, s7;
	[dreg:$0x2] =	wrdreg s10;
	s11 =	sadd.s32 $0x1800, s0  }
0x9: {  	s8 =	sshrl.u32 s5, $0x1;
	[dreg:$0x3] =	wrdreg s12;
	s14 =	sadd.s32 s1, s11  }
0xa: {  	s15 =	sadd.s32 $0x3000, s0;
	s2 =	sadd.s32 s3, s11;
	[dreg:$0x4] =	wrdreg s14  }
0xb: {  	s13 =	ssub.s32 s5, s8;
	s16 =	sadd.s32 s1, s15;
	[dreg:$0x5] =	wrdreg s2  }
0xc: {  	s17 =	sadd.s32 $0x4800, s0;
	s5 =	sadd.s32 s3, s15;
	[dreg:$0x6] =	wrdreg s16  }
0xd: {  	s19 =	sor.u32 $0x6000, s0;
	s18 =	sadd.s32 s1, s17;
	[dreg:$0x7] =	wrdreg s5  }
0xe: {  	s21 =	sadd.s32 $0x7800, s0;
	s20 =	sadd.s32 s1, s19;
	[dreg:$0x8] =	wrdreg s18  }
0xf: {  	s23 =	sadd.s32 $0x9000, s0;
	s22 =	sadd.s32 s1, s21;
	[dreg:$0xa] =	wrdreg s20  }
0x10: {  	s25 =	sadd.s32 $0xA800, s0;
	s24 =	sadd.s32 s1, s23;
	[dreg:$0xc] =	wrdreg s22  }
0x11: {  	s28 =	sor.u32 $0xC000, s0;
	s26 =	sadd.s32 s1, s25;
	[dreg:$0xe] =	wrdreg s24  }
0x12: {  	s30 =	sadd.s32 $0xD800, s0;
	s29 =	sadd.s32 s1, s28;
	[dreg:$0x10] =	wrdreg s26  }
0x13: {  	s8 =	sadd.s32 $0xF000, s0;
	s7 =	sadd.s32 s1, s30;
	[dreg:$0x12] =	wrdreg s29  }
0x14: {  	s10 =	sadd.s32 $0x10800, s0;
	s9 =	sadd.s32 s1, s8;
	[dreg:$0x14] =	wrdreg s7  }
0x15: {  	s11 =	sadd.s32 s1, s10;
	[dreg:$0x16] =	wrdreg s9  }
0x16: {  	s2 =	sadd.s32 s3, s17;
	[dreg:$0x18] =	wrdreg s11  }
0x17: {  	s12 =	sor.u32 $0x12000, s0;
	s5 =	sadd.s32 s3, s19;
	[dreg:$0x9] =	wrdreg s2  }
0x18: {  	s15 =	sadd.s32 $0x13800, s0;
	s14 =	sadd.s32 s1, s12;
	[dreg:$0xb] =	wrdreg s5  }
0x19: {  	s16 =	sadd.s32 s1, s15;
	[dreg:$0x1a] =	wrdreg s14  }
0x1a: {  	s2 =	sadd.s32 s3, s21;
	[dreg:$0x1c] =	wrdreg s16  }
0x1b: {  	s17 =	sadd.s32 $0x15000, s0;
	s5 =	sadd.s32 s3, s23;
	[dreg:$0xd] =	wrdreg s2  }
0x1c: {  	s19 =	sadd.s32 $0x16800, s0;
	s18 =	sadd.s32 s1, s17;
	[dreg:$0xf] =	wrdreg s5  }
0x1d: {  	s20 =	sadd.s32 s1, s19;
	[dreg:$0x1e] =	wrdreg s18  }
0x1e: {  	s2 =	sadd.s32 s3, s25;
	[smem:$0x7E0] =	sst s20  }
0x1f: {  	s21 =	sor.u32 $0x18000, s0;
	s5 =	sadd.s32 s3, s28;
	[dreg:$0x11] =	wrdreg s2  }
0x20: {  	s23 =	sadd.s32 $0x19800, s0;
	s22 =	sadd.s32 s1, s21;
	[dreg:$0x13] =	wrdreg s5  }
0x21: {  	s24 =	sadd.s32 s1, s23;
	[smem:$0x7E2] =	sst s22  }
0x22: {  	p0 =	seq.s32 s4, $0x1F;
	s2 =	sadd.s32 s3, s30;
	[smem:$0x7E4] =	sst s24  }
0x23: {  	s25 =	sadd.s32 $0x1B000, s0;
	s5 =	sadd.s32 s3, s8;
	[dreg:$0x15] =	wrdreg s2  }
0x24: {  	s28 =	sadd.s32 $0x1C800, s0;
	s26 =	sadd.s32 s1, s25;
	[dreg:$0x17] =	wrdreg s5  }
0x25: {  	s13 =	smax.u32 s13, $0x1;
	s29 =	sadd.s32 s1, s28;
	[smem:$0x7E6] =	sst s26  }
0x26: {  	s30 =	sor.u32 $0x1E000, s0;
	s2 =	sadd.s32 s3, s10;
	[smem:$0x7E8] =	sst s29  }
0x27: {  	s8 =	sadd.s32 $0x1F800, s0;
	s5 =	sadd.s32 s3, s12;
	[dreg:$0x19] =	wrdreg s2  }
0x28: {  	s7 =	sadd.s32 s1, s30;
	s9 =	sadd.s32 s1, s8;
	[dreg:$0x1b] =	wrdreg s5  }
0x29: {  	s10 =	sadd.s32 $0x21000, s0;
	s12 =	sadd.s32 $0x22800, s0;
	[smem:$0x7EA] =	sst s7  }
0x2a: {  	s29 =	sadd.s32 $0x2E800, s0;
	s2 =	sadd.s32 s3, s15;
	[smem:$0x7EC] =	sst s9  }
0x2b: {  	s5 =	sadd.s32 s3, s17;
	s11 =	sadd.s32 s1, s10;
	[dreg:$0x1d] =	wrdreg s2  }
0x2c: {  	s14 =	sadd.s32 s1, s12;
	s15 =	sor.u32 $0x24000, s0;
	[dreg:$0x1f] =	wrdreg s5  }
0x2d: {  	s17 =	sadd.s32 $0x25800, s0;
	s7 =	simm.s32 $0x4;
	[smem:$0x7EE] =	sst s11  }
0x2e: {  	s2 =	sadd.s32 s3, s19;
	s5 =	sadd.s32 s3, s21;
	[smem:$0x7F0] =	sst s14  }
0x2f: {  	s16 =	sadd.s32 s1, s15;
	s18 =	sadd.s32 s1, s17;
	[smem:$0x7E1] =	sst s2  }
0x30: {  	s19 =	sadd.s32 $0x27000, s0;
	s21 =	sadd.s32 $0x28800, s0;
	[smem:$0x7E3] =	sst s5  }
0x31: {  	s7 =	simm.s32 @!p0 $0x10;
	s14 =	simm.s32 $0x4;
	[smem:$0x7F2] =	sst s16  }
0x32: {  	s2 =	sadd.s32 s3, s23;
	s5 =	sadd.s32 s3, s25;
	[smem:$0x7F4] =	sst s18  }
0x33: {  	s20 =	sadd.s32 s1, s19;
	s22 =	sadd.s32 s1, s21;
	[smem:$0x7E5] =	sst s2  }
0x34: {  	s23 =	sor.u32 $0x2A000, s0;
	s25 =	sadd.s32 $0x2B800, s0;
	[smem:$0x7E7] =	sst s5  }
0x35: {  	s16 =	simm.s32 $0x1;
	s18 =	simm.s32 $0x1A000;
	[smem:$0x7F6] =	sst s20  }
0x36: {  	s2 =	sadd.s32 s3, s28;
	s5 =	sadd.s32 s3, s30;
	[smem:$0x7F8] =	sst s22  }
0x37: {  	s24 =	sadd.s32 s1, s23;
	s26 =	sadd.s32 s1, s25;
	[smem:$0x7E9] =	sst s2  }
0x38: {  	s28 =	sadd.s32 $0x2D000, s0;
	s30 =	sshll.u32 s4, $0x4;
	[smem:$0x7EB] =	sst s5  }
0x39: {  	s4 =	smul.u32 $0x7D00, s4;
	s20 =	simm.s32 $0x2;
	[smem:$0x7FA] =	sst s24  }
0x3a: {  	s22 =	simm.s32 $0x6;
	s2 =	sadd.s32 s3, s8;
	[smem:$0x7FC] =	sst s26  }
0x3b: {  	s5 =	sadd.s32 s3, s10;
	s31 =	sadd.s32 s1, s28;
	[smem:$0x7ED] =	sst s2  }
0x3c: {  	s0 =	sadd.s32 s3, s28;
	s1 =	sadd.s32 s1, s29;
	[smem:$0x7EF] =	sst s5  }
0x3d: {  	s2 =	sadd.s32 s3, s12;
	s5 =	sadd.s32 s3, s15;
	s12 =	sadd.s32 s30, s6  }
0x3e: {  	s9 =	sshrl.u32 s4, $0x3;
	s15 =	sshrl.u32 s7, $0x1;
	[smem:$0x7F1] =	sst s2  }
0x3f: {  	[smem:$0x7F3] =	sst s5;
	s2 =	sadd.s32 s3, s17;
	s5 =	sadd.s32 s3, s19  }
0x40: {  	s11 =	sadd.s32 $0xFA, s9;
	s12 =	sadd.s32 $0x3E400, s12;
	[smem:$0x7F5] =	sst s2  }
0x41: {  	v0 =	vimm.s32 $0xEDCBA987;
	s17 =	simm.s32 $0x3;
	[smem:$0x7F7] =	sst s5;
	s2 =	sadd.s32 s3, s21  }
0x42: {  	v1 =	vimm.s32 $0x65432100;
	v0 =	vunpack.c.l.s4.s8 v0;
	s19 =	simm.s32 $0xC000;
	s5 =	sadd.s32 s3, s23;
	[smem:$0x7F9] =	sst s2  }
0x43: {  	v1 =	vunpack.c.l.s4.s8 v1;
	s21 =	simm.s32 $0x5;
	s23 =	simm.s32 $0x0;
	[smem:$0x7FB] =	sst s5  }
0x44: {  	v3 =	vunpack.c.0.s8.s32 v0;
	s2 =	sadd.s32 s3, s25;
	s3 =	sadd.s32 s3, s29;
	s5 =	sadd.s32 $0x1000, s6  }
0x45: {  	v5 =	vimm.s32 $0x1;
	v4 =	vunpack.c.0.s8.s32 v1;
	s6 =	sadd.s32 $0x1FA00, s6;
	[smem:$0x7FD] =	sst s2;
	s2 =	simm.s32 $0x0  }
0x46: {  	v0 =	vlaneseq.u32;
	v1 =	vimm.s32 $0x0;
	v3 =	vand.u32 $0xF, v3;
	s8 =	sadd.s32 s5, s9;
	s9 =	sadd.s32 s6, s9;
	[smem:$0x7FF] =	sst s2  }
0x47: {  	v2 =	vor.u32 $0x80000000, v0;
	v3 =	vcombine.low v4, v3;
	v4 =	vadd.s32 $0x1, v0;
	s10 =	sadd.s32 s5, s11;
	s11 =	sadd.s32 s6, s11;
	_ =	strace $0x80000047  }
.LBB2_1:
0x48: {  	[tilespmem:$0x1A000] =	vst v1  }
0x49: {  	[tilespmem:$0x1A010] =	vst v1;
	s24 =	simm.s32 $0x18000  }
0x4a: {  	[tilespmem:s24], [sflag:$0x1] =	stream.linear.gather [hbm4b:s8+s2], $0x7D0, $0x38;
	[tilespmem:$0x1A080] =	vst v63  }
0x4b: {  	s28 =	simm.s32 $0x19000  }
0x4c: {  	[tilespmem:s28], [sflag:$0x3] =	stream.linear.gather [hbm4b:s9+s2], $0x7D0, $0x38;
	[tilespmem:$0x1A080] =	vst v63  }
0x4d: {  	s29 =	simm.s32 $0x18800  }
0x4e: {  	[tilespmem:s29], [sflag:$0x2] =	stream.linear.gather [hbm4b:s10+s2], $0x7D0, $0x38;
	[tilespmem:$0x1A080] =	vst v63  }
0x4f: {  	s30 =	simm.s32 $0x19800;
	s24 =	simm.s32 $0x0  }
0x50: {  	[tilespmem:s30], [sflag:$0x4] =	stream.linear.gather [hbm4b:s11+s2], $0x7D0, $0x38;
	[tilespmem:$0x1A080] =	vst v63  }
.LBB2_2:
0x51: {  	_ =	swait.ge [sflag:s16], $0x7D0  }
0x52: {  	[sflag:s16] =	ssyncset.done $0x0  }
0x53: {  	[sflag:s16] =	ssyncadd.s32 $0xFFFFF830  }
0x54: {  	_ =	swait.ge [sflag:s17], $0x7D0  }
0x55: {  	s25 =	simm.s32 $0xFFFFFFFC;
	[sflag:s17] =	ssyncset.done $0x0  }
0x56: {  	s26 =	simm.s32 $0x19020;
	s28 =	simm.s32 $0x18020;
	[sflag:s17] =	ssyncadd.s32 $0xFFFFF830  }
.LBB2_3:
0x57: {  	v6 =	vld [tilespmem:s28+$0xFFFFFFE0];
	_ =	sdelay $0x4  }
0x58: {  	v7 =	vshrl.u32 v6, $0xB  }
0x59: {  	v7 =	vand.u32 $0x1FFFF0, v7  }
0x5a: {  	v7 =	vor.u32 v2, v7  }
0x5b: {  	(xrf1) =	vsort.ascd.msk.u32 $0xffff, v7, v0;
	_ =	sdelay $0xd  }
0x5c: {  	v7, v8, _ =	vpop (xrf1)  }
0x5d: {  	v7 =	vshrl.u32 v7, $0x4  }
0x5e: {  	v9 =	vxor.u32 $0x8000000, v7  }
0x5f: {  	v7 =	vand.u32 $0x7F, v7;
	v10 =	vperm.xlane v9, v3;
	v11 =	vand.u32 $0xFFFFF80, v9  }
0x60: {  	v7 =	vor.u32 v7, v11  }
0x61: {  	vm0 =	veq.s32 v9, v10  }
0x62: {  	v10 =	vsel vm0, $0x80000000, v2  }
0x63: {  	(xrf0) =	vmax.scan.msk.u32 $0xffff, v10;
	_ =	sdelay $0x1  }
0x64: {  	v40 =	vld.idx.msk [tilespmem:v7+s18+$0x0], $0xffff;
	_ =	sdelay $0x2  }
0x65: {  	v9 =	vmul.u32 $0x600, v9  }
0x66: {  	v41, _, _ =	vpop (xrf0)  }
0x67: {  	v11 =	vxor.u32 $0x7FFFFFFF, v41;
	v9 =	vadd.s32 v9, v40  }
0x68: {  	v42 =	vld [tilespmem:s26+$0xFFFFFFE0];
	v9 =	vadd.s32 v11, v9  }
0x69: {  	v9 =	vadd.s32 v4, v9;
	_ =	sdelay $0x2  }
0x6a: {  	v6 =	vperm.xlane v6, v8  }
0x6b: {  	v8 =	vperm.xlane v42, v8  }
0x6c: {  	[tilespmem:v9+s2+$0x0] =	vst.idx.msk $0xffff, v6  }
0x6d: {  	[tilespmem:v9+s19+$0x0] =	vst.idx.msk $0xffff, v8  }
0x6e: {  	[tilespmem:v7+s18+$0x0] =	vst.idx.add.s32.msk $0xffff, v5  }
0x6f: {  	v6 =	vld [tilespmem:s28+$0xFFFFFFF0];
	_ =	sdelay $0x4  }
0x70: {  	v7 =	vshrl.u32 v6, $0xB  }
0x71: {  	v7 =	vand.u32 $0x1FFFF0, v7  }
0x72: {  	v7 =	vor.u32 v2, v7  }
0x73: {  	(xrf1) =	vsort.ascd.msk.u32 $0xffff, v7, v0;
	_ =	sdelay $0xd  }
0x74: {  	v7, v43, _ =	vpop (xrf1)  }
0x75: {  	v7 =	vshrl.u32 v7, $0x4  }
0x76: {  	v44 =	vxor.u32 $0x8000000, v7  }
0x77: {  	v7 =	vand.u32 $0x7F, v7;
	v45 =	vperm.xlane v44, v3;
	v46 =	vand.u32 $0xFFFFF80, v44  }
0x78: {  	v7 =	vor.u32 v7, v46  }
0x79: {  	vm13 =	veq.s32 v44, v45  }
0x7a: {  	v10 =	vsel vm13, $0x80000000, v2  }
0x7b: {  	(xrf0) =	vmax.scan.msk.u32 $0xffff, v10;
	_ =	sdelay $0x1  }
0x7c: {  	v47 =	vld.idx.msk [tilespmem:v7+s18+$0x0], $0xffff;
	_ =	sdelay $0x2  }
0x7d: {  	v9 =	vmul.u32 $0x600, v44  }
0x7e: {  	v48, _, _ =	vpop (xrf0)  }
0x7f: {  	v11 =	vxor.u32 $0x7FFFFFFF, v48;
	v9 =	vadd.s32 v9, v47  }
0x80: {  	v49 =	vld [tilespmem:s26+$0xFFFFFFF0];
	v9 =	vadd.s32 v11, v9  }
0x81: {  	v9 =	vadd.s32 v4, v9;
	_ =	sdelay $0x2  }
0x82: {  	v6 =	vperm.xlane v6, v43  }
0x83: {  	v8 =	vperm.xlane v49, v43  }
0x84: {  	[tilespmem:v9+s2+$0x0] =	vst.idx.msk $0xffff, v6  }
0x85: {  	[tilespmem:v9+s19+$0x0] =	vst.idx.msk $0xffff, v8  }
0x86: {  	[tilespmem:v7+s18+$0x0] =	vst.idx.add.s32.msk $0xffff, v5  }
0x87: {  	v6 =	vld [tilespmem:s28+$0x0];
	_ =	sdelay $0x4  }
0x88: {  	v7 =	vshrl.u32 v6, $0xB  }
0x89: {  	v7 =	vand.u32 $0x1FFFF0, v7  }
0x8a: {  	v7 =	vor.u32 v2, v7  }
0x8b: {  	(xrf1) =	vsort.ascd.msk.u32 $0xffff, v7, v0;
	_ =	sdelay $0xd  }
0x8c: {  	v7, v50, _ =	vpop (xrf1)  }
0x8d: {  	v7 =	vshrl.u32 v7, $0x4  }
0x8e: {  	v51 =	vxor.u32 $0x8000000, v7  }
0x8f: {  	v7 =	vand.u32 $0x7F, v7;
	v52 =	vperm.xlane v51, v3;
	v53 =	vand.u32 $0xFFFFF80, v51  }
0x90: {  	v7 =	vor.u32 v7, v53  }
0x91: {  	vm14 =	veq.s32 v51, v52  }
0x92: {  	v10 =	vsel vm14, $0x80000000, v2  }
0x93: {  	(xrf0) =	vmax.scan.msk.u32 $0xffff, v10;
	_ =	sdelay $0x1  }
0x94: {  	v54 =	vld.idx.msk [tilespmem:v7+s18+$0x0], $0xffff;
	_ =	sdelay $0x2  }
0x95: {  	v9 =	vmul.u32 $0x600, v51  }
0x96: {  	v55, _, _ =	vpop (xrf0)  }
0x97: {  	v11 =	vxor.u32 $0x7FFFFFFF, v55;
	v9 =	vadd.s32 v9, v54  }
0x98: {  	v56 =	vld [tilespmem:s26+$0x0];
	v9 =	vadd.s32 v11, v9  }
0x99: {  	v9 =	vadd.s32 v4, v9;
	_ =	sdelay $0x2  }
0x9a: {  	v6 =	vperm.xlane v6, v50  }
0x9b: {  	v8 =	vperm.xlane v56, v50  }
0x9c: {  	[tilespmem:v9+s2+$0x0] =	vst.idx.msk $0xffff, v6  }
0x9d: {  	[tilespmem:v9+s19+$0x0] =	vst.idx.msk $0xffff, v8  }
0x9e: {  	[tilespmem:v7+s18+$0x0] =	vst.idx.add.s32.msk $0xffff, v5  }
0x9f: {  	v6 =	vld [tilespmem:s28+$0x10];
	_ =	sdelay $0x4  }
0xa0: {  	v7 =	vshrl.u32 v6, $0xB  }
0xa1: {  	v7 =	vand.u32 $0x1FFFF0, v7  }
0xa2: {  	v7 =	vor.u32 v2, v7  }
0xa3: {  	(xrf1) =	vsort.ascd.msk.u32 $0xffff, v7, v0;
	_ =	sdelay $0xd  }
0xa4: {  	v7, v57, _ =	vpop (xrf1)  }
0xa5: {  	v7 =	vshrl.u32 v7, $0x4  }
0xa6: {  	v58 =	vxor.u32 $0x8000000, v7  }
0xa7: {  	v7 =	vand.u32 $0x7F, v7;
	v59 =	vperm.xlane v58, v3;
	v60 =	vand.u32 $0xFFFFF80, v58  }
0xa8: {  	v7 =	vor.u32 v7, v60  }
0xa9: {  	vm15 =	veq.s32 v58, v59  }
0xaa: {  	v10 =	vsel vm15, $0x80000000, v2  }
0xab: {  	(xrf0) =	vmax.scan.msk.u32 $0xffff, v10;
	_ =	sdelay $0x1  }
0xac: {  	v61 =	vld.idx.msk [tilespmem:v7+s18+$0x0], $0xffff;
	_ =	sdelay $0x2  }
0xad: {  	v9 =	vmul.u32 $0x600, v58  }
0xae: {  	v62, _, _ =	vpop (xrf0)  }
0xaf: {  	v11 =	vxor.u32 $0x7FFFFFFF, v62;
	v9 =	vadd.s32 v9, v61  }
0xb0: {  	v63 =	vld [tilespmem:s26+$0x10];
	v9 =	vadd.s32 v11, v9  }
0xb1: {  	v9 =	vadd.s32 v4, v9  }
0xb2: {  	s25 =	sadd.s32 $0x4, s25  }
0xb3: {  	p0 =	slt.u32 s25, $0x78  }
.Ltmp0:
0xb4: {  	v6 =	vperm.xlane v6, v57;
	(pc) =	sbr.rel @p0 .LBB2_3-.Ltmp0, $4  }
0xb5: {  	v8 =	vperm.xlane v63, v57  }
0xb6: {  	[tilespmem:v9+s2+$0x0] =	vst.idx.msk $0xffff, v6  }
0xb7: {  	[tilespmem:v9+s19+$0x0] =	vst.idx.msk $0xffff, v8  }
0xb8: {  	s26 =	sadd.s32 $0x40, s26;
	s28 =	sadd.s32 $0x40, s28;
	[tilespmem:v7+s18+$0x0] =	vst.idx.add.s32.msk $0xffff, v5  }
0xb9: {  	v6 =	vld [tilespmem:$0x187C0];
	_ =	sdelay $0x4  }
0xba: {  	v7 =	vshrl.u32 v6, $0xB  }
0xbb: {  	v7 =	vand.u32 $0x1FFFF0, v7  }
0xbc: {  	v7 =	vor.u32 v2, v7  }
0xbd: {  	(xrf1) =	vsort.ascd.msk.u32 $0xffff, v7, v0;
	_ =	sdelay $0xd  }
0xbe: {  	v7, v8, _ =	vpop (xrf1)  }
0xbf: {  	v7 =	vshrl.u32 v7, $0x4  }
0xc0: {  	v9 =	vxor.u32 $0x8000000, v7  }
0xc1: {  	v7 =	vand.u32 $0x7F, v7;
	v10 =	vperm.xlane v9, v3;
	v11 =	vand.u32 $0xFFFFF80, v9  }
0xc2: {  	v7 =	vor.u32 v7, v11  }
0xc3: {  	vm0 =	veq.s32 v9, v10  }
0xc4: {  	v10 =	vsel vm0, $0x80000000, v2  }
0xc5: {  	(xrf0) =	vmax.scan.msk.u32 $0xffff, v10;
	_ =	sdelay $0x1  }
0xc6: {  	v61 =	vld.idx.msk [tilespmem:v7+s18+$0x0], $0xffff;
	_ =	sdelay $0x2  }
0xc7: {  	v9 =	vmul.u32 $0x600, v9  }
0xc8: {  	v62, _, _ =	vpop (xrf0)  }
0xc9: {  	v11 =	vxor.u32 $0x7FFFFFFF, v62;
	v9 =	vadd.s32 v9, v61  }
0xca: {  	v63 =	vld [tilespmem:$0x197C0];
	v9 =	vadd.s32 v11, v9  }
0xcb: {  	s25 =	sshll.u32 s24, $0x1;
	v9 =	vadd.s32 v4, v9  }
0xcc: {  	s26 =	sadd.s32 $0x2, s25  }
0xcd: {  	p0 =	sge.u32 s26, s7  }
0xce: {  	s26 =	smul.u32 @!p0 $0x7D0, s26;
	v6 =	vperm.xlane v6, v8  }
0xcf: {  	v8 =	vperm.xlane v63, v8  }
0xd0: {  	s26 =	sadd.s32 @!p0 s4, s26;
	[tilespmem:v9+s2+$0x0] =	vst.idx.msk $0xffff, v6  }
0xd1: {  	s26 =	sshrl.u32 @!p0 s26, $0x3;
	[tilespmem:v9+s19+$0x0] =	vst.idx.msk $0xffff, v8  }
0xd2: {  	s29 =	simm.s32 @!p0 $0x0;
	s30 =	simm.s32 @!p0 $0x18000;
	s28 =	sadd.s32 @!p0 s5, s26;
	[tilespmem:v7+s18+$0x0] =	vst.idx.add.s32.msk $0xffff, v5  }
0xd3: {  	[tilespmem:s30], [sflag:$0x1] =	stream.linear.gather @!p0 [hbm4b:s28+s29], $0x7D0, $0x38;
	[tilespmem:$0x1A080] =	vst v63  }
0xd4: {  	s26 =	sadd.s32 @!p0 s6, s26;
	s28 =	simm.s32 @!p0 $0x19000  }
0xd5: {  	[tilespmem:s28], [sflag:$0x3] =	stream.linear.gather @!p0 [hbm4b:s26+s29], $0x7D0, $0x38;
	[tilespmem:$0x1A080] =	vst v63  }
0xd6: {  	_ =	swait.ge [sflag:s20], $0x7D0  }
0xd7: {  	[sflag:s20] =	ssyncset.done $0x0  }
0xd8: {  	[sflag:s20] =	ssyncadd.s32 $0xFFFFF830  }
0xd9: {  	_ =	swait.ge [sflag:s14], $0x7D0  }
0xda: {  	s26 =	simm.s32 $0xFFFFFFFC;
	[sflag:s14] =	ssyncset.done $0x0  }
0xdb: {  	s28 =	simm.s32 $0x19820;
	s29 =	simm.s32 $0x18820;
	[sflag:s14] =	ssyncadd.s32 $0xFFFFF830  }
.LBB2_5:
0xdc: {  	v6 =	vld [tilespmem:s29+$0xFFFFFFE0];
	_ =	sdelay $0x4  }
0xdd: {  	v7 =	vshrl.u32 v6, $0xB  }
0xde: {  	v7 =	vand.u32 $0x1FFFF0, v7  }
0xdf: {  	v7 =	vor.u32 v2, v7  }
0xe0: {  	(xrf1) =	vsort.ascd.msk.u32 $0xffff, v7, v0;
	_ =	sdelay $0xd  }
0xe1: {  	v7, v8, _ =	vpop (xrf1)  }
0xe2: {  	v7 =	vshrl.u32 v7, $0x4  }
0xe3: {  	v9 =	vxor.u32 $0x8000000, v7  }
0xe4: {  	v7 =	vand.u32 $0x7F, v7;
	v10 =	vperm.xlane v9, v3;
	v11 =	vand.u32 $0xFFFFF80, v9  }
0xe5: {  	v7 =	vor.u32 v7, v11  }
0xe6: {  	vm0 =	veq.s32 v9, v10  }
0xe7: {  	v10 =	vsel vm0, $0x80000000, v2  }
0xe8: {  	(xrf0) =	vmax.scan.msk.u32 $0xffff, v10;
	_ =	sdelay $0x1  }
0xe9: {  	v40 =	vld.idx.msk [tilespmem:v7+s18+$0x0], $0xffff;
	_ =	sdelay $0x2  }
0xea: {  	v9 =	vmul.u32 $0x600, v9  }
0xeb: {  	v41, _, _ =	vpop (xrf0)  }
0xec: {  	v11 =	vxor.u32 $0x7FFFFFFF, v41;
	v9 =	vadd.s32 v9, v40  }
0xed: {  	v42 =	vld [tilespmem:s28+$0xFFFFFFE0];
	v9 =	vadd.s32 v11, v9  }
0xee: {  	v9 =	vadd.s32 v4, v9;
	_ =	sdelay $0x2  }
0xef: {  	v6 =	vperm.xlane v6, v8  }
0xf0: {  	v8 =	vperm.xlane v42, v8  }
0xf1: {  	[tilespmem:v9+s2+$0x0] =	vst.idx.msk $0xffff, v6  }
0xf2: {  	[tilespmem:v9+s19+$0x0] =	vst.idx.msk $0xffff, v8  }
0xf3: {  	[tilespmem:v7+s18+$0x0] =	vst.idx.add.s32.msk $0xffff, v5  }
0xf4: {  	v6 =	vld [tilespmem:s29+$0xFFFFFFF0];
	_ =	sdelay $0x4  }
0xf5: {  	v7 =	vshrl.u32 v6, $0xB  }
0xf6: {  	v7 =	vand.u32 $0x1FFFF0, v7  }
0xf7: {  	v7 =	vor.u32 v2, v7  }
0xf8: {  	(xrf1) =	vsort.ascd.msk.u32 $0xffff, v7, v0;
	_ =	sdelay $0xd  }
0xf9: {  	v7, v43, _ =	vpop (xrf1)  }
0xfa: {  	v7 =	vshrl.u32 v7, $0x4  }
0xfb: {  	v44 =	vxor.u32 $0x8000000, v7  }
0xfc: {  	v7 =	vand.u32 $0x7F, v7;
	v45 =	vperm.xlane v44, v3;
	v46 =	vand.u32 $0xFFFFF80, v44  }
0xfd: {  	v7 =	vor.u32 v7, v46  }
0xfe: {  	vm13 =	veq.s32 v44, v45  }
0xff: {  	v10 =	vsel vm13, $0x80000000, v2  }
0x100: {  	(xrf0) =	vmax.scan.msk.u32 $0xffff, v10;
	_ =	sdelay $0x1  }
0x101: {  	v47 =	vld.idx.msk [tilespmem:v7+s18+$0x0], $0xffff;
	_ =	sdelay $0x2  }
0x102: {  	v9 =	vmul.u32 $0x600, v44  }
0x103: {  	v48, _, _ =	vpop (xrf0)  }
0x104: {  	v11 =	vxor.u32 $0x7FFFFFFF, v48;
	v9 =	vadd.s32 v9, v47  }
0x105: {  	v49 =	vld [tilespmem:s28+$0xFFFFFFF0];
	v9 =	vadd.s32 v11, v9  }
0x106: {  	v9 =	vadd.s32 v4, v9;
	_ =	sdelay $0x2  }
0x107: {  	v6 =	vperm.xlane v6, v43  }
0x108: {  	v8 =	vperm.xlane v49, v43  }
0x109: {  	[tilespmem:v9+s2+$0x0] =	vst.idx.msk $0xffff, v6  }
0x10a: {  	[tilespmem:v9+s19+$0x0] =	vst.idx.msk $0xffff, v8  }
0x10b: {  	[tilespmem:v7+s18+$0x0] =	vst.idx.add.s32.msk $0xffff, v5  }
0x10c: {  	v6 =	vld [tilespmem:s29+$0x0];
	_ =	sdelay $0x4  }
0x10d: {  	v7 =	vshrl.u32 v6, $0xB  }
0x10e: {  	v7 =	vand.u32 $0x1FFFF0, v7  }
0x10f: {  	v7 =	vor.u32 v2, v7  }
0x110: {  	(xrf1) =	vsort.ascd.msk.u32 $0xffff, v7, v0;
	_ =	sdelay $0xd  }
0x111: {  	v7, v50, _ =	vpop (xrf1)  }
0x112: {  	v7 =	vshrl.u32 v7, $0x4  }
0x113: {  	v51 =	vxor.u32 $0x8000000, v7  }
0x114: {  	v7 =	vand.u32 $0x7F, v7;
	v52 =	vperm.xlane v51, v3;
	v53 =	vand.u32 $0xFFFFF80, v51  }
0x115: {  	v7 =	vor.u32 v7, v53  }
0x116: {  	vm14 =	veq.s32 v51, v52  }
0x117: {  	v10 =	vsel vm14, $0x80000000, v2  }
0x118: {  	(xrf0) =	vmax.scan.msk.u32 $0xffff, v10;
	_ =	sdelay $0x1  }
0x119: {  	v54 =	vld.idx.msk [tilespmem:v7+s18+$0x0], $0xffff;
	_ =	sdelay $0x2  }
0x11a: {  	v9 =	vmul.u32 $0x600, v51  }
0x11b: {  	v55, _, _ =	vpop (xrf0)  }
0x11c: {  	v11 =	vxor.u32 $0x7FFFFFFF, v55;
	v9 =	vadd.s32 v9, v54  }
0x11d: {  	v56 =	vld [tilespmem:s28+$0x0];
	v9 =	vadd.s32 v11, v9  }
0x11e: {  	v9 =	vadd.s32 v4, v9;
	_ =	sdelay $0x2  }
0x11f: {  	v6 =	vperm.xlane v6, v50  }
0x120: {  	v8 =	vperm.xlane v56, v50  }
0x121: {  	[tilespmem:v9+s2+$0x0] =	vst.idx.msk $0xffff, v6  }
0x122: {  	[tilespmem:v9+s19+$0x0] =	vst.idx.msk $0xffff, v8  }
0x123: {  	[tilespmem:v7+s18+$0x0] =	vst.idx.add.s32.msk $0xffff, v5  }
0x124: {  	v6 =	vld [tilespmem:s29+$0x10];
	_ =	sdelay $0x4  }
0x125: {  	v7 =	vshrl.u32 v6, $0xB  }
0x126: {  	v7 =	vand.u32 $0x1FFFF0, v7  }
0x127: {  	v7 =	vor.u32 v2, v7  }
0x128: {  	(xrf1) =	vsort.ascd.msk.u32 $0xffff, v7, v0;
	_ =	sdelay $0xd  }
0x129: {  	v7, v57, _ =	vpop (xrf1)  }
0x12a: {  	v7 =	vshrl.u32 v7, $0x4  }
0x12b: {  	v58 =	vxor.u32 $0x8000000, v7  }
0x12c: {  	v7 =	vand.u32 $0x7F, v7;
	v59 =	vperm.xlane v58, v3;
	v60 =	vand.u32 $0xFFFFF80, v58  }
0x12d: {  	v7 =	vor.u32 v7, v60  }
0x12e: {  	vm15 =	veq.s32 v58, v59  }
0x12f: {  	v10 =	vsel vm15, $0x80000000, v2  }
0x130: {  	(xrf0) =	vmax.scan.msk.u32 $0xffff, v10;
	_ =	sdelay $0x1  }
0x131: {  	v61 =	vld.idx.msk [tilespmem:v7+s18+$0x0], $0xffff;
	_ =	sdelay $0x2  }
0x132: {  	v9 =	vmul.u32 $0x600, v58  }
0x133: {  	v62, _, _ =	vpop (xrf0)  }
0x134: {  	v11 =	vxor.u32 $0x7FFFFFFF, v62;
	v9 =	vadd.s32 v9, v61  }
0x135: {  	v63 =	vld [tilespmem:s28+$0x10];
	v9 =	vadd.s32 v11, v9  }
0x136: {  	v9 =	vadd.s32 v4, v9  }
0x137: {  	s26 =	sadd.s32 $0x4, s26  }
0x138: {  	p0 =	slt.u32 s26, $0x78  }
.Ltmp1:
0x139: {  	v6 =	vperm.xlane v6, v57;
	(pc) =	sbr.rel @p0 .LBB2_5-.Ltmp1, $4  }
0x13a: {  	v8 =	vperm.xlane v63, v57  }
0x13b: {  	[tilespmem:v9+s2+$0x0] =	vst.idx.msk $0xffff, v6  }
0x13c: {  	[tilespmem:v9+s19+$0x0] =	vst.idx.msk $0xffff, v8  }
0x13d: {  	s28 =	sadd.s32 $0x40, s28;
	s29 =	sadd.s32 $0x40, s29;
	[tilespmem:v7+s18+$0x0] =	vst.idx.add.s32.msk $0xffff, v5  }
0x13e: {  	v6 =	vld [tilespmem:$0x18FC0];
	_ =	sdelay $0x4  }
0x13f: {  	v7 =	vshrl.u32 v6, $0xB  }
0x140: {  	v7 =	vand.u32 $0x1FFFF0, v7  }
0x141: {  	v7 =	vor.u32 v2, v7  }
0x142: {  	(xrf1) =	vsort.ascd.msk.u32 $0xffff, v7, v0;
	_ =	sdelay $0xd  }
0x143: {  	v7, v8, _ =	vpop (xrf1)  }
0x144: {  	v7 =	vshrl.u32 v7, $0x4  }
0x145: {  	v9 =	vxor.u32 $0x8000000, v7  }
0x146: {  	v7 =	vand.u32 $0x7F, v7;
	v10 =	vperm.xlane v9, v3;
	v11 =	vand.u32 $0xFFFFF80, v9  }
0x147: {  	v7 =	vor.u32 v7, v11  }
0x148: {  	vm0 =	veq.s32 v9, v10  }
0x149: {  	v10 =	vsel vm0, $0x80000000, v2  }
0x14a: {  	(xrf0) =	vmax.scan.msk.u32 $0xffff, v10;
	_ =	sdelay $0x1  }
0x14b: {  	v61 =	vld.idx.msk [tilespmem:v7+s18+$0x0], $0xffff;
	_ =	sdelay $0x2  }
0x14c: {  	v9 =	vmul.u32 $0x600, v9  }
0x14d: {  	v62, _, _ =	vpop (xrf0)  }
0x14e: {  	v11 =	vxor.u32 $0x7FFFFFFF, v62;
	v9 =	vadd.s32 v9, v61  }
0x14f: {  	v63 =	vld [tilespmem:$0x19FC0];
	v9 =	vadd.s32 v11, v9  }
0x150: {  	v9 =	vadd.s32 v4, v9  }
0x151: {  	s25 =	sadd.s32 $0x3, s25  }
0x152: {  	p0 =	sge.u32 s25, s7  }
0x153: {  	s25 =	smul.u32 @!p0 $0x7D0, s25;
	v6 =	vperm.xlane v6, v8  }
0x154: {  	v8 =	vperm.xlane v63, v8  }
0x155: {  	s25 =	sadd.s32 @!p0 s4, s25;
	[tilespmem:v9+s2+$0x0] =	vst.idx.msk $0xffff, v6  }
0x156: {  	s25 =	sshrl.u32 @!p0 s25, $0x3;
	[tilespmem:v9+s19+$0x0] =	vst.idx.msk $0xffff, v8  }
0x157: {  	s28 =	simm.s32 @!p0 $0x0;
	s29 =	simm.s32 @!p0 $0x18800;
	s26 =	sadd.s32 @!p0 s5, s25;
	[tilespmem:v7+s18+$0x0] =	vst.idx.add.s32.msk $0xffff, v5  }
0x158: {  	[tilespmem:s29], [sflag:$0x2] =	stream.linear.gather @!p0 [hbm4b:s26+s28], $0x7D0, $0x38;
	[tilespmem:$0x1A080] =	vst v63  }
0x159: {  	s24 =	sadd.s32 $0x1, s24;
	s25 =	sadd.s32 @!p0 s6, s25;
	s26 =	simm.s32 @!p0 $0x19800  }
0x15a: {  	[tilespmem:s26], [sflag:$0x4] =	stream.linear.gather @!p0 [hbm4b:s25+s28], $0x7D0, $0x38;
	[tilespmem:$0x1A080] =	vst v63  }
0x15b: {  	p0 =	sne.s32 s24, s15  }
.Ltmp2:
0x15c: {  	_ = 	snop;
	(pc) =	sbr.rel @p0 .LBB2_2-.Ltmp2, $1  }
0x15d: {  	_ =	sdelay $0x3  }
0x15e: {  	s24 =	rddreg [dreg:$0x2]  }
0x15f: {  	s26 =	rddreg [dreg:$0x3]  }
0x160: {  	[hbm4b:s24+s2] =	stream.linear.scatter [tilespmem:s2], [sflag:$0x5], $0x600, $0x38;
	[tilespmem:$0x1A080] =	vst v63  }
0x161: {  	s28 =	rddreg [dreg:$0x4]  }
0x162: {  	[hbm4b:s26+s2] =	stream.linear.scatter [tilespmem:s19], [sflag:$0x5], $0x600, $0x38;
	[tilespmem:$0x1A080] =	vst v63  }
0x163: {  	s25 =	simm.s32 $0x600;
	s29 =	rddreg [dreg:$0x5]  }
0x164: {  	[hbm4b:s28+s2] =	stream.linear.scatter [tilespmem:s25], [sflag:$0x5], $0x600, $0x38;
	[tilespmem:$0x1A080] =	vst v63  }
0x165: {  	s30 =	simm.s32 $0xC600;
	s26 =	rddreg [dreg:$0x6]  }
0x166: {  	[hbm4b:s29+s2] =	stream.linear.scatter [tilespmem:s30], [sflag:$0x5], $0x600, $0x38;
	[tilespmem:$0x1A080] =	vst v63  }
0x167: {  	s28 =	simm.s32 $0xC00;
	s29 =	rddreg [dreg:$0x7]  }
0x168: {  	[hbm4b:s26+s2] =	stream.linear.scatter [tilespmem:s28], [sflag:$0x5], $0x600, $0x38;
	[tilespmem:$0x1A080] =	vst v63  }
0x169: {  	s30 =	simm.s32 $0xCC00;
	s26 =	rddreg [dreg:$0x8]  }
0x16a: {  	[hbm4b:s29+s2] =	stream.linear.scatter [tilespmem:s30], [sflag:$0x5], $0x600, $0x38;
	[tilespmem:$0x1A080] =	vst v63  }
0x16b: {  	s28 =	simm.s32 $0x1200;
	s29 =	rddreg [dreg:$0x9]  }
0x16c: {  	[hbm4b:s26+s2] =	stream.linear.scatter [tilespmem:s28], [sflag:$0x5], $0x600, $0x38;
	[tilespmem:$0x1A080] =	vst v63  }
0x16d: {  	s30 =	simm.s32 $0xD200;
	s26 =	rddreg [dreg:$0xa]  }
0x16e: {  	[hbm4b:s29+s2] =	stream.linear.scatter [tilespmem:s30], [sflag:$0x5], $0x600, $0x38;
	[tilespmem:$0x1A080] =	vst v63  }
0x16f: {  	s28 =	simm.s32 $0x1800;
	s29 =	rddreg [dreg:$0xb]  }
0x170: {  	[hbm4b:s26+s2] =	stream.linear.scatter [tilespmem:s28], [sflag:$0x5], $0x600, $0x38;
	[tilespmem:$0x1A080] =	vst v63  }
0x171: {  	s30 =	simm.s32 $0xD800;
	s26 =	rddreg [dreg:$0xc]  }
0x172: {  	[hbm4b:s29+s2] =	stream.linear.scatter [tilespmem:s30], [sflag:$0x5], $0x600, $0x38;
	[tilespmem:$0x1A080] =	vst v63  }
0x173: {  	s28 =	simm.s32 $0x1E00;
	s29 =	rddreg [dreg:$0xd]  }
0x174: {  	[hbm4b:s26+s2] =	stream.linear.scatter [tilespmem:s28], [sflag:$0x5], $0x600, $0x38;
	[tilespmem:$0x1A080] =	vst v63  }
0x175: {  	s30 =	simm.s32 $0xDE00;
	s26 =	rddreg [dreg:$0xe]  }
0x176: {  	[hbm4b:s29+s2] =	stream.linear.scatter [tilespmem:s30], [sflag:$0x5], $0x600, $0x38;
	[tilespmem:$0x1A080] =	vst v63  }
0x177: {  	s28 =	simm.s32 $0x2400;
	s29 =	rddreg [dreg:$0xf]  }
0x178: {  	[hbm4b:s26+s2] =	stream.linear.scatter [tilespmem:s28], [sflag:$0x5], $0x600, $0x38;
	[tilespmem:$0x1A080] =	vst v63  }
0x179: {  	s30 =	simm.s32 $0xE400;
	s26 =	rddreg [dreg:$0x10]  }
0x17a: {  	[hbm4b:s29+s2] =	stream.linear.scatter [tilespmem:s30], [sflag:$0x5], $0x600, $0x38;
	[tilespmem:$0x1A080] =	vst v63  }
0x17b: {  	s28 =	simm.s32 $0x2A00;
	s29 =	rddreg [dreg:$0x11]  }
0x17c: {  	[hbm4b:s26+s2] =	stream.linear.scatter [tilespmem:s28], [sflag:$0x5], $0x600, $0x38;
	[tilespmem:$0x1A080] =	vst v63  }
0x17d: {  	s30 =	simm.s32 $0xEA00;
	s26 =	rddreg [dreg:$0x12]  }
0x17e: {  	[hbm4b:s29+s2] =	stream.linear.scatter [tilespmem:s30], [sflag:$0x5], $0x600, $0x38;
	[tilespmem:$0x1A080] =	vst v63  }
0x17f: {  	s28 =	simm.s32 $0x3000;
	s29 =	rddreg [dreg:$0x13]  }
0x180: {  	[hbm4b:s26+s2] =	stream.linear.scatter [tilespmem:s28], [sflag:$0x5], $0x600, $0x38;
	[tilespmem:$0x1A080] =	vst v63  }
0x181: {  	s30 =	simm.s32 $0xF000;
	s26 =	rddreg [dreg:$0x14]  }
0x182: {  	[hbm4b:s29+s2] =	stream.linear.scatter [tilespmem:s30], [sflag:$0x5], $0x600, $0x38;
	[tilespmem:$0x1A080] =	vst v63  }
0x183: {  	s28 =	simm.s32 $0x3600;
	s29 =	rddreg [dreg:$0x15]  }
0x184: {  	[hbm4b:s26+s2] =	stream.linear.scatter [tilespmem:s28], [sflag:$0x5], $0x600, $0x38;
	[tilespmem:$0x1A080] =	vst v63  }
0x185: {  	s30 =	simm.s32 $0xF600;
	s26 =	rddreg [dreg:$0x16]  }
0x186: {  	[hbm4b:s29+s2] =	stream.linear.scatter [tilespmem:s30], [sflag:$0x5], $0x600, $0x38;
	[tilespmem:$0x1A080] =	vst v63  }
0x187: {  	s28 =	simm.s32 $0x3C00;
	s29 =	rddreg [dreg:$0x17]  }
0x188: {  	[hbm4b:s26+s2] =	stream.linear.scatter [tilespmem:s28], [sflag:$0x5], $0x600, $0x38;
	[tilespmem:$0x1A080] =	vst v63  }
0x189: {  	s30 =	simm.s32 $0xFC00;
	s26 =	rddreg [dreg:$0x18]  }
0x18a: {  	[hbm4b:s29+s2] =	stream.linear.scatter [tilespmem:s30], [sflag:$0x5], $0x600, $0x38;
	[tilespmem:$0x1A080] =	vst v63  }
0x18b: {  	s28 =	simm.s32 $0x4200;
	s29 =	rddreg [dreg:$0x19]  }
0x18c: {  	[hbm4b:s26+s2] =	stream.linear.scatter [tilespmem:s28], [sflag:$0x5], $0x600, $0x38;
	[tilespmem:$0x1A080] =	vst v63  }
0x18d: {  	s30 =	simm.s32 $0x10200;
	s26 =	rddreg [dreg:$0x1a]  }
0x18e: {  	[hbm4b:s29+s2] =	stream.linear.scatter [tilespmem:s30], [sflag:$0x5], $0x600, $0x38;
	[tilespmem:$0x1A080] =	vst v63  }
0x18f: {  	s28 =	simm.s32 $0x4800;
	s29 =	rddreg [dreg:$0x1b]  }
0x190: {  	[hbm4b:s26+s2] =	stream.linear.scatter [tilespmem:s28], [sflag:$0x5], $0x600, $0x38;
	[tilespmem:$0x1A080] =	vst v63  }
0x191: {  	s30 =	simm.s32 $0x10800;
	s26 =	rddreg [dreg:$0x1c]  }
0x192: {  	[hbm4b:s29+s2] =	stream.linear.scatter [tilespmem:s30], [sflag:$0x5], $0x600, $0x38;
	[tilespmem:$0x1A080] =	vst v63  }
0x193: {  	s28 =	simm.s32 $0x4E00;
	s29 =	rddreg [dreg:$0x1d]  }
0x194: {  	[hbm4b:s26+s2] =	stream.linear.scatter [tilespmem:s28], [sflag:$0x5], $0x600, $0x38;
	[tilespmem:$0x1A080] =	vst v63  }
0x195: {  	s30 =	simm.s32 $0x10E00;
	s26 =	rddreg [dreg:$0x1e]  }
0x196: {  	[hbm4b:s29+s2] =	stream.linear.scatter [tilespmem:s30], [sflag:$0x5], $0x600, $0x38;
	[tilespmem:$0x1A080] =	vst v63  }
0x197: {  	s28 =	simm.s32 $0x5400;
	s29 =	rddreg [dreg:$0x1f]  }
0x198: {  	[hbm4b:s26+s2] =	stream.linear.scatter [tilespmem:s28], [sflag:$0x5], $0x600, $0x38;
	[tilespmem:$0x1A080] =	vst v63  }
0x199: {  	s30 =	simm.s32 $0x11400;
	s26 =	sld [smem:$0x7E0]  }
0x19a: {  	[hbm4b:s29+s2] =	stream.linear.scatter [tilespmem:s30], [sflag:$0x5], $0x600, $0x38;
	[tilespmem:$0x1A080] =	vst v63  }
0x19b: {  	s28 =	simm.s32 $0x5A00;
	s29 =	sld [smem:$0x7E1]  }
0x19c: {  	[hbm4b:s26+s2] =	stream.linear.scatter [tilespmem:s28], [sflag:$0x5], $0x600, $0x38;
	[tilespmem:$0x1A080] =	vst v63  }
0x19d: {  	s30 =	simm.s32 $0x11A00;
	s26 =	sld [smem:$0x7E2]  }
0x19e: {  	[hbm4b:s29+s2] =	stream.linear.scatter [tilespmem:s30], [sflag:$0x5], $0x600, $0x38;
	[tilespmem:$0x1A080] =	vst v63  }
0x19f: {  	s28 =	simm.s32 $0x6000;
	s29 =	sld [smem:$0x7E3]  }
0x1a0: {  	[hbm4b:s26+s2] =	stream.linear.scatter [tilespmem:s28], [sflag:$0x5], $0x600, $0x38;
	[tilespmem:$0x1A080] =	vst v63  }
0x1a1: {  	s30 =	simm.s32 $0x12000;
	s26 =	sld [smem:$0x7E4]  }
0x1a2: {  	[hbm4b:s29+s2] =	stream.linear.scatter [tilespmem:s30], [sflag:$0x5], $0x600, $0x38;
	[tilespmem:$0x1A080] =	vst v63  }
0x1a3: {  	s28 =	simm.s32 $0x6600;
	s29 =	sld [smem:$0x7E5]  }
0x1a4: {  	[hbm4b:s26+s2] =	stream.linear.scatter [tilespmem:s28], [sflag:$0x5], $0x600, $0x38;
	[tilespmem:$0x1A080] =	vst v63  }
0x1a5: {  	s30 =	simm.s32 $0x12600;
	s26 =	sld [smem:$0x7E6]  }
0x1a6: {  	[hbm4b:s29+s2] =	stream.linear.scatter [tilespmem:s30], [sflag:$0x5], $0x600, $0x38;
	[tilespmem:$0x1A080] =	vst v63  }
0x1a7: {  	s28 =	simm.s32 $0x6C00;
	s29 =	sld [smem:$0x7E7]  }
0x1a8: {  	[hbm4b:s26+s2] =	stream.linear.scatter [tilespmem:s28], [sflag:$0x5], $0x600, $0x38;
	[tilespmem:$0x1A080] =	vst v63  }
0x1a9: {  	s30 =	simm.s32 $0x12C00;
	s26 =	sld [smem:$0x7E8]  }
0x1aa: {  	[hbm4b:s29+s2] =	stream.linear.scatter [tilespmem:s30], [sflag:$0x5], $0x600, $0x38;
	[tilespmem:$0x1A080] =	vst v63  }
0x1ab: {  	s28 =	simm.s32 $0x7200;
	s29 =	sld [smem:$0x7E9]  }
0x1ac: {  	[hbm4b:s26+s2] =	stream.linear.scatter [tilespmem:s28], [sflag:$0x5], $0x600, $0x38;
	[tilespmem:$0x1A080] =	vst v63  }
0x1ad: {  	s30 =	simm.s32 $0x13200;
	s26 =	sld [smem:$0x7EA]  }
0x1ae: {  	[hbm4b:s29+s2] =	stream.linear.scatter [tilespmem:s30], [sflag:$0x5], $0x600, $0x38;
	[tilespmem:$0x1A080] =	vst v63  }
0x1af: {  	s28 =	simm.s32 $0x7800;
	s29 =	sld [smem:$0x7EB]  }
0x1b0: {  	[hbm4b:s26+s2] =	stream.linear.scatter [tilespmem:s28], [sflag:$0x5], $0x600, $0x38;
	[tilespmem:$0x1A080] =	vst v63  }
0x1b1: {  	s30 =	simm.s32 $0x13800;
	s26 =	sld [smem:$0x7EC]  }
0x1b2: {  	[hbm4b:s29+s2] =	stream.linear.scatter [tilespmem:s30], [sflag:$0x5], $0x600, $0x38;
	[tilespmem:$0x1A080] =	vst v63  }
0x1b3: {  	s28 =	simm.s32 $0x7E00;
	s29 =	sld [smem:$0x7ED]  }
0x1b4: {  	[hbm4b:s26+s2] =	stream.linear.scatter [tilespmem:s28], [sflag:$0x5], $0x600, $0x38;
	[tilespmem:$0x1A080] =	vst v63  }
0x1b5: {  	s30 =	simm.s32 $0x13E00;
	s26 =	sld [smem:$0x7EE]  }
0x1b6: {  	[hbm4b:s29+s2] =	stream.linear.scatter [tilespmem:s30], [sflag:$0x5], $0x600, $0x38;
	[tilespmem:$0x1A080] =	vst v63  }
0x1b7: {  	s28 =	simm.s32 $0x8400;
	s29 =	sld [smem:$0x7EF]  }
0x1b8: {  	[hbm4b:s26+s2] =	stream.linear.scatter [tilespmem:s28], [sflag:$0x5], $0x600, $0x38;
	[tilespmem:$0x1A080] =	vst v63  }
0x1b9: {  	s30 =	simm.s32 $0x14400;
	s26 =	sld [smem:$0x7F0]  }
0x1ba: {  	[hbm4b:s29+s2] =	stream.linear.scatter [tilespmem:s30], [sflag:$0x5], $0x600, $0x38;
	[tilespmem:$0x1A080] =	vst v63  }
0x1bb: {  	s28 =	simm.s32 $0x8A00;
	s29 =	sld [smem:$0x7F1]  }
0x1bc: {  	[hbm4b:s26+s2] =	stream.linear.scatter [tilespmem:s28], [sflag:$0x5], $0x600, $0x38;
	[tilespmem:$0x1A080] =	vst v63  }
0x1bd: {  	s30 =	simm.s32 $0x14A00;
	s26 =	sld [smem:$0x7F2]  }
0x1be: {  	[hbm4b:s29+s2] =	stream.linear.scatter [tilespmem:s30], [sflag:$0x5], $0x600, $0x38;
	[tilespmem:$0x1A080] =	vst v63  }
0x1bf: {  	s28 =	simm.s32 $0x9000;
	s29 =	sld [smem:$0x7F3]  }
0x1c0: {  	[hbm4b:s26+s2] =	stream.linear.scatter [tilespmem:s28], [sflag:$0x5], $0x600, $0x38;
	[tilespmem:$0x1A080] =	vst v63  }
0x1c1: {  	s30 =	simm.s32 $0x15000;
	s26 =	sld [smem:$0x7F4]  }
0x1c2: {  	[hbm4b:s29+s2] =	stream.linear.scatter [tilespmem:s30], [sflag:$0x5], $0x600, $0x38;
	[tilespmem:$0x1A080] =	vst v63  }
0x1c3: {  	s28 =	simm.s32 $0x9600;
	s29 =	sld [smem:$0x7F5]  }
0x1c4: {  	[hbm4b:s26+s2] =	stream.linear.scatter [tilespmem:s28], [sflag:$0x5], $0x600, $0x38;
	[tilespmem:$0x1A080] =	vst v63  }
0x1c5: {  	s30 =	simm.s32 $0x15600;
	s26 =	sld [smem:$0x7F6]  }
0x1c6: {  	[hbm4b:s29+s2] =	stream.linear.scatter [tilespmem:s30], [sflag:$0x5], $0x600, $0x38;
	[tilespmem:$0x1A080] =	vst v63  }
0x1c7: {  	s28 =	simm.s32 $0x9C00;
	s29 =	sld [smem:$0x7F7]  }
0x1c8: {  	[hbm4b:s26+s2] =	stream.linear.scatter [tilespmem:s28], [sflag:$0x5], $0x600, $0x38;
	[tilespmem:$0x1A080] =	vst v63  }
0x1c9: {  	s30 =	simm.s32 $0x15C00;
	s26 =	sld [smem:$0x7F8]  }
0x1ca: {  	[hbm4b:s29+s2] =	stream.linear.scatter [tilespmem:s30], [sflag:$0x5], $0x600, $0x38;
	[tilespmem:$0x1A080] =	vst v63  }
0x1cb: {  	s28 =	simm.s32 $0xA200;
	s29 =	sld [smem:$0x7F9]  }
0x1cc: {  	[hbm4b:s26+s2] =	stream.linear.scatter [tilespmem:s28], [sflag:$0x5], $0x600, $0x38;
	[tilespmem:$0x1A080] =	vst v63  }
0x1cd: {  	s30 =	simm.s32 $0x16200;
	s26 =	sld [smem:$0x7FA]  }
0x1ce: {  	[hbm4b:s29+s2] =	stream.linear.scatter [tilespmem:s30], [sflag:$0x5], $0x600, $0x38;
	[tilespmem:$0x1A080] =	vst v63  }
0x1cf: {  	s28 =	simm.s32 $0xA800;
	s29 =	sld [smem:$0x7FB]  }
0x1d0: {  	[hbm4b:s26+s2] =	stream.linear.scatter [tilespmem:s28], [sflag:$0x5], $0x600, $0x38;
	[tilespmem:$0x1A080] =	vst v63  }
0x1d1: {  	s30 =	simm.s32 $0x16800;
	s26 =	sld [smem:$0x7FC]  }
0x1d2: {  	[hbm4b:s29+s2] =	stream.linear.scatter [tilespmem:s30], [sflag:$0x5], $0x600, $0x38;
	[tilespmem:$0x1A080] =	vst v63  }
0x1d3: {  	s28 =	simm.s32 $0xAE00;
	s29 =	sld [smem:$0x7FD]  }
0x1d4: {  	[hbm4b:s26+s2] =	stream.linear.scatter [tilespmem:s28], [sflag:$0x5], $0x600, $0x38;
	[tilespmem:$0x1A080] =	vst v63  }
0x1d5: {  	s30 =	simm.s32 $0x16E00  }
0x1d6: {  	[hbm4b:s29+s2] =	stream.linear.scatter [tilespmem:s30], [sflag:$0x5], $0x600, $0x38;
	[tilespmem:$0x1A080] =	vst v63  }
0x1d7: {  	s26 =	simm.s32 $0xB400  }
0x1d8: {  	[hbm4b:s31+s2] =	stream.linear.scatter [tilespmem:s26], [sflag:$0x5], $0x600, $0x38;
	[tilespmem:$0x1A080] =	vst v63  }
0x1d9: {  	s28 =	simm.s32 $0x17400  }
0x1da: {  	[hbm4b:s0+s2] =	stream.linear.scatter [tilespmem:s28], [sflag:$0x5], $0x600, $0x38;
	[tilespmem:$0x1A080] =	vst v63  }
0x1db: {  	s29 =	simm.s32 $0xBA00  }
0x1dc: {  	[hbm4b:s1+s2] =	stream.linear.scatter [tilespmem:s29], [sflag:$0x5], $0x600, $0x38;
	[tilespmem:$0x1A080] =	vst v63  }
0x1dd: {  	s30 =	simm.s32 $0x17A00  }
0x1de: {  	[hbm4b:s3+s2] =	stream.linear.scatter [tilespmem:s30], [sflag:$0x5], $0x600, $0x38;
	[tilespmem:$0x1A080] =	vst v63  }
0x1df: {  	_ =	swait.ge [sflag:s21], $0x600  }
0x1e0: {  	[sflag:s21] =	ssyncset.done $0x0  }
0x1e1: {  	[sflag:s21] =	ssyncadd.s32 $0xFFFFFA00  }
0x1e2: {  	_ =	swait.ge [sflag:s21], $0x600  }
0x1e3: {  	[sflag:s21] =	ssyncset.done $0x0  }
0x1e4: {  	[sflag:s21] =	ssyncadd.s32 $0xFFFFFA00  }
0x1e5: {  	_ =	swait.ge [sflag:s21], $0x600  }
0x1e6: {  	[sflag:s21] =	ssyncset.done $0x0  }
0x1e7: {  	[sflag:s21] =	ssyncadd.s32 $0xFFFFFA00  }
0x1e8: {  	_ =	swait.ge [sflag:s21], $0x600  }
0x1e9: {  	[sflag:s21] =	ssyncset.done $0x0  }
0x1ea: {  	[sflag:s21] =	ssyncadd.s32 $0xFFFFFA00  }
0x1eb: {  	_ =	swait.ge [sflag:s21], $0x600  }
0x1ec: {  	[sflag:s21] =	ssyncset.done $0x0  }
0x1ed: {  	[sflag:s21] =	ssyncadd.s32 $0xFFFFFA00  }
0x1ee: {  	_ =	swait.ge [sflag:s21], $0x600  }
0x1ef: {  	[sflag:s21] =	ssyncset.done $0x0  }
0x1f0: {  	[sflag:s21] =	ssyncadd.s32 $0xFFFFFA00  }
0x1f1: {  	_ =	swait.ge [sflag:s21], $0x600  }
0x1f2: {  	[sflag:s21] =	ssyncset.done $0x0  }
0x1f3: {  	[sflag:s21] =	ssyncadd.s32 $0xFFFFFA00  }
0x1f4: {  	_ =	swait.ge [sflag:s21], $0x600  }
0x1f5: {  	[sflag:s21] =	ssyncset.done $0x0  }
0x1f6: {  	[sflag:s21] =	ssyncadd.s32 $0xFFFFFA00  }
0x1f7: {  	_ =	swait.ge [sflag:s21], $0x600  }
0x1f8: {  	[sflag:s21] =	ssyncset.done $0x0  }
0x1f9: {  	[sflag:s21] =	ssyncadd.s32 $0xFFFFFA00  }
0x1fa: {  	_ =	swait.ge [sflag:s21], $0x600  }
0x1fb: {  	[sflag:s21] =	ssyncset.done $0x0  }
0x1fc: {  	[sflag:s21] =	ssyncadd.s32 $0xFFFFFA00  }
0x1fd: {  	_ =	swait.ge [sflag:s21], $0x600  }
0x1fe: {  	[sflag:s21] =	ssyncset.done $0x0  }
0x1ff: {  	[sflag:s21] =	ssyncadd.s32 $0xFFFFFA00  }
0x200: {  	_ =	swait.ge [sflag:s21], $0x600  }
0x201: {  	[sflag:s21] =	ssyncset.done $0x0  }
0x202: {  	[sflag:s21] =	ssyncadd.s32 $0xFFFFFA00  }
0x203: {  	_ =	swait.ge [sflag:s21], $0x600  }
0x204: {  	[sflag:s21] =	ssyncset.done $0x0  }
0x205: {  	[sflag:s21] =	ssyncadd.s32 $0xFFFFFA00  }
0x206: {  	_ =	swait.ge [sflag:s21], $0x600  }
0x207: {  	[sflag:s21] =	ssyncset.done $0x0  }
0x208: {  	[sflag:s21] =	ssyncadd.s32 $0xFFFFFA00  }
0x209: {  	_ =	swait.ge [sflag:s21], $0x600  }
0x20a: {  	[sflag:s21] =	ssyncset.done $0x0  }
0x20b: {  	[sflag:s21] =	ssyncadd.s32 $0xFFFFFA00  }
0x20c: {  	_ =	swait.ge [sflag:s21], $0x600  }
0x20d: {  	[sflag:s21] =	ssyncset.done $0x0  }
0x20e: {  	[sflag:s21] =	ssyncadd.s32 $0xFFFFFA00  }
0x20f: {  	_ =	swait.ge [sflag:s21], $0x600  }
0x210: {  	[sflag:s21] =	ssyncset.done $0x0  }
0x211: {  	[sflag:s21] =	ssyncadd.s32 $0xFFFFFA00  }
0x212: {  	_ =	swait.ge [sflag:s21], $0x600  }
0x213: {  	[sflag:s21] =	ssyncset.done $0x0  }
0x214: {  	[sflag:s21] =	ssyncadd.s32 $0xFFFFFA00  }
0x215: {  	_ =	swait.ge [sflag:s21], $0x600  }
0x216: {  	[sflag:s21] =	ssyncset.done $0x0  }
0x217: {  	[sflag:s21] =	ssyncadd.s32 $0xFFFFFA00  }
0x218: {  	_ =	swait.ge [sflag:s21], $0x600  }
0x219: {  	[sflag:s21] =	ssyncset.done $0x0  }
0x21a: {  	[sflag:s21] =	ssyncadd.s32 $0xFFFFFA00  }
0x21b: {  	_ =	swait.ge [sflag:s21], $0x600  }
0x21c: {  	[sflag:s21] =	ssyncset.done $0x0  }
0x21d: {  	[sflag:s21] =	ssyncadd.s32 $0xFFFFFA00  }
0x21e: {  	_ =	swait.ge [sflag:s21], $0x600  }
0x21f: {  	[sflag:s21] =	ssyncset.done $0x0  }
0x220: {  	[sflag:s21] =	ssyncadd.s32 $0xFFFFFA00  }
0x221: {  	_ =	swait.ge [sflag:s21], $0x600  }
0x222: {  	[sflag:s21] =	ssyncset.done $0x0  }
0x223: {  	[sflag:s21] =	ssyncadd.s32 $0xFFFFFA00  }
0x224: {  	_ =	swait.ge [sflag:s21], $0x600  }
0x225: {  	[sflag:s21] =	ssyncset.done $0x0  }
0x226: {  	[sflag:s21] =	ssyncadd.s32 $0xFFFFFA00  }
0x227: {  	_ =	swait.ge [sflag:s21], $0x600  }
0x228: {  	[sflag:s21] =	ssyncset.done $0x0  }
0x229: {  	[sflag:s21] =	ssyncadd.s32 $0xFFFFFA00  }
0x22a: {  	_ =	swait.ge [sflag:s21], $0x600  }
0x22b: {  	[sflag:s21] =	ssyncset.done $0x0  }
0x22c: {  	[sflag:s21] =	ssyncadd.s32 $0xFFFFFA00  }
0x22d: {  	_ =	swait.ge [sflag:s21], $0x600  }
0x22e: {  	[sflag:s21] =	ssyncset.done $0x0  }
0x22f: {  	[sflag:s21] =	ssyncadd.s32 $0xFFFFFA00  }
0x230: {  	_ =	swait.ge [sflag:s21], $0x600  }
0x231: {  	[sflag:s21] =	ssyncset.done $0x0  }
0x232: {  	[sflag:s21] =	ssyncadd.s32 $0xFFFFFA00  }
0x233: {  	_ =	swait.ge [sflag:s21], $0x600  }
0x234: {  	[sflag:s21] =	ssyncset.done $0x0  }
0x235: {  	[sflag:s21] =	ssyncadd.s32 $0xFFFFFA00  }
0x236: {  	_ =	swait.ge [sflag:s21], $0x600  }
0x237: {  	[sflag:s21] =	ssyncset.done $0x0  }
0x238: {  	[sflag:s21] =	ssyncadd.s32 $0xFFFFFA00  }
0x239: {  	_ =	swait.ge [sflag:s21], $0x600  }
0x23a: {  	[sflag:s21] =	ssyncset.done $0x0  }
0x23b: {  	[sflag:s21] =	ssyncadd.s32 $0xFFFFFA00  }
0x23c: {  	_ =	swait.ge [sflag:s21], $0x600  }
0x23d: {  	[sflag:s21] =	ssyncset.done $0x0  }
0x23e: {  	[sflag:s21] =	ssyncadd.s32 $0xFFFFFA00  }
0x23f: {  	_ =	swait.ge [sflag:s21], $0x600  }
0x240: {  	[sflag:s21] =	ssyncset.done $0x0  }
0x241: {  	[sflag:s21] =	ssyncadd.s32 $0xFFFFFA00  }
0x242: {  	_ =	swait.ge [sflag:s21], $0x600  }
0x243: {  	[sflag:s21] =	ssyncset.done $0x0  }
0x244: {  	[sflag:s21] =	ssyncadd.s32 $0xFFFFFA00  }
0x245: {  	_ =	swait.ge [sflag:s21], $0x600  }
0x246: {  	[sflag:s21] =	ssyncset.done $0x0  }
0x247: {  	[sflag:s21] =	ssyncadd.s32 $0xFFFFFA00  }
0x248: {  	_ =	swait.ge [sflag:s21], $0x600  }
0x249: {  	[sflag:s21] =	ssyncset.done $0x0  }
0x24a: {  	[sflag:s21] =	ssyncadd.s32 $0xFFFFFA00  }
0x24b: {  	_ =	swait.ge [sflag:s21], $0x600  }
0x24c: {  	[sflag:s21] =	ssyncset.done $0x0  }
0x24d: {  	[sflag:s21] =	ssyncadd.s32 $0xFFFFFA00  }
0x24e: {  	_ =	swait.ge [sflag:s21], $0x600  }
0x24f: {  	[sflag:s21] =	ssyncset.done $0x0  }
0x250: {  	[sflag:s21] =	ssyncadd.s32 $0xFFFFFA00  }
0x251: {  	_ =	swait.ge [sflag:s21], $0x600  }
0x252: {  	[sflag:s21] =	ssyncset.done $0x0  }
0x253: {  	[sflag:s21] =	ssyncadd.s32 $0xFFFFFA00  }
0x254: {  	_ =	swait.ge [sflag:s21], $0x600  }
0x255: {  	[sflag:s21] =	ssyncset.done $0x0  }
0x256: {  	[sflag:s21] =	ssyncadd.s32 $0xFFFFFA00  }
0x257: {  	_ =	swait.ge [sflag:s21], $0x600  }
0x258: {  	[sflag:s21] =	ssyncset.done $0x0  }
0x259: {  	[sflag:s21] =	ssyncadd.s32 $0xFFFFFA00  }
0x25a: {  	_ =	swait.ge [sflag:s21], $0x600  }
0x25b: {  	[sflag:s21] =	ssyncset.done $0x0  }
0x25c: {  	[sflag:s21] =	ssyncadd.s32 $0xFFFFFA00  }
0x25d: {  	_ =	swait.ge [sflag:s21], $0x600  }
0x25e: {  	[sflag:s21] =	ssyncset.done $0x0  }
0x25f: {  	[sflag:s21] =	ssyncadd.s32 $0xFFFFFA00  }
0x260: {  	_ =	swait.ge [sflag:s21], $0x600  }
0x261: {  	[sflag:s21] =	ssyncset.done $0x0  }
0x262: {  	[sflag:s21] =	ssyncadd.s32 $0xFFFFFA00  }
0x263: {  	_ =	swait.ge [sflag:s21], $0x600  }
0x264: {  	[sflag:s21] =	ssyncset.done $0x0  }
0x265: {  	[sflag:s21] =	ssyncadd.s32 $0xFFFFFA00  }
0x266: {  	_ =	swait.ge [sflag:s21], $0x600  }
0x267: {  	[sflag:s21] =	ssyncset.done $0x0  }
0x268: {  	[sflag:s21] =	ssyncadd.s32 $0xFFFFFA00  }
0x269: {  	_ =	swait.ge [sflag:s21], $0x600  }
0x26a: {  	[sflag:s21] =	ssyncset.done $0x0  }
0x26b: {  	[sflag:s21] =	ssyncadd.s32 $0xFFFFFA00  }
0x26c: {  	_ =	swait.ge [sflag:s21], $0x600  }
0x26d: {  	[sflag:s21] =	ssyncset.done $0x0  }
0x26e: {  	[sflag:s21] =	ssyncadd.s32 $0xFFFFFA00  }
0x26f: {  	_ =	swait.ge [sflag:s21], $0x600  }
0x270: {  	[sflag:s21] =	ssyncset.done $0x0  }
0x271: {  	[sflag:s21] =	ssyncadd.s32 $0xFFFFFA00  }
0x272: {  	_ =	swait.ge [sflag:s21], $0x600  }
0x273: {  	[sflag:s21] =	ssyncset.done $0x0  }
0x274: {  	[sflag:s21] =	ssyncadd.s32 $0xFFFFFA00  }
0x275: {  	_ =	swait.ge [sflag:s21], $0x600  }
0x276: {  	[sflag:s21] =	ssyncset.done $0x0  }
0x277: {  	[sflag:s21] =	ssyncadd.s32 $0xFFFFFA00  }
0x278: {  	_ =	swait.ge [sflag:s21], $0x600  }
0x279: {  	[sflag:s21] =	ssyncset.done $0x0  }
0x27a: {  	[sflag:s21] =	ssyncadd.s32 $0xFFFFFA00  }
0x27b: {  	_ =	swait.ge [sflag:s21], $0x600  }
0x27c: {  	[sflag:s21] =	ssyncset.done $0x0  }
0x27d: {  	[sflag:s21] =	ssyncadd.s32 $0xFFFFFA00  }
0x27e: {  	_ =	swait.ge [sflag:s21], $0x600  }
0x27f: {  	[sflag:s21] =	ssyncset.done $0x0  }
0x280: {  	[sflag:s21] =	ssyncadd.s32 $0xFFFFFA00  }
0x281: {  	_ =	swait.ge [sflag:s21], $0x600  }
0x282: {  	[sflag:s21] =	ssyncset.done $0x0  }
0x283: {  	[sflag:s21] =	ssyncadd.s32 $0xFFFFFA00  }
0x284: {  	_ =	swait.ge [sflag:s21], $0x600  }
0x285: {  	[sflag:s21] =	ssyncset.done $0x0  }
0x286: {  	[sflag:s21] =	ssyncadd.s32 $0xFFFFFA00  }
0x287: {  	_ =	swait.ge [sflag:s21], $0x600  }
0x288: {  	[sflag:s21] =	ssyncset.done $0x0  }
0x289: {  	[sflag:s21] =	ssyncadd.s32 $0xFFFFFA00  }
0x28a: {  	_ =	swait.ge [sflag:s21], $0x600  }
0x28b: {  	[sflag:s21] =	ssyncset.done $0x0  }
0x28c: {  	[sflag:s21] =	ssyncadd.s32 $0xFFFFFA00  }
0x28d: {  	_ =	swait.ge [sflag:s21], $0x600  }
0x28e: {  	[sflag:s21] =	ssyncset.done $0x0  }
0x28f: {  	[sflag:s21] =	ssyncadd.s32 $0xFFFFFA00  }
0x290: {  	_ =	swait.ge [sflag:s21], $0x600  }
0x291: {  	[sflag:s21] =	ssyncset.done $0x0  }
0x292: {  	[sflag:s21] =	ssyncadd.s32 $0xFFFFFA00  }
0x293: {  	_ =	swait.ge [sflag:s21], $0x600  }
0x294: {  	[sflag:s21] =	ssyncset.done $0x0  }
0x295: {  	[sflag:s21] =	ssyncadd.s32 $0xFFFFFA00  }
0x296: {  	_ =	swait.ge [sflag:s21], $0x600  }
0x297: {  	[sflag:s21] =	ssyncset.done $0x0  }
0x298: {  	[sflag:s21] =	ssyncadd.s32 $0xFFFFFA00  }
0x299: {  	_ =	swait.ge [sflag:s21], $0x600  }
0x29a: {  	[sflag:s21] =	ssyncset.done $0x0  }
0x29b: {  	[sflag:s21] =	ssyncadd.s32 $0xFFFFFA00  }
0x29c: {  	s23 =	sadd.s32 $0x1, s23;
	_ =	swait.ge [sflag:s21], $0x600  }
0x29d: {  	p0 =	sne.s32 s23, s13;
	[sflag:s21] =	ssyncset.done $0x0  }
.Ltmp3:
0x29e: {  	[sflag:s21] =	ssyncadd.s32 $0xFFFFFA00;
	(pc) =	sbr.rel @p0 .LBB2_1-.Ltmp3, $4  }
0x29f: {  	[hbm4b:s12+s2] =	stream.linear.scatter [tilespmem:s18], [sflag:$0x6], $0x80, $0x38;
	[tilespmem:$0x1A080] =	vst v63  }
0x2a0: {  	_ =	swait.ge [sflag:s22], $0x80  }
0x2a1: {  	[sflag:s22] =	ssyncset.done $0x0  }
0x2a2: {  	[sflag:s22] =	ssyncadd.s32 $0xFFFFFF80  }
0x2a3: {  	_ =	sfence.sel $0x180000  }
0x2a4: {  	[bflag:$0x0] =	sbarrier.arrive $0xFFFF  }
0x2a5: {  	_ =	strace $0x90000047  }
0x2a6: {  	s0 =	stileid.u32;
	[bflag:$0x2] =	sbarrier.arrive $0xFFFF  }
0x2a7: {  	p0 =	sne.s32 s0, $0x0;
	s0 =	rddreg [dreg:$0x1]  }
0x2a8: {  	s0 =	sadd.s32 @!p0 $0x100000, s0  }
0x2a9: {  	[sflag:s0] =	ssyncadd.tile.s32 @!p0 $0x1;
	_ =	shalt  }
.Lfunc_end2:
_tile_overlayer_lowered:
.L_overlay_start_2:
0x2aa: {  	(tag) =	ssettag $0x2  }
0x2ab: {  	s0 =	rddreg [dreg:$0x0];
	s2 =	stileid.u32  }
0x2ac: {  	s1 =	rddreg [dreg:$0x1];
	p0 =	sne.s32 s2, $0x0  }
0x2ad: {  	s3 =	rddreg [dreg:$0x2];
	[bflag:$0x3] =	sbarrier.arrive $0xFFFF;
	s2 =	simm.s32 @!p0 $0x1C06  }
0x2ae: {  	[timem:s3], [sflag:s2] =	dma.local @!p0 [hbm:s0], s1  }
0x2af: {  	s0 =	simm.s32 @!p0 $0x6  }
0x2b0: {  	_ =	swait.ge @!p0 [sflag:s0], s1  }
0x2b1: {  	s1 =	ssub.s32 @!p0 $0x0, s1;
	[sflag:s0] =	ssyncset.done @!p0 $0x0  }
0x2b2: {  	[sflag:s0] =	ssyncadd.s32 @!p0 s1  }
0x2b3: {  	[bflag:$0x3] =	sbarrier.arrive $0xFFFF  }
0x2b4: {  	_ =	shalt  }

// kernel: kernel.8.cloned.1.call-start
scs
__scs_entry_jumppad:
0x0: {  	(pc) =	sbr.rel $0x88, $3  }
0x1: {  	(tag) =	ssettag $0x0;
	lr =	simm.s32 $0x1  }
0x2: {  	[smem:$0x3F97] =	sst lr;
	_ =	strace $0xD0000000  }
0x3: {  	_ = 	snop  }
0x4: {  	_ = 	snop  }
0x5: {  	_ = 	snop  }
0x6: {  	_ = 	snop  }
0x7: {  	_ = 	snop  }
__scs_overlays_trampoline_lowered:
0x8: {  	[smem:$0x3FA6] =	sst s0  }
0x9: {  	[smem:$0x3FA7] =	sst s1  }
0xa: {  	[smem:$0x3FA8] =	sst s2  }
0xb: {  	[smem:$0x3FA9] =	sst s3  }
0xc: {  	[smem:$0x3FAA] =	sst s4  }
0xd: {  	[smem:$0x3FAB] =	sst s5  }
0xe: {  	[smem:$0x3FAC] =	sst s6  }
0xf: {  	[smem:$0x3FAD] =	sst s7  }
0x10: {  	[smem:$0x3FAE] =	sst s8  }
0x11: {  	[smem:$0x3FAF] =	sst s9;
	s0 =	simm.s32 @!p0 $0x0  }
0x12: {  	s1 =	sld [smem:$0x3F95];
	s0 =	simm.s32 @p0 $0x1  }
0x13: {  	[smem:$0x3FB0] =	sst s0;
	s0 =	simm.s32 @!p1 $0x0  }
0x14: {  	s2 =	sld [smem:$0x3F94];
	s0 =	simm.s32 @p1 $0x1  }
0x15: {  	[smem:$0x3FB1] =	sst s0;
	s0 =	simm.s32 @!p2 $0x0  }
0x16: {  	s3 =	sld [smem:$0x3FDB];
	s0 =	simm.s32 @p2 $0x1  }
0x17: {  	s4 =	simm.s32 $0x1BF5;
	[smem:$0x3FB3] =	sst s0  }
0x18: {  	s0 =	sld [smem:$0x3F96];
	_ =	swait.ge [sflag:s4], $0x0  }
0x19: {  	s7 =	sld [smem:$0x3F97]  }
0x1a: {  	s8 =	sadd.s32 $0xFFFFE003, lr  }
0x1b: {  	s9 =	sadd.s32 $0xFFFFFEF7, lr;
	s5 =	simm.s32 $0xFFFFFFFF;
	p2 =	slt.u32 s8, $0xFFFFF086  }
0x1c: {  	p1 =	slt.u32 s9, $0xF7A;
	s5 =	simm.s32 @!p2 $0x0  }
0x1d: {  	s5 =	simm.s32 @p1 $0x1;
	p0 =	seq.s32 s7, s2  }
0x1e: {  	s7 =	smul.u32 @!p0 $0xF7A, s2;
	p2 =	seq.s32 @!p0 s5, $0x0  }
0x1f: {  	s9 =	smul.u32 $0xF7A, s1;
	s8 =	simm.s32 @!p0 $0x1BF5;
	p2 =	por !p2, p0  }
0x20: {  	[sflag:s8] =	ssyncset.s32 @!p0 $0xFFFFF086;
	s6 =	sadd.s32 @!p0 s3, s7;
	s7 =	simm.s32 @!p0 $0x108  }
0x21: {  	s3 =	sadd.s32 s3, s9;
	s6 =	sadd.s32 @!p0 $0x88, s6;
	s7 =	simm.s32 @p2 $0x1082  }
0x22: {  	[simem:s7], [sflag:s8] =	dma.local @!p0 [hbm:s6], $0xF7A  }
0x23: {  	s9 =	sor.u32 $0xD0000000, s2;
	s6 =	simm.s32 $0x108;
	_ =	swait.ge @!p0 [sflag:s8], $0x0  }
0x24: {  	s3 =	sadd.s32 $0x88, s3;
	s6 =	simm.s32 @!p1 $0x1082;
	[sflag:s4] =	ssyncset.s32 $0xFFFFF086  }
0x25: {  	[simem:s6], [sflag:s4] =	dma.local [hbm:s3], $0xF7A  }
0x26: {  	[smem:$0x3F97] =	sst s1;
	(tag) =	ssettag s2;
	_ =	strace s9  }
0x27: {  	s1 =	sld [smem:$0x3FA7]  }
0x28: {  	s2 =	sld [smem:$0x3FA8]  }
0x29: {  	s4 =	sld [smem:$0x3FAA]  }
0x2a: {  	p0 =	seq.s32 s5, $0x0;
	s5 =	sld [smem:$0x3FAB]  }
0x2b: {  	s6 =	sld [smem:$0x3FAC]  }
0x2c: {  	s7 =	sld [smem:$0x3FAD]  }
0x2d: {  	s3 =	simm.s32 $0x108;
	s8 =	sld [smem:$0x3FAE]  }
0x2e: {  	s3 =	simm.s32 @!p0 $0x1082;
	s9 =	sld [smem:$0x3FAF]  }
0x2f: {  	lr =	sadd.s32 s0, s3;
	s0 =	sld [smem:$0x3FA6]  }
0x30: {  	s3 =	sld [smem:$0x3FA9]  }
0x31: {  	[smem:$0x3FB2] =	sst s10  }
0x32: {  	s10 =	sld [smem:$0x3FB0];
	_ =	sdelay $0x3  }
0x33: {  	p0 =	seq.s32 s10, $0x1;
	s10 =	sld [smem:$0x3FB2];
	_ =	sdelay $0x3  }
0x34: {  	[smem:$0x3FB2] =	sst s10  }
0x35: {  	s10 =	sld [smem:$0x3FB1];
	_ =	sdelay $0x3  }
0x36: {  	p1 =	seq.s32 s10, $0x1;
	s10 =	sld [smem:$0x3FB2];
	_ =	sdelay $0x3  }
0x37: {  	[smem:$0x3FB2] =	sst s10  }
0x38: {  	s10 =	sld [smem:$0x3FB3]  }
0x39: {  	_ = 	snop;
	(pc) =	sbr.ind lr, $3  }
0x3a: {  	_ = 	snop  }
0x3b: {  	_ = 	snop  }
0x3c: {  	p2 =	seq.s32 s10, $0x1;
	s10 =	sld [smem:$0x3FB2]  }
0x3d: {  	_ =	shalt  }
0x3e: {  	_ =	shalt  }
0x3f: {  	_ =	shalt  }
0x40: {  	_ =	shalt  }
0x41: {  	_ =	shalt  }
0x42: {  	_ =	shalt  }
0x43: {  	_ =	shalt  }
0x44: {  	_ =	shalt  }
0x45: {  	_ =	shalt  }
0x46: {  	_ =	shalt  }
0x47: {  	_ =	shalt  }
0x48: {  	_ =	shalt  }
0x49: {  	_ =	shalt  }
0x4a: {  	_ =	shalt  }
0x4b: {  	_ =	shalt  }
0x4c: {  	_ =	shalt  }
0x4d: {  	_ =	shalt  }
0x4e: {  	_ =	shalt  }
0x4f: {  	_ =	shalt  }
0x50: {  	_ =	shalt  }
0x51: {  	_ =	shalt  }
0x52: {  	_ =	shalt  }
0x53: {  	_ =	shalt  }
0x54: {  	_ =	shalt  }
0x55: {  	_ =	shalt  }
0x56: {  	_ =	shalt  }
0x57: {  	_ =	shalt  }
0x58: {  	_ =	shalt  }
0x59: {  	_ =	shalt  }
0x5a: {  	_ =	shalt  }
0x5b: {  	_ =	shalt  }
0x5c: {  	_ =	shalt  }
0x5d: {  	_ =	shalt  }
0x5e: {  	_ =	shalt  }
0x5f: {  	_ =	shalt  }
0x60: {  	_ =	shalt  }
0x61: {  	_ =	shalt  }
0x62: {  	_ =	shalt  }
0x63: {  	_ =	shalt  }
0x64: {  	_ =	shalt  }
0x65: {  	_ =	shalt  }
0x66: {  	_ =	shalt  }
0x67: {  	_ =	shalt  }
0x68: {  	_ =	shalt  }
0x69: {  	_ =	shalt  }
0x6a: {  	_ =	shalt  }
0x6b: {  	_ =	shalt  }
0x6c: {  	_ =	shalt  }
0x6d: {  	_ =	shalt  }
0x6e: {  	_ =	shalt  }
0x6f: {  	_ =	shalt  }
0x70: {  	_ =	shalt  }
0x71: {  	_ =	shalt  }
0x72: {  	_ =	shalt  }
0x73: {  	_ =	shalt  }
0x74: {  	_ =	shalt  }
0x75: {  	_ =	shalt  }
0x76: {  	_ =	shalt  }
0x77: {  	_ =	shalt  }
0x78: {  	_ =	shalt  }
0x79: {  	_ =	shalt  }
0x7a: {  	_ =	shalt  }
0x7b: {  	_ =	shalt  }
0x7c: {  	_ =	shalt  }
0x7d: {  	_ =	shalt  }
0x7e: {  	_ =	shalt  }
0x7f: {  	_ =	shalt  }
0x80: {  	_ =	shalt  }
0x81: {  	_ =	shalt  }
0x82: {  	_ =	shalt  }
0x83: {  	_ =	shalt  }
0x84: {  	_ =	shalt  }
0x85: {  	_ =	shalt  }
0x86: {  	_ =	shalt  }
0x87: {  	_ =	shalt  }
.Lfunc_end0:
.L_simem_size_0:
called_computation.1_lowered:
.L_overlay_start_0:
0x88: {  	s2 =	sld [smem:$0x3FD9]  }
0x89: {  	s3 =	sld [smem:$0x3FFE];
	_ =	sdelay $0x1  }
0x8a: {  	s1 =	srdreg.scid  }
0x8b: {  	s0 =	sand.u32 $0x1, s1  }
0x8c: {  	s14 =	sshll.u32 s0, $0xA;
	s2 =	sadd.s32 s3, s2  }
0x8d: {  	s2 =	sadd.s32 s2, s14  }
0x8e: {  	[smem:$0x3FBE] =	sst s2  }
0x8f: {  	_ = 	snop  }
0x90: {  	s2 =	sld [smem:$0x3FD0];
	_ =	sdelay $0x2  }
0x91: {  	s15 =	simm.s32 $0xA;
	s4 =	simm.s32 $0x10  }
0x92: {  	[smem:s4], [sflag:s15] =	dma.local [hbm:s2], $0x1  }
0x93: {  	_ =	swait.eq [sflag:s15], $0x1  }
0x94: {  	[sflag:s15] =	ssyncset.done $0x0  }
0x95: {  	s16 =	sld [smem:$0x10];
	[sflag:s15] =	ssyncadd.s32 $0xFFFFFFFF  }
0x96: {  	s17 =	sld [smem:$0x11];
	(tm) =	ssettm $0x1  }
0x97: {  	s18 =	sld [smem:$0x3FFB];
	_ =	sdelay $0x3  }
0x98: {  	_ =	strace s18  }
0x99: {  	s4 =	sld [smem:$0x3FFC];
	_ =	sdelay $0x3  }
0x9a: {  	_ =	strace s4  }
0x9b: {  	s4 =	sld [smem:$0x3FFD];
	_ =	sdelay $0x3  }
0x9c: {  	_ =	strace s4  }
0x9d: {  	_ =	strace $0x8FFFFFFF  }
0x9e: {  	s19 =	sld [smem:$0x3FDB];
	_ =	sdelay $0x1  }
0x9f: {  	s5 =	simm.s32 $_scs_section_size  }
0xa0: {  	s6 =	simm.s32 $_size__tile_overlayer_lowered;
	s7 =	simm.s32 $_tile_overlayer_lowered  }
0xa1: {  	s22 =	simm.s32 $0x1BFF;
	s21 =	sshll.u32 s7, $0x1;
	s4 =	sadd.s32 s5, s19  }
0xa2: {  	s8 =	simm.s32 $0x0;
	s20 =	sshll.u32 s6, $0x1;
	s6 =	sadd.s32 s21, s4  }
0xa3: {  	[timem:s8], [sflag:s22] =	dma.local [hbm:s6], s20  }
0xa4: {  	_ =	swait.ge [sflag:s22], s20  }
0xa5: {  	s5 =	ssub.s32 $0x0, s20;
	[sflag:s22] =	ssyncset.done $0x0  }
0xa6: {  	[sflag:s22] =	ssyncadd.s32 s5;
	_ =	sdelay $0x1  }
0xa7: {  	s23 =	simm.s32 $0x1B8B  }
0xa8: {  	_ =	swait.ge [sflag:s23], $0x1  }
0xa9: {  	[sflag:s23] =	ssyncset.done $0x0  }
0xaa: {  	s25 =	simm.s32 $0x1B8E;
	s24 =	sld [smem:$0x3FFE];
	[sflag:s23] =	ssyncadd.s32 $0xFFFFFFFF  }
0xab: {  	s26 =	simm.s32 $execute0_lowered;
	[smem:$0x3FD2] =	sst s25  }
0xac: {  	s6 =	sshll.u32 s26, $0x1;
	_ =	strace $0x80000049;
	[dreg:$0x1] =	wrdreg $0xFFFFFFFF  }
0xad: {  	s28 =	simm.s32 $_size_execute0_lowered;
	s4 =	sadd.s32 s4, s6;
	[dreg:$0x0] =	wrdreg $0x0  }
0xae: {  	s6 =	sshll.u32 s28, $0x1;
	[dreg:$0x2] =	wrdreg s4  }
0xaf: {  	[dreg:$0x3] =	wrdreg s6  }
0xb0: {  	[dreg:$0x4] =	wrdreg $0xC0  }
0xb1: {  	_ =	task [dreg:s8], $0x5FFFF  }
0xb2: {  	[dreg:$0x1] =	wrdreg $0xFFFFFFFF  }
0xb3: {  	[dreg:$0x0] =	wrdreg $0x60  }
0xb4: {  	[dreg:$0x2] =	wrdreg s24  }
0xb5: {  	[dreg:$0x3] =	wrdreg s17  }
0xb6: {  	[dreg:$0x4] =	wrdreg s16  }
0xb7: {  	[dreg:$0x5] =	wrdreg $0x9  }
0xb8: {  	_ =	task.clear_ibuf [dreg:s8], $0x6FFFF;
	_ =	strace $0x90000049  }
0xb9: {  	s29 =	simm.s32 $0x9;
	_ =	strace $0x8000004B  }
0xba: {  	_ =	swait.ge [sflag:s29], $0x1  }
0xbb: {  	[sflag:s29] =	ssyncadd.s32 $0xFFFFFFFF  }
0xbc: {  	_ =	strace $0x9000004B  }
0xbd: {  	_ =	sfence  }
0xbe: {  	s30 =	sld [smem:$0x0];
	_ =	sdelay $0x2  }
0xbf: {  	s31 =	sshll.u32 s1, $0xD;
	s1 =	sshrl.u32 s1, $0x2  }
0xc0: {  	s3 =	sand.u32 $0x4000, s31;
	s1 =	sadd.s32 s1, s30  }
0xc1: {  	s0 =	sor.u32 s3, s0;
	s1 =	sshll.u32 s1, $0x11  }
0xc2: {  	s0 =	sor.u32 s1, s0  }
0xc3: {  	s0 =	sadd.s32 $0x8F2B, s0  }
0xc4: {  	[sflag:s0] =	ssyncadd.remote.s32 $0x1  }
0xc5: {  	_ =	sfence.sel $0xFFFF  }
0xc6: {  	[dreg:$0x0] =	wrdreg $0xFFFFFFFF;
	(pc) =	sbr.abs _section_cstart, $3  }
0xc7: {  	[dreg:$0x1] =	wrdreg $0xFFFFFFFF  }
0xc8: {  	_ =	task.clear_ibuf [dreg:s8], $0x2FFFF;
	_ =	strace $0x9FFFFFFF  }
0xc9: {  	(tm) =	ssettm $0x7FFFFFFF  }
tec
execute0_lowered:
.L_overlay_start_1:
0x0: {  	(tag) =	ssettag $0x1  }
0x1: {  	s0 =	rddreg [dreg:$0x0]  }
0x2: {  	s1 =	rddreg [dreg:$0x2]  }
0x3: {  	s3 =	simm.s32 $0x0;
	s6 =	stileid.u32;
	s2 =	srdreg.scid  }
0x4: {  	s15 =	simm.s32 $0x9800;
	s16 =	simm.s32 $0x5;
	s19 =	simm.s32 $0x8600  }
0x5: {  	s20 =	simm.s32 $0x9200;
	s21 =	simm.s32 $0x1;
	s22 =	simm.s32 $0x3  }
0x6: {  	s23 =	simm.s32 $0x2;
	s24 =	simm.s32 $0x4;
	s25 =	simm.s32 $0x9C80  }
0x7: {  	s26 =	simm.s32 $0x6;
	s31 =	simm.s32 $0x0;
	[smem:$0x7FF] =	sst s3  }
0x8: {  	s2 =	sand.u32 $0x1, s2;
	s5 =	sshll.u32 s6, $0x1;
	s4 =	sadd.s32 $0x3E600, s0  }
0x9: {  	s6 =	sshll.u32 s6, $0x8;
	_ =	strace $0x8000004A;
	s17 =	sor.u32 s2, s5  }
0xa: {  	s6 =	sand.u32 $0xC00, s6;
	s2 =	ssub.s32 $0x2, s2;
	s5 =	sadd.s32 $0x6E600, s0  }
0xb: {  	s8 =	smul.u32 $0x1800, s17;
	s0 =	sadd.s32 s6, s0;
	s29 =	sshrl.u32 s2, $0x1  }
0xc: {  	s18 =	sshll.u32 s17, $0xF;
	s11 =	sshll.u32 s17, $0x5;
	s12 =	sshll.u32 s17, $0x4  }
0xd: {  	v0 =	vlaneseq.u32;
	s13 =	sshll.u32 s17, $0x2;
	s2 =	ssub.s32 s2, s29;
	s10 =	sor.u32 $0x2, s11  }
0xe: {  	v2 =	vmul.u32 $0x20, v0;
	s14 =	sand.u32 $0x70, s12;
	s11 =	sor.u32 $0x3, s11;
	s12 =	sadd.s32 s1, s13  }
0xf: {  	s30 =	sadd.s32 s4, s8;
	s7 =	sadd.s32 s5, s8;
	s9 =	sor.u32 $0xC0, s8  }
0x10: {  	v1 =	vor.u32 s17, v2;
	v2 =	vor.u32 $0x200, v2;
	s0 =	sadd.s32 s14, s0;
	s14 =	smax.u32 s2, $0x1;
	[dreg:$0x4] =	wrdreg s30  }
0x11: {  	v4 =	vimm.f32 $-9.999000000e+03;
	v2 =	vor.u32 s17, v2;
	v3 =	vmov s18;
	s8 =	sadd.s32 s4, s9;
	s9 =	sadd.s32 s5, s9;
	s13 =	sadd.s32 $0x1000, s0  }
.LBB2_1:
0x12: {  	s0 =	rddreg [dreg:$0x1]  }
0x13: {  	[tilespmem:s15], [sflag:$0x5] =	stream.linear.gather [hbm4b:s0+s3], $0x400, $0x38;
	[tilespmem:$0xA100] =	vst v63  }
0x14: {  	s0 =	simm.s32 $0x40  }
0x15: {  	[tilespmem:s0+$0xFFFFFFC0] =	vst v4  }
0x16: {  	[tilespmem:s0+$0x30] =	vst v4  }
0x17: {  	[tilespmem:s0+$0x20] =	vst v4  }
0x18: {  	[tilespmem:s0+$0x10] =	vst v4  }
0x19: {  	[tilespmem:s0+$0x0] =	vst v4  }
0x1a: {  	[tilespmem:s0+$0xFFFFFFF0] =	vst v4  }
0x1b: {  	s1 =	simm.s32 $0x0;
	[tilespmem:s0+$0xFFFFFFE0] =	vst v4  }
.LBB2_2:
0x1c: {  	s1 =	sadd.s32 $0x8, s1;
	[tilespmem:s0+$0xFFFFFFD0] =	vst v4;
	s0 =	sadd.s32 $0x80, s0  }
0x1d: {  	[tilespmem:s0+$0xFFFFFFC0] =	vst v4;
	p0 =	slt.u32 s1, $0x7F8  }
0x1e: {  	[tilespmem:s0+$0x30] =	vst v4  }
.Ltmp0:
0x1f: {  	[tilespmem:s0+$0x20] =	vst v4;
	(pc) =	sbr.rel @p0 .LBB2_2-.Ltmp0, $4  }
0x20: {  	[tilespmem:s0+$0x10] =	vst v4  }
0x21: {  	[tilespmem:s0+$0x0] =	vst v4  }
0x22: {  	[tilespmem:s0+$0xFFFFFFF0] =	vst v4  }
0x23: {  	[tilespmem:s0+$0xFFFFFFE0] =	vst v4  }
0x24: {  	[tilespmem:s0+$0xFFFFFFD0] =	vst v4  }
0x25: {  	_ =	swait.ge [sflag:s16], $0x400  }
0x26: {  	[sflag:s16] =	ssyncset.done $0x0  }
0x27: {  	[sflag:s16] =	ssyncadd.s32 $0xFFFFFC00  }
0x28: {  	v5 =	vld.idx.msk [tilespmem:v1+s15+$0x0], $0xffff;
	_ =	sdelay $0x4  }
0x29: {  	[tilespmem:$0x9C00] =	vst v5  }
0x2a: {  	v5 =	vld.idx.msk [tilespmem:v2+s15+$0x0], $0xffff;
	_ =	sdelay $0x4  }
0x2b: {  	s0 =	simm.s32 $0x0;
	s2 =	simm.s32 $0x8000;
	s1 =	rddreg [dreg:$0x4];
	[tilespmem:$0x9C10] =	vst v5  }
0x2c: {  	[tilespmem:s2], [sflag:$0x1] =	stream.linear.gather [hbm4b:s1+s0], $0x600, $0x38;
	[tilespmem:$0xA100] =	vst v63  }
0x2d: {  	s30 =	simm.s32 $0x8C00  }
0x2e: {  	[tilespmem:s30], [sflag:$0x3] =	stream.linear.gather [hbm4b:s7+s0], $0x600, $0x38;
	[tilespmem:$0xA100] =	vst v63  }
0x2f: {  	_ = 	snop  }
0x30: {  	[tilespmem:s19], [sflag:$0x2] =	stream.linear.gather [hbm4b:s8+s0], $0x600, $0x38;
	[tilespmem:$0xA100] =	vst v63  }
0x31: {  	_ = 	snop  }
0x32: {  	[tilespmem:s20], [sflag:$0x4] =	stream.linear.gather [hbm4b:s9+s0], $0x600, $0x38;
	[tilespmem:$0xA100] =	vst v63  }
.LBB2_4:
0x33: {  	_ =	swait.ge [sflag:s21], $0x600  }
0x34: {  	[sflag:s21] =	ssyncset.done $0x0  }
0x35: {  	[sflag:s21] =	ssyncadd.s32 $0xFFFFFA00  }
0x36: {  	_ =	swait.ge [sflag:s22], $0x600  }
0x37: {  	s1 =	sshll.u32 s0, $0x1;
	[sflag:s22] =	ssyncset.done $0x0  }
0x38: {  	s2 =	sand.u32 $0x10, s1;
	[sflag:s22] =	ssyncadd.s32 $0xFFFFFA00  }
0x39: {  	v5 =	vld [tilespmem:s2+$0x9C00];
	_ =	sdelay $0x2  }
0x3a: {  	s17 =	sand.u32 $0xE, s1  }
0x3b: {  	s18 =	simm.s32 $0xFFFFFFF8;
	v6 =	vmov s17  }
0x3c: {  	s28 =	simm.s32 $0x70;
	s29 =	simm.s32 $0x8040;
	s30 =	simm.s32 $0x8C40;
	v5 =	vperm.xlane v5, v6  }
.LBB2_5:
0x3d: {  	v6 =	vld [tilespmem:s29+$0xFFFFFFC0];
	_ =	sdelay $0x3  }
0x3e: {  	s6 =	sadd.s32 $0xFFFFFF90, s28  }
0x3f: {  	v7 =	vor.u32 s6, v0;
	v8 =	vsub.s32 v6, v3  }
0x40: {  	vm0 =	vlt.s32 v7, v5;
	v6 =	vand.u32 $0x7F, v6;
	v7 =	vand.u32 $0xFFFFFF80, v8  }
0x41: {  	v49 =	vld [tilespmem:s30+$0xFFFFFFC0];
	v6 =	vor.u32 v6, v7;
	_ =	sdelay $0x4  }
0x42: {  	[tilespmem:v6+s3+$0x0] =	vst.idx.msk vm0, v49  }
0x43: {  	v6 =	vld [tilespmem:s29+$0xFFFFFFD0];
	_ =	sdelay $0x3  }
0x44: {  	s6 =	sadd.s32 $0xFFFFFFA0, s28  }
0x45: {  	v7 =	vor.u32 s6, v0;
	v50 =	vsub.s32 v6, v3  }
0x46: {  	vm9 =	vlt.s32 v7, v5;
	v6 =	vand.u32 $0x7F, v6;
	v7 =	vand.u32 $0xFFFFFF80, v50  }
0x47: {  	v51 =	vld [tilespmem:s30+$0xFFFFFFD0];
	v6 =	vor.u32 v6, v7;
	_ =	sdelay $0x4  }
0x48: {  	[tilespmem:v6+s3+$0x0] =	vst.idx.msk vm9, v51  }
0x49: {  	v6 =	vld [tilespmem:s29+$0xFFFFFFE0];
	_ =	sdelay $0x3  }
0x4a: {  	s6 =	sadd.s32 $0xFFFFFFB0, s28  }
0x4b: {  	v7 =	vor.u32 s6, v0;
	v52 =	vsub.s32 v6, v3  }
0x4c: {  	vm10 =	vlt.s32 v7, v5;
	v6 =	vand.u32 $0x7F, v6;
	v7 =	vand.u32 $0xFFFFFF80, v52  }
0x4d: {  	v53 =	vld [tilespmem:s30+$0xFFFFFFE0];
	v6 =	vor.u32 v6, v7;
	_ =	sdelay $0x4  }
0x4e: {  	[tilespmem:v6+s3+$0x0] =	vst.idx.msk vm10, v53  }
0x4f: {  	v6 =	vld [tilespmem:s29+$0xFFFFFFF0];
	_ =	sdelay $0x3  }
0x50: {  	s6 =	sadd.s32 $0xFFFFFFC0, s28  }
0x51: {  	v7 =	vor.u32 s6, v0;
	v54 =	vsub.s32 v6, v3  }
0x52: {  	vm11 =	vlt.s32 v7, v5;
	v6 =	vand.u32 $0x7F, v6;
	v7 =	vand.u32 $0xFFFFFF80, v54  }
0x53: {  	v55 =	vld [tilespmem:s30+$0xFFFFFFF0];
	v6 =	vor.u32 v6, v7;
	_ =	sdelay $0x4  }
0x54: {  	[tilespmem:v6+s3+$0x0] =	vst.idx.msk vm11, v55  }
0x55: {  	v6 =	vld [tilespmem:s29+$0x0];
	_ =	sdelay $0x3  }
0x56: {  	s6 =	sadd.s32 $0xFFFFFFD0, s28  }
0x57: {  	v7 =	vor.u32 s6, v0;
	v56 =	vsub.s32 v6, v3  }
0x58: {  	vm12 =	vlt.s32 v7, v5;
	v6 =	vand.u32 $0x7F, v6;
	v7 =	vand.u32 $0xFFFFFF80, v56  }
0x59: {  	v57 =	vld [tilespmem:s30+$0x0];
	v6 =	vor.u32 v6, v7;
	_ =	sdelay $0x4  }
0x5a: {  	[tilespmem:v6+s3+$0x0] =	vst.idx.msk vm12, v57  }
0x5b: {  	v6 =	vld [tilespmem:s29+$0x10];
	_ =	sdelay $0x3  }
0x5c: {  	s6 =	sadd.s32 $0xFFFFFFE0, s28  }
0x5d: {  	v7 =	vor.u32 s6, v0;
	v58 =	vsub.s32 v6, v3  }
0x5e: {  	vm13 =	vlt.s32 v7, v5;
	v6 =	vand.u32 $0x7F, v6;
	v7 =	vand.u32 $0xFFFFFF80, v58  }
0x5f: {  	v59 =	vld [tilespmem:s30+$0x10];
	v6 =	vor.u32 v6, v7;
	_ =	sdelay $0x4  }
0x60: {  	[tilespmem:v6+s3+$0x0] =	vst.idx.msk vm13, v59  }
0x61: {  	v6 =	vld [tilespmem:s29+$0x20];
	_ =	sdelay $0x3  }
0x62: {  	s6 =	sadd.s32 $0xFFFFFFF0, s28  }
0x63: {  	v7 =	vor.u32 s6, v0;
	v60 =	vsub.s32 v6, v3  }
0x64: {  	vm14 =	vlt.s32 v7, v5;
	v6 =	vand.u32 $0x7F, v6;
	v7 =	vand.u32 $0xFFFFFF80, v60  }
0x65: {  	v61 =	vld [tilespmem:s30+$0x20];
	v6 =	vor.u32 v6, v7;
	_ =	sdelay $0x4  }
0x66: {  	[tilespmem:v6+s3+$0x0] =	vst.idx.msk vm14, v61  }
0x67: {  	v6 =	vld [tilespmem:s29+$0x30];
	_ =	sdelay $0x4  }
0x68: {  	v7 =	vor.u32 s28, v0;
	v62 =	vsub.s32 v6, v3  }
0x69: {  	s18 =	sadd.s32 $0x8, s18;
	vm15 =	vlt.s32 v7, v5;
	v6 =	vand.u32 $0x7F, v6;
	v7 =	vand.u32 $0xFFFFFF80, v62  }
0x6a: {  	p0 =	slt.u32 s18, $0x58;
	v63 =	vld [tilespmem:s30+$0x30];
	v6 =	vor.u32 v6, v7  }
.Ltmp1:
0x6b: {  	_ = 	snop;
	(pc) =	sbr.rel @p0 .LBB2_5-.Ltmp1, $2  }
0x6c: {  	_ =	sdelay $0x2  }
0x6d: {  	s28 =	sadd.s32 $0x80, s28;
	s29 =	sadd.s32 $0x80, s29;
	s30 =	sadd.s32 $0x80, s30;
	[tilespmem:v6+s3+$0x0] =	vst.idx.msk vm15, v63  }
0x6e: {  	p0 =	seq.s32 s0, $0xF  }
0x6f: {  	s6 =	sadd.s32 @!p0 s1, s10  }
0x70: {  	s6 =	smul.u32 @!p0 $0xC0, s6;
	_ =	sdelay $0x1  }
0x71: {  	s28 =	simm.s32 @!p0 $0x0;
	s29 =	simm.s32 @!p0 $0x8000;
	s18 =	sadd.s32 @!p0 s4, s6  }
0x72: {  	[tilespmem:s29], [sflag:$0x1] =	stream.linear.gather @!p0 [hbm4b:s18+s28], $0x600, $0x38;
	[tilespmem:$0xA100] =	vst v63  }
0x73: {  	s6 =	sadd.s32 @!p0 s5, s6;
	s18 =	simm.s32 @!p0 $0x8C00  }
0x74: {  	[tilespmem:s18], [sflag:$0x3] =	stream.linear.gather @!p0 [hbm4b:s6+s28], $0x600, $0x38;
	[tilespmem:$0xA100] =	vst v63  }
0x75: {  	_ =	swait.ge [sflag:s23], $0x600  }
0x76: {  	[sflag:s23] =	ssyncset.done $0x0  }
0x77: {  	[sflag:s23] =	ssyncadd.s32 $0xFFFFFA00  }
0x78: {  	_ =	swait.ge [sflag:s24], $0x600  }
0x79: {  	[sflag:s24] =	ssyncset.done $0x0  }
0x7a: {  	[sflag:s24] =	ssyncadd.s32 $0xFFFFFA00  }
0x7b: {  	v5 =	vld [tilespmem:s2+$0x9C00];
	_ =	sdelay $0x2  }
0x7c: {  	s30 =	sor.u32 $0x1, s17  }
0x7d: {  	s17 =	simm.s32 $0x70;
	v6 =	vmov s30  }
0x7e: {  	s18 =	simm.s32 $0x8640;
	s28 =	simm.s32 $0x9240;
	s2 =	simm.s32 $0xFFFFFFF8;
	v5 =	vperm.xlane v5, v6  }
.LBB2_7:
0x7f: {  	v6 =	vld [tilespmem:s18+$0xFFFFFFC0];
	_ =	sdelay $0x3  }
0x80: {  	s6 =	sadd.s32 $0xFFFFFF90, s17  }
0x81: {  	v7 =	vor.u32 s6, v0;
	v8 =	vsub.s32 v6, v3  }
0x82: {  	vm0 =	vlt.s32 v7, v5;
	v6 =	vand.u32 $0x7F, v6;
	v7 =	vand.u32 $0xFFFFFF80, v8  }
0x83: {  	v49 =	vld [tilespmem:s28+$0xFFFFFFC0];
	v6 =	vor.u32 v6, v7;
	_ =	sdelay $0x4  }
0x84: {  	[tilespmem:v6+s3+$0x0] =	vst.idx.msk vm0, v49  }
0x85: {  	v6 =	vld [tilespmem:s18+$0xFFFFFFD0];
	_ =	sdelay $0x3  }
0x86: {  	s29 =	sadd.s32 $0xFFFFFFA0, s17  }
0x87: {  	v7 =	vor.u32 s29, v0;
	v50 =	vsub.s32 v6, v3  }
0x88: {  	vm9 =	vlt.s32 v7, v5;
	v6 =	vand.u32 $0x7F, v6;
	v7 =	vand.u32 $0xFFFFFF80, v50  }
0x89: {  	v51 =	vld [tilespmem:s28+$0xFFFFFFD0];
	v6 =	vor.u32 v6, v7;
	_ =	sdelay $0x4  }
0x8a: {  	[tilespmem:v6+s3+$0x0] =	vst.idx.msk vm9, v51  }
0x8b: {  	v6 =	vld [tilespmem:s18+$0xFFFFFFE0];
	_ =	sdelay $0x3  }
0x8c: {  	s30 =	sadd.s32 $0xFFFFFFB0, s17  }
0x8d: {  	v7 =	vor.u32 s30, v0;
	v52 =	vsub.s32 v6, v3  }
0x8e: {  	vm10 =	vlt.s32 v7, v5;
	v6 =	vand.u32 $0x7F, v6;
	v7 =	vand.u32 $0xFFFFFF80, v52  }
0x8f: {  	v53 =	vld [tilespmem:s28+$0xFFFFFFE0];
	v6 =	vor.u32 v6, v7;
	_ =	sdelay $0x4  }
0x90: {  	[tilespmem:v6+s3+$0x0] =	vst.idx.msk vm10, v53  }
0x91: {  	v6 =	vld [tilespmem:s18+$0xFFFFFFF0];
	_ =	sdelay $0x3  }
0x92: {  	s29 =	sadd.s32 $0xFFFFFFC0, s17  }
0x93: {  	v7 =	vor.u32 s29, v0;
	v54 =	vsub.s32 v6, v3  }
0x94: {  	vm11 =	vlt.s32 v7, v5;
	v6 =	vand.u32 $0x7F, v6;
	v7 =	vand.u32 $0xFFFFFF80, v54  }
0x95: {  	v55 =	vld [tilespmem:s28+$0xFFFFFFF0];
	v6 =	vor.u32 v6, v7;
	_ =	sdelay $0x4  }
0x96: {  	[tilespmem:v6+s3+$0x0] =	vst.idx.msk vm11, v55  }
0x97: {  	v6 =	vld [tilespmem:s18+$0x0];
	_ =	sdelay $0x3  }
0x98: {  	s30 =	sadd.s32 $0xFFFFFFD0, s17  }
0x99: {  	v7 =	vor.u32 s30, v0;
	v56 =	vsub.s32 v6, v3  }
0x9a: {  	vm12 =	vlt.s32 v7, v5;
	v6 =	vand.u32 $0x7F, v6;
	v7 =	vand.u32 $0xFFFFFF80, v56  }
0x9b: {  	v57 =	vld [tilespmem:s28+$0x0];
	v6 =	vor.u32 v6, v7;
	_ =	sdelay $0x4  }
0x9c: {  	[tilespmem:v6+s3+$0x0] =	vst.idx.msk vm12, v57  }
0x9d: {  	v6 =	vld [tilespmem:s18+$0x10];
	_ =	sdelay $0x3  }
0x9e: {  	s29 =	sadd.s32 $0xFFFFFFE0, s17  }
0x9f: {  	v7 =	vor.u32 s29, v0;
	v58 =	vsub.s32 v6, v3  }
0xa0: {  	vm13 =	vlt.s32 v7, v5;
	v6 =	vand.u32 $0x7F, v6;
	v7 =	vand.u32 $0xFFFFFF80, v58  }
0xa1: {  	v59 =	vld [tilespmem:s28+$0x10];
	v6 =	vor.u32 v6, v7;
	_ =	sdelay $0x4  }
0xa2: {  	[tilespmem:v6+s3+$0x0] =	vst.idx.msk vm13, v59  }
0xa3: {  	v6 =	vld [tilespmem:s18+$0x20];
	_ =	sdelay $0x3  }
0xa4: {  	s30 =	sadd.s32 $0xFFFFFFF0, s17  }
0xa5: {  	v7 =	vor.u32 s30, v0;
	v60 =	vsub.s32 v6, v3  }
0xa6: {  	vm14 =	vlt.s32 v7, v5;
	v6 =	vand.u32 $0x7F, v6;
	v7 =	vand.u32 $0xFFFFFF80, v60  }
0xa7: {  	v61 =	vld [tilespmem:s28+$0x20];
	v6 =	vor.u32 v6, v7;
	_ =	sdelay $0x4  }
0xa8: {  	[tilespmem:v6+s3+$0x0] =	vst.idx.msk vm14, v61  }
0xa9: {  	v6 =	vld [tilespmem:s18+$0x30];
	_ =	sdelay $0x4  }
0xaa: {  	v7 =	vor.u32 s17, v0;
	v62 =	vsub.s32 v6, v3  }
0xab: {  	s2 =	sadd.s32 $0x8, s2;
	vm15 =	vlt.s32 v7, v5;
	v6 =	vand.u32 $0x7F, v6;
	v7 =	vand.u32 $0xFFFFFF80, v62  }
0xac: {  	p1 =	slt.u32 s2, $0x58;
	v63 =	vld [tilespmem:s28+$0x30];
	v6 =	vor.u32 v6, v7  }
.Ltmp2:
0xad: {  	_ = 	snop;
	(pc) =	sbr.rel @p1 .LBB2_7-.Ltmp2, $2  }
0xae: {  	_ =	sdelay $0x2  }
0xaf: {  	s17 =	sadd.s32 $0x80, s17;
	s18 =	sadd.s32 $0x80, s18;
	s28 =	sadd.s32 $0x80, s28;
	[tilespmem:v6+s3+$0x0] =	vst.idx.msk vm15, v63  }
.Ltmp3:
0xb0: {  	(pc) =	sbr.rel @p0 .LBB2_9-.Ltmp3, $1  }
0xb1: {  	_ =	sdelay $0x3  }
0xb2: {  	s1 =	sadd.s32 s1, s11  }
0xb3: {  	s1 =	smul.u32 $0xC0, s1  }
.Ltmp4:
0xb4: {  	_ = 	snop;
	(pc) =	sbr.rel .LBB2_4-.Ltmp4, $4  }
0xb5: {  	s2 =	sadd.s32 s4, s1  }
0xb6: {  	[tilespmem:s19], [sflag:$0x2] =	stream.linear.gather [hbm4b:s2+s3], $0x600, $0x38;
	[tilespmem:$0xA100] =	vst v63  }
0xb7: {  	s0 =	sadd.s32 $0x1, s0;
	s1 =	sadd.s32 s5, s1  }
0xb8: {  	[tilespmem:s20], [sflag:$0x4] =	stream.linear.gather [hbm4b:s1+s3], $0x600, $0x38;
	[tilespmem:$0xA100] =	vst v63  }
.LBB2_9:
0xb9: {  	s1 =	simm.s32 $0x200  }
0xba: {  	s0 =	simm.s32 $0x0;
	s17 =	simm.s32 $0x1;
	s2 =	simm.s32 $0x0;
	v5 =	vld [tilespmem:s1+$0xFFFFFE00]  }
.LBB2_10:
0xbb: {  	p0 =	sne.s32 s17, $0x1F;
	v6 =	vld [tilespmem:s1+$0xFFFFFE10]  }
0xbc: {  	v7 =	vld [tilespmem:s1+$0xFFFFFE20]  }
0xbd: {  	v8 =	vld [tilespmem:s1+$0xFFFFFE30]  }
0xbe: {  	v9 =	vld [tilespmem:s1+$0xFFFFFE40]  }
0xbf: {  	v5 =	vmax.f32 v5, $-9.999000000e+03;
	v10 =	vld [tilespmem:s1+$0xFFFFFE50]  }
0xc0: {  	v5 =	vmax.f32 v5, v6;
	v6 =	vld [tilespmem:s1+$0xFFFFFE60]  }
0xc1: {  	v5 =	vmax.f32 v5, v7;
	v7 =	vld [tilespmem:s1+$0xFFFFFE70]  }
0xc2: {  	v5 =	vmax.f32 v5, v8;
	v8 =	vld [tilespmem:s1+$0xFFFFFE80]  }
0xc3: {  	v5 =	vmax.f32 v5, v9;
	v9 =	vld [tilespmem:s1+$0xFFFFFE90]  }
0xc4: {  	v5 =	vmax.f32 v5, v10;
	v10 =	vld [tilespmem:s1+$0xFFFFFEA0]  }
0xc5: {  	v5 =	vmax.f32 v5, v6;
	v6 =	vld [tilespmem:s1+$0xFFFFFEB0]  }
0xc6: {  	v5 =	vmax.f32 v5, v7;
	v7 =	vld [tilespmem:s1+$0xFFFFFEC0]  }
0xc7: {  	v5 =	vmax.f32 v5, v8;
	v8 =	vld [tilespmem:s1+$0xFFFFFED0]  }
0xc8: {  	v5 =	vmax.f32 v5, v9;
	v9 =	vld [tilespmem:s1+$0xFFFFFEE0]  }
0xc9: {  	v5 =	vmax.f32 v5, v10;
	v10 =	vld [tilespmem:s1+$0xFFFFFEF0]  }
0xca: {  	v5 =	vmax.f32 v5, v6;
	v6 =	vld [tilespmem:s1+$0xFFFFFF00]  }
0xcb: {  	v5 =	vmax.f32 v5, v7;
	v7 =	vld [tilespmem:s1+$0xFFFFFF10]  }
0xcc: {  	v5 =	vmax.f32 v5, v8;
	v8 =	vld [tilespmem:s1+$0xFFFFFF20]  }
0xcd: {  	v5 =	vmax.f32 v5, v9;
	v9 =	vld [tilespmem:s1+$0xFFFFFF30]  }
0xce: {  	v5 =	vmax.f32 v5, v10;
	v10 =	vld [tilespmem:s1+$0xFFFFFF40]  }
0xcf: {  	v5 =	vmax.f32 v5, v6;
	v6 =	vld [tilespmem:s1+$0xFFFFFF50]  }
0xd0: {  	v5 =	vmax.f32 v5, v7;
	v7 =	vld [tilespmem:s1+$0xFFFFFF60]  }
0xd1: {  	v5 =	vmax.f32 v5, v8;
	v8 =	vld [tilespmem:s1+$0xFFFFFF70]  }
0xd2: {  	v5 =	vmax.f32 v5, v9;
	v9 =	vld [tilespmem:s1+$0xFFFFFF80]  }
0xd3: {  	v5 =	vmax.f32 v5, v10;
	v10 =	vld [tilespmem:s1+$0xFFFFFF90]  }
0xd4: {  	v5 =	vmax.f32 v5, v6;
	v6 =	vld [tilespmem:s1+$0xFFFFFFA0]  }
0xd5: {  	v5 =	vmax.f32 v5, v7;
	v7 =	vld [tilespmem:s1+$0xFFFFFFB0]  }
0xd6: {  	v5 =	vmax.f32 v5, v8;
	v8 =	vld [tilespmem:s1+$0xFFFFFFC0]  }
0xd7: {  	v5 =	vmax.f32 v5, v9;
	v9 =	vld [tilespmem:s1+$0xFFFFFFD0]  }
0xd8: {  	v5 =	vmax.f32 v5, v10;
	v10 =	vld [tilespmem:s1+$0xFFFFFFE0]  }
0xd9: {  	v5 =	vmax.f32 v5, v6;
	v6 =	vld [tilespmem:s1+$0xFFFFFFF0]  }
0xda: {  	v5 =	vmax.f32 v5, v7;
	v7 =	vld [tilespmem:s1+$0x0]  }
0xdb: {  	v5 =	vmax.f32 v5, v8;
	v8 =	vld [tilespmem:s1+$0x10]  }
0xdc: {  	v5 =	vmax.f32 v5, v9;
	v9 =	vld [tilespmem:s1+$0x20]  }
0xdd: {  	v5 =	vmax.f32 v5, v10;
	v10 =	vld [tilespmem:s1+$0x30]  }
0xde: {  	v5 =	vmax.f32 v5, v6;
	v6 =	vld [tilespmem:s1+$0x40]  }
0xdf: {  	v5 =	vmax.f32 v5, v7;
	v7 =	vld [tilespmem:s1+$0x50]  }
0xe0: {  	v5 =	vmax.f32 v5, v8;
	v8 =	vld [tilespmem:s1+$0x60]  }
0xe1: {  	v5 =	vmax.f32 v5, v9;
	v9 =	vld [tilespmem:s1+$0x70]  }
0xe2: {  	v5 =	vmax.f32 v5, v10;
	v10 =	vld [tilespmem:s1+$0x80]  }
0xe3: {  	v5 =	vmax.f32 v5, v6;
	v6 =	vld [tilespmem:s1+$0x90]  }
0xe4: {  	v5 =	vmax.f32 v5, v7;
	v7 =	vld [tilespmem:s1+$0xA0]  }
0xe5: {  	v5 =	vmax.f32 v5, v8;
	v8 =	vld [tilespmem:s1+$0xB0]  }
0xe6: {  	v5 =	vmax.f32 v5, v9;
	v9 =	vld [tilespmem:s1+$0xC0]  }
0xe7: {  	v5 =	vmax.f32 v5, v10;
	v10 =	vld [tilespmem:s1+$0xD0]  }
0xe8: {  	v5 =	vmax.f32 v5, v6;
	v6 =	vld [tilespmem:s1+$0xE0]  }
0xe9: {  	v5 =	vmax.f32 v5, v7;
	v7 =	vld [tilespmem:s1+$0xF0]  }
0xea: {  	v5 =	vmax.f32 v5, v8;
	v8 =	vld [tilespmem:s1+$0x100]  }
0xeb: {  	v5 =	vmax.f32 v5, v9;
	v9 =	vld [tilespmem:s1+$0x110]  }
0xec: {  	v5 =	vmax.f32 v5, v10;
	v10 =	vld [tilespmem:s1+$0x120]  }
0xed: {  	v5 =	vmax.f32 v5, v6;
	v6 =	vld [tilespmem:s1+$0x130]  }
0xee: {  	v5 =	vmax.f32 v5, v7;
	v7 =	vld [tilespmem:s1+$0x140]  }
0xef: {  	v5 =	vmax.f32 v5, v8;
	v8 =	vld [tilespmem:s1+$0x150]  }
0xf0: {  	v5 =	vmax.f32 v5, v9;
	v9 =	vld [tilespmem:s1+$0x160]  }
0xf1: {  	v5 =	vmax.f32 v5, v10;
	v10 =	vld [tilespmem:s1+$0x170]  }
0xf2: {  	v5 =	vmax.f32 v5, v6;
	v6 =	vld [tilespmem:s1+$0x180]  }
0xf3: {  	v5 =	vmax.f32 v5, v7;
	v7 =	vld [tilespmem:s1+$0x190]  }
0xf4: {  	v5 =	vmax.f32 v5, v8;
	v8 =	vld [tilespmem:s1+$0x1A0]  }
0xf5: {  	v5 =	vmax.f32 v5, v9;
	v9 =	vld [tilespmem:s1+$0x1B0]  }
0xf6: {  	v5 =	vmax.f32 v5, v10;
	v10 =	vld [tilespmem:s1+$0x1C0]  }
0xf7: {  	v5 =	vmax.f32 v5, v6;
	v6 =	vld [tilespmem:s1+$0x1D0]  }
0xf8: {  	v5 =	vmax.f32 v5, v7;
	v7 =	vld [tilespmem:s1+$0x1E0]  }
0xf9: {  	v5 =	vmax.f32 v5, v8;
	v8 =	vld [tilespmem:s1+$0x1F0]  }
0xfa: {  	v5 =	vmax.f32 v5, v9  }
0xfb: {  	v5 =	vmax.f32 v5, v10  }
0xfc: {  	v5 =	vmax.f32 v5, v6  }
0xfd: {  	v5 =	vmax.f32 v5, v7  }
0xfe: {  	v5 =	vmax.f32 v5, v8  }
0xff: {  	(xrf0) =	vmax.scan.msk.f32 $0xffff, v5;
	_ =	sdelay $0x3  }
0x100: {  	v5 =	vmov s2;
	s2 =	smov.u32 s17;
	_ =	sdelay $0x1  }
.Ltmp5:
0x101: {  	v6, _, _ =	vpop (xrf0);
	(pc) =	sbr.rel @p0 .LBB2_10-.Ltmp5, $3  }
0x102: {  	v6 =	vbroadcast v6, $0xF;
	_ =	sdelay $0x1  }
0x103: {  	s1 =	sadd.s32 $0x400, s1;
	[tilespmem:v5+s25+$0x0] =	vst.idx.msk $0x1, v6  }
0x104: {  	s17 =	sadd.s32 $0x1, s17;
	v5 =	vld [tilespmem:s1+$0xFFFFFE00]  }
0x105: {  	v6 =	vld [tilespmem:s1+$0xFFFFFE10]  }
0x106: {  	v7 =	vld [tilespmem:s1+$0xFFFFFE20]  }
0x107: {  	v8 =	vld [tilespmem:s1+$0xFFFFFE30]  }
0x108: {  	v9 =	vld [tilespmem:s1+$0xFFFFFE40]  }
0x109: {  	v10 =	vld [tilespmem:s1+$0xFFFFFE50];
	v5 =	vmax.f32 v5, $-9.999000000e+03  }
0x10a: {  	v5 =	vmax.f32 v5, v6;
	v6 =	vld [tilespmem:s1+$0xFFFFFE60]  }
0x10b: {  	v5 =	vmax.f32 v5, v7;
	v7 =	vld [tilespmem:s1+$0xFFFFFE70]  }
0x10c: {  	v12 =	vld [tilespmem:s1+$0xFFFFFE80];
	v5 =	vmax.f32 v5, v8  }
0x10d: {  	v13 =	vld [tilespmem:s1+$0xFFFFFE90];
	v5 =	vmax.f32 v5, v9  }
0x10e: {  	v14 =	vld [tilespmem:s1+$0xFFFFFEA0];
	v5 =	vmax.f32 v5, v10  }
0x10f: {  	v5 =	vmax.f32 v5, v6;
	v6 =	vld [tilespmem:s1+$0xFFFFFEB0]  }
0x110: {  	v5 =	vmax.f32 v5, v7;
	v7 =	vld [tilespmem:s1+$0xFFFFFEC0]  }
0x111: {  	v15 =	vld [tilespmem:s1+$0xFFFFFED0];
	v5 =	vmax.f32 v5, v12  }
0x112: {  	v16 =	vld [tilespmem:s1+$0xFFFFFEE0];
	v5 =	vmax.f32 v5, v13  }
0x113: {  	v17 =	vld [tilespmem:s1+$0xFFFFFEF0];
	v5 =	vmax.f32 v5, v14  }
0x114: {  	v5 =	vmax.f32 v5, v6;
	v6 =	vld [tilespmem:s1+$0xFFFFFF00]  }
0x115: {  	v5 =	vmax.f32 v5, v7;
	v7 =	vld [tilespmem:s1+$0xFFFFFF10]  }
0x116: {  	v18 =	vld [tilespmem:s1+$0xFFFFFF20];
	v5 =	vmax.f32 v5, v15  }
0x117: {  	v19 =	vld [tilespmem:s1+$0xFFFFFF30];
	v5 =	vmax.f32 v5, v16  }
0x118: {  	v20 =	vld [tilespmem:s1+$0xFFFFFF40];
	v5 =	vmax.f32 v5, v17  }
0x119: {  	v5 =	vmax.f32 v5, v6;
	v6 =	vld [tilespmem:s1+$0xFFFFFF50]  }
0x11a: {  	v5 =	vmax.f32 v5, v7;
	v7 =	vld [tilespmem:s1+$0xFFFFFF60]  }
0x11b: {  	v21 =	vld [tilespmem:s1+$0xFFFFFF70];
	v5 =	vmax.f32 v5, v18  }
0x11c: {  	v22 =	vld [tilespmem:s1+$0xFFFFFF80];
	v5 =	vmax.f32 v5, v19  }
0x11d: {  	v23 =	vld [tilespmem:s1+$0xFFFFFF90];
	v5 =	vmax.f32 v5, v20  }
0x11e: {  	v5 =	vmax.f32 v5, v6;
	v6 =	vld [tilespmem:s1+$0xFFFFFFA0]  }
0x11f: {  	v5 =	vmax.f32 v5, v7;
	v7 =	vld [tilespmem:s1+$0xFFFFFFB0]  }
0x120: {  	v24 =	vld [tilespmem:s1+$0xFFFFFFC0];
	v5 =	vmax.f32 v5, v21  }
0x121: {  	v25 =	vld [tilespmem:s1+$0xFFFFFFD0];
	v5 =	vmax.f32 v5, v22  }
0x122: {  	v26 =	vld [tilespmem:s1+$0xFFFFFFE0];
	v5 =	vmax.f32 v5, v23  }
0x123: {  	v5 =	vmax.f32 v5, v6;
	v6 =	vld [tilespmem:s1+$0xFFFFFFF0]  }
0x124: {  	v5 =	vmax.f32 v5, v7;
	v7 =	vld [tilespmem:s1+$0x0]  }
0x125: {  	v27 =	vld [tilespmem:s1+$0x10];
	v5 =	vmax.f32 v5, v24  }
0x126: {  	v28 =	vld [tilespmem:s1+$0x20];
	v5 =	vmax.f32 v5, v25  }
0x127: {  	v29 =	vld [tilespmem:s1+$0x30];
	v5 =	vmax.f32 v5, v26  }
0x128: {  	v5 =	vmax.f32 v5, v6;
	v6 =	vld [tilespmem:s1+$0x40]  }
0x129: {  	v5 =	vmax.f32 v5, v7;
	v7 =	vld [tilespmem:s1+$0x50]  }
0x12a: {  	v30 =	vld [tilespmem:s1+$0x60];
	v5 =	vmax.f32 v5, v27  }
0x12b: {  	v31 =	vld [tilespmem:s1+$0x70];
	v5 =	vmax.f32 v5, v28  }
0x12c: {  	v32 =	vld [tilespmem:s1+$0x80];
	v5 =	vmax.f32 v5, v29  }
0x12d: {  	v5 =	vmax.f32 v5, v6;
	v6 =	vld [tilespmem:s1+$0x90]  }
0x12e: {  	v5 =	vmax.f32 v5, v7;
	v7 =	vld [tilespmem:s1+$0xA0]  }
0x12f: {  	v33 =	vld [tilespmem:s1+$0xB0];
	v5 =	vmax.f32 v5, v30  }
0x130: {  	v34 =	vld [tilespmem:s1+$0xC0];
	v5 =	vmax.f32 v5, v31  }
0x131: {  	v35 =	vld [tilespmem:s1+$0xD0];
	v5 =	vmax.f32 v5, v32  }
0x132: {  	v5 =	vmax.f32 v5, v6;
	v6 =	vld [tilespmem:s1+$0xE0]  }
0x133: {  	v5 =	vmax.f32 v5, v7;
	v7 =	vld [tilespmem:s1+$0xF0]  }
0x134: {  	v36 =	vld [tilespmem:s1+$0x100];
	v5 =	vmax.f32 v5, v33  }
0x135: {  	v37 =	vld [tilespmem:s1+$0x110];
	v5 =	vmax.f32 v5, v34  }
0x136: {  	v38 =	vld [tilespmem:s1+$0x120];
	v5 =	vmax.f32 v5, v35  }
0x137: {  	v5 =	vmax.f32 v5, v6;
	v6 =	vld [tilespmem:s1+$0x130]  }
0x138: {  	v5 =	vmax.f32 v5, v7;
	v7 =	vld [tilespmem:s1+$0x140]  }
0x139: {  	v39 =	vld [tilespmem:s1+$0x150];
	v5 =	vmax.f32 v5, v36  }
0x13a: {  	v40 =	vld [tilespmem:s1+$0x160];
	v5 =	vmax.f32 v5, v37  }
0x13b: {  	v41 =	vld [tilespmem:s1+$0x170];
	v5 =	vmax.f32 v5, v38  }
0x13c: {  	v5 =	vmax.f32 v5, v6;
	v6 =	vld [tilespmem:s1+$0x180]  }
0x13d: {  	v5 =	vmax.f32 v5, v7;
	v7 =	vld [tilespmem:s1+$0x190]  }
0x13e: {  	v42 =	vld [tilespmem:s1+$0x1A0];
	v5 =	vmax.f32 v5, v39  }
0x13f: {  	v43 =	vld [tilespmem:s1+$0x1B0];
	v5 =	vmax.f32 v5, v40  }
0x140: {  	v44 =	vld [tilespmem:s1+$0x1C0];
	v5 =	vmax.f32 v5, v41  }
0x141: {  	v5 =	vmax.f32 v5, v6;
	v6 =	vld [tilespmem:s1+$0x1D0]  }
0x142: {  	v5 =	vmax.f32 v5, v7;
	v7 =	vld [tilespmem:s1+$0x1E0]  }
0x143: {  	v45 =	vld [tilespmem:s1+$0x1F0];
	v5 =	vmax.f32 v5, v42  }
0x144: {  	v5 =	vmax.f32 v5, v43  }
0x145: {  	v5 =	vmax.f32 v5, v44  }
0x146: {  	v5 =	vmax.f32 v5, v6  }
0x147: {  	v5 =	vmax.f32 v5, v7  }
0x148: {  	v5 =	vmax.f32 v5, v45  }
0x149: {  	(xrf0) =	vmax.scan.msk.f32 $0xffff, v5;
	_ =	sdelay $0x3  }
0x14a: {  	v5 =	vmov s2;
	_ =	sdelay $0x1  }
0x14b: {  	v6, _, _ =	vpop (xrf0)  }
0x14c: {  	v6 =	vbroadcast v6, $0xF;
	_ =	sdelay $0x1  }
0x14d: {  	s0 =	sand.u32 $0x3F0, s0;
	[tilespmem:v5+s25+$0x0] =	vst.idx.msk $0x1, v6  }
0x14e: {  	v5 =	vld [tilespmem:s0+$0x0]  }
0x14f: {  	v6 =	vld [tilespmem:s0+$0x400]  }
0x150: {  	v7 =	vld [tilespmem:s0+$0x800]  }
0x151: {  	v46 =	vld [tilespmem:s0+$0xC00]  }
0x152: {  	v47 =	vld [tilespmem:s0+$0x1000]  }
0x153: {  	v48 =	vld [tilespmem:s0+$0x1400];
	v5 =	vmax.f32 v5, $-9.999000000e+03  }
0x154: {  	v5 =	vmax.f32 v5, v6;
	v6 =	vld [tilespmem:s0+$0x1800]  }
0x155: {  	v5 =	vmax.f32 v5, v7;
	v7 =	vld [tilespmem:s0+$0x1C00]  }
0x156: {  	v49 =	vld [tilespmem:s0+$0x2000];
	v5 =	vmax.f32 v5, v46  }
0x157: {  	v50 =	vld [tilespmem:s0+$0x2400];
	v5 =	vmax.f32 v5, v47  }
0x158: {  	v51 =	vld [tilespmem:s0+$0x2800];
	v5 =	vmax.f32 v5, v48  }
0x159: {  	v5 =	vmax.f32 v5, v6;
	v6 =	vld [tilespmem:s0+$0x2C00]  }
0x15a: {  	v5 =	vmax.f32 v5, v7;
	v7 =	vld [tilespmem:s0+$0x3000]  }
0x15b: {  	v52 =	vld [tilespmem:s0+$0x3400];
	v5 =	vmax.f32 v5, v49  }
0x15c: {  	v53 =	vld [tilespmem:s0+$0x3800];
	v5 =	vmax.f32 v5, v50  }
0x15d: {  	v54 =	vld [tilespmem:s0+$0x3C00];
	v5 =	vmax.f32 v5, v51  }
0x15e: {  	v5 =	vmax.f32 v5, v6;
	v6 =	vld [tilespmem:s0+$0x4000]  }
0x15f: {  	v5 =	vmax.f32 v5, v7;
	v7 =	vld [tilespmem:s0+$0x4400]  }
0x160: {  	v55 =	vld [tilespmem:s0+$0x4800];
	v5 =	vmax.f32 v5, v52  }
0x161: {  	v56 =	vld [tilespmem:s0+$0x4C00];
	v5 =	vmax.f32 v5, v53  }
0x162: {  	v57 =	vld [tilespmem:s0+$0x5000];
	v5 =	vmax.f32 v5, v54  }
0x163: {  	v5 =	vmax.f32 v5, v6;
	v6 =	vld [tilespmem:s0+$0x5400]  }
0x164: {  	v5 =	vmax.f32 v5, v7;
	v7 =	vld [tilespmem:s0+$0x5800]  }
0x165: {  	v58 =	vld [tilespmem:s0+$0x5C00];
	v5 =	vmax.f32 v5, v55  }
0x166: {  	v59 =	vld [tilespmem:s0+$0x6000];
	v5 =	vmax.f32 v5, v56  }
0x167: {  	v60 =	vld [tilespmem:s0+$0x6400];
	v5 =	vmax.f32 v5, v57  }
0x168: {  	v5 =	vmax.f32 v5, v6;
	v6 =	vld [tilespmem:s0+$0x6800]  }
0x169: {  	v5 =	vmax.f32 v5, v7;
	v7 =	vld [tilespmem:s0+$0x6C00]  }
0x16a: {  	v61 =	vld [tilespmem:s0+$0x7000];
	v5 =	vmax.f32 v5, v58  }
0x16b: {  	v62 =	vld [tilespmem:s0+$0x7400];
	v5 =	vmax.f32 v5, v59  }
0x16c: {  	v63 =	vld [tilespmem:s0+$0x7800];
	v5 =	vmax.f32 v5, v60  }
0x16d: {  	v5 =	vmax.f32 v5, v6;
	v6 =	vld [tilespmem:s0+$0x7C00]  }
0x16e: {  	v5 =	vmax.f32 v5, v7  }
0x16f: {  	v5 =	vmax.f32 v5, v61  }
0x170: {  	v5 =	vmax.f32 v5, v62  }
0x171: {  	v5 =	vmax.f32 v5, v63  }
0x172: {  	s30 =	simm.s32 $0x10;
	s0 =	simm.s32 $0x9D00;
	v5 =	vmax.f32 v5, v6  }
0x173: {  	s1 =	sand.u32 $0x3F0, s30;
	s2 =	simm.s32 $0x20;
	[tilespmem:s0+$0x0] =	vst v5  }
.LBB2_12:
0x174: {  	p0 =	sne.s32 s2, $0x3F0;
	v5 =	vld [tilespmem:s1+$0x0]  }
0x175: {  	v6 =	vld [tilespmem:s1+$0x400]  }
0x176: {  	v7 =	vld [tilespmem:s1+$0x800]  }
0x177: {  	v8 =	vld [tilespmem:s1+$0xC00]  }
0x178: {  	v9 =	vld [tilespmem:s1+$0x1000]  }
0x179: {  	v5 =	vmax.f32 v5, $-9.999000000e+03;
	v10 =	vld [tilespmem:s1+$0x1400]  }
0x17a: {  	v5 =	vmax.f32 v5, v6;
	v6 =	vld [tilespmem:s1+$0x1800]  }
0x17b: {  	v5 =	vmax.f32 v5, v7;
	v7 =	vld [tilespmem:s1+$0x1C00]  }
0x17c: {  	v5 =	vmax.f32 v5, v8;
	v8 =	vld [tilespmem:s1+$0x2000]  }
0x17d: {  	v5 =	vmax.f32 v5, v9;
	v9 =	vld [tilespmem:s1+$0x2400]  }
0x17e: {  	v5 =	vmax.f32 v5, v10;
	v10 =	vld [tilespmem:s1+$0x2800]  }
0x17f: {  	v5 =	vmax.f32 v5, v6;
	v6 =	vld [tilespmem:s1+$0x2C00]  }
0x180: {  	v5 =	vmax.f32 v5, v7;
	v7 =	vld [tilespmem:s1+$0x3000]  }
0x181: {  	v5 =	vmax.f32 v5, v8;
	v8 =	vld [tilespmem:s1+$0x3400]  }
0x182: {  	v5 =	vmax.f32 v5, v9;
	v9 =	vld [tilespmem:s1+$0x3800]  }
0x183: {  	v5 =	vmax.f32 v5, v10;
	v10 =	vld [tilespmem:s1+$0x3C00]  }
0x184: {  	v5 =	vmax.f32 v5, v6;
	v6 =	vld [tilespmem:s1+$0x4000]  }
0x185: {  	v5 =	vmax.f32 v5, v7;
	v7 =	vld [tilespmem:s1+$0x4400]  }
0x186: {  	v5 =	vmax.f32 v5, v8;
	v8 =	vld [tilespmem:s1+$0x4800]  }
0x187: {  	v5 =	vmax.f32 v5, v9;
	v9 =	vld [tilespmem:s1+$0x4C00]  }
0x188: {  	v5 =	vmax.f32 v5, v10;
	v10 =	vld [tilespmem:s1+$0x5000]  }
0x189: {  	v5 =	vmax.f32 v5, v6;
	v6 =	vld [tilespmem:s1+$0x5400]  }
0x18a: {  	v5 =	vmax.f32 v5, v7;
	v7 =	vld [tilespmem:s1+$0x5800]  }
0x18b: {  	v5 =	vmax.f32 v5, v8;
	v8 =	vld [tilespmem:s1+$0x5C00]  }
0x18c: {  	v5 =	vmax.f32 v5, v9;
	v9 =	vld [tilespmem:s1+$0x6000]  }
0x18d: {  	v5 =	vmax.f32 v5, v10;
	v10 =	vld [tilespmem:s1+$0x6400]  }
0x18e: {  	v5 =	vmax.f32 v5, v6;
	v6 =	vld [tilespmem:s1+$0x6800]  }
0x18f: {  	v5 =	vmax.f32 v5, v7;
	v7 =	vld [tilespmem:s1+$0x6C00]  }
0x190: {  	v5 =	vmax.f32 v5, v8;
	v8 =	vld [tilespmem:s1+$0x7000]  }
0x191: {  	v5 =	vmax.f32 v5, v9;
	v9 =	vld [tilespmem:s1+$0x7400]  }
0x192: {  	v5 =	vmax.f32 v5, v10;
	v10 =	vld [tilespmem:s1+$0x7800]  }
0x193: {  	v5 =	vmax.f32 v5, v6;
	v6 =	vld [tilespmem:s1+$0x7C00]  }
0x194: {  	v5 =	vmax.f32 v5, v7  }
.Ltmp6:
0x195: {  	v5 =	vmax.f32 v5, v8;
	(pc) =	sbr.rel @p0 .LBB2_12-.Ltmp6, $4  }
0x196: {  	v5 =	vmax.f32 v5, v9  }
0x197: {  	v5 =	vmax.f32 v5, v10  }
0x198: {  	s0 =	sadd.s32 $0x10, s0;
	v5 =	vmax.f32 v5, v6  }
0x199: {  	s1 =	sand.u32 $0x3F0, s2;
	s2 =	sadd.s32 $0x10, s2;
	[tilespmem:s0+$0x0] =	vst v5  }
0x19a: {  	v5 =	vld [tilespmem:s1+$0x0]  }
0x19b: {  	v6 =	vld [tilespmem:s1+$0x400]  }
0x19c: {  	v7 =	vld [tilespmem:s1+$0x800]  }
0x19d: {  	v8 =	vld [tilespmem:s1+$0xC00]  }
0x19e: {  	v9 =	vld [tilespmem:s1+$0x1000]  }
0x19f: {  	v10 =	vld [tilespmem:s1+$0x1400];
	v5 =	vmax.f32 v5, $-9.999000000e+03  }
0x1a0: {  	v5 =	vmax.f32 v5, v6;
	v6 =	vld [tilespmem:s1+$0x1800]  }
0x1a1: {  	v5 =	vmax.f32 v5, v7;
	v7 =	vld [tilespmem:s1+$0x1C00]  }
0x1a2: {  	v49 =	vld [tilespmem:s1+$0x2000];
	v5 =	vmax.f32 v5, v8  }
0x1a3: {  	v50 =	vld [tilespmem:s1+$0x2400];
	v5 =	vmax.f32 v5, v9  }
0x1a4: {  	v51 =	vld [tilespmem:s1+$0x2800];
	v5 =	vmax.f32 v5, v10  }
0x1a5: {  	v5 =	vmax.f32 v5, v6;
	v6 =	vld [tilespmem:s1+$0x2C00]  }
0x1a6: {  	v5 =	vmax.f32 v5, v7;
	v7 =	vld [tilespmem:s1+$0x3000]  }
0x1a7: {  	v52 =	vld [tilespmem:s1+$0x3400];
	v5 =	vmax.f32 v5, v49  }
0x1a8: {  	v53 =	vld [tilespmem:s1+$0x3800];
	v5 =	vmax.f32 v5, v50  }
0x1a9: {  	v54 =	vld [tilespmem:s1+$0x3C00];
	v5 =	vmax.f32 v5, v51  }
0x1aa: {  	v5 =	vmax.f32 v5, v6;
	v6 =	vld [tilespmem:s1+$0x4000]  }
0x1ab: {  	v5 =	vmax.f32 v5, v7;
	v7 =	vld [tilespmem:s1+$0x4400]  }
0x1ac: {  	v55 =	vld [tilespmem:s1+$0x4800];
	v5 =	vmax.f32 v5, v52  }
0x1ad: {  	v56 =	vld [tilespmem:s1+$0x4C00];
	v5 =	vmax.f32 v5, v53  }
0x1ae: {  	v57 =	vld [tilespmem:s1+$0x5000];
	v5 =	vmax.f32 v5, v54  }
0x1af: {  	v5 =	vmax.f32 v5, v6;
	v6 =	vld [tilespmem:s1+$0x5400]  }
0x1b0: {  	v5 =	vmax.f32 v5, v7;
	v7 =	vld [tilespmem:s1+$0x5800]  }
0x1b1: {  	v58 =	vld [tilespmem:s1+$0x5C00];
	v5 =	vmax.f32 v5, v55  }
0x1b2: {  	v59 =	vld [tilespmem:s1+$0x6000];
	v5 =	vmax.f32 v5, v56  }
0x1b3: {  	v60 =	vld [tilespmem:s1+$0x6400];
	v5 =	vmax.f32 v5, v57  }
0x1b4: {  	v5 =	vmax.f32 v5, v6;
	v6 =	vld [tilespmem:s1+$0x6800]  }
0x1b5: {  	v5 =	vmax.f32 v5, v7;
	v7 =	vld [tilespmem:s1+$0x6C00]  }
0x1b6: {  	v61 =	vld [tilespmem:s1+$0x7000];
	v5 =	vmax.f32 v5, v58  }
0x1b7: {  	v62 =	vld [tilespmem:s1+$0x7400];
	v5 =	vmax.f32 v5, v59  }
0x1b8: {  	v63 =	vld [tilespmem:s1+$0x7800];
	v5 =	vmax.f32 v5, v60  }
0x1b9: {  	v5 =	vmax.f32 v5, v6;
	v6 =	vld [tilespmem:s1+$0x7C00]  }
0x1ba: {  	v5 =	vmax.f32 v5, v7  }
0x1bb: {  	v5 =	vmax.f32 v5, v61  }
0x1bc: {  	v5 =	vmax.f32 v5, v62  }
0x1bd: {  	v5 =	vmax.f32 v5, v63  }
0x1be: {  	s0 =	sadd.s32 $0x10, s0;
	v5 =	vmax.f32 v5, v6  }
0x1bf: {  	[tilespmem:s0+$0x0] =	vst v5  }
0x1c0: {  	[hbm4b:s12+s3] =	stream.linear.scatter [tilespmem:s25], [sflag:$0x6], $0x20, $0x38;
	[tilespmem:$0xA100] =	vst v63  }
0x1c1: {  	s29 =	simm.s32 $0x80;
	s31 =	sadd.s32 $0x1, s31;
	_ =	swait.ge [sflag:s26], $0x20  }
0x1c2: {  	s30 =	simm.s32 $0x400;
	p0 =	sne.s32 s31, s14;
	[sflag:s26] =	ssyncset.done $0x0  }
.Ltmp7:
0x1c3: {  	s2 =	simm.s32 $0x9D00;
	[sflag:s26] =	ssyncadd.s32 $0xFFFFFFE0;
	(pc) =	sbr.rel @p0 .LBB2_1-.Ltmp7, $4  }
0x1c4: {  	[hbm4b:s13+s29] =	stream.strided.scatter [tilespmem:s2], [sflag:$0x6], $0x400, s30, s29, $0x38;
	[tilespmem:$0xA100] =	vst v63  }
0x1c5: {  	_ =	swait.ge [sflag:s26], $0x400  }
0x1c6: {  	[sflag:s26] =	ssyncset.done $0x0  }
0x1c7: {  	[sflag:s26] =	ssyncadd.s32 $0xFFFFFC00  }
0x1c8: {  	_ =	sfence.sel $0x180000  }
0x1c9: {  	[bflag:$0x0] =	sbarrier.arrive $0xFFFF  }
0x1ca: {  	_ =	strace $0x9000004A  }
0x1cb: {  	s0 =	stileid.u32;
	[bflag:$0x2] =	sbarrier.arrive $0xFFFF  }
0x1cc: {  	p0 =	sne.s32 s0, $0x0;
	s0 =	rddreg [dreg:$0x3]  }
0x1cd: {  	s0 =	sadd.s32 @!p0 $0x100000, s0  }
0x1ce: {  	[sflag:s0] =	ssyncadd.tile.s32 @!p0 $0x1;
	_ =	shalt  }
.Lfunc_end2:
_tile_overlayer_lowered:
.L_overlay_start_2:
0x1cf: {  	(tag) =	ssettag $0x2  }
0x1d0: {  	s0 =	rddreg [dreg:$0x0];
	s2 =	stileid.u32  }
0x1d1: {  	s1 =	rddreg [dreg:$0x1];
	p0 =	sne.s32 s2, $0x0  }
0x1d2: {  	s3 =	rddreg [dreg:$0x2];
	[bflag:$0x3] =	sbarrier.arrive $0xFFFF;
	s2 =	simm.s32 @!p0 $0x1C06  }
0x1d3: {  	[timem:s3], [sflag:s2] =	dma.local @!p0 [hbm:s0], s1  }
0x1d4: {  	s0 =	simm.s32 @!p0 $0x6  }
0x1d5: {  	_ =	swait.ge @!p0 [sflag:s0], s1  }
0x1d6: {  	s1 =	ssub.s32 @!p0 $0x0, s1;
	[sflag:s0] =	ssyncset.done @!p0 $0x0  }
0x1d7: {  	[sflag:s0] =	ssyncadd.s32 @!p0 s1  }
0x1d8: {  	[bflag:$0x3] =	sbarrier.arrive $0xFFFF  }
0x1d9: {  	_ =	shalt  }

</sc_bundles>
